<compile_context>
chip_gen: v7x
topology: tpu7x:2x2x1
jax: 0.10.2.dev20260603
libtpu: 0.0.44.dev20260713+nightly
codegen_flags: <defaults>
</compile_context>

<pallas_src>
import functools

import jax
import jax.numpy as jnp
from jax import lax
from jax.experimental import pallas as pl
from jax.experimental.pallas import tpu as pltpu
from jax.experimental.pallas import tpu_sc as plsc

N_NODES = 10000
DIM = 128
N_EDGES = 320000
N_REL = 16

NC = 2
NS = 16
NW = NC * NS

CHUNK = 128
KCH = 80
HKCH = KCH // 2
PW = KCH * CHUNK
E_PAD = PW * NW
TCH = E_PAD // CHUNK
KA = 80
KB = 80
KMAXH = max(KA, KB) // 2
NP = 10112
STRIPE = NP // NS

_mesh = plsc.VectorSubcoreMesh(core_axis_name="c", subcore_axis_name="s",
                               num_cores=NC, num_subcores=NS)


def _sc_edge_body(xr_hbm, idx_hbm, dst_hbm, zeros_hbm, agg_out, agg_sh,
                  idx_v, dst_v, buf_a, buf_b, sem_a, sem_b):
    c = lax.axis_index("c")
    s = lax.axis_index("s")
    wid = c * NS + s

    row0 = s * STRIPE
    pltpu.sync_copy(zeros_hbm.at[pl.ds(row0, STRIPE)],
                    agg_sh.at[pl.ds(row0, STRIPE)])
    plsc.subcore_barrier()

    def gat(jv, buf, sem):
        pltpu.async_copy(xr_hbm.at[idx_v.at[jv]], buf, sem)

    def gwait(buf, sem):
        pltpu.make_async_copy(zeros_hbm.at[pl.ds(0, CHUNK)], buf, sem).wait()

    def sca(jv, buf):
        pltpu.sync_copy(buf, agg_sh.at[dst_v.at[jv]], add=True)

    def pipeline(k, start):
        kh = k // 2
        for h in range(2):
            base = start + h * kh
            pltpu.sync_copy(idx_hbm.at[pl.ds(base, kh)],
                            idx_v.at[pl.ds(0, kh)])
            pltpu.sync_copy(dst_hbm.at[pl.ds(base, kh)],
                            dst_v.at[pl.ds(0, kh)])
            gat(0, buf_a, sem_a)
            gat(1, buf_b, sem_b)

            @pl.loop(0, kh // 2 - 1)
            def _(p):
                j = 2 * p
                gwait(buf_a, sem_a)
                sca(j, buf_a)
                gat(j + 2, buf_a, sem_a)
                gwait(buf_b, sem_b)
                sca(j + 1, buf_b)
                gat(j + 3, buf_b, sem_b)

            gwait(buf_a, sem_a)
            sca(kh - 2, buf_a)
            gwait(buf_b, sem_b)
            sca(kh - 1, buf_b)

    @pl.when(c == 0)
    def _():
        pipeline(KA, s * KA)

    @pl.when(c == 1)
    def _():
        pipeline(KB, NS * KA + s * KB)

    plsc.subcore_barrier()
    pltpu.sync_copy(agg_sh.at[pl.ds(row0, STRIPE)],
                    agg_out.at[c, pl.ds(row0, STRIPE)])


_sc_edges = pl.kernel(
    _sc_edge_body,
    out_type=jax.ShapeDtypeStruct((NC, NP, DIM), jnp.float32),
    mesh=_mesh,
    scratch_types=(
        pltpu.VMEM_SHARED((NP, DIM), jnp.float32),
        pltpu.VMEM((KMAXH, CHUNK), jnp.int32),
        pltpu.VMEM((KMAXH, CHUNK), jnp.int32),
        pltpu.VMEM((CHUNK, DIM), jnp.float32),
        pltpu.VMEM((CHUNK, DIM), jnp.float32),
        pltpu.SemaphoreType.DMA,
        pltpu.SemaphoreType.DMA,
    ),
)


def _sc_deg_body(dst_hbm, zdeg_hbm, ones_hbm, deg_out, deg_sh, dst_v,
                 ones_v, sem):
    c = lax.axis_index("c")
    s = lax.axis_index("s")
    wid = c * NS + s

    pltpu.sync_copy(ones_hbm, ones_v)
    row0 = s * STRIPE
    pltpu.sync_copy(zdeg_hbm.at[pl.ds(row0, STRIPE)],
                    deg_sh.at[pl.ds(row0, STRIPE)])
    plsc.subcore_barrier()

    def swait():
        pltpu.make_async_copy(zdeg_hbm.at[pl.ds(0, CHUNK)], ones_v,
                              sem).wait()

    for h in range(2):
        pltpu.sync_copy(dst_hbm.at[pl.ds(wid * KCH + h * HKCH, HKCH)], dst_v)
        pltpu.async_copy(ones_v, deg_sh.at[dst_v.at[0]], sem, add=True)
        pltpu.async_copy(ones_v, deg_sh.at[dst_v.at[1]], sem, add=True)

        @pl.loop(2, HKCH)
        def _(j):
            pltpu.async_copy(ones_v, deg_sh.at[dst_v.at[j]], sem, add=True)
            swait()

        swait()
        swait()

    plsc.subcore_barrier()
    pltpu.sync_copy(deg_sh.at[pl.ds(row0, STRIPE)],
                    deg_out.at[c, pl.ds(row0, STRIPE)])


_sc_deg = pl.kernel(
    _sc_deg_body,
    out_type=jax.ShapeDtypeStruct((NC, NP, DIM), jnp.float32),
    mesh=_mesh,
    scratch_types=(
        pltpu.VMEM_SHARED((NP, DIM), jnp.float32),
        pltpu.VMEM((HKCH, CHUNK), jnp.int32),
        pltpu.VMEM((CHUNK, DIM), jnp.float32),
        pltpu.SemaphoreType.DMA,
    ),
)



_EROWS = E_PAD // 128


def _eidx_body(src_ref, et_ref, out_ref):
    out_ref[...] = et_ref[...] * N_NODES + src_ref[...]


def _edge_idx(src_p, et_p):
    return pl.pallas_call(
        _eidx_body,
        out_shape=jax.ShapeDtypeStruct((_EROWS, 128), jnp.int32),
    )(src_p.reshape(_EROWS, 128), et_p.reshape(_EROWS, 128))


NB = 400


def _xr_body(x_ref, rel_ref, out_ref):
    out_ref[...] = rel_ref[...][:, None, :] * x_ref[...][None, :, :]


def _build_xr(x, rel):
    grid = (N_NODES // NB,)
    xr = pl.pallas_call(
        _xr_body,
        grid=grid,
        in_specs=[
            pl.BlockSpec((NB, DIM), lambda i: (i, 0)),
            pl.BlockSpec((N_REL, DIM), lambda i: (0, 0)),
        ],
        out_specs=pl.BlockSpec((N_REL, NB, DIM), lambda i: (0, i, 0)),
        out_shape=jax.ShapeDtypeStruct((N_REL, N_NODES, DIM), jnp.float32),
    )(x, rel)
    return xr.reshape(N_REL * N_NODES, DIM)


def _post_body(final, parts_ref, degp_ref, x_ref, W_ref, b_ref, res_ref,
               W2_ref, b2_ref, out_ref, xr_ref):
    deg = degp_ref[0, :, 0:1] + degp_ref[1, :, 0:1]
    deg = jnp.maximum(deg, 1.0)
    agg = (parts_ref[0] + parts_ref[1]) / deg
    h = jax.nn.relu(
        jnp.dot(agg, W_ref[...], preferred_element_type=jnp.float32)
        + b_ref[...])
    emb = x_ref[...] + res_ref[0, 0] * h
    if final:
        out_ref[...] = (
            jnp.dot(emb, W2_ref[...], preferred_element_type=jnp.float32)
            + b2_ref[...])
    else:
        out_ref[...] = emb
        xr_ref[...] = W2_ref[...][:N_REL][:, None, :] * emb[None, :, :]


def _post(final, parts, degp, x, W, b, res, W2, b2):
    grid = (N_NODES // NB,)
    out_specs = [pl.BlockSpec((NB, DIM), lambda i: (i, 0))]
    out_shape = [jax.ShapeDtypeStruct((N_NODES, DIM), jnp.float32)]
    if not final:
        out_specs.append(pl.BlockSpec((N_REL, NB, DIM), lambda i: (0, i, 0)))
        out_shape.append(
            jax.ShapeDtypeStruct((N_REL, N_NODES, DIM), jnp.float32))

    def body(*refs):
        if final:
            _post_body(final, *refs, None)
        else:
            _post_body(final, *refs)

    return pl.pallas_call(
        body,
        grid=grid,
        in_specs=[
            pl.BlockSpec((NC, NB, DIM), lambda i: (0, i, 0)),
            pl.BlockSpec((NC, NB, DIM), lambda i: (0, i, 0)),
            pl.BlockSpec((NB, DIM), lambda i: (i, 0)),
            pl.BlockSpec((DIM, DIM), lambda i: (0, 0)),
            pl.BlockSpec((1, DIM), lambda i: (0, 0)),
            pl.BlockSpec((1, 1), lambda i: (0, 0)),
            pl.BlockSpec((DIM, DIM), lambda i: (0, 0)),
            pl.BlockSpec((1, DIM), lambda i: (0, 0)),
        ],
        out_specs=out_specs,
        out_shape=out_shape,
    )(parts, degp, x, W, b, res, W2, b2)


def kernel(t, y, edge_index, edge_type, W1, b1, rel1, W2, b2, rel2, res,
           Wmu, bmu):
    del t
    pad = E_PAD - N_EDGES
    src_p = jnp.concatenate(
        [edge_index[0],
         jnp.arange(pad, dtype=jnp.int32) % N_NODES]).astype(jnp.int32)
    et_p = jnp.concatenate(
        [edge_type, jnp.zeros((pad,), edge_type.dtype)]).astype(jnp.int32)
    dst_p = jnp.concatenate(
        [edge_index[1],
         N_NODES + (jnp.arange(pad, dtype=jnp.int32) % (NP - N_NODES))]
    ).astype(jnp.int32)

    idx = _edge_idx(src_p, et_p)
    dst3 = dst_p.reshape(TCH, CHUNK)

    zeros_big = jnp.zeros((NP, DIM), jnp.float32)
    
    ones_src = jnp.ones((CHUNK, DIM), jnp.float32)

    b1r = b1.reshape(1, DIM)
    b2r = b2.reshape(1, DIM)
    bmur = bmu.reshape(1, DIM)
    resr = res.reshape(1, 1)

    degp = _sc_deg(dst3, zeros_big, ones_src)
    xr1 = _build_xr(y, rel1)
    agg1 = _sc_edges(xr1, idx, dst3, zeros_big)
    rel2_pad = jnp.zeros((DIM, DIM), jnp.float32).at[:N_REL].set(rel2)
    emb1, xr2 = _post(False, agg1, degp, y, W1, b1r, resr, rel2_pad, b1r)

    agg2 = _sc_edges(xr2.reshape(N_REL * N_NODES, DIM), idx, dst3, zeros_big)
    (out,) = _post(True, agg2, degp, emb1, W2, b2r, resr, Wmu, bmur)
    return out

# --- scband reference (transcript-rebuilt; emitter-appended) ---
"""Pipeline reference for scband-mgcnlayer-wrapper-7971459301982 (READ-ONLY COPY).

The authoritative reference and input builder live on the scoring server;
editing this copy changes nothing except your own understanding.
"""

import jax, jax.numpy as jnp
import numpy as np

N, D, E, R, BROWNIAN = 10000, 128, 320000, 16, 4


def setup_inputs(seed: int = 0) -> dict:
    key = jax.random.key(seed)
    ks = jax.random.split(key, 12)
    s = 1.0 / np.sqrt(D)
    inp = {}
    inp["t"] = jnp.zeros((1,), dtype=jnp.float32)
    inp["y"] = jax.random.normal(ks[0], (N, D), dtype=jnp.float32)
    inp["edge_index"] = jax.random.randint(ks[1], (2, E), 0, N)
    inp["edge_type"] = jax.random.randint(ks[2], (E,), 0, R)
    # MGCNConvLayer 1 params (CompGCN-style relational conv)
    inp["W1"] = jax.random.normal(ks[3], (D, D), dtype=jnp.float32) * s
    inp["b1"] = jnp.zeros((D,), dtype=jnp.float32)
    inp["rel1"] = jax.random.normal(ks[4], (R, D), dtype=jnp.float32) * s
    # MGCNConvLayer 2 params
    inp["W2"] = jax.random.normal(ks[5], (D, D), dtype=jnp.float32) * s
    inp["b2"] = jnp.zeros((D,), dtype=jnp.float32)
    inp["rel2"] = jax.random.normal(ks[6], (R, D), dtype=jnp.float32) * s
    # residual scale (self.res Parameter init 0.1)
    inp["res"] = jnp.array([0.1], dtype=jnp.float32)
    # mu linear
    inp["Wmu"] = jax.random.normal(ks[7], (D, D), dtype=jnp.float32) * s
    inp["bmu"] = jnp.zeros((D,), dtype=jnp.float32)
    return inp


def _mgcn_conv(x, edge_index, edge_type, rel, W, b, n_nodes):
    src = edge_index[0]
    dst = edge_index[1]
    # gather source node features and compose with relation embedding (mult composition)
    msg = x[src] * rel[edge_type]
    # symmetric-ish degree normalization by in-degree of dst
    deg = jax.ops.segment_sum(jnp.ones((edge_index.shape[1],), dtype=x.dtype), dst, num_segments=n_nodes)
    deg = jnp.maximum(deg, 1.0)
    msg = msg / deg[dst][:, None]
    # scatter-add aggregation to destination nodes
    agg = jax.ops.segment_sum(msg, dst, num_segments=n_nodes)
    return jax.nn.relu(agg @ W + b)


def reference(t, y, edge_index, edge_type, W1, b1, rel1, W2, b2, rel2, res, Wmu, bmu):
    # MGCNLayerWrapper.f(t, y): forward_base (res path, core_layer=2, dropout p=0) then mu linear
    n_nodes = y.shape[0]
    emb = y + res[0] * _mgcn_conv(y, edge_index, edge_type, rel1, W1, b1, n_nodes)
    emb = emb + res[0] * _mgcn_conv(emb, edge_index, edge_type, rel2, W2, b2, n_nodes)
    return emb @ Wmu + bmu

if __name__ == "__main__":
    import jax
    _d = setup_inputs()
    print(jax.jit(kernel)(*tuple(_d.values())))

</pallas_src>

<mosaic_0001>
#map = affine_map<(d0, d1) -> (0, 0)>
#map1 = affine_map<(d0, d1) -> (0, 0, 0)>
module attributes {stable_mosaic.version = 14 : i64} {
  func.func @_sc_deg_body(%arg0: i32, %arg1: i32, %arg2: memref<2560x128xi32, #tpu.memory_space<hbm>>, %arg3: memref<10112x128xf32, #tpu.memory_space<hbm>>, %arg4: memref<128x128xf32, #tpu.memory_space<hbm>>, %arg5: memref<2x10112x128xf32, #tpu.memory_space<hbm>>, %arg6: memref<10112x128xf32, #tpu.memory_space<vmem_shared>>, %arg7: memref<40x128xi32, #tpu.memory_space<vmem>>, %arg8: memref<128x128xf32, #tpu.memory_space<vmem>>, %arg9: memref<!tpu.dma_semaphore, #tpu.memory_space<semaphore_mem>>) attributes {dimension_semantics = [#tpu.dimension_semantics<core_parallel>, #tpu.dimension_semantics<subcore_parallel>], iteration_bounds = array<i64: 2, 16>, scalar_prefetch = 0 : i64, scratch_operands = 4 : i64, tpu.core_type = #tpu.core_type<sc_vector_subcore>, window_params = [{transform_indices = #map}, {transform_indices = #map}, {transform_indices = #map}, {transform_indices = #map1}]} {
    %mul3A = arith.constant 16 : i32
    %mul3A_0 = arith.muli %arg0, %mul3A : i32
    %add3A = arith.addi %mul3A_0, %arg1 : i32
    "tpu.region"() ({
      %run_scoped3A = tpu.sem_alloc : memref<!tpu.dma_semaphore, #tpu.memory_space<semaphore_mem>>
      tpu.enqueue_dma source(%arg4 : memref<128x128xf32, #tpu.memory_space<hbm>>) target(%arg8 : memref<128x128xf32, #tpu.memory_space<vmem>>) target_semaphore(%run_scoped3A : memref<!tpu.dma_semaphore, #tpu.memory_space<semaphore_mem>>)
      tpu.wait_dma2 semaphore(%run_scoped3A : memref<!tpu.dma_semaphore, #tpu.memory_space<semaphore_mem>>) src(%arg4 : memref<128x128xf32, #tpu.memory_space<hbm>>) dst(%arg8 : memref<128x128xf32, #tpu.memory_space<vmem>>)
      tpu.yield
    }) : () -> ()
    %mul3A_1 = arith.constant 632 : i32
    %mul3A_2 = arith.muli %arg1, %mul3A_1 : i32
    "tpu.region"() ({
      %run_scoped3A = tpu.sem_alloc : memref<!tpu.dma_semaphore, #tpu.memory_space<semaphore_mem>>
      %dma_start3A_71 = arith.constant 0 : i32
      %dma_start3A_72 = tpu.memref_slice %arg6[%mul3A_2, %dma_start3A_71] : memref<10112x128xf32, #tpu.memory_space<vmem_shared>> -> memref<632x128xf32, #tpu.memory_space<vmem_shared>>
      %dma_start3A_73 = arith.constant 0 : i32
      %dma_start3A_74 = tpu.memref_slice %arg3[%mul3A_2, %dma_start3A_73] : memref<10112x128xf32, #tpu.memory_space<hbm>> -> memref<632x128xf32, #tpu.memory_space<hbm>>
      tpu.enqueue_dma source(%dma_start3A_74 : memref<632x128xf32, #tpu.memory_space<hbm>>) target(%dma_start3A_72 : memref<632x128xf32, #tpu.memory_space<vmem_shared>>) target_semaphore(%run_scoped3A : memref<!tpu.dma_semaphore, #tpu.memory_space<semaphore_mem>>)
      %dma_wait3A_75 = arith.constant 0 : i32
      %dma_wait3A_76 = tpu.memref_slice %arg6[%mul3A_2, %dma_wait3A_75] : memref<10112x128xf32, #tpu.memory_space<vmem_shared>> -> memref<632x128xf32, #tpu.memory_space<vmem_shared>>
      %dma_wait3A_77 = arith.constant 0 : i32
      %dma_wait3A_78 = tpu.memref_slice %arg3[%mul3A_2, %dma_wait3A_77] : memref<10112x128xf32, #tpu.memory_space<hbm>> -> memref<632x128xf32, #tpu.memory_space<hbm>>
      tpu.wait_dma2 semaphore(%run_scoped3A : memref<!tpu.dma_semaphore, #tpu.memory_space<semaphore_mem>>) src(%dma_wait3A_78 : memref<632x128xf32, #tpu.memory_space<hbm>>) dst(%dma_wait3A_76 : memref<632x128xf32, #tpu.memory_space<vmem_shared>>)
      tpu.yield
    }) : () -> ()
    %barrier3A = arith.constant 0 : index
    tpu.barrier barrier_id(%barrier3A)
    %mul3A_3 = arith.constant 80 : i32
    %mul3A_4 = arith.muli %add3A, %mul3A_3 : i32
    %add3A_5 = arith.constant 0 : i32
    %add3A_6 = arith.addi %mul3A_4, %add3A_5 : i32
    "tpu.region"() ({
      %run_scoped3A = tpu.sem_alloc : memref<!tpu.dma_semaphore, #tpu.memory_space<semaphore_mem>>
      %dma_start3A_71 = arith.constant 0 : i32
      %dma_start3A_72 = tpu.memref_slice %arg2[%add3A_6, %dma_start3A_71] : memref<2560x128xi32, #tpu.memory_space<hbm>> -> memref<40x128xi32, #tpu.memory_space<hbm>>
      %dma_start3A_73 = arith.constant 0 : i32
      %dma_start3A_74 = tpu.memref_slice %arg2[%add3A_6, %dma_start3A_73] : memref<2560x128xi32, #tpu.memory_space<hbm>> -> memref<40x128xi32, #tpu.memory_space<hbm>>
      tpu.enqueue_dma source(%dma_start3A_74 : memref<40x128xi32, #tpu.memory_space<hbm>>) target(%arg7 : memref<40x128xi32, #tpu.memory_space<vmem>>) target_semaphore(%run_scoped3A : memref<!tpu.dma_semaphore, #tpu.memory_space<semaphore_mem>>)
      %dma_wait3A_75 = arith.constant 0 : i32
      %dma_wait3A_76 = tpu.memref_slice %arg2[%add3A_6, %dma_wait3A_75] : memref<2560x128xi32, #tpu.memory_space<hbm>> -> memref<40x128xi32, #tpu.memory_space<hbm>>
      %dma_wait3A_77 = arith.constant 0 : i32
      %dma_wait3A_78 = tpu.memref_slice %arg2[%add3A_6, %dma_wait3A_77] : memref<2560x128xi32, #tpu.memory_space<hbm>> -> memref<40x128xi32, #tpu.memory_space<hbm>>
      tpu.wait_dma2 semaphore(%run_scoped3A : memref<!tpu.dma_semaphore, #tpu.memory_space<semaphore_mem>>) src(%dma_wait3A_78 : memref<40x128xi32, #tpu.memory_space<hbm>>) dst(%arg7 : memref<40x128xi32, #tpu.memory_space<vmem>>)
      tpu.yield
    }) : () -> ()
    %dma_start3A = arith.constant 0 : i32
    %dma_start3A_7 = arith.constant 0 : i32
    %dma_start3A_8 = tpu.memref_slice %arg7[%dma_start3A, %dma_start3A_7] : memref<40x128xi32, #tpu.memory_space<vmem>> -> memref<1x128xi32, #tpu.memory_space<vmem>>
    %dma_start3A_9 = tpu.memref_squeeze %dma_start3A_8 : memref<1x128xi32, #tpu.memory_space<vmem>> -> memref<128xi32, #tpu.memory_space<vmem>>
    %dma_start3A_10 = arith.constant 0 : i32
    %dma_start3A_11 = arith.constant 0 : i32
    %dma_start3A_12 = tpu.memref_slice %arg6[%dma_start3A_10, %dma_start3A_11] : memref<10112x128xf32, #tpu.memory_space<vmem_shared>> -> memref<10112x128xf32, #tpu.memory_space<vmem_shared>>
    tpu.enqueue_indirect_dma source(%arg8 : memref<128x128xf32, #tpu.memory_space<vmem>>) target(%dma_start3A_12 : memref<10112x128xf32, #tpu.memory_space<vmem_shared>>) offsets(%dma_start3A_9 : memref<128xi32, #tpu.memory_space<vmem>>) semaphore(%arg9 : memref<!tpu.dma_semaphore, #tpu.memory_space<semaphore_mem>>) {add = true}
    %dma_start3A_13 = arith.constant 1 : i32
    %dma_start3A_14 = arith.constant 0 : i32
    %dma_start3A_15 = tpu.memref_slice %arg7[%dma_start3A_13, %dma_start3A_14] : memref<40x128xi32, #tpu.memory_space<vmem>> -> memref<1x128xi32, #tpu.memory_space<vmem>>
    %dma_start3A_16 = tpu.memref_squeeze %dma_start3A_15 : memref<1x128xi32, #tpu.memory_space<vmem>> -> memref<128xi32, #tpu.memory_space<vmem>>
    %dma_start3A_17 = arith.constant 0 : i32
    %dma_start3A_18 = arith.constant 0 : i32
    %dma_start3A_19 = tpu.memref_slice %arg6[%dma_start3A_17, %dma_start3A_18] : memref<10112x128xf32, #tpu.memory_space<vmem_shared>> -> memref<10112x128xf32, #tpu.memory_space<vmem_shared>>
    tpu.enqueue_indirect_dma source(%arg8 : memref<128x128xf32, #tpu.memory_space<vmem>>) target(%dma_start3A_19 : memref<10112x128xf32, #tpu.memory_space<vmem_shared>>) offsets(%dma_start3A_16 : memref<128xi32, #tpu.memory_space<vmem>>) semaphore(%arg9 : memref<!tpu.dma_semaphore, #tpu.memory_space<semaphore_mem>>) {add = true}
    %scan3A = arith.constant 0 : i32
    %scan3A_20 = arith.constant 38 : i32
    %scan3A_21 = arith.addi %scan3A, %scan3A_20 : i32
    %scan3A_22 = arith.constant 1 : i32
    scf.for %scan3A_71 = %scan3A to %scan3A_21 step %scan3A_22  : i32 {
      %mul3A_72 = arith.constant 1 : i32
      %mul3A_73 = arith.muli %scan3A_71, %mul3A_72 : i32
      %add3A_74 = arith.constant 2 : i32
      %add3A_75 = arith.addi %add3A_74, %mul3A_73 : i32
      %dma_start3A_76 = arith.constant 0 : i32
      %dma_start3A_77 = tpu.memref_slice %arg7[%add3A_75, %dma_start3A_76] : memref<40x128xi32, #tpu.memory_space<vmem>> -> memref<1x128xi32, #tpu.memory_space<vmem>>
      %dma_start3A_78 = tpu.memref_squeeze %dma_start3A_77 : memref<1x128xi32, #tpu.memory_space<vmem>> -> memref<128xi32, #tpu.memory_space<vmem>>
      %dma_start3A_79 = arith.constant 0 : i32
      %dma_start3A_80 = arith.constant 0 : i32
      %dma_start3A_81 = tpu.memref_slice %arg6[%dma_start3A_79, %dma_start3A_80] : memref<10112x128xf32, #tpu.memory_space<vmem_shared>> -> memref<10112x128xf32, #tpu.memory_space<vmem_shared>>
      tpu.enqueue_indirect_dma source(%arg8 : memref<128x128xf32, #tpu.memory_space<vmem>>) target(%dma_start3A_81 : memref<10112x128xf32, #tpu.memory_space<vmem_shared>>) offsets(%dma_start3A_78 : memref<128xi32, #tpu.memory_space<vmem>>) semaphore(%arg9 : memref<!tpu.dma_semaphore, #tpu.memory_space<semaphore_mem>>) {add = true}
      %dma_wait3A_82 = arith.constant 0 : i32
      %dma_wait3A_83 = arith.constant 0 : i32
      %dma_wait3A_84 = tpu.memref_slice %arg3[%dma_wait3A_82, %dma_wait3A_83] : memref<10112x128xf32, #tpu.memory_space<hbm>> -> memref<128x128xf32, #tpu.memory_space<hbm>>
      %dma_wait3A_85 = arith.constant 0 : i32
      %dma_wait3A_86 = arith.constant 0 : i32
      %dma_wait3A_87 = tpu.memref_slice %arg3[%dma_wait3A_85, %dma_wait3A_86] : memref<10112x128xf32, #tpu.memory_space<hbm>> -> memref<128x128xf32, #tpu.memory_space<hbm>>
      tpu.wait_dma2 semaphore(%arg9 : memref<!tpu.dma_semaphore, #tpu.memory_space<semaphore_mem>>) src(%dma_wait3A_87 : memref<128x128xf32, #tpu.memory_space<hbm>>) dst(%arg8 : memref<128x128xf32, #tpu.memory_space<vmem>>)
    }
    %scan3A_23 = arith.constant 38 : i32
    %dma_wait3A = arith.constant 0 : i32
    %dma_wait3A_24 = arith.constant 0 : i32
    %dma_wait3A_25 = tpu.memref_slice %arg3[%dma_wait3A, %dma_wait3A_24] : memref<10112x128xf32, #tpu.memory_space<hbm>> -> memref<128x128xf32, #tpu.memory_space<hbm>>
    %dma_wait3A_26 = arith.constant 0 : i32
    %dma_wait3A_27 = arith.constant 0 : i32
    %dma_wait3A_28 = tpu.memref_slice %arg3[%dma_wait3A_26, %dma_wait3A_27] : memref<10112x128xf32, #tpu.memory_space<hbm>> -> memref<128x128xf32, #tpu.memory_space<hbm>>
    tpu.wait_dma2 semaphore(%arg9 : memref<!tpu.dma_semaphore, #tpu.memory_space<semaphore_mem>>) src(%dma_wait3A_28 : memref<128x128xf32, #tpu.memory_space<hbm>>) dst(%arg8 : memref<128x128xf32, #tpu.memory_space<vmem>>)
    %dma_wait3A_29 = arith.constant 0 : i32
    %dma_wait3A_30 = arith.constant 0 : i32
    %dma_wait3A_31 = tpu.memref_slice %arg3[%dma_wait3A_29, %dma_wait3A_30] : memref<10112x128xf32, #tpu.memory_space<hbm>> -> memref<128x128xf32, #tpu.memory_space<hbm>>
    %dma_wait3A_32 = arith.constant 0 : i32
    %dma_wait3A_33 = arith.constant 0 : i32
    %dma_wait3A_34 = tpu.memref_slice %arg3[%dma_wait3A_32, %dma_wait3A_33] : memref<10112x128xf32, #tpu.memory_space<hbm>> -> memref<128x128xf32, #tpu.memory_space<hbm>>
    tpu.wait_dma2 semaphore(%arg9 : memref<!tpu.dma_semaphore, #tpu.memory_space<semaphore_mem>>) src(%dma_wait3A_34 : memref<128x128xf32, #tpu.memory_space<hbm>>) dst(%arg8 : memref<128x128xf32, #tpu.memory_space<vmem>>)
    %mul3A_35 = arith.constant 80 : i32
    %mul3A_36 = arith.muli %add3A, %mul3A_35 : i32
    %add3A_37 = arith.constant 40 : i32
    %add3A_38 = arith.addi %mul3A_36, %add3A_37 : i32
    "tpu.region"() ({
      %run_scoped3A = tpu.sem_alloc : memref<!tpu.dma_semaphore, #tpu.memory_space<semaphore_mem>>
      %dma_start3A_71 = arith.constant 0 : i32
      %dma_start3A_72 = tpu.memref_slice %arg2[%add3A_38, %dma_start3A_71] : memref<2560x128xi32, #tpu.memory_space<hbm>> -> memref<40x128xi32, #tpu.memory_space<hbm>>
      %dma_start3A_73 = arith.constant 0 : i32
      %dma_start3A_74 = tpu.memref_slice %arg2[%add3A_38, %dma_start3A_73] : memref<2560x128xi32, #tpu.memory_space<hbm>> -> memref<40x128xi32, #tpu.memory_space<hbm>>
      tpu.enqueue_dma source(%dma_start3A_74 : memref<40x128xi32, #tpu.memory_space<hbm>>) target(%arg7 : memref<40x128xi32, #tpu.memory_space<vmem>>) target_semaphore(%run_scoped3A : memref<!tpu.dma_semaphore, #tpu.memory_space<semaphore_mem>>)
      %dma_wait3A_75 = arith.constant 0 : i32
      %dma_wait3A_76 = tpu.memref_slice %arg2[%add3A_38, %dma_wait3A_75] : memref<2560x128xi32, #tpu.memory_space<hbm>> -> memref<40x128xi32, #tpu.memory_space<hbm>>
      %dma_wait3A_77 = arith.constant 0 : i32
      %dma_wait3A_78 = tpu.memref_slice %arg2[%add3A_38, %dma_wait3A_77] : memref<2560x128xi32, #tpu.memory_space<hbm>> -> memref<40x128xi32, #tpu.memory_space<hbm>>
      tpu.wait_dma2 semaphore(%run_scoped3A : memref<!tpu.dma_semaphore, #tpu.memory_space<semaphore_mem>>) src(%dma_wait3A_78 : memref<40x128xi32, #tpu.memory_space<hbm>>) dst(%arg7 : memref<40x128xi32, #tpu.memory_space<vmem>>)
      tpu.yield
    }) : () -> ()
    %dma_start3A_39 = arith.constant 0 : i32
    %dma_start3A_40 = arith.constant 0 : i32
    %dma_start3A_41 = tpu.memref_slice %arg7[%dma_start3A_39, %dma_start3A_40] : memref<40x128xi32, #tpu.memory_space<vmem>> -> memref<1x128xi32, #tpu.memory_space<vmem>>
    %dma_start3A_42 = tpu.memref_squeeze %dma_start3A_41 : memref<1x128xi32, #tpu.memory_space<vmem>> -> memref<128xi32, #tpu.memory_space<vmem>>
    %dma_start3A_43 = arith.constant 0 : i32
    %dma_start3A_44 = arith.constant 0 : i32
    %dma_start3A_45 = tpu.memref_slice %arg6[%dma_start3A_43, %dma_start3A_44] : memref<10112x128xf32, #tpu.memory_space<vmem_shared>> -> memref<10112x128xf32, #tpu.memory_space<vmem_shared>>
    tpu.enqueue_indirect_dma source(%arg8 : memref<128x128xf32, #tpu.memory_space<vmem>>) target(%dma_start3A_45 : memref<10112x128xf32, #tpu.memory_space<vmem_shared>>) offsets(%dma_start3A_42 : memref<128xi32, #tpu.memory_space<vmem>>) semaphore(%arg9 : memref<!tpu.dma_semaphore, #tpu.memory_space<semaphore_mem>>) {add = true}
    %dma_start3A_46 = arith.constant 1 : i32
    %dma_start3A_47 = arith.constant 0 : i32
    %dma_start3A_48 = tpu.memref_slice %arg7[%dma_start3A_46, %dma_start3A_47] : memref<40x128xi32, #tpu.memory_space<vmem>> -> memref<1x128xi32, #tpu.memory_space<vmem>>
    %dma_start3A_49 = tpu.memref_squeeze %dma_start3A_48 : memref<1x128xi32, #tpu.memory_space<vmem>> -> memref<128xi32, #tpu.memory_space<vmem>>
    %dma_start3A_50 = arith.constant 0 : i32
    %dma_start3A_51 = arith.constant 0 : i32
    %dma_start3A_52 = tpu.memref_slice %arg6[%dma_start3A_50, %dma_start3A_51] : memref<10112x128xf32, #tpu.memory_space<vmem_shared>> -> memref<10112x128xf32, #tpu.memory_space<vmem_shared>>
    tpu.enqueue_indirect_dma source(%arg8 : memref<128x128xf32, #tpu.memory_space<vmem>>) target(%dma_start3A_52 : memref<10112x128xf32, #tpu.memory_space<vmem_shared>>) offsets(%dma_start3A_49 : memref<128xi32, #tpu.memory_space<vmem>>) semaphore(%arg9 : memref<!tpu.dma_semaphore, #tpu.memory_space<semaphore_mem>>) {add = true}
    %scan3A_53 = arith.constant 0 : i32
    %scan3A_54 = arith.constant 38 : i32
    %scan3A_55 = arith.addi %scan3A_53, %scan3A_54 : i32
    %scan3A_56 = arith.constant 1 : i32
    scf.for %scan3A_71 = %scan3A_53 to %scan3A_55 step %scan3A_56  : i32 {
      %mul3A_72 = arith.constant 1 : i32
      %mul3A_73 = arith.muli %scan3A_71, %mul3A_72 : i32
      %add3A_74 = arith.constant 2 : i32
      %add3A_75 = arith.addi %add3A_74, %mul3A_73 : i32
      %dma_start3A_76 = arith.constant 0 : i32
      %dma_start3A_77 = tpu.memref_slice %arg7[%add3A_75, %dma_start3A_76] : memref<40x128xi32, #tpu.memory_space<vmem>> -> memref<1x128xi32, #tpu.memory_space<vmem>>
      %dma_start3A_78 = tpu.memref_squeeze %dma_start3A_77 : memref<1x128xi32, #tpu.memory_space<vmem>> -> memref<128xi32, #tpu.memory_space<vmem>>
      %dma_start3A_79 = arith.constant 0 : i32
      %dma_start3A_80 = arith.constant 0 : i32
      %dma_start3A_81 = tpu.memref_slice %arg6[%dma_start3A_79, %dma_start3A_80] : memref<10112x128xf32, #tpu.memory_space<vmem_shared>> -> memref<10112x128xf32, #tpu.memory_space<vmem_shared>>
      tpu.enqueue_indirect_dma source(%arg8 : memref<128x128xf32, #tpu.memory_space<vmem>>) target(%dma_start3A_81 : memref<10112x128xf32, #tpu.memory_space<vmem_shared>>) offsets(%dma_start3A_78 : memref<128xi32, #tpu.memory_space<vmem>>) semaphore(%arg9 : memref<!tpu.dma_semaphore, #tpu.memory_space<semaphore_mem>>) {add = true}
      %dma_wait3A_82 = arith.constant 0 : i32
      %dma_wait3A_83 = arith.constant 0 : i32
      %dma_wait3A_84 = tpu.memref_slice %arg3[%dma_wait3A_82, %dma_wait3A_83] : memref<10112x128xf32, #tpu.memory_space<hbm>> -> memref<128x128xf32, #tpu.memory_space<hbm>>
      %dma_wait3A_85 = arith.constant 0 : i32
      %dma_wait3A_86 = arith.constant 0 : i32
      %dma_wait3A_87 = tpu.memref_slice %arg3[%dma_wait3A_85, %dma_wait3A_86] : memref<10112x128xf32, #tpu.memory_space<hbm>> -> memref<128x128xf32, #tpu.memory_space<hbm>>
      tpu.wait_dma2 semaphore(%arg9 : memref<!tpu.dma_semaphore, #tpu.memory_space<semaphore_mem>>) src(%dma_wait3A_87 : memref<128x128xf32, #tpu.memory_space<hbm>>) dst(%arg8 : memref<128x128xf32, #tpu.memory_space<vmem>>)
    }
    %scan3A_57 = arith.constant 38 : i32
    %dma_wait3A_58 = arith.constant 0 : i32
    %dma_wait3A_59 = arith.constant 0 : i32
    %dma_wait3A_60 = tpu.memref_slice %arg3[%dma_wait3A_58, %dma_wait3A_59] : memref<10112x128xf32, #tpu.memory_space<hbm>> -> memref<128x128xf32, #tpu.memory_space<hbm>>
    %dma_wait3A_61 = arith.constant 0 : i32
    %dma_wait3A_62 = arith.constant 0 : i32
    %dma_wait3A_63 = tpu.memref_slice %arg3[%dma_wait3A_61, %dma_wait3A_62] : memref<10112x128xf32, #tpu.memory_space<hbm>> -> memref<128x128xf32, #tpu.memory_space<hbm>>
    tpu.wait_dma2 semaphore(%arg9 : memref<!tpu.dma_semaphore, #tpu.memory_space<semaphore_mem>>) src(%dma_wait3A_63 : memref<128x128xf32, #tpu.memory_space<hbm>>) dst(%arg8 : memref<128x128xf32, #tpu.memory_space<vmem>>)
    %dma_wait3A_64 = arith.constant 0 : i32
    %dma_wait3A_65 = arith.constant 0 : i32
    %dma_wait3A_66 = tpu.memref_slice %arg3[%dma_wait3A_64, %dma_wait3A_65] : memref<10112x128xf32, #tpu.memory_space<hbm>> -> memref<128x128xf32, #tpu.memory_space<hbm>>
    %dma_wait3A_67 = arith.constant 0 : i32
    %dma_wait3A_68 = arith.constant 0 : i32
    %dma_wait3A_69 = tpu.memref_slice %arg3[%dma_wait3A_67, %dma_wait3A_68] : memref<10112x128xf32, #tpu.memory_space<hbm>> -> memref<128x128xf32, #tpu.memory_space<hbm>>
    tpu.wait_dma2 semaphore(%arg9 : memref<!tpu.dma_semaphore, #tpu.memory_space<semaphore_mem>>) src(%dma_wait3A_69 : memref<128x128xf32, #tpu.memory_space<hbm>>) dst(%arg8 : memref<128x128xf32, #tpu.memory_space<vmem>>)
    %barrier3A_70 = arith.constant 0 : index
    tpu.barrier barrier_id(%barrier3A_70)
    "tpu.region"() ({
      %run_scoped3A = tpu.sem_alloc : memref<!tpu.dma_semaphore, #tpu.memory_space<semaphore_mem>>
      %dma_start3A_71 = arith.constant 0 : i32
      %dma_start3A_72 = tpu.memref_slice %arg5[%arg0, %mul3A_2, %dma_start3A_71] : memref<2x10112x128xf32, #tpu.memory_space<hbm>> -> memref<1x632x128xf32, #tpu.memory_space<hbm>>
      %dma_start3A_73 = tpu.memref_squeeze %dma_start3A_72 : memref<1x632x128xf32, #tpu.memory_space<hbm>> -> memref<632x128xf32, #tpu.memory_space<hbm>>
      %dma_start3A_74 = arith.constant 0 : i32
      %dma_start3A_75 = tpu.memref_slice %arg6[%mul3A_2, %dma_start3A_74] : memref<10112x128xf32, #tpu.memory_space<vmem_shared>> -> memref<632x128xf32, #tpu.memory_space<vmem_shared>>
      tpu.enqueue_dma source(%dma_start3A_75 : memref<632x128xf32, #tpu.memory_space<vmem_shared>>) target(%dma_start3A_73 : memref<632x128xf32, #tpu.memory_space<hbm>>) target_semaphore(%run_scoped3A : memref<!tpu.dma_semaphore, #tpu.memory_space<semaphore_mem>>)
      %dma_wait3A_76 = arith.constant 0 : i32
      %dma_wait3A_77 = tpu.memref_slice %arg5[%arg0, %mul3A_2, %dma_wait3A_76] : memref<2x10112x128xf32, #tpu.memory_space<hbm>> -> memref<1x632x128xf32, #tpu.memory_space<hbm>>
      %dma_wait3A_78 = tpu.memref_squeeze %dma_wait3A_77 : memref<1x632x128xf32, #tpu.memory_space<hbm>> -> memref<632x128xf32, #tpu.memory_space<hbm>>
      %dma_wait3A_79 = arith.constant 0 : i32
      %dma_wait3A_80 = tpu.memref_slice %arg6[%mul3A_2, %dma_wait3A_79] : memref<10112x128xf32, #tpu.memory_space<vmem_shared>> -> memref<632x128xf32, #tpu.memory_space<vmem_shared>>
      tpu.wait_dma2 semaphore(%run_scoped3A : memref<!tpu.dma_semaphore, #tpu.memory_space<semaphore_mem>>) src(%dma_wait3A_80 : memref<632x128xf32, #tpu.memory_space<vmem_shared>>) dst(%dma_wait3A_78 : memref<632x128xf32, #tpu.memory_space<hbm>>)
      tpu.yield
    }) : () -> ()
    return
  }
}

#map = affine_map<(d0, d1) -> (0, 0)>
#map1 = affine_map<(d0, d1) -> (0, 0, 0)>
module attributes {stable_mosaic.version = 14 : i64} {
  func.func @_sc_edge_body(%arg0: i32, %arg1: i32, %arg2: memref<160000x128xf32, #tpu.memory_space<hbm>>, %arg3: memref<2560x128xi32, #tpu.memory_space<hbm>>, %arg4: memref<2560x128xi32, #tpu.memory_space<hbm>>, %arg5: memref<10112x128xf32, #tpu.memory_space<hbm>>, %arg6: memref<2x10112x128xf32, #tpu.memory_space<hbm>>, %arg7: memref<10112x128xf32, #tpu.memory_space<vmem_shared>>, %arg8: memref<40x128xi32, #tpu.memory_space<vmem>>, %arg9: memref<40x128xi32, #tpu.memory_space<vmem>>, %arg10: memref<128x128xf32, #tpu.memory_space<vmem>>, %arg11: memref<128x128xf32, #tpu.memory_space<vmem>>, %arg12: memref<!tpu.dma_semaphore, #tpu.memory_space<semaphore_mem>>, %arg13: memref<!tpu.dma_semaphore, #tpu.memory_space<semaphore_mem>>) attributes {dimension_semantics = [#tpu.dimension_semantics<core_parallel>, #tpu.dimension_semantics<subcore_parallel>], iteration_bounds = array<i64: 2, 16>, scalar_prefetch = 0 : i64, scratch_operands = 7 : i64, tpu.core_type = #tpu.core_type<sc_vector_subcore>, window_params = [{transform_indices = #map}, {transform_indices = #map}, {transform_indices = #map}, {transform_indices = #map}, {transform_indices = #map1}]} {
    %mul3A = arith.constant 16 : i32
    %mul3A_0 = arith.muli %arg0, %mul3A : i32
    %add3A = arith.addi %mul3A_0, %arg1 : i32
    %mul3A_1 = arith.constant 632 : i32
    %mul3A_2 = arith.muli %arg1, %mul3A_1 : i32
    "tpu.region"() ({
      %run_scoped3A = tpu.sem_alloc : memref<!tpu.dma_semaphore, #tpu.memory_space<semaphore_mem>>
      %dma_start3A = arith.constant 0 : i32
      %dma_start3A_11 = tpu.memref_slice %arg7[%mul3A_2, %dma_start3A] : memref<10112x128xf32, #tpu.memory_space<vmem_shared>> -> memref<632x128xf32, #tpu.memory_space<vmem_shared>>
      %dma_start3A_12 = arith.constant 0 : i32
      %dma_start3A_13 = tpu.memref_slice %arg5[%mul3A_2, %dma_start3A_12] : memref<10112x128xf32, #tpu.memory_space<hbm>> -> memref<632x128xf32, #tpu.memory_space<hbm>>
      tpu.enqueue_dma source(%dma_start3A_13 : memref<632x128xf32, #tpu.memory_space<hbm>>) target(%dma_start3A_11 : memref<632x128xf32, #tpu.memory_space<vmem_shared>>) target_semaphore(%run_scoped3A : memref<!tpu.dma_semaphore, #tpu.memory_space<semaphore_mem>>)
      %dma_wait3A = arith.constant 0 : i32
      %dma_wait3A_14 = tpu.memref_slice %arg7[%mul3A_2, %dma_wait3A] : memref<10112x128xf32, #tpu.memory_space<vmem_shared>> -> memref<632x128xf32, #tpu.memory_space<vmem_shared>>
      %dma_wait3A_15 = arith.constant 0 : i32
      %dma_wait3A_16 = tpu.memref_slice %arg5[%mul3A_2, %dma_wait3A_15] : memref<10112x128xf32, #tpu.memory_space<hbm>> -> memref<632x128xf32, #tpu.memory_space<hbm>>
      tpu.wait_dma2 semaphore(%run_scoped3A : memref<!tpu.dma_semaphore, #tpu.memory_space<semaphore_mem>>) src(%dma_wait3A_16 : memref<632x128xf32, #tpu.memory_space<hbm>>) dst(%dma_wait3A_14 : memref<632x128xf32, #tpu.memory_space<vmem_shared>>)
      tpu.yield
    }) : () -> ()
    %barrier3A = arith.constant 0 : index
    tpu.barrier barrier_id(%barrier3A)
    %eq3A = arith.constant 0 : i32
    %eq3A_3 = arith.cmpi eq, %arg0, %eq3A : i32
    %convert_element_type3A = arith.extui %eq3A_3 : i1 to i32
    %cond3A = arith.constant 0 : i32
    %cond3A_4 = arith.cmpi ne, %convert_element_type3A, %cond3A : i32
    scf.if %cond3A_4 {
      %mul3A_11 = arith.constant 80 : i32
      %mul3A_12 = arith.muli %arg1, %mul3A_11 : i32
      %add3A_13 = arith.constant 0 : i32
      %add3A_14 = arith.addi %mul3A_12, %add3A_13 : i32
      "tpu.region"() ({
        %run_scoped3A_79 = tpu.sem_alloc : memref<!tpu.dma_semaphore, #tpu.memory_space<semaphore_mem>>
        %dma_start3A_80 = arith.constant 0 : i32
        %dma_start3A_81 = arith.constant 0 : i32
        %dma_start3A_82 = tpu.memref_slice %arg8[%dma_start3A_80, %dma_start3A_81] : memref<40x128xi32, #tpu.memory_space<vmem>> -> memref<40x128xi32, #tpu.memory_space<vmem>>
        %dma_start3A_83 = arith.constant 0 : i32
        %dma_start3A_84 = tpu.memref_slice %arg3[%add3A_14, %dma_start3A_83] : memref<2560x128xi32, #tpu.memory_space<hbm>> -> memref<40x128xi32, #tpu.memory_space<hbm>>
        %dma_start3A_85 = arith.constant 0 : i32
        %dma_start3A_86 = arith.constant 0 : i32
        %dma_start3A_87 = tpu.memref_slice %arg8[%dma_start3A_85, %dma_start3A_86] : memref<40x128xi32, #tpu.memory_space<vmem>> -> memref<40x128xi32, #tpu.memory_space<vmem>>
        %dma_start3A_88 = arith.constant 0 : i32
        %dma_start3A_89 = tpu.memref_slice %arg3[%add3A_14, %dma_start3A_88] : memref<2560x128xi32, #tpu.memory_space<hbm>> -> memref<40x128xi32, #tpu.memory_space<hbm>>
        tpu.enqueue_dma source(%dma_start3A_89 : memref<40x128xi32, #tpu.memory_space<hbm>>) target(%dma_start3A_87 : memref<40x128xi32, #tpu.memory_space<vmem>>) target_semaphore(%run_scoped3A_79 : memref<!tpu.dma_semaphore, #tpu.memory_space<semaphore_mem>>)
        %dma_wait3A_90 = arith.constant 0 : i32
        %dma_wait3A_91 = arith.constant 0 : i32
        %dma_wait3A_92 = tpu.memref_slice %arg8[%dma_wait3A_90, %dma_wait3A_91] : memref<40x128xi32, #tpu.memory_space<vmem>> -> memref<40x128xi32, #tpu.memory_space<vmem>>
        %dma_wait3A_93 = arith.constant 0 : i32
        %dma_wait3A_94 = tpu.memref_slice %arg3[%add3A_14, %dma_wait3A_93] : memref<2560x128xi32, #tpu.memory_space<hbm>> -> memref<40x128xi32, #tpu.memory_space<hbm>>
        %dma_wait3A_95 = arith.constant 0 : i32
        %dma_wait3A_96 = arith.constant 0 : i32
        %dma_wait3A_97 = tpu.memref_slice %arg8[%dma_wait3A_95, %dma_wait3A_96] : memref<40x128xi32, #tpu.memory_space<vmem>> -> memref<40x128xi32, #tpu.memory_space<vmem>>
        %dma_wait3A_98 = arith.constant 0 : i32
        %dma_wait3A_99 = tpu.memref_slice %arg3[%add3A_14, %dma_wait3A_98] : memref<2560x128xi32, #tpu.memory_space<hbm>> -> memref<40x128xi32, #tpu.memory_space<hbm>>
        tpu.wait_dma2 semaphore(%run_scoped3A_79 : memref<!tpu.dma_semaphore, #tpu.memory_space<semaphore_mem>>) src(%dma_wait3A_99 : memref<40x128xi32, #tpu.memory_space<hbm>>) dst(%dma_wait3A_97 : memref<40x128xi32, #tpu.memory_space<vmem>>)
        tpu.yield
      }) : () -> ()
      "tpu.region"() ({
        %run_scoped3A_79 = tpu.sem_alloc : memref<!tpu.dma_semaphore, #tpu.memory_space<semaphore_mem>>
        %dma_start3A_80 = arith.constant 0 : i32
        %dma_start3A_81 = arith.constant 0 : i32
        %dma_start3A_82 = tpu.memref_slice %arg9[%dma_start3A_80, %dma_start3A_81] : memref<40x128xi32, #tpu.memory_space<vmem>> -> memref<40x128xi32, #tpu.memory_space<vmem>>
        %dma_start3A_83 = arith.constant 0 : i32
        %dma_start3A_84 = tpu.memref_slice %arg4[%add3A_14, %dma_start3A_83] : memref<2560x128xi32, #tpu.memory_space<hbm>> -> memref<40x128xi32, #tpu.memory_space<hbm>>
        %dma_start3A_85 = arith.constant 0 : i32
        %dma_start3A_86 = arith.constant 0 : i32
        %dma_start3A_87 = tpu.memref_slice %arg9[%dma_start3A_85, %dma_start3A_86] : memref<40x128xi32, #tpu.memory_space<vmem>> -> memref<40x128xi32, #tpu.memory_space<vmem>>
        %dma_start3A_88 = arith.constant 0 : i32
        %dma_start3A_89 = tpu.memref_slice %arg4[%add3A_14, %dma_start3A_88] : memref<2560x128xi32, #tpu.memory_space<hbm>> -> memref<40x128xi32, #tpu.memory_space<hbm>>
        tpu.enqueue_dma source(%dma_start3A_89 : memref<40x128xi32, #tpu.memory_space<hbm>>) target(%dma_start3A_87 : memref<40x128xi32, #tpu.memory_space<vmem>>) target_semaphore(%run_scoped3A_79 : memref<!tpu.dma_semaphore, #tpu.memory_space<semaphore_mem>>)
        %dma_wait3A_90 = arith.constant 0 : i32
        %dma_wait3A_91 = arith.constant 0 : i32
        %dma_wait3A_92 = tpu.memref_slice %arg9[%dma_wait3A_90, %dma_wait3A_91] : memref<40x128xi32, #tpu.memory_space<vmem>> -> memref<40x128xi32, #tpu.memory_space<vmem>>
        %dma_wait3A_93 = arith.constant 0 : i32
        %dma_wait3A_94 = tpu.memref_slice %arg4[%add3A_14, %dma_wait3A_93] : memref<2560x128xi32, #tpu.memory_space<hbm>> -> memref<40x128xi32, #tpu.memory_space<hbm>>
        %dma_wait3A_95 = arith.constant 0 : i32
        %dma_wait3A_96 = arith.constant 0 : i32
        %dma_wait3A_97 = tpu.memref_slice %arg9[%dma_wait3A_95, %dma_wait3A_96] : memref<40x128xi32, #tpu.memory_space<vmem>> -> memref<40x128xi32, #tpu.memory_space<vmem>>
        %dma_wait3A_98 = arith.constant 0 : i32
        %dma_wait3A_99 = tpu.memref_slice %arg4[%add3A_14, %dma_wait3A_98] : memref<2560x128xi32, #tpu.memory_space<hbm>> -> memref<40x128xi32, #tpu.memory_space<hbm>>
        tpu.wait_dma2 semaphore(%run_scoped3A_79 : memref<!tpu.dma_semaphore, #tpu.memory_space<semaphore_mem>>) src(%dma_wait3A_99 : memref<40x128xi32, #tpu.memory_space<hbm>>) dst(%dma_wait3A_97 : memref<40x128xi32, #tpu.memory_space<vmem>>)
        tpu.yield
      }) : () -> ()
      %dma_start3A = arith.constant 0 : i32
      %dma_start3A_15 = arith.constant 0 : i32
      %dma_start3A_16 = tpu.memref_slice %arg8[%dma_start3A, %dma_start3A_15] : memref<40x128xi32, #tpu.memory_space<vmem>> -> memref<1x128xi32, #tpu.memory_space<vmem>>
      %dma_start3A_17 = tpu.memref_squeeze %dma_start3A_16 : memref<1x128xi32, #tpu.memory_space<vmem>> -> memref<128xi32, #tpu.memory_space<vmem>>
      %dma_start3A_18 = arith.constant 0 : i32
      %dma_start3A_19 = arith.constant 0 : i32
      %dma_start3A_20 = tpu.memref_slice %arg2[%dma_start3A_18, %dma_start3A_19] : memref<160000x128xf32, #tpu.memory_space<hbm>> -> memref<160000x128xf32, #tpu.memory_space<hbm>>
      tpu.enqueue_indirect_dma source(%dma_start3A_20 : memref<160000x128xf32, #tpu.memory_space<hbm>>) target(%arg10 : memref<128x128xf32, #tpu.memory_space<vmem>>) offsets(%dma_start3A_17 : memref<128xi32, #tpu.memory_space<vmem>>) semaphore(%arg12 : memref<!tpu.dma_semaphore, #tpu.memory_space<semaphore_mem>>)
      %dma_start3A_21 = arith.constant 1 : i32
      %dma_start3A_22 = arith.constant 0 : i32
      %dma_start3A_23 = tpu.memref_slice %arg8[%dma_start3A_21, %dma_start3A_22] : memref<40x128xi32, #tpu.memory_space<vmem>> -> memref<1x128xi32, #tpu.memory_space<vmem>>
      %dma_start3A_24 = tpu.memref_squeeze %dma_start3A_23 : memref<1x128xi32, #tpu.memory_space<vmem>> -> memref<128xi32, #tpu.memory_space<vmem>>
      %dma_start3A_25 = arith.constant 0 : i32
      %dma_start3A_26 = arith.constant 0 : i32
      %dma_start3A_27 = tpu.memref_slice %arg2[%dma_start3A_25, %dma_start3A_26] : memref<160000x128xf32, #tpu.memory_space<hbm>> -> memref<160000x128xf32, #tpu.memory_space<hbm>>
      tpu.enqueue_indirect_dma source(%dma_start3A_27 : memref<160000x128xf32, #tpu.memory_space<hbm>>) target(%arg11 : memref<128x128xf32, #tpu.memory_space<vmem>>) offsets(%dma_start3A_24 : memref<128xi32, #tpu.memory_space<vmem>>) semaphore(%arg13 : memref<!tpu.dma_semaphore, #tpu.memory_space<semaphore_mem>>)
      %scan3A = arith.constant 0 : i32
      %scan3A_28 = arith.constant 19 : i32
      %scan3A_29 = arith.addi %scan3A, %scan3A_28 : i32
      %scan3A_30 = arith.constant 1 : i32
      scf.for %scan3A_79 = %scan3A to %scan3A_29 step %scan3A_30  : i32 {
        %mul3A_80 = arith.constant 1 : i32
        %mul3A_81 = arith.muli %scan3A_79, %mul3A_80 : i32
        %add3A_82 = arith.constant 0 : i32
        %add3A_83 = arith.addi %add3A_82, %mul3A_81 : i32
        %mul3A_84 = arith.constant 2 : i32
        %mul3A_85 = arith.muli %mul3A_84, %add3A_83 : i32
        %dma_wait3A_86 = arith.constant 0 : i32
        %dma_wait3A_87 = arith.constant 0 : i32
        %dma_wait3A_88 = tpu.memref_slice %arg5[%dma_wait3A_86, %dma_wait3A_87] : memref<10112x128xf32, #tpu.memory_space<hbm>> -> memref<128x128xf32, #tpu.memory_space<hbm>>
        %dma_wait3A_89 = arith.constant 0 : i32
        %dma_wait3A_90 = arith.constant 0 : i32
        %dma_wait3A_91 = tpu.memref_slice %arg5[%dma_wait3A_89, %dma_wait3A_90] : memref<10112x128xf32, #tpu.memory_space<hbm>> -> memref<128x128xf32, #tpu.memory_space<hbm>>
        tpu.wait_dma2 semaphore(%arg12 : memref<!tpu.dma_semaphore, #tpu.memory_space<semaphore_mem>>) src(%dma_wait3A_91 : memref<128x128xf32, #tpu.memory_space<hbm>>) dst(%arg10 : memref<128x128xf32, #tpu.memory_space<vmem>>)
        "tpu.region"() ({
          %run_scoped3A_116 = tpu.sem_alloc : memref<!tpu.dma_semaphore, #tpu.memory_space<semaphore_mem>>
          %dma_start3A_117 = arith.constant 0 : i32
          %dma_start3A_118 = tpu.memref_slice %arg9[%mul3A_85, %dma_start3A_117] : memref<40x128xi32, #tpu.memory_space<vmem>> -> memref<1x128xi32, #tpu.memory_space<vmem>>
          %dma_start3A_119 = tpu.memref_squeeze %dma_start3A_118 : memref<1x128xi32, #tpu.memory_space<vmem>> -> memref<128xi32, #tpu.memory_space<vmem>>
          %dma_start3A_120 = arith.constant 0 : i32
          %dma_start3A_121 = arith.constant 0 : i32
          %dma_start3A_122 = tpu.memref_slice %arg7[%dma_start3A_120, %dma_start3A_121] : memref<10112x128xf32, #tpu.memory_space<vmem_shared>> -> memref<10112x128xf32, #tpu.memory_space<vmem_shared>>
          tpu.enqueue_indirect_dma source(%arg10 : memref<128x128xf32, #tpu.memory_space<vmem>>) target(%dma_start3A_122 : memref<10112x128xf32, #tpu.memory_space<vmem_shared>>) offsets(%dma_start3A_119 : memref<128xi32, #tpu.memory_space<vmem>>) semaphore(%run_scoped3A_116 : memref<!tpu.dma_semaphore, #tpu.memory_space<semaphore_mem>>) {add = true}
          %dma_wait3A_123 = arith.constant 0 : i32
          %dma_wait3A_124 = tpu.memref_slice %arg9[%mul3A_85, %dma_wait3A_123] : memref<40x128xi32, #tpu.memory_space<vmem>> -> memref<1x128xi32, #tpu.memory_space<vmem>>
          %dma_wait3A_125 = tpu.memref_squeeze %dma_wait3A_124 : memref<1x128xi32, #tpu.memory_space<vmem>> -> memref<128xi32, #tpu.memory_space<vmem>>
          %dma_wait3A_126 = arith.constant 0 : i32
          %dma_wait3A_127 = arith.constant 0 : i32
          %dma_wait3A_128 = tpu.memref_slice %arg7[%dma_wait3A_126, %dma_wait3A_127] : memref<10112x128xf32, #tpu.memory_space<vmem_shared>> -> memref<10112x128xf32, #tpu.memory_space<vmem_shared>>
          tpu.wait_indirect_dma semaphore(%run_scoped3A_116 : memref<!tpu.dma_semaphore, #tpu.memory_space<semaphore_mem>>) src(%arg10 : memref<128x128xf32, #tpu.memory_space<vmem>>) dst(%dma_wait3A_128 : memref<10112x128xf32, #tpu.memory_space<vmem_shared>>)
          tpu.yield
        }) : () -> ()
        %add3A_92 = arith.constant 2 : i32
        %add3A_93 = arith.addi %mul3A_85, %add3A_92 : i32
        %dma_start3A_94 = arith.constant 0 : i32
        %dma_start3A_95 = tpu.memref_slice %arg8[%add3A_93, %dma_start3A_94] : memref<40x128xi32, #tpu.memory_space<vmem>> -> memref<1x128xi32, #tpu.memory_space<vmem>>
        %dma_start3A_96 = tpu.memref_squeeze %dma_start3A_95 : memref<1x128xi32, #tpu.memory_space<vmem>> -> memref<128xi32, #tpu.memory_space<vmem>>
        %dma_start3A_97 = arith.constant 0 : i32
        %dma_start3A_98 = arith.constant 0 : i32
        %dma_start3A_99 = tpu.memref_slice %arg2[%dma_start3A_97, %dma_start3A_98] : memref<160000x128xf32, #tpu.memory_space<hbm>> -> memref<160000x128xf32, #tpu.memory_space<hbm>>
        tpu.enqueue_indirect_dma source(%dma_start3A_99 : memref<160000x128xf32, #tpu.memory_space<hbm>>) target(%arg10 : memref<128x128xf32, #tpu.memory_space<vmem>>) offsets(%dma_start3A_96 : memref<128xi32, #tpu.memory_space<vmem>>) semaphore(%arg12 : memref<!tpu.dma_semaphore, #tpu.memory_space<semaphore_mem>>)
        %dma_wait3A_100 = arith.constant 0 : i32
        %dma_wait3A_101 = arith.constant 0 : i32
        %dma_wait3A_102 = tpu.memref_slice %arg5[%dma_wait3A_100, %dma_wait3A_101] : memref<10112x128xf32, #tpu.memory_space<hbm>> -> memref<128x128xf32, #tpu.memory_space<hbm>>
        %dma_wait3A_103 = arith.constant 0 : i32
        %dma_wait3A_104 = arith.constant 0 : i32
        %dma_wait3A_105 = tpu.memref_slice %arg5[%dma_wait3A_103, %dma_wait3A_104] : memref<10112x128xf32, #tpu.memory_space<hbm>> -> memref<128x128xf32, #tpu.memory_space<hbm>>
        tpu.wait_dma2 semaphore(%arg13 : memref<!tpu.dma_semaphore, #tpu.memory_space<semaphore_mem>>) src(%dma_wait3A_105 : memref<128x128xf32, #tpu.memory_space<hbm>>) dst(%arg11 : memref<128x128xf32, #tpu.memory_space<vmem>>)
        %add3A_106 = arith.constant 1 : i32
        %add3A_107 = arith.addi %mul3A_85, %add3A_106 : i32
        "tpu.region"() ({
          %run_scoped3A_116 = tpu.sem_alloc : memref<!tpu.dma_semaphore, #tpu.memory_space<semaphore_mem>>
          %dma_start3A_117 = arith.constant 0 : i32
          %dma_start3A_118 = tpu.memref_slice %arg9[%add3A_107, %dma_start3A_117] : memref<40x128xi32, #tpu.memory_space<vmem>> -> memref<1x128xi32, #tpu.memory_space<vmem>>
          %dma_start3A_119 = tpu.memref_squeeze %dma_start3A_118 : memref<1x128xi32, #tpu.memory_space<vmem>> -> memref<128xi32, #tpu.memory_space<vmem>>
          %dma_start3A_120 = arith.constant 0 : i32
          %dma_start3A_121 = arith.constant 0 : i32
          %dma_start3A_122 = tpu.memref_slice %arg7[%dma_start3A_120, %dma_start3A_121] : memref<10112x128xf32, #tpu.memory_space<vmem_shared>> -> memref<10112x128xf32, #tpu.memory_space<vmem_shared>>
          tpu.enqueue_indirect_dma source(%arg11 : memref<128x128xf32, #tpu.memory_space<vmem>>) target(%dma_start3A_122 : memref<10112x128xf32, #tpu.memory_space<vmem_shared>>) offsets(%dma_start3A_119 : memref<128xi32, #tpu.memory_space<vmem>>) semaphore(%run_scoped3A_116 : memref<!tpu.dma_semaphore, #tpu.memory_space<semaphore_mem>>) {add = true}
          %dma_wait3A_123 = arith.constant 0 : i32
          %dma_wait3A_124 = tpu.memref_slice %arg9[%add3A_107, %dma_wait3A_123] : memref<40x128xi32, #tpu.memory_space<vmem>> -> memref<1x128xi32, #tpu.memory_space<vmem>>
          %dma_wait3A_125 = tpu.memref_squeeze %dma_wait3A_124 : memref<1x128xi32, #tpu.memory_space<vmem>> -> memref<128xi32, #tpu.memory_space<vmem>>
          %dma_wait3A_126 = arith.constant 0 : i32
          %dma_wait3A_127 = arith.constant 0 : i32
          %dma_wait3A_128 = tpu.memref_slice %arg7[%dma_wait3A_126, %dma_wait3A_127] : memref<10112x128xf32, #tpu.memory_space<vmem_shared>> -> memref<10112x128xf32, #tpu.memory_space<vmem_shared>>
          tpu.wait_indirect_dma semaphore(%run_scoped3A_116 : memref<!tpu.dma_semaphore, #tpu.memory_space<semaphore_mem>>) src(%arg11 : memref<128x128xf32, #tpu.memory_space<vmem>>) dst(%dma_wait3A_128 : memref<10112x128xf32, #tpu.memory_space<vmem_shared>>)
          tpu.yield
        }) : () -> ()
        %add3A_108 = arith.constant 3 : i32
        %add3A_109 = arith.addi %mul3A_85, %add3A_108 : i32
        %dma_start3A_110 = arith.constant 0 : i32
        %dma_start3A_111 = tpu.memref_slice %arg8[%add3A_109, %dma_start3A_110] : memref<40x128xi32, #tpu.memory_space<vmem>> -> memref<1x128xi32, #tpu.memory_space<vmem>>
        %dma_start3A_112 = tpu.memref_squeeze %dma_start3A_111 : memref<1x128xi32, #tpu.memory_space<vmem>> -> memref<128xi32, #tpu.memory_space<vmem>>
        %dma_start3A_113 = arith.constant 0 : i32
        %dma_start3A_114 = arith.constant 0 : i32
        %dma_start3A_115 = tpu.memref_slice %arg2[%dma_start3A_113, %dma_start3A_114] : memref<160000x128xf32, #tpu.memory_space<hbm>> -> memref<160000x128xf32, #tpu.memory_space<hbm>>
        tpu.enqueue_indirect_dma source(%dma_start3A_115 : memref<160000x128xf32, #tpu.memory_space<hbm>>) target(%arg11 : memref<128x128xf32, #tpu.memory_space<vmem>>) offsets(%dma_start3A_112 : memref<128xi32, #tpu.memory_space<vmem>>) semaphore(%arg13 : memref<!tpu.dma_semaphore, #tpu.memory_space<semaphore_mem>>)
      }
      %scan3A_31 = arith.constant 19 : i32
      %dma_wait3A = arith.constant 0 : i32
      %dma_wait3A_32 = arith.constant 0 : i32
      %dma_wait3A_33 = tpu.memref_slice %arg5[%dma_wait3A, %dma_wait3A_32] : memref<10112x128xf32, #tpu.memory_space<hbm>> -> memref<128x128xf32, #tpu.memory_space<hbm>>
      %dma_wait3A_34 = arith.constant 0 : i32
      %dma_wait3A_35 = arith.constant 0 : i32
      %dma_wait3A_36 = tpu.memref_slice %arg5[%dma_wait3A_34, %dma_wait3A_35] : memref<10112x128xf32, #tpu.memory_space<hbm>> -> memref<128x128xf32, #tpu.memory_space<hbm>>
      tpu.wait_dma2 semaphore(%arg12 : memref<!tpu.dma_semaphore, #tpu.memory_space<semaphore_mem>>) src(%dma_wait3A_36 : memref<128x128xf32, #tpu.memory_space<hbm>>) dst(%arg10 : memref<128x128xf32, #tpu.memory_space<vmem>>)
      %run_scoped3A = arith.constant 38 : i32
      "tpu.region"() ({
        %run_scoped3A_79 = tpu.sem_alloc : memref<!tpu.dma_semaphore, #tpu.memory_space<semaphore_mem>>
        %dma_start3A_80 = arith.constant 0 : i32
        %dma_start3A_81 = tpu.memref_slice %arg9[%run_scoped3A, %dma_start3A_80] : memref<40x128xi32, #tpu.memory_space<vmem>> -> memref<1x128xi32, #tpu.memory_space<vmem>>
        %dma_start3A_82 = tpu.memref_squeeze %dma_start3A_81 : memref<1x128xi32, #tpu.memory_space<vmem>> -> memref<128xi32, #tpu.memory_space<vmem>>
        %dma_start3A_83 = arith.constant 0 : i32
        %dma_start3A_84 = arith.constant 0 : i32
        %dma_start3A_85 = tpu.memref_slice %arg7[%dma_start3A_83, %dma_start3A_84] : memref<10112x128xf32, #tpu.memory_space<vmem_shared>> -> memref<10112x128xf32, #tpu.memory_space<vmem_shared>>
        tpu.enqueue_indirect_dma source(%arg10 : memref<128x128xf32, #tpu.memory_space<vmem>>) target(%dma_start3A_85 : memref<10112x128xf32, #tpu.memory_space<vmem_shared>>) offsets(%dma_start3A_82 : memref<128xi32, #tpu.memory_space<vmem>>) semaphore(%run_scoped3A_79 : memref<!tpu.dma_semaphore, #tpu.memory_space<semaphore_mem>>) {add = true}
        %dma_wait3A_86 = arith.constant 0 : i32
        %dma_wait3A_87 = tpu.memref_slice %arg9[%run_scoped3A, %dma_wait3A_86] : memref<40x128xi32, #tpu.memory_space<vmem>> -> memref<1x128xi32, #tpu.memory_space<vmem>>
        %dma_wait3A_88 = tpu.memref_squeeze %dma_wait3A_87 : memref<1x128xi32, #tpu.memory_space<vmem>> -> memref<128xi32, #tpu.memory_space<vmem>>
        %dma_wait3A_89 = arith.constant 0 : i32
        %dma_wait3A_90 = arith.constant 0 : i32
        %dma_wait3A_91 = tpu.memref_slice %arg7[%dma_wait3A_89, %dma_wait3A_90] : memref<10112x128xf32, #tpu.memory_space<vmem_shared>> -> memref<10112x128xf32, #tpu.memory_space<vmem_shared>>
        tpu.wait_indirect_dma semaphore(%run_scoped3A_79 : memref<!tpu.dma_semaphore, #tpu.memory_space<semaphore_mem>>) src(%arg10 : memref<128x128xf32, #tpu.memory_space<vmem>>) dst(%dma_wait3A_91 : memref<10112x128xf32, #tpu.memory_space<vmem_shared>>)
        tpu.yield
      }) : () -> ()
      %dma_wait3A_37 = arith.constant 0 : i32
      %dma_wait3A_38 = arith.constant 0 : i32
      %dma_wait3A_39 = tpu.memref_slice %arg5[%dma_wait3A_37, %dma_wait3A_38] : memref<10112x128xf32, #tpu.memory_space<hbm>> -> memref<128x128xf32, #tpu.memory_space<hbm>>
      %dma_wait3A_40 = arith.constant 0 : i32
      %dma_wait3A_41 = arith.constant 0 : i32
      %dma_wait3A_42 = tpu.memref_slice %arg5[%dma_wait3A_40, %dma_wait3A_41] : memref<10112x128xf32, #tpu.memory_space<hbm>> -> memref<128x128xf32, #tpu.memory_space<hbm>>
      tpu.wait_dma2 semaphore(%arg13 : memref<!tpu.dma_semaphore, #tpu.memory_space<semaphore_mem>>) src(%dma_wait3A_42 : memref<128x128xf32, #tpu.memory_space<hbm>>) dst(%arg11 : memref<128x128xf32, #tpu.memory_space<vmem>>)
      %run_scoped3A_43 = arith.constant 39 : i32
      "tpu.region"() ({
        %run_scoped3A_79 = tpu.sem_alloc : memref<!tpu.dma_semaphore, #tpu.memory_space<semaphore_mem>>
        %dma_start3A_80 = arith.constant 0 : i32
        %dma_start3A_81 = tpu.memref_slice %arg9[%run_scoped3A_43, %dma_start3A_80] : memref<40x128xi32, #tpu.memory_space<vmem>> -> memref<1x128xi32, #tpu.memory_space<vmem>>
        %dma_start3A_82 = tpu.memref_squeeze %dma_start3A_81 : memref<1x128xi32, #tpu.memory_space<vmem>> -> memref<128xi32, #tpu.memory_space<vmem>>
        %dma_start3A_83 = arith.constant 0 : i32
        %dma_start3A_84 = arith.constant 0 : i32
        %dma_start3A_85 = tpu.memref_slice %arg7[%dma_start3A_83, %dma_start3A_84] : memref<10112x128xf32, #tpu.memory_space<vmem_shared>> -> memref<10112x128xf32, #tpu.memory_space<vmem_shared>>
        tpu.enqueue_indirect_dma source(%arg11 : memref<128x128xf32, #tpu.memory_space<vmem>>) target(%dma_start3A_85 : memref<10112x128xf32, #tpu.memory_space<vmem_shared>>) offsets(%dma_start3A_82 : memref<128xi32, #tpu.memory_space<vmem>>) semaphore(%run_scoped3A_79 : memref<!tpu.dma_semaphore, #tpu.memory_space<semaphore_mem>>) {add = true}
        %dma_wait3A_86 = arith.constant 0 : i32
        %dma_wait3A_87 = tpu.memref_slice %arg9[%run_scoped3A_43, %dma_wait3A_86] : memref<40x128xi32, #tpu.memory_space<vmem>> -> memref<1x128xi32, #tpu.memory_space<vmem>>
        %dma_wait3A_88 = tpu.memref_squeeze %dma_wait3A_87 : memref<1x128xi32, #tpu.memory_space<vmem>> -> memref<128xi32, #tpu.memory_space<vmem>>
        %dma_wait3A_89 = arith.constant 0 : i32
        %dma_wait3A_90 = arith.constant 0 : i32
        %dma_wait3A_91 = tpu.memref_slice %arg7[%dma_wait3A_89, %dma_wait3A_90] : memref<10112x128xf32, #tpu.memory_space<vmem_shared>> -> memref<10112x128xf32, #tpu.memory_space<vmem_shared>>
        tpu.wait_indirect_dma semaphore(%run_scoped3A_79 : memref<!tpu.dma_semaphore, #tpu.memory_space<semaphore_mem>>) src(%arg11 : memref<128x128xf32, #tpu.memory_space<vmem>>) dst(%dma_wait3A_91 : memref<10112x128xf32, #tpu.memory_space<vmem_shared>>)
        tpu.yield
      }) : () -> ()
      %add3A_44 = arith.constant 40 : i32
      %add3A_45 = arith.addi %mul3A_12, %add3A_44 : i32
      "tpu.region"() ({
        %run_scoped3A_79 = tpu.sem_alloc : memref<!tpu.dma_semaphore, #tpu.memory_space<semaphore_mem>>
        %dma_start3A_80 = arith.constant 0 : i32
        %dma_start3A_81 = arith.constant 0 : i32
        %dma_start3A_82 = tpu.memref_slice %arg8[%dma_start3A_80, %dma_start3A_81] : memref<40x128xi32, #tpu.memory_space<vmem>> -> memref<40x128xi32, #tpu.memory_space<vmem>>
        %dma_start3A_83 = arith.constant 0 : i32
        %dma_start3A_84 = tpu.memref_slice %arg3[%add3A_45, %dma_start3A_83] : memref<2560x128xi32, #tpu.memory_space<hbm>> -> memref<40x128xi32, #tpu.memory_space<hbm>>
        %dma_start3A_85 = arith.constant 0 : i32
        %dma_start3A_86 = arith.constant 0 : i32
        %dma_start3A_87 = tpu.memref_slice %arg8[%dma_start3A_85, %dma_start3A_86] : memref<40x128xi32, #tpu.memory_space<vmem>> -> memref<40x128xi32, #tpu.memory_space<vmem>>
        %dma_start3A_88 = arith.constant 0 : i32
        %dma_start3A_89 = tpu.memref_slice %arg3[%add3A_45, %dma_start3A_88] : memref<2560x128xi32, #tpu.memory_space<hbm>> -> memref<40x128xi32, #tpu.memory_space<hbm>>
        tpu.enqueue_dma source(%dma_start3A_89 : memref<40x128xi32, #tpu.memory_space<hbm>>) target(%dma_start3A_87 : memref<40x128xi32, #tpu.memory_space<vmem>>) target_semaphore(%run_scoped3A_79 : memref<!tpu.dma_semaphore, #tpu.memory_space<semaphore_mem>>)
        %dma_wait3A_90 = arith.constant 0 : i32
        %dma_wait3A_91 = arith.constant 0 : i32
        %dma_wait3A_92 = tpu.memref_slice %arg8[%dma_wait3A_90, %dma_wait3A_91] : memref<40x128xi32, #tpu.memory_space<vmem>> -> memref<40x128xi32, #tpu.memory_space<vmem>>
        %dma_wait3A_93 = arith.constant 0 : i32
        %dma_wait3A_94 = tpu.memref_slice %arg3[%add3A_45, %dma_wait3A_93] : memref<2560x128xi32, #tpu.memory_space<hbm>> -> memref<40x128xi32, #tpu.memory_space<hbm>>
        %dma_wait3A_95 = arith.constant 0 : i32
        %dma_wait3A_96 = arith.constant 0 : i32
        %dma_wait3A_97 = tpu.memref_slice %arg8[%dma_wait3A_95, %dma_wait3A_96] : memref<40x128xi32, #tpu.memory_space<vmem>> -> memref<40x128xi32, #tpu.memory_space<vmem>>
        %dma_wait3A_98 = arith.constant 0 : i32
        %dma_wait3A_99 = tpu.memref_slice %arg3[%add3A_45, %dma_wait3A_98] : memref<2560x128xi32, #tpu.memory_space<hbm>> -> memref<40x128xi32, #tpu.memory_space<hbm>>
        tpu.wait_dma2 semaphore(%run_scoped3A_79 : memref<!tpu.dma_semaphore, #tpu.memory_space<semaphore_mem>>) src(%dma_wait3A_99 : memref<40x128xi32, #tpu.memory_space<hbm>>) dst(%dma_wait3A_97 : memref<40x128xi32, #tpu.memory_space<vmem>>)
        tpu.yield
      }) : () -> ()
      "tpu.region"() ({
        %run_scoped3A_79 = tpu.sem_alloc : memref<!tpu.dma_semaphore, #tpu.memory_space<semaphore_mem>>
        %dma_start3A_80 = arith.constant 0 : i32
        %dma_start3A_81 = arith.constant 0 : i32
        %dma_start3A_82 = tpu.memref_slice %arg9[%dma_start3A_80, %dma_start3A_81] : memref<40x128xi32, #tpu.memory_space<vmem>> -> memref<40x128xi32, #tpu.memory_space<vmem>>
        %dma_start3A_83 = arith.constant 0 : i32
        %dma_start3A_84 = tpu.memref_slice %arg4[%add3A_45, %dma_start3A_83] : memref<2560x128xi32, #tpu.memory_space<hbm>> -> memref<40x128xi32, #tpu.memory_space<hbm>>
        %dma_start3A_85 = arith.constant 0 : i32
        %dma_start3A_86 = arith.constant 0 : i32
        %dma_start3A_87 = tpu.memref_slice %arg9[%dma_start3A_85, %dma_start3A_86] : memref<40x128xi32, #tpu.memory_space<vmem>> -> memref<40x128xi32, #tpu.memory_space<vmem>>
        %dma_start3A_88 = arith.constant 0 : i32
        %dma_start3A_89 = tpu.memref_slice %arg4[%add3A_45, %dma_start3A_88] : memref<2560x128xi32, #tpu.memory_space<hbm>> -> memref<40x128xi32, #tpu.memory_space<hbm>>
        tpu.enqueue_dma source(%dma_start3A_89 : memref<40x128xi32, #tpu.memory_space<hbm>>) target(%dma_start3A_87 : memref<40x128xi32, #tpu.memory_space<vmem>>) target_semaphore(%run_scoped3A_79 : memref<!tpu.dma_semaphore, #tpu.memory_space<semaphore_mem>>)
        %dma_wait3A_90 = arith.constant 0 : i32
        %dma_wait3A_91 = arith.constant 0 : i32
        %dma_wait3A_92 = tpu.memref_slice %arg9[%dma_wait3A_90, %dma_wait3A_91] : memref<40x128xi32, #tpu.memory_space<vmem>> -> memref<40x128xi32, #tpu.memory_space<vmem>>
        %dma_wait3A_93 = arith.constant 0 : i32
        %dma_wait3A_94 = tpu.memref_slice %arg4[%add3A_45, %dma_wait3A_93] : memref<2560x128xi32, #tpu.memory_space<hbm>> -> memref<40x128xi32, #tpu.memory_space<hbm>>
        %dma_wait3A_95 = arith.constant 0 : i32
        %dma_wait3A_96 = arith.constant 0 : i32
        %dma_wait3A_97 = tpu.memref_slice %arg9[%dma_wait3A_95, %dma_wait3A_96] : memref<40x128xi32, #tpu.memory_space<vmem>> -> memref<40x128xi32, #tpu.memory_space<vmem>>
        %dma_wait3A_98 = arith.constant 0 : i32
        %dma_wait3A_99 = tpu.memref_slice %arg4[%add3A_45, %dma_wait3A_98] : memref<2560x128xi32, #tpu.memory_space<hbm>> -> memref<40x128xi32, #tpu.memory_space<hbm>>
        tpu.wait_dma2 semaphore(%run_scoped3A_79 : memref<!tpu.dma_semaphore, #tpu.memory_space<semaphore_mem>>) src(%dma_wait3A_99 : memref<40x128xi32, #tpu.memory_space<hbm>>) dst(%dma_wait3A_97 : memref<40x128xi32, #tpu.memory_space<vmem>>)
        tpu.yield
      }) : () -> ()
      %dma_start3A_46 = arith.constant 0 : i32
      %dma_start3A_47 = arith.constant 0 : i32
      %dma_start3A_48 = tpu.memref_slice %arg8[%dma_start3A_46, %dma_start3A_47] : memref<40x128xi32, #tpu.memory_space<vmem>> -> memref<1x128xi32, #tpu.memory_space<vmem>>
      %dma_start3A_49 = tpu.memref_squeeze %dma_start3A_48 : memref<1x128xi32, #tpu.memory_space<vmem>> -> memref<128xi32, #tpu.memory_space<vmem>>
      %dma_start3A_50 = arith.constant 0 : i32
      %dma_start3A_51 = arith.constant 0 : i32
      %dma_start3A_52 = tpu.memref_slice %arg2[%dma_start3A_50, %dma_start3A_51] : memref<160000x128xf32, #tpu.memory_space<hbm>> -> memref<160000x128xf32, #tpu.memory_space<hbm>>
      tpu.enqueue_indirect_dma source(%dma_start3A_52 : memref<160000x128xf32, #tpu.memory_space<hbm>>) target(%arg10 : memref<128x128xf32, #tpu.memory_space<vmem>>) offsets(%dma_start3A_49 : memref<128xi32, #tpu.memory_space<vmem>>) semaphore(%arg12 : memref<!tpu.dma_semaphore, #tpu.memory_space<semaphore_mem>>)
      %dma_start3A_53 = arith.constant 1 : i32
      %dma_start3A_54 = arith.constant 0 : i32
      %dma_start3A_55 = tpu.memref_slice %arg8[%dma_start3A_53, %dma_start3A_54] : memref<40x128xi32, #tpu.memory_space<vmem>> -> memref<1x128xi32, #tpu.memory_space<vmem>>
      %dma_start3A_56 = tpu.memref_squeeze %dma_start3A_55 : memref<1x128xi32, #tpu.memory_space<vmem>> -> memref<128xi32, #tpu.memory_space<vmem>>
      %dma_start3A_57 = arith.constant 0 : i32
      %dma_start3A_58 = arith.constant 0 : i32
      %dma_start3A_59 = tpu.memref_slice %arg2[%dma_start3A_57, %dma_start3A_58] : memref<160000x128xf32, #tpu.memory_space<hbm>> -> memref<160000x128xf32, #tpu.memory_space<hbm>>
      tpu.enqueue_indirect_dma source(%dma_start3A_59 : memref<160000x128xf32, #tpu.memory_space<hbm>>) target(%arg11 : memref<128x128xf32, #tpu.memory_space<vmem>>) offsets(%dma_start3A_56 : memref<128xi32, #tpu.memory_space<vmem>>) semaphore(%arg13 : memref<!tpu.dma_semaphore, #tpu.memory_space<semaphore_mem>>)
      %scan3A_60 = arith.constant 0 : i32
      %scan3A_61 = arith.constant 19 : i32
      %scan3A_62 = arith.addi %scan3A_60, %scan3A_61 : i32
      %scan3A_63 = arith.constant 1 : i32
      scf.for %scan3A_79 = %scan3A_60 to %scan3A_62 step %scan3A_63  : i32 {
        %mul3A_80 = arith.constant 1 : i32
        %mul3A_81 = arith.muli %scan3A_79, %mul3A_80 : i32
        %add3A_82 = arith.constant 0 : i32
        %add3A_83 = arith.addi %add3A_82, %mul3A_81 : i32
        %mul3A_84 = arith.constant 2 : i32
        %mul3A_85 = arith.muli %mul3A_84, %add3A_83 : i32
        %dma_wait3A_86 = arith.constant 0 : i32
        %dma_wait3A_87 = arith.constant 0 : i32
        %dma_wait3A_88 = tpu.memref_slice %arg5[%dma_wait3A_86, %dma_wait3A_87] : memref<10112x128xf32, #tpu.memory_space<hbm>> -> memref<128x128xf32, #tpu.memory_space<hbm>>
        %dma_wait3A_89 = arith.constant 0 : i32
        %dma_wait3A_90 = arith.constant 0 : i32
        %dma_wait3A_91 = tpu.memref_slice %arg5[%dma_wait3A_89, %dma_wait3A_90] : memref<10112x128xf32, #tpu.memory_space<hbm>> -> memref<128x128xf32, #tpu.memory_space<hbm>>
        tpu.wait_dma2 semaphore(%arg12 : memref<!tpu.dma_semaphore, #tpu.memory_space<semaphore_mem>>) src(%dma_wait3A_91 : memref<128x128xf32, #tpu.memory_space<hbm>>) dst(%arg10 : memref<128x128xf32, #tpu.memory_space<vmem>>)
        "tpu.region"() ({
          %run_scoped3A_116 = tpu.sem_alloc : memref<!tpu.dma_semaphore, #tpu.memory_space<semaphore_mem>>
          %dma_start3A_117 = arith.constant 0 : i32
          %dma_start3A_118 = tpu.memref_slice %arg9[%mul3A_85, %dma_start3A_117] : memref<40x128xi32, #tpu.memory_space<vmem>> -> memref<1x128xi32, #tpu.memory_space<vmem>>
          %dma_start3A_119 = tpu.memref_squeeze %dma_start3A_118 : memref<1x128xi32, #tpu.memory_space<vmem>> -> memref<128xi32, #tpu.memory_space<vmem>>
          %dma_start3A_120 = arith.constant 0 : i32
          %dma_start3A_121 = arith.constant 0 : i32
          %dma_start3A_122 = tpu.memref_slice %arg7[%dma_start3A_120, %dma_start3A_121] : memref<10112x128xf32, #tpu.memory_space<vmem_shared>> -> memref<10112x128xf32, #tpu.memory_space<vmem_shared>>
          tpu.enqueue_indirect_dma source(%arg10 : memref<128x128xf32, #tpu.memory_space<vmem>>) target(%dma_start3A_122 : memref<10112x128xf32, #tpu.memory_space<vmem_shared>>) offsets(%dma_start3A_119 : memref<128xi32, #tpu.memory_space<vmem>>) semaphore(%run_scoped3A_116 : memref<!tpu.dma_semaphore, #tpu.memory_space<semaphore_mem>>) {add = true}
          %dma_wait3A_123 = arith.constant 0 : i32
          %dma_wait3A_124 = tpu.memref_slice %arg9[%mul3A_85, %dma_wait3A_123] : memref<40x128xi32, #tpu.memory_space<vmem>> -> memref<1x128xi32, #tpu.memory_space<vmem>>
          %dma_wait3A_125 = tpu.memref_squeeze %dma_wait3A_124 : memref<1x128xi32, #tpu.memory_space<vmem>> -> memref<128xi32, #tpu.memory_space<vmem>>
          %dma_wait3A_126 = arith.constant 0 : i32
          %dma_wait3A_127 = arith.constant 0 : i32
          %dma_wait3A_128 = tpu.memref_slice %arg7[%dma_wait3A_126, %dma_wait3A_127] : memref<10112x128xf32, #tpu.memory_space<vmem_shared>> -> memref<10112x128xf32, #tpu.memory_space<vmem_shared>>
          tpu.wait_indirect_dma semaphore(%run_scoped3A_116 : memref<!tpu.dma_semaphore, #tpu.memory_space<semaphore_mem>>) src(%arg10 : memref<128x128xf32, #tpu.memory_space<vmem>>) dst(%dma_wait3A_128 : memref<10112x128xf32, #tpu.memory_space<vmem_shared>>)
          tpu.yield
        }) : () -> ()
        %add3A_92 = arith.constant 2 : i32
        %add3A_93 = arith.addi %mul3A_85, %add3A_92 : i32
        %dma_start3A_94 = arith.constant 0 : i32
        %dma_start3A_95 = tpu.memref_slice %arg8[%add3A_93, %dma_start3A_94] : memref<40x128xi32, #tpu.memory_space<vmem>> -> memref<1x128xi32, #tpu.memory_space<vmem>>
        %dma_start3A_96 = tpu.memref_squeeze %dma_start3A_95 : memref<1x128xi32, #tpu.memory_space<vmem>> -> memref<128xi32, #tpu.memory_space<vmem>>
        %dma_start3A_97 = arith.constant 0 : i32
        %dma_start3A_98 = arith.constant 0 : i32
        %dma_start3A_99 = tpu.memref_slice %arg2[%dma_start3A_97, %dma_start3A_98] : memref<160000x128xf32, #tpu.memory_space<hbm>> -> memref<160000x128xf32, #tpu.memory_space<hbm>>
        tpu.enqueue_indirect_dma source(%dma_start3A_99 : memref<160000x128xf32, #tpu.memory_space<hbm>>) target(%arg10 : memref<128x128xf32, #tpu.memory_space<vmem>>) offsets(%dma_start3A_96 : memref<128xi32, #tpu.memory_space<vmem>>) semaphore(%arg12 : memref<!tpu.dma_semaphore, #tpu.memory_space<semaphore_mem>>)
        %dma_wait3A_100 = arith.constant 0 : i32
        %dma_wait3A_101 = arith.constant 0 : i32
        %dma_wait3A_102 = tpu.memref_slice %arg5[%dma_wait3A_100, %dma_wait3A_101] : memref<10112x128xf32, #tpu.memory_space<hbm>> -> memref<128x128xf32, #tpu.memory_space<hbm>>
        %dma_wait3A_103 = arith.constant 0 : i32
        %dma_wait3A_104 = arith.constant 0 : i32
        %dma_wait3A_105 = tpu.memref_slice %arg5[%dma_wait3A_103, %dma_wait3A_104] : memref<10112x128xf32, #tpu.memory_space<hbm>> -> memref<128x128xf32, #tpu.memory_space<hbm>>
        tpu.wait_dma2 semaphore(%arg13 : memref<!tpu.dma_semaphore, #tpu.memory_space<semaphore_mem>>) src(%dma_wait3A_105 : memref<128x128xf32, #tpu.memory_space<hbm>>) dst(%arg11 : memref<128x128xf32, #tpu.memory_space<vmem>>)
        %add3A_106 = arith.constant 1 : i32
        %add3A_107 = arith.addi %mul3A_85, %add3A_106 : i32
        "tpu.region"() ({
          %run_scoped3A_116 = tpu.sem_alloc : memref<!tpu.dma_semaphore, #tpu.memory_space<semaphore_mem>>
          %dma_start3A_117 = arith.constant 0 : i32
          %dma_start3A_118 = tpu.memref_slice %arg9[%add3A_107, %dma_start3A_117] : memref<40x128xi32, #tpu.memory_space<vmem>> -> memref<1x128xi32, #tpu.memory_space<vmem>>
          %dma_start3A_119 = tpu.memref_squeeze %dma_start3A_118 : memref<1x128xi32, #tpu.memory_space<vmem>> -> memref<128xi32, #tpu.memory_space<vmem>>
          %dma_start3A_120 = arith.constant 0 : i32
          %dma_start3A_121 = arith.constant 0 : i32
          %dma_start3A_122 = tpu.memref_slice %arg7[%dma_start3A_120, %dma_start3A_121] : memref<10112x128xf32, #tpu.memory_space<vmem_shared>> -> memref<10112x128xf32, #tpu.memory_space<vmem_shared>>
          tpu.enqueue_indirect_dma source(%arg11 : memref<128x128xf32, #tpu.memory_space<vmem>>) target(%dma_start3A_122 : memref<10112x128xf32, #tpu.memory_space<vmem_shared>>) offsets(%dma_start3A_119 : memref<128xi32, #tpu.memory_space<vmem>>) semaphore(%run_scoped3A_116 : memref<!tpu.dma_semaphore, #tpu.memory_space<semaphore_mem>>) {add = true}
          %dma_wait3A_123 = arith.constant 0 : i32
          %dma_wait3A_124 = tpu.memref_slice %arg9[%add3A_107, %dma_wait3A_123] : memref<40x128xi32, #tpu.memory_space<vmem>> -> memref<1x128xi32, #tpu.memory_space<vmem>>
          %dma_wait3A_125 = tpu.memref_squeeze %dma_wait3A_124 : memref<1x128xi32, #tpu.memory_space<vmem>> -> memref<128xi32, #tpu.memory_space<vmem>>
          %dma_wait3A_126 = arith.constant 0 : i32
          %dma_wait3A_127 = arith.constant 0 : i32
          %dma_wait3A_128 = tpu.memref_slice %arg7[%dma_wait3A_126, %dma_wait3A_127] : memref<10112x128xf32, #tpu.memory_space<vmem_shared>> -> memref<10112x128xf32, #tpu.memory_space<vmem_shared>>
          tpu.wait_indirect_dma semaphore(%run_scoped3A_116 : memref<!tpu.dma_semaphore, #tpu.memory_space<semaphore_mem>>) src(%arg11 : memref<128x128xf32, #tpu.memory_space<vmem>>) dst(%dma_wait3A_128 : memref<10112x128xf32, #tpu.memory_space<vmem_shared>>)
          tpu.yield
        }) : () -> ()
        %add3A_108 = arith.constant 3 : i32
        %add3A_109 = arith.addi %mul3A_85, %add3A_108 : i32
        %dma_start3A_110 = arith.constant 0 : i32
        %dma_start3A_111 = tpu.memref_slice %arg8[%add3A_109, %dma_start3A_110] : memref<40x128xi32, #tpu.memory_space<vmem>> -> memref<1x128xi32, #tpu.memory_space<vmem>>
        %dma_start3A_112 = tpu.memref_squeeze %dma_start3A_111 : memref<1x128xi32, #tpu.memory_space<vmem>> -> memref<128xi32, #tpu.memory_space<vmem>>
        %dma_start3A_113 = arith.constant 0 : i32
        %dma_start3A_114 = arith.constant 0 : i32
        %dma_start3A_115 = tpu.memref_slice %arg2[%dma_start3A_113, %dma_start3A_114] : memref<160000x128xf32, #tpu.memory_space<hbm>> -> memref<160000x128xf32, #tpu.memory_space<hbm>>
        tpu.enqueue_indirect_dma source(%dma_start3A_115 : memref<160000x128xf32, #tpu.memory_space<hbm>>) target(%arg11 : memref<128x128xf32, #tpu.memory_space<vmem>>) offsets(%dma_start3A_112 : memref<128xi32, #tpu.memory_space<vmem>>) semaphore(%arg13 : memref<!tpu.dma_semaphore, #tpu.memory_space<semaphore_mem>>)
      }
      %scan3A_64 = arith.constant 19 : i32
      %dma_wait3A_65 = arith.constant 0 : i32
      %dma_wait3A_66 = arith.constant 0 : i32
      %dma_wait3A_67 = tpu.memref_slice %arg5[%dma_wait3A_65, %dma_wait3A_66] : memref<10112x128xf32, #tpu.memory_space<hbm>> -> memref<128x128xf32, #tpu.memory_space<hbm>>
      %dma_wait3A_68 = arith.constant 0 : i32
      %dma_wait3A_69 = arith.constant 0 : i32
      %dma_wait3A_70 = tpu.memref_slice %arg5[%dma_wait3A_68, %dma_wait3A_69] : memref<10112x128xf32, #tpu.memory_space<hbm>> -> memref<128x128xf32, #tpu.memory_space<hbm>>
      tpu.wait_dma2 semaphore(%arg12 : memref<!tpu.dma_semaphore, #tpu.memory_space<semaphore_mem>>) src(%dma_wait3A_70 : memref<128x128xf32, #tpu.memory_space<hbm>>) dst(%arg10 : memref<128x128xf32, #tpu.memory_space<vmem>>)
      %run_scoped3A_71 = arith.constant 38 : i32
      "tpu.region"() ({
        %run_scoped3A_79 = tpu.sem_alloc : memref<!tpu.dma_semaphore, #tpu.memory_space<semaphore_mem>>
        %dma_start3A_80 = arith.constant 0 : i32
        %dma_start3A_81 = tpu.memref_slice %arg9[%run_scoped3A_71, %dma_start3A_80] : memref<40x128xi32, #tpu.memory_space<vmem>> -> memref<1x128xi32, #tpu.memory_space<vmem>>
        %dma_start3A_82 = tpu.memref_squeeze %dma_start3A_81 : memref<1x128xi32, #tpu.memory_space<vmem>> -> memref<128xi32, #tpu.memory_space<vmem>>
        %dma_start3A_83 = arith.constant 0 : i32
        %dma_start3A_84 = arith.constant 0 : i32
        %dma_start3A_85 = tpu.memref_slice %arg7[%dma_start3A_83, %dma_start3A_84] : memref<10112x128xf32, #tpu.memory_space<vmem_shared>> -> memref<10112x128xf32, #tpu.memory_space<vmem_shared>>
        tpu.enqueue_indirect_dma source(%arg10 : memref<128x128xf32, #tpu.memory_space<vmem>>) target(%dma_start3A_85 : memref<10112x128xf32, #tpu.memory_space<vmem_shared>>) offsets(%dma_start3A_82 : memref<128xi32, #tpu.memory_space<vmem>>) semaphore(%run_scoped3A_79 : memref<!tpu.dma_semaphore, #tpu.memory_space<semaphore_mem>>) {add = true}
        %dma_wait3A_86 = arith.constant 0 : i32
        %dma_wait3A_87 = tpu.memref_slice %arg9[%run_scoped3A_71, %dma_wait3A_86] : memref<40x128xi32, #tpu.memory_space<vmem>> -> memref<1x128xi32, #tpu.memory_space<vmem>>
        %dma_wait3A_88 = tpu.memref_squeeze %dma_wait3A_87 : memref<1x128xi32, #tpu.memory_space<vmem>> -> memref<128xi32, #tpu.memory_space<vmem>>
        %dma_wait3A_89 = arith.constant 0 : i32
        %dma_wait3A_90 = arith.constant 0 : i32
        %dma_wait3A_91 = tpu.memref_slice %arg7[%dma_wait3A_89, %dma_wait3A_90] : memref<10112x128xf32, #tpu.memory_space<vmem_shared>> -> memref<10112x128xf32, #tpu.memory_space<vmem_shared>>
        tpu.wait_indirect_dma semaphore(%run_scoped3A_79 : memref<!tpu.dma_semaphore, #tpu.memory_space<semaphore_mem>>) src(%arg10 : memref<128x128xf32, #tpu.memory_space<vmem>>) dst(%dma_wait3A_91 : memref<10112x128xf32, #tpu.memory_space<vmem_shared>>)
        tpu.yield
      }) : () -> ()
      %dma_wait3A_72 = arith.constant 0 : i32
      %dma_wait3A_73 = arith.constant 0 : i32
      %dma_wait3A_74 = tpu.memref_slice %arg5[%dma_wait3A_72, %dma_wait3A_73] : memref<10112x128xf32, #tpu.memory_space<hbm>> -> memref<128x128xf32, #tpu.memory_space<hbm>>
      %dma_wait3A_75 = arith.constant 0 : i32
      %dma_wait3A_76 = arith.constant 0 : i32
      %dma_wait3A_77 = tpu.memref_slice %arg5[%dma_wait3A_75, %dma_wait3A_76] : memref<10112x128xf32, #tpu.memory_space<hbm>> -> memref<128x128xf32, #tpu.memory_space<hbm>>
      tpu.wait_dma2 semaphore(%arg13 : memref<!tpu.dma_semaphore, #tpu.memory_space<semaphore_mem>>) src(%dma_wait3A_77 : memref<128x128xf32, #tpu.memory_space<hbm>>) dst(%arg11 : memref<128x128xf32, #tpu.memory_space<vmem>>)
      %run_scoped3A_78 = arith.constant 39 : i32
      "tpu.region"() ({
        %run_scoped3A_79 = tpu.sem_alloc : memref<!tpu.dma_semaphore, #tpu.memory_space<semaphore_mem>>
        %dma_start3A_80 = arith.constant 0 : i32
        %dma_start3A_81 = tpu.memref_slice %arg9[%run_scoped3A_78, %dma_start3A_80] : memref<40x128xi32, #tpu.memory_space<vmem>> -> memref<1x128xi32, #tpu.memory_space<vmem>>
        %dma_start3A_82 = tpu.memref_squeeze %dma_start3A_81 : memref<1x128xi32, #tpu.memory_space<vmem>> -> memref<128xi32, #tpu.memory_space<vmem>>
        %dma_start3A_83 = arith.constant 0 : i32
        %dma_start3A_84 = arith.constant 0 : i32
        %dma_start3A_85 = tpu.memref_slice %arg7[%dma_start3A_83, %dma_start3A_84] : memref<10112x128xf32, #tpu.memory_space<vmem_shared>> -> memref<10112x128xf32, #tpu.memory_space<vmem_shared>>
        tpu.enqueue_indirect_dma source(%arg11 : memref<128x128xf32, #tpu.memory_space<vmem>>) target(%dma_start3A_85 : memref<10112x128xf32, #tpu.memory_space<vmem_shared>>) offsets(%dma_start3A_82 : memref<128xi32, #tpu.memory_space<vmem>>) semaphore(%run_scoped3A_79 : memref<!tpu.dma_semaphore, #tpu.memory_space<semaphore_mem>>) {add = true}
        %dma_wait3A_86 = arith.constant 0 : i32
        %dma_wait3A_87 = tpu.memref_slice %arg9[%run_scoped3A_78, %dma_wait3A_86] : memref<40x128xi32, #tpu.memory_space<vmem>> -> memref<1x128xi32, #tpu.memory_space<vmem>>
        %dma_wait3A_88 = tpu.memref_squeeze %dma_wait3A_87 : memref<1x128xi32, #tpu.memory_space<vmem>> -> memref<128xi32, #tpu.memory_space<vmem>>
        %dma_wait3A_89 = arith.constant 0 : i32
        %dma_wait3A_90 = arith.constant 0 : i32
        %dma_wait3A_91 = tpu.memref_slice %arg7[%dma_wait3A_89, %dma_wait3A_90] : memref<10112x128xf32, #tpu.memory_space<vmem_shared>> -> memref<10112x128xf32, #tpu.memory_space<vmem_shared>>
        tpu.wait_indirect_dma semaphore(%run_scoped3A_79 : memref<!tpu.dma_semaphore, #tpu.memory_space<semaphore_mem>>) src(%arg11 : memref<128x128xf32, #tpu.memory_space<vmem>>) dst(%dma_wait3A_91 : memref<10112x128xf32, #tpu.memory_space<vmem_shared>>)
        tpu.yield
      }) : () -> ()
    } else {
    }
    %eq3A_5 = arith.constant 1 : i32
    %eq3A_6 = arith.cmpi eq, %arg0, %eq3A_5 : i32
    %convert_element_type3A_7 = arith.extui %eq3A_6 : i1 to i32
    %cond3A_8 = arith.constant 0 : i32
    %cond3A_9 = arith.cmpi ne, %convert_element_type3A_7, %cond3A_8 : i32
    scf.if %cond3A_9 {
      %mul3A_11 = arith.constant 80 : i32
      %mul3A_12 = arith.muli %arg1, %mul3A_11 : i32
      %add3A_13 = arith.constant 1280 : i32
      %add3A_14 = arith.addi %add3A_13, %mul3A_12 : i32
      %add3A_15 = arith.constant 0 : i32
      %add3A_16 = arith.addi %add3A_14, %add3A_15 : i32
      "tpu.region"() ({
        %run_scoped3A_81 = tpu.sem_alloc : memref<!tpu.dma_semaphore, #tpu.memory_space<semaphore_mem>>
        %dma_start3A_82 = arith.constant 0 : i32
        %dma_start3A_83 = arith.constant 0 : i32
        %dma_start3A_84 = tpu.memref_slice %arg8[%dma_start3A_82, %dma_start3A_83] : memref<40x128xi32, #tpu.memory_space<vmem>> -> memref<40x128xi32, #tpu.memory_space<vmem>>
        %dma_start3A_85 = arith.constant 0 : i32
        %dma_start3A_86 = tpu.memref_slice %arg3[%add3A_16, %dma_start3A_85] : memref<2560x128xi32, #tpu.memory_space<hbm>> -> memref<40x128xi32, #tpu.memory_space<hbm>>
        %dma_start3A_87 = arith.constant 0 : i32
        %dma_start3A_88 = arith.constant 0 : i32
        %dma_start3A_89 = tpu.memref_slice %arg8[%dma_start3A_87, %dma_start3A_88] : memref<40x128xi32, #tpu.memory_space<vmem>> -> memref<40x128xi32, #tpu.memory_space<vmem>>
        %dma_start3A_90 = arith.constant 0 : i32
        %dma_start3A_91 = tpu.memref_slice %arg3[%add3A_16, %dma_start3A_90] : memref<2560x128xi32, #tpu.memory_space<hbm>> -> memref<40x128xi32, #tpu.memory_space<hbm>>
        tpu.enqueue_dma source(%dma_start3A_91 : memref<40x128xi32, #tpu.memory_space<hbm>>) target(%dma_start3A_89 : memref<40x128xi32, #tpu.memory_space<vmem>>) target_semaphore(%run_scoped3A_81 : memref<!tpu.dma_semaphore, #tpu.memory_space<semaphore_mem>>)
        %dma_wait3A_92 = arith.constant 0 : i32
        %dma_wait3A_93 = arith.constant 0 : i32
        %dma_wait3A_94 = tpu.memref_slice %arg8[%dma_wait3A_92, %dma_wait3A_93] : memref<40x128xi32, #tpu.memory_space<vmem>> -> memref<40x128xi32, #tpu.memory_space<vmem>>
        %dma_wait3A_95 = arith.constant 0 : i32
        %dma_wait3A_96 = tpu.memref_slice %arg3[%add3A_16, %dma_wait3A_95] : memref<2560x128xi32, #tpu.memory_space<hbm>> -> memref<40x128xi32, #tpu.memory_space<hbm>>
        %dma_wait3A_97 = arith.constant 0 : i32
        %dma_wait3A_98 = arith.constant 0 : i32
        %dma_wait3A_99 = tpu.memref_slice %arg8[%dma_wait3A_97, %dma_wait3A_98] : memref<40x128xi32, #tpu.memory_space<vmem>> -> memref<40x128xi32, #tpu.memory_space<vmem>>
        %dma_wait3A_100 = arith.constant 0 : i32
        %dma_wait3A_101 = tpu.memref_slice %arg3[%add3A_16, %dma_wait3A_100] : memref<2560x128xi32, #tpu.memory_space<hbm>> -> memref<40x128xi32, #tpu.memory_space<hbm>>
        tpu.wait_dma2 semaphore(%run_scoped3A_81 : memref<!tpu.dma_semaphore, #tpu.memory_space<semaphore_mem>>) src(%dma_wait3A_101 : memref<40x128xi32, #tpu.memory_space<hbm>>) dst(%dma_wait3A_99 : memref<40x128xi32, #tpu.memory_space<vmem>>)
        tpu.yield
      }) : () -> ()
      "tpu.region"() ({
        %run_scoped3A_81 = tpu.sem_alloc : memref<!tpu.dma_semaphore, #tpu.memory_space<semaphore_mem>>
        %dma_start3A_82 = arith.constant 0 : i32
        %dma_start3A_83 = arith.constant 0 : i32
        %dma_start3A_84 = tpu.memref_slice %arg9[%dma_start3A_82, %dma_start3A_83] : memref<40x128xi32, #tpu.memory_space<vmem>> -> memref<40x128xi32, #tpu.memory_space<vmem>>
        %dma_start3A_85 = arith.constant 0 : i32
        %dma_start3A_86 = tpu.memref_slice %arg4[%add3A_16, %dma_start3A_85] : memref<2560x128xi32, #tpu.memory_space<hbm>> -> memref<40x128xi32, #tpu.memory_space<hbm>>
        %dma_start3A_87 = arith.constant 0 : i32
        %dma_start3A_88 = arith.constant 0 : i32
        %dma_start3A_89 = tpu.memref_slice %arg9[%dma_start3A_87, %dma_start3A_88] : memref<40x128xi32, #tpu.memory_space<vmem>> -> memref<40x128xi32, #tpu.memory_space<vmem>>
        %dma_start3A_90 = arith.constant 0 : i32
        %dma_start3A_91 = tpu.memref_slice %arg4[%add3A_16, %dma_start3A_90] : memref<2560x128xi32, #tpu.memory_space<hbm>> -> memref<40x128xi32, #tpu.memory_space<hbm>>
        tpu.enqueue_dma source(%dma_start3A_91 : memref<40x128xi32, #tpu.memory_space<hbm>>) target(%dma_start3A_89 : memref<40x128xi32, #tpu.memory_space<vmem>>) target_semaphore(%run_scoped3A_81 : memref<!tpu.dma_semaphore, #tpu.memory_space<semaphore_mem>>)
        %dma_wait3A_92 = arith.constant 0 : i32
        %dma_wait3A_93 = arith.constant 0 : i32
        %dma_wait3A_94 = tpu.memref_slice %arg9[%dma_wait3A_92, %dma_wait3A_93] : memref<40x128xi32, #tpu.memory_space<vmem>> -> memref<40x128xi32, #tpu.memory_space<vmem>>
        %dma_wait3A_95 = arith.constant 0 : i32
        %dma_wait3A_96 = tpu.memref_slice %arg4[%add3A_16, %dma_wait3A_95] : memref<2560x128xi32, #tpu.memory_space<hbm>> -> memref<40x128xi32, #tpu.memory_space<hbm>>
        %dma_wait3A_97 = arith.constant 0 : i32
        %dma_wait3A_98 = arith.constant 0 : i32
        %dma_wait3A_99 = tpu.memref_slice %arg9[%dma_wait3A_97, %dma_wait3A_98] : memref<40x128xi32, #tpu.memory_space<vmem>> -> memref<40x128xi32, #tpu.memory_space<vmem>>
        %dma_wait3A_100 = arith.constant 0 : i32
        %dma_wait3A_101 = tpu.memref_slice %arg4[%add3A_16, %dma_wait3A_100] : memref<2560x128xi32, #tpu.memory_space<hbm>> -> memref<40x128xi32, #tpu.memory_space<hbm>>
        tpu.wait_dma2 semaphore(%run_scoped3A_81 : memref<!tpu.dma_semaphore, #tpu.memory_space<semaphore_mem>>) src(%dma_wait3A_101 : memref<40x128xi32, #tpu.memory_space<hbm>>) dst(%dma_wait3A_99 : memref<40x128xi32, #tpu.memory_space<vmem>>)
        tpu.yield
      }) : () -> ()
      %dma_start3A = arith.constant 0 : i32
      %dma_start3A_17 = arith.constant 0 : i32
      %dma_start3A_18 = tpu.memref_slice %arg8[%dma_start3A, %dma_start3A_17] : memref<40x128xi32, #tpu.memory_space<vmem>> -> memref<1x128xi32, #tpu.memory_space<vmem>>
      %dma_start3A_19 = tpu.memref_squeeze %dma_start3A_18 : memref<1x128xi32, #tpu.memory_space<vmem>> -> memref<128xi32, #tpu.memory_space<vmem>>
      %dma_start3A_20 = arith.constant 0 : i32
      %dma_start3A_21 = arith.constant 0 : i32
      %dma_start3A_22 = tpu.memref_slice %arg2[%dma_start3A_20, %dma_start3A_21] : memref<160000x128xf32, #tpu.memory_space<hbm>> -> memref<160000x128xf32, #tpu.memory_space<hbm>>
      tpu.enqueue_indirect_dma source(%dma_start3A_22 : memref<160000x128xf32, #tpu.memory_space<hbm>>) target(%arg10 : memref<128x128xf32, #tpu.memory_space<vmem>>) offsets(%dma_start3A_19 : memref<128xi32, #tpu.memory_space<vmem>>) semaphore(%arg12 : memref<!tpu.dma_semaphore, #tpu.memory_space<semaphore_mem>>)
      %dma_start3A_23 = arith.constant 1 : i32
      %dma_start3A_24 = arith.constant 0 : i32
      %dma_start3A_25 = tpu.memref_slice %arg8[%dma_start3A_23, %dma_start3A_24] : memref<40x128xi32, #tpu.memory_space<vmem>> -> memref<1x128xi32, #tpu.memory_space<vmem>>
      %dma_start3A_26 = tpu.memref_squeeze %dma_start3A_25 : memref<1x128xi32, #tpu.memory_space<vmem>> -> memref<128xi32, #tpu.memory_space<vmem>>
      %dma_start3A_27 = arith.constant 0 : i32
      %dma_start3A_28 = arith.constant 0 : i32
      %dma_start3A_29 = tpu.memref_slice %arg2[%dma_start3A_27, %dma_start3A_28] : memref<160000x128xf32, #tpu.memory_space<hbm>> -> memref<160000x128xf32, #tpu.memory_space<hbm>>
      tpu.enqueue_indirect_dma source(%dma_start3A_29 : memref<160000x128xf32, #tpu.memory_space<hbm>>) target(%arg11 : memref<128x128xf32, #tpu.memory_space<vmem>>) offsets(%dma_start3A_26 : memref<128xi32, #tpu.memory_space<vmem>>) semaphore(%arg13 : memref<!tpu.dma_semaphore, #tpu.memory_space<semaphore_mem>>)
      %scan3A = arith.constant 0 : i32
      %scan3A_30 = arith.constant 19 : i32
      %scan3A_31 = arith.addi %scan3A, %scan3A_30 : i32
      %scan3A_32 = arith.constant 1 : i32
      scf.for %scan3A_81 = %scan3A to %scan3A_31 step %scan3A_32  : i32 {
        %mul3A_82 = arith.constant 1 : i32
        %mul3A_83 = arith.muli %scan3A_81, %mul3A_82 : i32
        %add3A_84 = arith.constant 0 : i32
        %add3A_85 = arith.addi %add3A_84, %mul3A_83 : i32
        %mul3A_86 = arith.constant 2 : i32
        %mul3A_87 = arith.muli %mul3A_86, %add3A_85 : i32
        %dma_wait3A_88 = arith.constant 0 : i32
        %dma_wait3A_89 = arith.constant 0 : i32
        %dma_wait3A_90 = tpu.memref_slice %arg5[%dma_wait3A_88, %dma_wait3A_89] : memref<10112x128xf32, #tpu.memory_space<hbm>> -> memref<128x128xf32, #tpu.memory_space<hbm>>
        %dma_wait3A_91 = arith.constant 0 : i32
        %dma_wait3A_92 = arith.constant 0 : i32
        %dma_wait3A_93 = tpu.memref_slice %arg5[%dma_wait3A_91, %dma_wait3A_92] : memref<10112x128xf32, #tpu.memory_space<hbm>> -> memref<128x128xf32, #tpu.memory_space<hbm>>
        tpu.wait_dma2 semaphore(%arg12 : memref<!tpu.dma_semaphore, #tpu.memory_space<semaphore_mem>>) src(%dma_wait3A_93 : memref<128x128xf32, #tpu.memory_space<hbm>>) dst(%arg10 : memref<128x128xf32, #tpu.memory_space<vmem>>)
        "tpu.region"() ({
          %run_scoped3A_118 = tpu.sem_alloc : memref<!tpu.dma_semaphore, #tpu.memory_space<semaphore_mem>>
          %dma_start3A_119 = arith.constant 0 : i32
          %dma_start3A_120 = tpu.memref_slice %arg9[%mul3A_87, %dma_start3A_119] : memref<40x128xi32, #tpu.memory_space<vmem>> -> memref<1x128xi32, #tpu.memory_space<vmem>>
          %dma_start3A_121 = tpu.memref_squeeze %dma_start3A_120 : memref<1x128xi32, #tpu.memory_space<vmem>> -> memref<128xi32, #tpu.memory_space<vmem>>
          %dma_start3A_122 = arith.constant 0 : i32
          %dma_start3A_123 = arith.constant 0 : i32
          %dma_start3A_124 = tpu.memref_slice %arg7[%dma_start3A_122, %dma_start3A_123] : memref<10112x128xf32, #tpu.memory_space<vmem_shared>> -> memref<10112x128xf32, #tpu.memory_space<vmem_shared>>
          tpu.enqueue_indirect_dma source(%arg10 : memref<128x128xf32, #tpu.memory_space<vmem>>) target(%dma_start3A_124 : memref<10112x128xf32, #tpu.memory_space<vmem_shared>>) offsets(%dma_start3A_121 : memref<128xi32, #tpu.memory_space<vmem>>) semaphore(%run_scoped3A_118 : memref<!tpu.dma_semaphore, #tpu.memory_space<semaphore_mem>>) {add = true}
          %dma_wait3A_125 = arith.constant 0 : i32
          %dma_wait3A_126 = tpu.memref_slice %arg9[%mul3A_87, %dma_wait3A_125] : memref<40x128xi32, #tpu.memory_space<vmem>> -> memref<1x128xi32, #tpu.memory_space<vmem>>
          %dma_wait3A_127 = tpu.memref_squeeze %dma_wait3A_126 : memref<1x128xi32, #tpu.memory_space<vmem>> -> memref<128xi32, #tpu.memory_space<vmem>>
          %dma_wait3A_128 = arith.constant 0 : i32
          %dma_wait3A_129 = arith.constant 0 : i32
          %dma_wait3A_130 = tpu.memref_slice %arg7[%dma_wait3A_128, %dma_wait3A_129] : memref<10112x128xf32, #tpu.memory_space<vmem_shared>> -> memref<10112x128xf32, #tpu.memory_space<vmem_shared>>
          tpu.wait_indirect_dma semaphore(%run_scoped3A_118 : memref<!tpu.dma_semaphore, #tpu.memory_space<semaphore_mem>>) src(%arg10 : memref<128x128xf32, #tpu.memory_space<vmem>>) dst(%dma_wait3A_130 : memref<10112x128xf32, #tpu.memory_space<vmem_shared>>)
          tpu.yield
        }) : () -> ()
        %add3A_94 = arith.constant 2 : i32
        %add3A_95 = arith.addi %mul3A_87, %add3A_94 : i32
        %dma_start3A_96 = arith.constant 0 : i32
        %dma_start3A_97 = tpu.memref_slice %arg8[%add3A_95, %dma_start3A_96] : memref<40x128xi32, #tpu.memory_space<vmem>> -> memref<1x128xi32, #tpu.memory_space<vmem>>
        %dma_start3A_98 = tpu.memref_squeeze %dma_start3A_97 : memref<1x128xi32, #tpu.memory_space<vmem>> -> memref<128xi32, #tpu.memory_space<vmem>>
        %dma_start3A_99 = arith.constant 0 : i32
        %dma_start3A_100 = arith.constant 0 : i32
        %dma_start3A_101 = tpu.memref_slice %arg2[%dma_start3A_99, %dma_start3A_100] : memref<160000x128xf32, #tpu.memory_space<hbm>> -> memref<160000x128xf32, #tpu.memory_space<hbm>>
        tpu.enqueue_indirect_dma source(%dma_start3A_101 : memref<160000x128xf32, #tpu.memory_space<hbm>>) target(%arg10 : memref<128x128xf32, #tpu.memory_space<vmem>>) offsets(%dma_start3A_98 : memref<128xi32, #tpu.memory_space<vmem>>) semaphore(%arg12 : memref<!tpu.dma_semaphore, #tpu.memory_space<semaphore_mem>>)
        %dma_wait3A_102 = arith.constant 0 : i32
        %dma_wait3A_103 = arith.constant 0 : i32
        %dma_wait3A_104 = tpu.memref_slice %arg5[%dma_wait3A_102, %dma_wait3A_103] : memref<10112x128xf32, #tpu.memory_space<hbm>> -> memref<128x128xf32, #tpu.memory_space<hbm>>
        %dma_wait3A_105 = arith.constant 0 : i32
        %dma_wait3A_106 = arith.constant 0 : i32
        %dma_wait3A_107 = tpu.memref_slice %arg5[%dma_wait3A_105, %dma_wait3A_106] : memref<10112x128xf32, #tpu.memory_space<hbm>> -> memref<128x128xf32, #tpu.memory_space<hbm>>
        tpu.wait_dma2 semaphore(%arg13 : memref<!tpu.dma_semaphore, #tpu.memory_space<semaphore_mem>>) src(%dma_wait3A_107 : memref<128x128xf32, #tpu.memory_space<hbm>>) dst(%arg11 : memref<128x128xf32, #tpu.memory_space<vmem>>)
        %add3A_108 = arith.constant 1 : i32
        %add3A_109 = arith.addi %mul3A_87, %add3A_108 : i32
        "tpu.region"() ({
          %run_scoped3A_118 = tpu.sem_alloc : memref<!tpu.dma_semaphore, #tpu.memory_space<semaphore_mem>>
          %dma_start3A_119 = arith.constant 0 : i32
          %dma_start3A_120 = tpu.memref_slice %arg9[%add3A_109, %dma_start3A_119] : memref<40x128xi32, #tpu.memory_space<vmem>> -> memref<1x128xi32, #tpu.memory_space<vmem>>
          %dma_start3A_121 = tpu.memref_squeeze %dma_start3A_120 : memref<1x128xi32, #tpu.memory_space<vmem>> -> memref<128xi32, #tpu.memory_space<vmem>>
          %dma_start3A_122 = arith.constant 0 : i32
          %dma_start3A_123 = arith.constant 0 : i32
          %dma_start3A_124 = tpu.memref_slice %arg7[%dma_start3A_122, %dma_start3A_123] : memref<10112x128xf32, #tpu.memory_space<vmem_shared>> -> memref<10112x128xf32, #tpu.memory_space<vmem_shared>>
          tpu.enqueue_indirect_dma source(%arg11 : memref<128x128xf32, #tpu.memory_space<vmem>>) target(%dma_start3A_124 : memref<10112x128xf32, #tpu.memory_space<vmem_shared>>) offsets(%dma_start3A_121 : memref<128xi32, #tpu.memory_space<vmem>>) semaphore(%run_scoped3A_118 : memref<!tpu.dma_semaphore, #tpu.memory_space<semaphore_mem>>) {add = true}
          %dma_wait3A_125 = arith.constant 0 : i32
          %dma_wait3A_126 = tpu.memref_slice %arg9[%add3A_109, %dma_wait3A_125] : memref<40x128xi32, #tpu.memory_space<vmem>> -> memref<1x128xi32, #tpu.memory_space<vmem>>
          %dma_wait3A_127 = tpu.memref_squeeze %dma_wait3A_126 : memref<1x128xi32, #tpu.memory_space<vmem>> -> memref<128xi32, #tpu.memory_space<vmem>>
          %dma_wait3A_128 = arith.constant 0 : i32
          %dma_wait3A_129 = arith.constant 0 : i32
          %dma_wait3A_130 = tpu.memref_slice %arg7[%dma_wait3A_128, %dma_wait3A_129] : memref<10112x128xf32, #tpu.memory_space<vmem_shared>> -> memref<10112x128xf32, #tpu.memory_space<vmem_shared>>
          tpu.wait_indirect_dma semaphore(%run_scoped3A_118 : memref<!tpu.dma_semaphore, #tpu.memory_space<semaphore_mem>>) src(%arg11 : memref<128x128xf32, #tpu.memory_space<vmem>>) dst(%dma_wait3A_130 : memref<10112x128xf32, #tpu.memory_space<vmem_shared>>)
          tpu.yield
        }) : () -> ()
        %add3A_110 = arith.constant 3 : i32
        %add3A_111 = arith.addi %mul3A_87, %add3A_110 : i32
        %dma_start3A_112 = arith.constant 0 : i32
        %dma_start3A_113 = tpu.memref_slice %arg8[%add3A_111, %dma_start3A_112] : memref<40x128xi32, #tpu.memory_space<vmem>> -> memref<1x128xi32, #tpu.memory_space<vmem>>
        %dma_start3A_114 = tpu.memref_squeeze %dma_start3A_113 : memref<1x128xi32, #tpu.memory_space<vmem>> -> memref<128xi32, #tpu.memory_space<vmem>>
        %dma_start3A_115 = arith.constant 0 : i32
        %dma_start3A_116 = arith.constant 0 : i32
        %dma_start3A_117 = tpu.memref_slice %arg2[%dma_start3A_115, %dma_start3A_116] : memref<160000x128xf32, #tpu.memory_space<hbm>> -> memref<160000x128xf32, #tpu.memory_space<hbm>>
        tpu.enqueue_indirect_dma source(%dma_start3A_117 : memref<160000x128xf32, #tpu.memory_space<hbm>>) target(%arg11 : memref<128x128xf32, #tpu.memory_space<vmem>>) offsets(%dma_start3A_114 : memref<128xi32, #tpu.memory_space<vmem>>) semaphore(%arg13 : memref<!tpu.dma_semaphore, #tpu.memory_space<semaphore_mem>>)
      }
      %scan3A_33 = arith.constant 19 : i32
      %dma_wait3A = arith.constant 0 : i32
      %dma_wait3A_34 = arith.constant 0 : i32
      %dma_wait3A_35 = tpu.memref_slice %arg5[%dma_wait3A, %dma_wait3A_34] : memref<10112x128xf32, #tpu.memory_space<hbm>> -> memref<128x128xf32, #tpu.memory_space<hbm>>
      %dma_wait3A_36 = arith.constant 0 : i32
      %dma_wait3A_37 = arith.constant 0 : i32
      %dma_wait3A_38 = tpu.memref_slice %arg5[%dma_wait3A_36, %dma_wait3A_37] : memref<10112x128xf32, #tpu.memory_space<hbm>> -> memref<128x128xf32, #tpu.memory_space<hbm>>
      tpu.wait_dma2 semaphore(%arg12 : memref<!tpu.dma_semaphore, #tpu.memory_space<semaphore_mem>>) src(%dma_wait3A_38 : memref<128x128xf32, #tpu.memory_space<hbm>>) dst(%arg10 : memref<128x128xf32, #tpu.memory_space<vmem>>)
      %run_scoped3A = arith.constant 38 : i32
      "tpu.region"() ({
        %run_scoped3A_81 = tpu.sem_alloc : memref<!tpu.dma_semaphore, #tpu.memory_space<semaphore_mem>>
        %dma_start3A_82 = arith.constant 0 : i32
        %dma_start3A_83 = tpu.memref_slice %arg9[%run_scoped3A, %dma_start3A_82] : memref<40x128xi32, #tpu.memory_space<vmem>> -> memref<1x128xi32, #tpu.memory_space<vmem>>
        %dma_start3A_84 = tpu.memref_squeeze %dma_start3A_83 : memref<1x128xi32, #tpu.memory_space<vmem>> -> memref<128xi32, #tpu.memory_space<vmem>>
        %dma_start3A_85 = arith.constant 0 : i32
        %dma_start3A_86 = arith.constant 0 : i32
        %dma_start3A_87 = tpu.memref_slice %arg7[%dma_start3A_85, %dma_start3A_86] : memref<10112x128xf32, #tpu.memory_space<vmem_shared>> -> memref<10112x128xf32, #tpu.memory_space<vmem_shared>>
        tpu.enqueue_indirect_dma source(%arg10 : memref<128x128xf32, #tpu.memory_space<vmem>>) target(%dma_start3A_87 : memref<10112x128xf32, #tpu.memory_space<vmem_shared>>) offsets(%dma_start3A_84 : memref<128xi32, #tpu.memory_space<vmem>>) semaphore(%run_scoped3A_81 : memref<!tpu.dma_semaphore, #tpu.memory_space<semaphore_mem>>) {add = true}
        %dma_wait3A_88 = arith.constant 0 : i32
        %dma_wait3A_89 = tpu.memref_slice %arg9[%run_scoped3A, %dma_wait3A_88] : memref<40x128xi32, #tpu.memory_space<vmem>> -> memref<1x128xi32, #tpu.memory_space<vmem>>
        %dma_wait3A_90 = tpu.memref_squeeze %dma_wait3A_89 : memref<1x128xi32, #tpu.memory_space<vmem>> -> memref<128xi32, #tpu.memory_space<vmem>>
        %dma_wait3A_91 = arith.constant 0 : i32
        %dma_wait3A_92 = arith.constant 0 : i32
        %dma_wait3A_93 = tpu.memref_slice %arg7[%dma_wait3A_91, %dma_wait3A_92] : memref<10112x128xf32, #tpu.memory_space<vmem_shared>> -> memref<10112x128xf32, #tpu.memory_space<vmem_shared>>
        tpu.wait_indirect_dma semaphore(%run_scoped3A_81 : memref<!tpu.dma_semaphore, #tpu.memory_space<semaphore_mem>>) src(%arg10 : memref<128x128xf32, #tpu.memory_space<vmem>>) dst(%dma_wait3A_93 : memref<10112x128xf32, #tpu.memory_space<vmem_shared>>)
        tpu.yield
      }) : () -> ()
      %dma_wait3A_39 = arith.constant 0 : i32
      %dma_wait3A_40 = arith.constant 0 : i32
      %dma_wait3A_41 = tpu.memref_slice %arg5[%dma_wait3A_39, %dma_wait3A_40] : memref<10112x128xf32, #tpu.memory_space<hbm>> -> memref<128x128xf32, #tpu.memory_space<hbm>>
      %dma_wait3A_42 = arith.constant 0 : i32
      %dma_wait3A_43 = arith.constant 0 : i32
      %dma_wait3A_44 = tpu.memref_slice %arg5[%dma_wait3A_42, %dma_wait3A_43] : memref<10112x128xf32, #tpu.memory_space<hbm>> -> memref<128x128xf32, #tpu.memory_space<hbm>>
      tpu.wait_dma2 semaphore(%arg13 : memref<!tpu.dma_semaphore, #tpu.memory_space<semaphore_mem>>) src(%dma_wait3A_44 : memref<128x128xf32, #tpu.memory_space<hbm>>) dst(%arg11 : memref<128x128xf32, #tpu.memory_space<vmem>>)
      %run_scoped3A_45 = arith.constant 39 : i32
      "tpu.region"() ({
        %run_scoped3A_81 = tpu.sem_alloc : memref<!tpu.dma_semaphore, #tpu.memory_space<semaphore_mem>>
        %dma_start3A_82 = arith.constant 0 : i32
        %dma_start3A_83 = tpu.memref_slice %arg9[%run_scoped3A_45, %dma_start3A_82] : memref<40x128xi32, #tpu.memory_space<vmem>> -> memref<1x128xi32, #tpu.memory_space<vmem>>
        %dma_start3A_84 = tpu.memref_squeeze %dma_start3A_83 : memref<1x128xi32, #tpu.memory_space<vmem>> -> memref<128xi32, #tpu.memory_space<vmem>>
        %dma_start3A_85 = arith.constant 0 : i32
        %dma_start3A_86 = arith.constant 0 : i32
        %dma_start3A_87 = tpu.memref_slice %arg7[%dma_start3A_85, %dma_start3A_86] : memref<10112x128xf32, #tpu.memory_space<vmem_shared>> -> memref<10112x128xf32, #tpu.memory_space<vmem_shared>>
        tpu.enqueue_indirect_dma source(%arg11 : memref<128x128xf32, #tpu.memory_space<vmem>>) target(%dma_start3A_87 : memref<10112x128xf32, #tpu.memory_space<vmem_shared>>) offsets(%dma_start3A_84 : memref<128xi32, #tpu.memory_space<vmem>>) semaphore(%run_scoped3A_81 : memref<!tpu.dma_semaphore, #tpu.memory_space<semaphore_mem>>) {add = true}
        %dma_wait3A_88 = arith.constant 0 : i32
        %dma_wait3A_89 = tpu.memref_slice %arg9[%run_scoped3A_45, %dma_wait3A_88] : memref<40x128xi32, #tpu.memory_space<vmem>> -> memref<1x128xi32, #tpu.memory_space<vmem>>
        %dma_wait3A_90 = tpu.memref_squeeze %dma_wait3A_89 : memref<1x128xi32, #tpu.memory_space<vmem>> -> memref<128xi32, #tpu.memory_space<vmem>>
        %dma_wait3A_91 = arith.constant 0 : i32
        %dma_wait3A_92 = arith.constant 0 : i32
        %dma_wait3A_93 = tpu.memref_slice %arg7[%dma_wait3A_91, %dma_wait3A_92] : memref<10112x128xf32, #tpu.memory_space<vmem_shared>> -> memref<10112x128xf32, #tpu.memory_space<vmem_shared>>
        tpu.wait_indirect_dma semaphore(%run_scoped3A_81 : memref<!tpu.dma_semaphore, #tpu.memory_space<semaphore_mem>>) src(%arg11 : memref<128x128xf32, #tpu.memory_space<vmem>>) dst(%dma_wait3A_93 : memref<10112x128xf32, #tpu.memory_space<vmem_shared>>)
        tpu.yield
      }) : () -> ()
      %add3A_46 = arith.constant 40 : i32
      %add3A_47 = arith.addi %add3A_14, %add3A_46 : i32
      "tpu.region"() ({
        %run_scoped3A_81 = tpu.sem_alloc : memref<!tpu.dma_semaphore, #tpu.memory_space<semaphore_mem>>
        %dma_start3A_82 = arith.constant 0 : i32
        %dma_start3A_83 = arith.constant 0 : i32
        %dma_start3A_84 = tpu.memref_slice %arg8[%dma_start3A_82, %dma_start3A_83] : memref<40x128xi32, #tpu.memory_space<vmem>> -> memref<40x128xi32, #tpu.memory_space<vmem>>
        %dma_start3A_85 = arith.constant 0 : i32
        %dma_start3A_86 = tpu.memref_slice %arg3[%add3A_47, %dma_start3A_85] : memref<2560x128xi32, #tpu.memory_space<hbm>> -> memref<40x128xi32, #tpu.memory_space<hbm>>
        %dma_start3A_87 = arith.constant 0 : i32
        %dma_start3A_88 = arith.constant 0 : i32
        %dma_start3A_89 = tpu.memref_slice %arg8[%dma_start3A_87, %dma_start3A_88] : memref<40x128xi32, #tpu.memory_space<vmem>> -> memref<40x128xi32, #tpu.memory_space<vmem>>
        %dma_start3A_90 = arith.constant 0 : i32
        %dma_start3A_91 = tpu.memref_slice %arg3[%add3A_47, %dma_start3A_90] : memref<2560x128xi32, #tpu.memory_space<hbm>> -> memref<40x128xi32, #tpu.memory_space<hbm>>
        tpu.enqueue_dma source(%dma_start3A_91 : memref<40x128xi32, #tpu.memory_space<hbm>>) target(%dma_start3A_89 : memref<40x128xi32, #tpu.memory_space<vmem>>) target_semaphore(%run_scoped3A_81 : memref<!tpu.dma_semaphore, #tpu.memory_space<semaphore_mem>>)
        %dma_wait3A_92 = arith.constant 0 : i32
        %dma_wait3A_93 = arith.constant 0 : i32
        %dma_wait3A_94 = tpu.memref_slice %arg8[%dma_wait3A_92, %dma_wait3A_93] : memref<40x128xi32, #tpu.memory_space<vmem>> -> memref<40x128xi32, #tpu.memory_space<vmem>>
        %dma_wait3A_95 = arith.constant 0 : i32
        %dma_wait3A_96 = tpu.memref_slice %arg3[%add3A_47, %dma_wait3A_95] : memref<2560x128xi32, #tpu.memory_space<hbm>> -> memref<40x128xi32, #tpu.memory_space<hbm>>
        %dma_wait3A_97 = arith.constant 0 : i32
        %dma_wait3A_98 = arith.constant 0 : i32
        %dma_wait3A_99 = tpu.memref_slice %arg8[%dma_wait3A_97, %dma_wait3A_98] : memref<40x128xi32, #tpu.memory_space<vmem>> -> memref<40x128xi32, #tpu.memory_space<vmem>>
        %dma_wait3A_100 = arith.constant 0 : i32
        %dma_wait3A_101 = tpu.memref_slice %arg3[%add3A_47, %dma_wait3A_100] : memref<2560x128xi32, #tpu.memory_space<hbm>> -> memref<40x128xi32, #tpu.memory_space<hbm>>
        tpu.wait_dma2 semaphore(%run_scoped3A_81 : memref<!tpu.dma_semaphore, #tpu.memory_space<semaphore_mem>>) src(%dma_wait3A_101 : memref<40x128xi32, #tpu.memory_space<hbm>>) dst(%dma_wait3A_99 : memref<40x128xi32, #tpu.memory_space<vmem>>)
        tpu.yield
      }) : () -> ()
      "tpu.region"() ({
        %run_scoped3A_81 = tpu.sem_alloc : memref<!tpu.dma_semaphore, #tpu.memory_space<semaphore_mem>>
        %dma_start3A_82 = arith.constant 0 : i32
        %dma_start3A_83 = arith.constant 0 : i32
        %dma_start3A_84 = tpu.memref_slice %arg9[%dma_start3A_82, %dma_start3A_83] : memref<40x128xi32, #tpu.memory_space<vmem>> -> memref<40x128xi32, #tpu.memory_space<vmem>>
        %dma_start3A_85 = arith.constant 0 : i32
        %dma_start3A_86 = tpu.memref_slice %arg4[%add3A_47, %dma_start3A_85] : memref<2560x128xi32, #tpu.memory_space<hbm>> -> memref<40x128xi32, #tpu.memory_space<hbm>>
        %dma_start3A_87 = arith.constant 0 : i32
        %dma_start3A_88 = arith.constant 0 : i32
        %dma_start3A_89 = tpu.memref_slice %arg9[%dma_start3A_87, %dma_start3A_88] : memref<40x128xi32, #tpu.memory_space<vmem>> -> memref<40x128xi32, #tpu.memory_space<vmem>>
        %dma_start3A_90 = arith.constant 0 : i32
        %dma_start3A_91 = tpu.memref_slice %arg4[%add3A_47, %dma_start3A_90] : memref<2560x128xi32, #tpu.memory_space<hbm>> -> memref<40x128xi32, #tpu.memory_space<hbm>>
        tpu.enqueue_dma source(%dma_start3A_91 : memref<40x128xi32, #tpu.memory_space<hbm>>) target(%dma_start3A_89 : memref<40x128xi32, #tpu.memory_space<vmem>>) target_semaphore(%run_scoped3A_81 : memref<!tpu.dma_semaphore, #tpu.memory_space<semaphore_mem>>)
        %dma_wait3A_92 = arith.constant 0 : i32
        %dma_wait3A_93 = arith.constant 0 : i32
        %dma_wait3A_94 = tpu.memref_slice %arg9[%dma_wait3A_92, %dma_wait3A_93] : memref<40x128xi32, #tpu.memory_space<vmem>> -> memref<40x128xi32, #tpu.memory_space<vmem>>
        %dma_wait3A_95 = arith.constant 0 : i32
        %dma_wait3A_96 = tpu.memref_slice %arg4[%add3A_47, %dma_wait3A_95] : memref<2560x128xi32, #tpu.memory_space<hbm>> -> memref<40x128xi32, #tpu.memory_space<hbm>>
        %dma_wait3A_97 = arith.constant 0 : i32
        %dma_wait3A_98 = arith.constant 0 : i32
        %dma_wait3A_99 = tpu.memref_slice %arg9[%dma_wait3A_97, %dma_wait3A_98] : memref<40x128xi32, #tpu.memory_space<vmem>> -> memref<40x128xi32, #tpu.memory_space<vmem>>
        %dma_wait3A_100 = arith.constant 0 : i32
        %dma_wait3A_101 = tpu.memref_slice %arg4[%add3A_47, %dma_wait3A_100] : memref<2560x128xi32, #tpu.memory_space<hbm>> -> memref<40x128xi32, #tpu.memory_space<hbm>>
        tpu.wait_dma2 semaphore(%run_scoped3A_81 : memref<!tpu.dma_semaphore, #tpu.memory_space<semaphore_mem>>) src(%dma_wait3A_101 : memref<40x128xi32, #tpu.memory_space<hbm>>) dst(%dma_wait3A_99 : memref<40x128xi32, #tpu.memory_space<vmem>>)
        tpu.yield
      }) : () -> ()
      %dma_start3A_48 = arith.constant 0 : i32
      %dma_start3A_49 = arith.constant 0 : i32
      %dma_start3A_50 = tpu.memref_slice %arg8[%dma_start3A_48, %dma_start3A_49] : memref<40x128xi32, #tpu.memory_space<vmem>> -> memref<1x128xi32, #tpu.memory_space<vmem>>
      %dma_start3A_51 = tpu.memref_squeeze %dma_start3A_50 : memref<1x128xi32, #tpu.memory_space<vmem>> -> memref<128xi32, #tpu.memory_space<vmem>>
      %dma_start3A_52 = arith.constant 0 : i32
      %dma_start3A_53 = arith.constant 0 : i32
      %dma_start3A_54 = tpu.memref_slice %arg2[%dma_start3A_52, %dma_start3A_53] : memref<160000x128xf32, #tpu.memory_space<hbm>> -> memref<160000x128xf32, #tpu.memory_space<hbm>>
      tpu.enqueue_indirect_dma source(%dma_start3A_54 : memref<160000x128xf32, #tpu.memory_space<hbm>>) target(%arg10 : memref<128x128xf32, #tpu.memory_space<vmem>>) offsets(%dma_start3A_51 : memref<128xi32, #tpu.memory_space<vmem>>) semaphore(%arg12 : memref<!tpu.dma_semaphore, #tpu.memory_space<semaphore_mem>>)
      %dma_start3A_55 = arith.constant 1 : i32
      %dma_start3A_56 = arith.constant 0 : i32
      %dma_start3A_57 = tpu.memref_slice %arg8[%dma_start3A_55, %dma_start3A_56] : memref<40x128xi32, #tpu.memory_space<vmem>> -> memref<1x128xi32, #tpu.memory_space<vmem>>
      %dma_start3A_58 = tpu.memref_squeeze %dma_start3A_57 : memref<1x128xi32, #tpu.memory_space<vmem>> -> memref<128xi32, #tpu.memory_space<vmem>>
      %dma_start3A_59 = arith.constant 0 : i32
      %dma_start3A_60 = arith.constant 0 : i32
      %dma_start3A_61 = tpu.memref_slice %arg2[%dma_start3A_59, %dma_start3A_60] : memref<160000x128xf32, #tpu.memory_space<hbm>> -> memref<160000x128xf32, #tpu.memory_space<hbm>>
      tpu.enqueue_indirect_dma source(%dma_start3A_61 : memref<160000x128xf32, #tpu.memory_space<hbm>>) target(%arg11 : memref<128x128xf32, #tpu.memory_space<vmem>>) offsets(%dma_start3A_58 : memref<128xi32, #tpu.memory_space<vmem>>) semaphore(%arg13 : memref<!tpu.dma_semaphore, #tpu.memory_space<semaphore_mem>>)
      %scan3A_62 = arith.constant 0 : i32
      %scan3A_63 = arith.constant 19 : i32
      %scan3A_64 = arith.addi %scan3A_62, %scan3A_63 : i32
      %scan3A_65 = arith.constant 1 : i32
      scf.for %scan3A_81 = %scan3A_62 to %scan3A_64 step %scan3A_65  : i32 {
        %mul3A_82 = arith.constant 1 : i32
        %mul3A_83 = arith.muli %scan3A_81, %mul3A_82 : i32
        %add3A_84 = arith.constant 0 : i32
        %add3A_85 = arith.addi %add3A_84, %mul3A_83 : i32
        %mul3A_86 = arith.constant 2 : i32
        %mul3A_87 = arith.muli %mul3A_86, %add3A_85 : i32
        %dma_wait3A_88 = arith.constant 0 : i32
        %dma_wait3A_89 = arith.constant 0 : i32
        %dma_wait3A_90 = tpu.memref_slice %arg5[%dma_wait3A_88, %dma_wait3A_89] : memref<10112x128xf32, #tpu.memory_space<hbm>> -> memref<128x128xf32, #tpu.memory_space<hbm>>
        %dma_wait3A_91 = arith.constant 0 : i32
        %dma_wait3A_92 = arith.constant 0 : i32
        %dma_wait3A_93 = tpu.memref_slice %arg5[%dma_wait3A_91, %dma_wait3A_92] : memref<10112x128xf32, #tpu.memory_space<hbm>> -> memref<128x128xf32, #tpu.memory_space<hbm>>
        tpu.wait_dma2 semaphore(%arg12 : memref<!tpu.dma_semaphore, #tpu.memory_space<semaphore_mem>>) src(%dma_wait3A_93 : memref<128x128xf32, #tpu.memory_space<hbm>>) dst(%arg10 : memref<128x128xf32, #tpu.memory_space<vmem>>)
        "tpu.region"() ({
          %run_scoped3A_118 = tpu.sem_alloc : memref<!tpu.dma_semaphore, #tpu.memory_space<semaphore_mem>>
          %dma_start3A_119 = arith.constant 0 : i32
          %dma_start3A_120 = tpu.memref_slice %arg9[%mul3A_87, %dma_start3A_119] : memref<40x128xi32, #tpu.memory_space<vmem>> -> memref<1x128xi32, #tpu.memory_space<vmem>>
          %dma_start3A_121 = tpu.memref_squeeze %dma_start3A_120 : memref<1x128xi32, #tpu.memory_space<vmem>> -> memref<128xi32, #tpu.memory_space<vmem>>
          %dma_start3A_122 = arith.constant 0 : i32
          %dma_start3A_123 = arith.constant 0 : i32
          %dma_start3A_124 = tpu.memref_slice %arg7[%dma_start3A_122, %dma_start3A_123] : memref<10112x128xf32, #tpu.memory_space<vmem_shared>> -> memref<10112x128xf32, #tpu.memory_space<vmem_shared>>
          tpu.enqueue_indirect_dma source(%arg10 : memref<128x128xf32, #tpu.memory_space<vmem>>) target(%dma_start3A_124 : memref<10112x128xf32, #tpu.memory_space<vmem_shared>>) offsets(%dma_start3A_121 : memref<128xi32, #tpu.memory_space<vmem>>) semaphore(%run_scoped3A_118 : memref<!tpu.dma_semaphore, #tpu.memory_space<semaphore_mem>>) {add = true}
          %dma_wait3A_125 = arith.constant 0 : i32
          %dma_wait3A_126 = tpu.memref_slice %arg9[%mul3A_87, %dma_wait3A_125] : memref<40x128xi32, #tpu.memory_space<vmem>> -> memref<1x128xi32, #tpu.memory_space<vmem>>
          %dma_wait3A_127 = tpu.memref_squeeze %dma_wait3A_126 : memref<1x128xi32, #tpu.memory_space<vmem>> -> memref<128xi32, #tpu.memory_space<vmem>>
          %dma_wait3A_128 = arith.constant 0 : i32
          %dma_wait3A_129 = arith.constant 0 : i32
          %dma_wait3A_130 = tpu.memref_slice %arg7[%dma_wait3A_128, %dma_wait3A_129] : memref<10112x128xf32, #tpu.memory_space<vmem_shared>> -> memref<10112x128xf32, #tpu.memory_space<vmem_shared>>
          tpu.wait_indirect_dma semaphore(%run_scoped3A_118 : memref<!tpu.dma_semaphore, #tpu.memory_space<semaphore_mem>>) src(%arg10 : memref<128x128xf32, #tpu.memory_space<vmem>>) dst(%dma_wait3A_130 : memref<10112x128xf32, #tpu.memory_space<vmem_shared>>)
          tpu.yield
        }) : () -> ()
        %add3A_94 = arith.constant 2 : i32
        %add3A_95 = arith.addi %mul3A_87, %add3A_94 : i32
        %dma_start3A_96 = arith.constant 0 : i32
        %dma_start3A_97 = tpu.memref_slice %arg8[%add3A_95, %dma_start3A_96] : memref<40x128xi32, #tpu.memory_space<vmem>> -> memref<1x128xi32, #tpu.memory_space<vmem>>
        %dma_start3A_98 = tpu.memref_squeeze %dma_start3A_97 : memref<1x128xi32, #tpu.memory_space<vmem>> -> memref<128xi32, #tpu.memory_space<vmem>>
        %dma_start3A_99 = arith.constant 0 : i32
        %dma_start3A_100 = arith.constant 0 : i32
        %dma_start3A_101 = tpu.memref_slice %arg2[%dma_start3A_99, %dma_start3A_100] : memref<160000x128xf32, #tpu.memory_space<hbm>> -> memref<160000x128xf32, #tpu.memory_space<hbm>>
        tpu.enqueue_indirect_dma source(%dma_start3A_101 : memref<160000x128xf32, #tpu.memory_space<hbm>>) target(%arg10 : memref<128x128xf32, #tpu.memory_space<vmem>>) offsets(%dma_start3A_98 : memref<128xi32, #tpu.memory_space<vmem>>) semaphore(%arg12 : memref<!tpu.dma_semaphore, #tpu.memory_space<semaphore_mem>>)
        %dma_wait3A_102 = arith.constant 0 : i32
        %dma_wait3A_103 = arith.constant 0 : i32
        %dma_wait3A_104 = tpu.memref_slice %arg5[%dma_wait3A_102, %dma_wait3A_103] : memref<10112x128xf32, #tpu.memory_space<hbm>> -> memref<128x128xf32, #tpu.memory_space<hbm>>
        %dma_wait3A_105 = arith.constant 0 : i32
        %dma_wait3A_106 = arith.constant 0 : i32
        %dma_wait3A_107 = tpu.memref_slice %arg5[%dma_wait3A_105, %dma_wait3A_106] : memref<10112x128xf32, #tpu.memory_space<hbm>> -> memref<128x128xf32, #tpu.memory_space<hbm>>
        tpu.wait_dma2 semaphore(%arg13 : memref<!tpu.dma_semaphore, #tpu.memory_space<semaphore_mem>>) src(%dma_wait3A_107 : memref<128x128xf32, #tpu.memory_space<hbm>>) dst(%arg11 : memref<128x128xf32, #tpu.memory_space<vmem>>)
        %add3A_108 = arith.constant 1 : i32
        %add3A_109 = arith.addi %mul3A_87, %add3A_108 : i32
        "tpu.region"() ({
          %run_scoped3A_118 = tpu.sem_alloc : memref<!tpu.dma_semaphore, #tpu.memory_space<semaphore_mem>>
          %dma_start3A_119 = arith.constant 0 : i32
          %dma_start3A_120 = tpu.memref_slice %arg9[%add3A_109, %dma_start3A_119] : memref<40x128xi32, #tpu.memory_space<vmem>> -> memref<1x128xi32, #tpu.memory_space<vmem>>
          %dma_start3A_121 = tpu.memref_squeeze %dma_start3A_120 : memref<1x128xi32, #tpu.memory_space<vmem>> -> memref<128xi32, #tpu.memory_space<vmem>>
          %dma_start3A_122 = arith.constant 0 : i32
          %dma_start3A_123 = arith.constant 0 : i32
          %dma_start3A_124 = tpu.memref_slice %arg7[%dma_start3A_122, %dma_start3A_123] : memref<10112x128xf32, #tpu.memory_space<vmem_shared>> -> memref<10112x128xf32, #tpu.memory_space<vmem_shared>>
          tpu.enqueue_indirect_dma source(%arg11 : memref<128x128xf32, #tpu.memory_space<vmem>>) target(%dma_start3A_124 : memref<10112x128xf32, #tpu.memory_space<vmem_shared>>) offsets(%dma_start3A_121 : memref<128xi32, #tpu.memory_space<vmem>>) semaphore(%run_scoped3A_118 : memref<!tpu.dma_semaphore, #tpu.memory_space<semaphore_mem>>) {add = true}
          %dma_wait3A_125 = arith.constant 0 : i32
          %dma_wait3A_126 = tpu.memref_slice %arg9[%add3A_109, %dma_wait3A_125] : memref<40x128xi32, #tpu.memory_space<vmem>> -> memref<1x128xi32, #tpu.memory_space<vmem>>
          %dma_wait3A_127 = tpu.memref_squeeze %dma_wait3A_126 : memref<1x128xi32, #tpu.memory_space<vmem>> -> memref<128xi32, #tpu.memory_space<vmem>>
          %dma_wait3A_128 = arith.constant 0 : i32
          %dma_wait3A_129 = arith.constant 0 : i32
          %dma_wait3A_130 = tpu.memref_slice %arg7[%dma_wait3A_128, %dma_wait3A_129] : memref<10112x128xf32, #tpu.memory_space<vmem_shared>> -> memref<10112x128xf32, #tpu.memory_space<vmem_shared>>
          tpu.wait_indirect_dma semaphore(%run_scoped3A_118 : memref<!tpu.dma_semaphore, #tpu.memory_space<semaphore_mem>>) src(%arg11 : memref<128x128xf32, #tpu.memory_space<vmem>>) dst(%dma_wait3A_130 : memref<10112x128xf32, #tpu.memory_space<vmem_shared>>)
          tpu.yield
        }) : () -> ()
        %add3A_110 = arith.constant 3 : i32
        %add3A_111 = arith.addi %mul3A_87, %add3A_110 : i32
        %dma_start3A_112 = arith.constant 0 : i32
        %dma_start3A_113 = tpu.memref_slice %arg8[%add3A_111, %dma_start3A_112] : memref<40x128xi32, #tpu.memory_space<vmem>> -> memref<1x128xi32, #tpu.memory_space<vmem>>
        %dma_start3A_114 = tpu.memref_squeeze %dma_start3A_113 : memref<1x128xi32, #tpu.memory_space<vmem>> -> memref<128xi32, #tpu.memory_space<vmem>>
        %dma_start3A_115 = arith.constant 0 : i32
        %dma_start3A_116 = arith.constant 0 : i32
        %dma_start3A_117 = tpu.memref_slice %arg2[%dma_start3A_115, %dma_start3A_116] : memref<160000x128xf32, #tpu.memory_space<hbm>> -> memref<160000x128xf32, #tpu.memory_space<hbm>>
        tpu.enqueue_indirect_dma source(%dma_start3A_117 : memref<160000x128xf32, #tpu.memory_space<hbm>>) target(%arg11 : memref<128x128xf32, #tpu.memory_space<vmem>>) offsets(%dma_start3A_114 : memref<128xi32, #tpu.memory_space<vmem>>) semaphore(%arg13 : memref<!tpu.dma_semaphore, #tpu.memory_space<semaphore_mem>>)
      }
      %scan3A_66 = arith.constant 19 : i32
      %dma_wait3A_67 = arith.constant 0 : i32
      %dma_wait3A_68 = arith.constant 0 : i32
      %dma_wait3A_69 = tpu.memref_slice %arg5[%dma_wait3A_67, %dma_wait3A_68] : memref<10112x128xf32, #tpu.memory_space<hbm>> -> memref<128x128xf32, #tpu.memory_space<hbm>>
      %dma_wait3A_70 = arith.constant 0 : i32
      %dma_wait3A_71 = arith.constant 0 : i32
      %dma_wait3A_72 = tpu.memref_slice %arg5[%dma_wait3A_70, %dma_wait3A_71] : memref<10112x128xf32, #tpu.memory_space<hbm>> -> memref<128x128xf32, #tpu.memory_space<hbm>>
      tpu.wait_dma2 semaphore(%arg12 : memref<!tpu.dma_semaphore, #tpu.memory_space<semaphore_mem>>) src(%dma_wait3A_72 : memref<128x128xf32, #tpu.memory_space<hbm>>) dst(%arg10 : memref<128x128xf32, #tpu.memory_space<vmem>>)
      %run_scoped3A_73 = arith.constant 38 : i32
      "tpu.region"() ({
        %run_scoped3A_81 = tpu.sem_alloc : memref<!tpu.dma_semaphore, #tpu.memory_space<semaphore_mem>>
        %dma_start3A_82 = arith.constant 0 : i32
        %dma_start3A_83 = tpu.memref_slice %arg9[%run_scoped3A_73, %dma_start3A_82] : memref<40x128xi32, #tpu.memory_space<vmem>> -> memref<1x128xi32, #tpu.memory_space<vmem>>
        %dma_start3A_84 = tpu.memref_squeeze %dma_start3A_83 : memref<1x128xi32, #tpu.memory_space<vmem>> -> memref<128xi32, #tpu.memory_space<vmem>>
        %dma_start3A_85 = arith.constant 0 : i32
        %dma_start3A_86 = arith.constant 0 : i32
        %dma_start3A_87 = tpu.memref_slice %arg7[%dma_start3A_85, %dma_start3A_86] : memref<10112x128xf32, #tpu.memory_space<vmem_shared>> -> memref<10112x128xf32, #tpu.memory_space<vmem_shared>>
        tpu.enqueue_indirect_dma source(%arg10 : memref<128x128xf32, #tpu.memory_space<vmem>>) target(%dma_start3A_87 : memref<10112x128xf32, #tpu.memory_space<vmem_shared>>) offsets(%dma_start3A_84 : memref<128xi32, #tpu.memory_space<vmem>>) semaphore(%run_scoped3A_81 : memref<!tpu.dma_semaphore, #tpu.memory_space<semaphore_mem>>) {add = true}
        %dma_wait3A_88 = arith.constant 0 : i32
        %dma_wait3A_89 = tpu.memref_slice %arg9[%run_scoped3A_73, %dma_wait3A_88] : memref<40x128xi32, #tpu.memory_space<vmem>> -> memref<1x128xi32, #tpu.memory_space<vmem>>
        %dma_wait3A_90 = tpu.memref_squeeze %dma_wait3A_89 : memref<1x128xi32, #tpu.memory_space<vmem>> -> memref<128xi32, #tpu.memory_space<vmem>>
        %dma_wait3A_91 = arith.constant 0 : i32
        %dma_wait3A_92 = arith.constant 0 : i32
        %dma_wait3A_93 = tpu.memref_slice %arg7[%dma_wait3A_91, %dma_wait3A_92] : memref<10112x128xf32, #tpu.memory_space<vmem_shared>> -> memref<10112x128xf32, #tpu.memory_space<vmem_shared>>
        tpu.wait_indirect_dma semaphore(%run_scoped3A_81 : memref<!tpu.dma_semaphore, #tpu.memory_space<semaphore_mem>>) src(%arg10 : memref<128x128xf32, #tpu.memory_space<vmem>>) dst(%dma_wait3A_93 : memref<10112x128xf32, #tpu.memory_space<vmem_shared>>)
        tpu.yield
      }) : () -> ()
      %dma_wait3A_74 = arith.constant 0 : i32
      %dma_wait3A_75 = arith.constant 0 : i32
      %dma_wait3A_76 = tpu.memref_slice %arg5[%dma_wait3A_74, %dma_wait3A_75] : memref<10112x128xf32, #tpu.memory_space<hbm>> -> memref<128x128xf32, #tpu.memory_space<hbm>>
      %dma_wait3A_77 = arith.constant 0 : i32
      %dma_wait3A_78 = arith.constant 0 : i32
      %dma_wait3A_79 = tpu.memref_slice %arg5[%dma_wait3A_77, %dma_wait3A_78] : memref<10112x128xf32, #tpu.memory_space<hbm>> -> memref<128x128xf32, #tpu.memory_space<hbm>>
      tpu.wait_dma2 semaphore(%arg13 : memref<!tpu.dma_semaphore, #tpu.memory_space<semaphore_mem>>) src(%dma_wait3A_79 : memref<128x128xf32, #tpu.memory_space<hbm>>) dst(%arg11 : memref<128x128xf32, #tpu.memory_space<vmem>>)
      %run_scoped3A_80 = arith.constant 39 : i32
      "tpu.region"() ({
        %run_scoped3A_81 = tpu.sem_alloc : memref<!tpu.dma_semaphore, #tpu.memory_space<semaphore_mem>>
        %dma_start3A_82 = arith.constant 0 : i32
        %dma_start3A_83 = tpu.memref_slice %arg9[%run_scoped3A_80, %dma_start3A_82] : memref<40x128xi32, #tpu.memory_space<vmem>> -> memref<1x128xi32, #tpu.memory_space<vmem>>
        %dma_start3A_84 = tpu.memref_squeeze %dma_start3A_83 : memref<1x128xi32, #tpu.memory_space<vmem>> -> memref<128xi32, #tpu.memory_space<vmem>>
        %dma_start3A_85 = arith.constant 0 : i32
        %dma_start3A_86 = arith.constant 0 : i32
        %dma_start3A_87 = tpu.memref_slice %arg7[%dma_start3A_85, %dma_start3A_86] : memref<10112x128xf32, #tpu.memory_space<vmem_shared>> -> memref<10112x128xf32, #tpu.memory_space<vmem_shared>>
        tpu.enqueue_indirect_dma source(%arg11 : memref<128x128xf32, #tpu.memory_space<vmem>>) target(%dma_start3A_87 : memref<10112x128xf32, #tpu.memory_space<vmem_shared>>) offsets(%dma_start3A_84 : memref<128xi32, #tpu.memory_space<vmem>>) semaphore(%run_scoped3A_81 : memref<!tpu.dma_semaphore, #tpu.memory_space<semaphore_mem>>) {add = true}
        %dma_wait3A_88 = arith.constant 0 : i32
        %dma_wait3A_89 = tpu.memref_slice %arg9[%run_scoped3A_80, %dma_wait3A_88] : memref<40x128xi32, #tpu.memory_space<vmem>> -> memref<1x128xi32, #tpu.memory_space<vmem>>
        %dma_wait3A_90 = tpu.memref_squeeze %dma_wait3A_89 : memref<1x128xi32, #tpu.memory_space<vmem>> -> memref<128xi32, #tpu.memory_space<vmem>>
        %dma_wait3A_91 = arith.constant 0 : i32
        %dma_wait3A_92 = arith.constant 0 : i32
        %dma_wait3A_93 = tpu.memref_slice %arg7[%dma_wait3A_91, %dma_wait3A_92] : memref<10112x128xf32, #tpu.memory_space<vmem_shared>> -> memref<10112x128xf32, #tpu.memory_space<vmem_shared>>
        tpu.wait_indirect_dma semaphore(%run_scoped3A_81 : memref<!tpu.dma_semaphore, #tpu.memory_space<semaphore_mem>>) src(%arg11 : memref<128x128xf32, #tpu.memory_space<vmem>>) dst(%dma_wait3A_93 : memref<10112x128xf32, #tpu.memory_space<vmem_shared>>)
        tpu.yield
      }) : () -> ()
    } else {
    }
    %barrier3A_10 = arith.constant 0 : index
    tpu.barrier barrier_id(%barrier3A_10)
    "tpu.region"() ({
      %run_scoped3A = tpu.sem_alloc : memref<!tpu.dma_semaphore, #tpu.memory_space<semaphore_mem>>
      %dma_start3A = arith.constant 0 : i32
      %dma_start3A_11 = tpu.memref_slice %arg6[%arg0, %mul3A_2, %dma_start3A] : memref<2x10112x128xf32, #tpu.memory_space<hbm>> -> memref<1x632x128xf32, #tpu.memory_space<hbm>>
      %dma_start3A_12 = tpu.memref_squeeze %dma_start3A_11 : memref<1x632x128xf32, #tpu.memory_space<hbm>> -> memref<632x128xf32, #tpu.memory_space<hbm>>
      %dma_start3A_13 = arith.constant 0 : i32
      %dma_start3A_14 = tpu.memref_slice %arg7[%mul3A_2, %dma_start3A_13] : memref<10112x128xf32, #tpu.memory_space<vmem_shared>> -> memref<632x128xf32, #tpu.memory_space<vmem_shared>>
      tpu.enqueue_dma source(%dma_start3A_14 : memref<632x128xf32, #tpu.memory_space<vmem_shared>>) target(%dma_start3A_12 : memref<632x128xf32, #tpu.memory_space<hbm>>) target_semaphore(%run_scoped3A : memref<!tpu.dma_semaphore, #tpu.memory_space<semaphore_mem>>)
      %dma_wait3A = arith.constant 0 : i32
      %dma_wait3A_15 = tpu.memref_slice %arg6[%arg0, %mul3A_2, %dma_wait3A] : memref<2x10112x128xf32, #tpu.memory_space<hbm>> -> memref<1x632x128xf32, #tpu.memory_space<hbm>>
      %dma_wait3A_16 = tpu.memref_squeeze %dma_wait3A_15 : memref<1x632x128xf32, #tpu.memory_space<hbm>> -> memref<632x128xf32, #tpu.memory_space<hbm>>
      %dma_wait3A_17 = arith.constant 0 : i32
      %dma_wait3A_18 = tpu.memref_slice %arg7[%mul3A_2, %dma_wait3A_17] : memref<10112x128xf32, #tpu.memory_space<vmem_shared>> -> memref<632x128xf32, #tpu.memory_space<vmem_shared>>
      tpu.wait_dma2 semaphore(%run_scoped3A : memref<!tpu.dma_semaphore, #tpu.memory_space<semaphore_mem>>) src(%dma_wait3A_18 : memref<632x128xf32, #tpu.memory_space<vmem_shared>>) dst(%dma_wait3A_16 : memref<632x128xf32, #tpu.memory_space<hbm>>)
      tpu.yield
    }) : () -> ()
    return
  }
}

#map = affine_map<(d0, d1) -> (0, 0)>
#map1 = affine_map<(d0, d1) -> (0, 0, 0)>
module attributes {stable_mosaic.version = 14 : i64} {
  func.func @_sc_edge_body(%arg0: i32, %arg1: i32, %arg2: memref<160000x128xf32, #tpu.memory_space<hbm>>, %arg3: memref<2560x128xi32, #tpu.memory_space<hbm>>, %arg4: memref<2560x128xi32, #tpu.memory_space<hbm>>, %arg5: memref<10112x128xf32, #tpu.memory_space<hbm>>, %arg6: memref<2x10112x128xf32, #tpu.memory_space<hbm>>, %arg7: memref<10112x128xf32, #tpu.memory_space<vmem_shared>>, %arg8: memref<40x128xi32, #tpu.memory_space<vmem>>, %arg9: memref<40x128xi32, #tpu.memory_space<vmem>>, %arg10: memref<128x128xf32, #tpu.memory_space<vmem>>, %arg11: memref<128x128xf32, #tpu.memory_space<vmem>>, %arg12: memref<!tpu.dma_semaphore, #tpu.memory_space<semaphore_mem>>, %arg13: memref<!tpu.dma_semaphore, #tpu.memory_space<semaphore_mem>>) attributes {dimension_semantics = [#tpu.dimension_semantics<core_parallel>, #tpu.dimension_semantics<subcore_parallel>], iteration_bounds = array<i64: 2, 16>, scalar_prefetch = 0 : i64, scratch_operands = 7 : i64, tpu.core_type = #tpu.core_type<sc_vector_subcore>, window_params = [{transform_indices = #map}, {transform_indices = #map}, {transform_indices = #map}, {transform_indices = #map}, {transform_indices = #map1}]} {
    %mul3A = arith.constant 16 : i32
    %mul3A_0 = arith.muli %arg0, %mul3A : i32
    %add3A = arith.addi %mul3A_0, %arg1 : i32
    %mul3A_1 = arith.constant 632 : i32
    %mul3A_2 = arith.muli %arg1, %mul3A_1 : i32
    "tpu.region"() ({
      %run_scoped3A = tpu.sem_alloc : memref<!tpu.dma_semaphore, #tpu.memory_space<semaphore_mem>>
      %dma_start3A = arith.constant 0 : i32
      %dma_start3A_11 = tpu.memref_slice %arg7[%mul3A_2, %dma_start3A] : memref<10112x128xf32, #tpu.memory_space<vmem_shared>> -> memref<632x128xf32, #tpu.memory_space<vmem_shared>>
      %dma_start3A_12 = arith.constant 0 : i32
      %dma_start3A_13 = tpu.memref_slice %arg5[%mul3A_2, %dma_start3A_12] : memref<10112x128xf32, #tpu.memory_space<hbm>> -> memref<632x128xf32, #tpu.memory_space<hbm>>
      tpu.enqueue_dma source(%dma_start3A_13 : memref<632x128xf32, #tpu.memory_space<hbm>>) target(%dma_start3A_11 : memref<632x128xf32, #tpu.memory_space<vmem_shared>>) target_semaphore(%run_scoped3A : memref<!tpu.dma_semaphore, #tpu.memory_space<semaphore_mem>>)
      %dma_wait3A = arith.constant 0 : i32
      %dma_wait3A_14 = tpu.memref_slice %arg7[%mul3A_2, %dma_wait3A] : memref<10112x128xf32, #tpu.memory_space<vmem_shared>> -> memref<632x128xf32, #tpu.memory_space<vmem_shared>>
      %dma_wait3A_15 = arith.constant 0 : i32
      %dma_wait3A_16 = tpu.memref_slice %arg5[%mul3A_2, %dma_wait3A_15] : memref<10112x128xf32, #tpu.memory_space<hbm>> -> memref<632x128xf32, #tpu.memory_space<hbm>>
      tpu.wait_dma2 semaphore(%run_scoped3A : memref<!tpu.dma_semaphore, #tpu.memory_space<semaphore_mem>>) src(%dma_wait3A_16 : memref<632x128xf32, #tpu.memory_space<hbm>>) dst(%dma_wait3A_14 : memref<632x128xf32, #tpu.memory_space<vmem_shared>>)
      tpu.yield
    }) : () -> ()
    %barrier3A = arith.constant 0 : index
    tpu.barrier barrier_id(%barrier3A)
    %eq3A = arith.constant 0 : i32
    %eq3A_3 = arith.cmpi eq, %arg0, %eq3A : i32
    %convert_element_type3A = arith.extui %eq3A_3 : i1 to i32
    %cond3A = arith.constant 0 : i32
    %cond3A_4 = arith.cmpi ne, %convert_element_type3A, %cond3A : i32
    scf.if %cond3A_4 {
      %mul3A_11 = arith.constant 80 : i32
      %mul3A_12 = arith.muli %arg1, %mul3A_11 : i32
      %add3A_13 = arith.constant 0 : i32
      %add3A_14 = arith.addi %mul3A_12, %add3A_13 : i32
      "tpu.region"() ({
        %run_scoped3A_79 = tpu.sem_alloc : memref<!tpu.dma_semaphore, #tpu.memory_space<semaphore_mem>>
        %dma_start3A_80 = arith.constant 0 : i32
        %dma_start3A_81 = arith.constant 0 : i32
        %dma_start3A_82 = tpu.memref_slice %arg8[%dma_start3A_80, %dma_start3A_81] : memref<40x128xi32, #tpu.memory_space<vmem>> -> memref<40x128xi32, #tpu.memory_space<vmem>>
        %dma_start3A_83 = arith.constant 0 : i32
        %dma_start3A_84 = tpu.memref_slice %arg3[%add3A_14, %dma_start3A_83] : memref<2560x128xi32, #tpu.memory_space<hbm>> -> memref<40x128xi32, #tpu.memory_space<hbm>>
        %dma_start3A_85 = arith.constant 0 : i32
        %dma_start3A_86 = arith.constant 0 : i32
        %dma_start3A_87 = tpu.memref_slice %arg8[%dma_start3A_85, %dma_start3A_86] : memref<40x128xi32, #tpu.memory_space<vmem>> -> memref<40x128xi32, #tpu.memory_space<vmem>>
        %dma_start3A_88 = arith.constant 0 : i32
        %dma_start3A_89 = tpu.memref_slice %arg3[%add3A_14, %dma_start3A_88] : memref<2560x128xi32, #tpu.memory_space<hbm>> -> memref<40x128xi32, #tpu.memory_space<hbm>>
        tpu.enqueue_dma source(%dma_start3A_89 : memref<40x128xi32, #tpu.memory_space<hbm>>) target(%dma_start3A_87 : memref<40x128xi32, #tpu.memory_space<vmem>>) target_semaphore(%run_scoped3A_79 : memref<!tpu.dma_semaphore, #tpu.memory_space<semaphore_mem>>)
        %dma_wait3A_90 = arith.constant 0 : i32
        %dma_wait3A_91 = arith.constant 0 : i32
        %dma_wait3A_92 = tpu.memref_slice %arg8[%dma_wait3A_90, %dma_wait3A_91] : memref<40x128xi32, #tpu.memory_space<vmem>> -> memref<40x128xi32, #tpu.memory_space<vmem>>
        %dma_wait3A_93 = arith.constant 0 : i32
        %dma_wait3A_94 = tpu.memref_slice %arg3[%add3A_14, %dma_wait3A_93] : memref<2560x128xi32, #tpu.memory_space<hbm>> -> memref<40x128xi32, #tpu.memory_space<hbm>>
        %dma_wait3A_95 = arith.constant 0 : i32
        %dma_wait3A_96 = arith.constant 0 : i32
        %dma_wait3A_97 = tpu.memref_slice %arg8[%dma_wait3A_95, %dma_wait3A_96] : memref<40x128xi32, #tpu.memory_space<vmem>> -> memref<40x128xi32, #tpu.memory_space<vmem>>
        %dma_wait3A_98 = arith.constant 0 : i32
        %dma_wait3A_99 = tpu.memref_slice %arg3[%add3A_14, %dma_wait3A_98] : memref<2560x128xi32, #tpu.memory_space<hbm>> -> memref<40x128xi32, #tpu.memory_space<hbm>>
        tpu.wait_dma2 semaphore(%run_scoped3A_79 : memref<!tpu.dma_semaphore, #tpu.memory_space<semaphore_mem>>) src(%dma_wait3A_99 : memref<40x128xi32, #tpu.memory_space<hbm>>) dst(%dma_wait3A_97 : memref<40x128xi32, #tpu.memory_space<vmem>>)
        tpu.yield
      }) : () -> ()
      "tpu.region"() ({
        %run_scoped3A_79 = tpu.sem_alloc : memref<!tpu.dma_semaphore, #tpu.memory_space<semaphore_mem>>
        %dma_start3A_80 = arith.constant 0 : i32
        %dma_start3A_81 = arith.constant 0 : i32
        %dma_start3A_82 = tpu.memref_slice %arg9[%dma_start3A_80, %dma_start3A_81] : memref<40x128xi32, #tpu.memory_space<vmem>> -> memref<40x128xi32, #tpu.memory_space<vmem>>
        %dma_start3A_83 = arith.constant 0 : i32
        %dma_start3A_84 = tpu.memref_slice %arg4[%add3A_14, %dma_start3A_83] : memref<2560x128xi32, #tpu.memory_space<hbm>> -> memref<40x128xi32, #tpu.memory_space<hbm>>
        %dma_start3A_85 = arith.constant 0 : i32
        %dma_start3A_86 = arith.constant 0 : i32
        %dma_start3A_87 = tpu.memref_slice %arg9[%dma_start3A_85, %dma_start3A_86] : memref<40x128xi32, #tpu.memory_space<vmem>> -> memref<40x128xi32, #tpu.memory_space<vmem>>
        %dma_start3A_88 = arith.constant 0 : i32
        %dma_start3A_89 = tpu.memref_slice %arg4[%add3A_14, %dma_start3A_88] : memref<2560x128xi32, #tpu.memory_space<hbm>> -> memref<40x128xi32, #tpu.memory_space<hbm>>
        tpu.enqueue_dma source(%dma_start3A_89 : memref<40x128xi32, #tpu.memory_space<hbm>>) target(%dma_start3A_87 : memref<40x128xi32, #tpu.memory_space<vmem>>) target_semaphore(%run_scoped3A_79 : memref<!tpu.dma_semaphore, #tpu.memory_space<semaphore_mem>>)
        %dma_wait3A_90 = arith.constant 0 : i32
        %dma_wait3A_91 = arith.constant 0 : i32
        %dma_wait3A_92 = tpu.memref_slice %arg9[%dma_wait3A_90, %dma_wait3A_91] : memref<40x128xi32, #tpu.memory_space<vmem>> -> memref<40x128xi32, #tpu.memory_space<vmem>>
        %dma_wait3A_93 = arith.constant 0 : i32
        %dma_wait3A_94 = tpu.memref_slice %arg4[%add3A_14, %dma_wait3A_93] : memref<2560x128xi32, #tpu.memory_space<hbm>> -> memref<40x128xi32, #tpu.memory_space<hbm>>
        %dma_wait3A_95 = arith.constant 0 : i32
        %dma_wait3A_96 = arith.constant 0 : i32
        %dma_wait3A_97 = tpu.memref_slice %arg9[%dma_wait3A_95, %dma_wait3A_96] : memref<40x128xi32, #tpu.memory_space<vmem>> -> memref<40x128xi32, #tpu.memory_space<vmem>>
        %dma_wait3A_98 = arith.constant 0 : i32
        %dma_wait3A_99 = tpu.memref_slice %arg4[%add3A_14, %dma_wait3A_98] : memref<2560x128xi32, #tpu.memory_space<hbm>> -> memref<40x128xi32, #tpu.memory_space<hbm>>
        tpu.wait_dma2 semaphore(%run_scoped3A_79 : memref<!tpu.dma_semaphore, #tpu.memory_space<semaphore_mem>>) src(%dma_wait3A_99 : memref<40x128xi32, #tpu.memory_space<hbm>>) dst(%dma_wait3A_97 : memref<40x128xi32, #tpu.memory_space<vmem>>)
        tpu.yield
      }) : () -> ()
      %dma_start3A = arith.constant 0 : i32
      %dma_start3A_15 = arith.constant 0 : i32
      %dma_start3A_16 = tpu.memref_slice %arg8[%dma_start3A, %dma_start3A_15] : memref<40x128xi32, #tpu.memory_space<vmem>> -> memref<1x128xi32, #tpu.memory_space<vmem>>
      %dma_start3A_17 = tpu.memref_squeeze %dma_start3A_16 : memref<1x128xi32, #tpu.memory_space<vmem>> -> memref<128xi32, #tpu.memory_space<vmem>>
      %dma_start3A_18 = arith.constant 0 : i32
      %dma_start3A_19 = arith.constant 0 : i32
      %dma_start3A_20 = tpu.memref_slice %arg2[%dma_start3A_18, %dma_start3A_19] : memref<160000x128xf32, #tpu.memory_space<hbm>> -> memref<160000x128xf32, #tpu.memory_space<hbm>>
      tpu.enqueue_indirect_dma source(%dma_start3A_20 : memref<160000x128xf32, #tpu.memory_space<hbm>>) target(%arg10 : memref<128x128xf32, #tpu.memory_space<vmem>>) offsets(%dma_start3A_17 : memref<128xi32, #tpu.memory_space<vmem>>) semaphore(%arg12 : memref<!tpu.dma_semaphore, #tpu.memory_space<semaphore_mem>>)
      %dma_start3A_21 = arith.constant 1 : i32
      %dma_start3A_22 = arith.constant 0 : i32
      %dma_start3A_23 = tpu.memref_slice %arg8[%dma_start3A_21, %dma_start3A_22] : memref<40x128xi32, #tpu.memory_space<vmem>> -> memref<1x128xi32, #tpu.memory_space<vmem>>
      %dma_start3A_24 = tpu.memref_squeeze %dma_start3A_23 : memref<1x128xi32, #tpu.memory_space<vmem>> -> memref<128xi32, #tpu.memory_space<vmem>>
      %dma_start3A_25 = arith.constant 0 : i32
      %dma_start3A_26 = arith.constant 0 : i32
      %dma_start3A_27 = tpu.memref_slice %arg2[%dma_start3A_25, %dma_start3A_26] : memref<160000x128xf32, #tpu.memory_space<hbm>> -> memref<160000x128xf32, #tpu.memory_space<hbm>>
      tpu.enqueue_indirect_dma source(%dma_start3A_27 : memref<160000x128xf32, #tpu.memory_space<hbm>>) target(%arg11 : memref<128x128xf32, #tpu.memory_space<vmem>>) offsets(%dma_start3A_24 : memref<128xi32, #tpu.memory_space<vmem>>) semaphore(%arg13 : memref<!tpu.dma_semaphore, #tpu.memory_space<semaphore_mem>>)
      %scan3A = arith.constant 0 : i32
      %scan3A_28 = arith.constant 19 : i32
      %scan3A_29 = arith.addi %scan3A, %scan3A_28 : i32
      %scan3A_30 = arith.constant 1 : i32
      scf.for %scan3A_79 = %scan3A to %scan3A_29 step %scan3A_30  : i32 {
        %mul3A_80 = arith.constant 1 : i32
        %mul3A_81 = arith.muli %scan3A_79, %mul3A_80 : i32
        %add3A_82 = arith.constant 0 : i32
        %add3A_83 = arith.addi %add3A_82, %mul3A_81 : i32
        %mul3A_84 = arith.constant 2 : i32
        %mul3A_85 = arith.muli %mul3A_84, %add3A_83 : i32
        %dma_wait3A_86 = arith.constant 0 : i32
        %dma_wait3A_87 = arith.constant 0 : i32
        %dma_wait3A_88 = tpu.memref_slice %arg5[%dma_wait3A_86, %dma_wait3A_87] : memref<10112x128xf32, #tpu.memory_space<hbm>> -> memref<128x128xf32, #tpu.memory_space<hbm>>
        %dma_wait3A_89 = arith.constant 0 : i32
        %dma_wait3A_90 = arith.constant 0 : i32
        %dma_wait3A_91 = tpu.memref_slice %arg5[%dma_wait3A_89, %dma_wait3A_90] : memref<10112x128xf32, #tpu.memory_space<hbm>> -> memref<128x128xf32, #tpu.memory_space<hbm>>
        tpu.wait_dma2 semaphore(%arg12 : memref<!tpu.dma_semaphore, #tpu.memory_space<semaphore_mem>>) src(%dma_wait3A_91 : memref<128x128xf32, #tpu.memory_space<hbm>>) dst(%arg10 : memref<128x128xf32, #tpu.memory_space<vmem>>)
        "tpu.region"() ({
          %run_scoped3A_116 = tpu.sem_alloc : memref<!tpu.dma_semaphore, #tpu.memory_space<semaphore_mem>>
          %dma_start3A_117 = arith.constant 0 : i32
          %dma_start3A_118 = tpu.memref_slice %arg9[%mul3A_85, %dma_start3A_117] : memref<40x128xi32, #tpu.memory_space<vmem>> -> memref<1x128xi32, #tpu.memory_space<vmem>>
          %dma_start3A_119 = tpu.memref_squeeze %dma_start3A_118 : memref<1x128xi32, #tpu.memory_space<vmem>> -> memref<128xi32, #tpu.memory_space<vmem>>
          %dma_start3A_120 = arith.constant 0 : i32
          %dma_start3A_121 = arith.constant 0 : i32
          %dma_start3A_122 = tpu.memref_slice %arg7[%dma_start3A_120, %dma_start3A_121] : memref<10112x128xf32, #tpu.memory_space<vmem_shared>> -> memref<10112x128xf32, #tpu.memory_space<vmem_shared>>
          tpu.enqueue_indirect_dma source(%arg10 : memref<128x128xf32, #tpu.memory_space<vmem>>) target(%dma_start3A_122 : memref<10112x128xf32, #tpu.memory_space<vmem_shared>>) offsets(%dma_start3A_119 : memref<128xi32, #tpu.memory_space<vmem>>) semaphore(%run_scoped3A_116 : memref<!tpu.dma_semaphore, #tpu.memory_space<semaphore_mem>>) {add = true}
          %dma_wait3A_123 = arith.constant 0 : i32
          %dma_wait3A_124 = tpu.memref_slice %arg9[%mul3A_85, %dma_wait3A_123] : memref<40x128xi32, #tpu.memory_space<vmem>> -> memref<1x128xi32, #tpu.memory_space<vmem>>
          %dma_wait3A_125 = tpu.memref_squeeze %dma_wait3A_124 : memref<1x128xi32, #tpu.memory_space<vmem>> -> memref<128xi32, #tpu.memory_space<vmem>>
          %dma_wait3A_126 = arith.constant 0 : i32
          %dma_wait3A_127 = arith.constant 0 : i32
          %dma_wait3A_128 = tpu.memref_slice %arg7[%dma_wait3A_126, %dma_wait3A_127] : memref<10112x128xf32, #tpu.memory_space<vmem_shared>> -> memref<10112x128xf32, #tpu.memory_space<vmem_shared>>
          tpu.wait_indirect_dma semaphore(%run_scoped3A_116 : memref<!tpu.dma_semaphore, #tpu.memory_space<semaphore_mem>>) src(%arg10 : memref<128x128xf32, #tpu.memory_space<vmem>>) dst(%dma_wait3A_128 : memref<10112x128xf32, #tpu.memory_space<vmem_shared>>)
          tpu.yield
        }) : () -> ()
        %add3A_92 = arith.constant 2 : i32
        %add3A_93 = arith.addi %mul3A_85, %add3A_92 : i32
        %dma_start3A_94 = arith.constant 0 : i32
        %dma_start3A_95 = tpu.memref_slice %arg8[%add3A_93, %dma_start3A_94] : memref<40x128xi32, #tpu.memory_space<vmem>> -> memref<1x128xi32, #tpu.memory_space<vmem>>
        %dma_start3A_96 = tpu.memref_squeeze %dma_start3A_95 : memref<1x128xi32, #tpu.memory_space<vmem>> -> memref<128xi32, #tpu.memory_space<vmem>>
        %dma_start3A_97 = arith.constant 0 : i32
        %dma_start3A_98 = arith.constant 0 : i32
        %dma_start3A_99 = tpu.memref_slice %arg2[%dma_start3A_97, %dma_start3A_98] : memref<160000x128xf32, #tpu.memory_space<hbm>> -> memref<160000x128xf32, #tpu.memory_space<hbm>>
        tpu.enqueue_indirect_dma source(%dma_start3A_99 : memref<160000x128xf32, #tpu.memory_space<hbm>>) target(%arg10 : memref<128x128xf32, #tpu.memory_space<vmem>>) offsets(%dma_start3A_96 : memref<128xi32, #tpu.memory_space<vmem>>) semaphore(%arg12 : memref<!tpu.dma_semaphore, #tpu.memory_space<semaphore_mem>>)
        %dma_wait3A_100 = arith.constant 0 : i32
        %dma_wait3A_101 = arith.constant 0 : i32
        %dma_wait3A_102 = tpu.memref_slice %arg5[%dma_wait3A_100, %dma_wait3A_101] : memref<10112x128xf32, #tpu.memory_space<hbm>> -> memref<128x128xf32, #tpu.memory_space<hbm>>
        %dma_wait3A_103 = arith.constant 0 : i32
        %dma_wait3A_104 = arith.constant 0 : i32
        %dma_wait3A_105 = tpu.memref_slice %arg5[%dma_wait3A_103, %dma_wait3A_104] : memref<10112x128xf32, #tpu.memory_space<hbm>> -> memref<128x128xf32, #tpu.memory_space<hbm>>
        tpu.wait_dma2 semaphore(%arg13 : memref<!tpu.dma_semaphore, #tpu.memory_space<semaphore_mem>>) src(%dma_wait3A_105 : memref<128x128xf32, #tpu.memory_space<hbm>>) dst(%arg11 : memref<128x128xf32, #tpu.memory_space<vmem>>)
        %add3A_106 = arith.constant 1 : i32
        %add3A_107 = arith.addi %mul3A_85, %add3A_106 : i32
        "tpu.region"() ({
          %run_scoped3A_116 = tpu.sem_alloc : memref<!tpu.dma_semaphore, #tpu.memory_space<semaphore_mem>>
          %dma_start3A_117 = arith.constant 0 : i32
          %dma_start3A_118 = tpu.memref_slice %arg9[%add3A_107, %dma_start3A_117] : memref<40x128xi32, #tpu.memory_space<vmem>> -> memref<1x128xi32, #tpu.memory_space<vmem>>
          %dma_start3A_119 = tpu.memref_squeeze %dma_start3A_118 : memref<1x128xi32, #tpu.memory_space<vmem>> -> memref<128xi32, #tpu.memory_space<vmem>>
          %dma_start3A_120 = arith.constant 0 : i32
          %dma_start3A_121 = arith.constant 0 : i32
          %dma_start3A_122 = tpu.memref_slice %arg7[%dma_start3A_120, %dma_start3A_121] : memref<10112x128xf32, #tpu.memory_space<vmem_shared>> -> memref<10112x128xf32, #tpu.memory_space<vmem_shared>>
          tpu.enqueue_indirect_dma source(%arg11 : memref<128x128xf32, #tpu.memory_space<vmem>>) target(%dma_start3A_122 : memref<10112x128xf32, #tpu.memory_space<vmem_shared>>) offsets(%dma_start3A_119 : memref<128xi32, #tpu.memory_space<vmem>>) semaphore(%run_scoped3A_116 : memref<!tpu.dma_semaphore, #tpu.memory_space<semaphore_mem>>) {add = true}
          %dma_wait3A_123 = arith.constant 0 : i32
          %dma_wait3A_124 = tpu.memref_slice %arg9[%add3A_107, %dma_wait3A_123] : memref<40x128xi32, #tpu.memory_space<vmem>> -> memref<1x128xi32, #tpu.memory_space<vmem>>
          %dma_wait3A_125 = tpu.memref_squeeze %dma_wait3A_124 : memref<1x128xi32, #tpu.memory_space<vmem>> -> memref<128xi32, #tpu.memory_space<vmem>>
          %dma_wait3A_126 = arith.constant 0 : i32
          %dma_wait3A_127 = arith.constant 0 : i32
          %dma_wait3A_128 = tpu.memref_slice %arg7[%dma_wait3A_126, %dma_wait3A_127] : memref<10112x128xf32, #tpu.memory_space<vmem_shared>> -> memref<10112x128xf32, #tpu.memory_space<vmem_shared>>
          tpu.wait_indirect_dma semaphore(%run_scoped3A_116 : memref<!tpu.dma_semaphore, #tpu.memory_space<semaphore_mem>>) src(%arg11 : memref<128x128xf32, #tpu.memory_space<vmem>>) dst(%dma_wait3A_128 : memref<10112x128xf32, #tpu.memory_space<vmem_shared>>)
          tpu.yield
        }) : () -> ()
        %add3A_108 = arith.constant 3 : i32
        %add3A_109 = arith.addi %mul3A_85, %add3A_108 : i32
        %dma_start3A_110 = arith.constant 0 : i32
        %dma_start3A_111 = tpu.memref_slice %arg8[%add3A_109, %dma_start3A_110] : memref<40x128xi32, #tpu.memory_space<vmem>> -> memref<1x128xi32, #tpu.memory_space<vmem>>
        %dma_start3A_112 = tpu.memref_squeeze %dma_start3A_111 : memref<1x128xi32, #tpu.memory_space<vmem>> -> memref<128xi32, #tpu.memory_space<vmem>>
        %dma_start3A_113 = arith.constant 0 : i32
        %dma_start3A_114 = arith.constant 0 : i32
        %dma_start3A_115 = tpu.memref_slice %arg2[%dma_start3A_113, %dma_start3A_114] : memref<160000x128xf32, #tpu.memory_space<hbm>> -> memref<160000x128xf32, #tpu.memory_space<hbm>>
        tpu.enqueue_indirect_dma source(%dma_start3A_115 : memref<160000x128xf32, #tpu.memory_space<hbm>>) target(%arg11 : memref<128x128xf32, #tpu.memory_space<vmem>>) offsets(%dma_start3A_112 : memref<128xi32, #tpu.memory_space<vmem>>) semaphore(%arg13 : memref<!tpu.dma_semaphore, #tpu.memory_space<semaphore_mem>>)
      }
      %scan3A_31 = arith.constant 19 : i32
      %dma_wait3A = arith.constant 0 : i32
      %dma_wait3A_32 = arith.constant 0 : i32
      %dma_wait3A_33 = tpu.memref_slice %arg5[%dma_wait3A, %dma_wait3A_32] : memref<10112x128xf32, #tpu.memory_space<hbm>> -> memref<128x128xf32, #tpu.memory_space<hbm>>
      %dma_wait3A_34 = arith.constant 0 : i32
      %dma_wait3A_35 = arith.constant 0 : i32
      %dma_wait3A_36 = tpu.memref_slice %arg5[%dma_wait3A_34, %dma_wait3A_35] : memref<10112x128xf32, #tpu.memory_space<hbm>> -> memref<128x128xf32, #tpu.memory_space<hbm>>
      tpu.wait_dma2 semaphore(%arg12 : memref<!tpu.dma_semaphore, #tpu.memory_space<semaphore_mem>>) src(%dma_wait3A_36 : memref<128x128xf32, #tpu.memory_space<hbm>>) dst(%arg10 : memref<128x128xf32, #tpu.memory_space<vmem>>)
      %run_scoped3A = arith.constant 38 : i32
      "tpu.region"() ({
        %run_scoped3A_79 = tpu.sem_alloc : memref<!tpu.dma_semaphore, #tpu.memory_space<semaphore_mem>>
        %dma_start3A_80 = arith.constant 0 : i32
        %dma_start3A_81 = tpu.memref_slice %arg9[%run_scoped3A, %dma_start3A_80] : memref<40x128xi32, #tpu.memory_space<vmem>> -> memref<1x128xi32, #tpu.memory_space<vmem>>
        %dma_start3A_82 = tpu.memref_squeeze %dma_start3A_81 : memref<1x128xi32, #tpu.memory_space<vmem>> -> memref<128xi32, #tpu.memory_space<vmem>>
        %dma_start3A_83 = arith.constant 0 : i32
        %dma_start3A_84 = arith.constant 0 : i32
        %dma_start3A_85 = tpu.memref_slice %arg7[%dma_start3A_83, %dma_start3A_84] : memref<10112x128xf32, #tpu.memory_space<vmem_shared>> -> memref<10112x128xf32, #tpu.memory_space<vmem_shared>>
        tpu.enqueue_indirect_dma source(%arg10 : memref<128x128xf32, #tpu.memory_space<vmem>>) target(%dma_start3A_85 : memref<10112x128xf32, #tpu.memory_space<vmem_shared>>) offsets(%dma_start3A_82 : memref<128xi32, #tpu.memory_space<vmem>>) semaphore(%run_scoped3A_79 : memref<!tpu.dma_semaphore, #tpu.memory_space<semaphore_mem>>) {add = true}
        %dma_wait3A_86 = arith.constant 0 : i32
        %dma_wait3A_87 = tpu.memref_slice %arg9[%run_scoped3A, %dma_wait3A_86] : memref<40x128xi32, #tpu.memory_space<vmem>> -> memref<1x128xi32, #tpu.memory_space<vmem>>
        %dma_wait3A_88 = tpu.memref_squeeze %dma_wait3A_87 : memref<1x128xi32, #tpu.memory_space<vmem>> -> memref<128xi32, #tpu.memory_space<vmem>>
        %dma_wait3A_89 = arith.constant 0 : i32
        %dma_wait3A_90 = arith.constant 0 : i32
        %dma_wait3A_91 = tpu.memref_slice %arg7[%dma_wait3A_89, %dma_wait3A_90] : memref<10112x128xf32, #tpu.memory_space<vmem_shared>> -> memref<10112x128xf32, #tpu.memory_space<vmem_shared>>
        tpu.wait_indirect_dma semaphore(%run_scoped3A_79 : memref<!tpu.dma_semaphore, #tpu.memory_space<semaphore_mem>>) src(%arg10 : memref<128x128xf32, #tpu.memory_space<vmem>>) dst(%dma_wait3A_91 : memref<10112x128xf32, #tpu.memory_space<vmem_shared>>)
        tpu.yield
      }) : () -> ()
      %dma_wait3A_37 = arith.constant 0 : i32
      %dma_wait3A_38 = arith.constant 0 : i32
      %dma_wait3A_39 = tpu.memref_slice %arg5[%dma_wait3A_37, %dma_wait3A_38] : memref<10112x128xf32, #tpu.memory_space<hbm>> -> memref<128x128xf32, #tpu.memory_space<hbm>>
      %dma_wait3A_40 = arith.constant 0 : i32
      %dma_wait3A_41 = arith.constant 0 : i32
      %dma_wait3A_42 = tpu.memref_slice %arg5[%dma_wait3A_40, %dma_wait3A_41] : memref<10112x128xf32, #tpu.memory_space<hbm>> -> memref<128x128xf32, #tpu.memory_space<hbm>>
      tpu.wait_dma2 semaphore(%arg13 : memref<!tpu.dma_semaphore, #tpu.memory_space<semaphore_mem>>) src(%dma_wait3A_42 : memref<128x128xf32, #tpu.memory_space<hbm>>) dst(%arg11 : memref<128x128xf32, #tpu.memory_space<vmem>>)
      %run_scoped3A_43 = arith.constant 39 : i32
      "tpu.region"() ({
        %run_scoped3A_79 = tpu.sem_alloc : memref<!tpu.dma_semaphore, #tpu.memory_space<semaphore_mem>>
        %dma_start3A_80 = arith.constant 0 : i32
        %dma_start3A_81 = tpu.memref_slice %arg9[%run_scoped3A_43, %dma_start3A_80] : memref<40x128xi32, #tpu.memory_space<vmem>> -> memref<1x128xi32, #tpu.memory_space<vmem>>
        %dma_start3A_82 = tpu.memref_squeeze %dma_start3A_81 : memref<1x128xi32, #tpu.memory_space<vmem>> -> memref<128xi32, #tpu.memory_space<vmem>>
        %dma_start3A_83 = arith.constant 0 : i32
        %dma_start3A_84 = arith.constant 0 : i32
        %dma_start3A_85 = tpu.memref_slice %arg7[%dma_start3A_83, %dma_start3A_84] : memref<10112x128xf32, #tpu.memory_space<vmem_shared>> -> memref<10112x128xf32, #tpu.memory_space<vmem_shared>>
        tpu.enqueue_indirect_dma source(%arg11 : memref<128x128xf32, #tpu.memory_space<vmem>>) target(%dma_start3A_85 : memref<10112x128xf32, #tpu.memory_space<vmem_shared>>) offsets(%dma_start3A_82 : memref<128xi32, #tpu.memory_space<vmem>>) semaphore(%run_scoped3A_79 : memref<!tpu.dma_semaphore, #tpu.memory_space<semaphore_mem>>) {add = true}
        %dma_wait3A_86 = arith.constant 0 : i32
        %dma_wait3A_87 = tpu.memref_slice %arg9[%run_scoped3A_43, %dma_wait3A_86] : memref<40x128xi32, #tpu.memory_space<vmem>> -> memref<1x128xi32, #tpu.memory_space<vmem>>
        %dma_wait3A_88 = tpu.memref_squeeze %dma_wait3A_87 : memref<1x128xi32, #tpu.memory_space<vmem>> -> memref<128xi32, #tpu.memory_space<vmem>>
        %dma_wait3A_89 = arith.constant 0 : i32
        %dma_wait3A_90 = arith.constant 0 : i32
        %dma_wait3A_91 = tpu.memref_slice %arg7[%dma_wait3A_89, %dma_wait3A_90] : memref<10112x128xf32, #tpu.memory_space<vmem_shared>> -> memref<10112x128xf32, #tpu.memory_space<vmem_shared>>
        tpu.wait_indirect_dma semaphore(%run_scoped3A_79 : memref<!tpu.dma_semaphore, #tpu.memory_space<semaphore_mem>>) src(%arg11 : memref<128x128xf32, #tpu.memory_space<vmem>>) dst(%dma_wait3A_91 : memref<10112x128xf32, #tpu.memory_space<vmem_shared>>)
        tpu.yield
      }) : () -> ()
      %add3A_44 = arith.constant 40 : i32
      %add3A_45 = arith.addi %mul3A_12, %add3A_44 : i32
      "tpu.region"() ({
        %run_scoped3A_79 = tpu.sem_alloc : memref<!tpu.dma_semaphore, #tpu.memory_space<semaphore_mem>>
        %dma_start3A_80 = arith.constant 0 : i32
        %dma_start3A_81 = arith.constant 0 : i32
        %dma_start3A_82 = tpu.memref_slice %arg8[%dma_start3A_80, %dma_start3A_81] : memref<40x128xi32, #tpu.memory_space<vmem>> -> memref<40x128xi32, #tpu.memory_space<vmem>>
        %dma_start3A_83 = arith.constant 0 : i32
        %dma_start3A_84 = tpu.memref_slice %arg3[%add3A_45, %dma_start3A_83] : memref<2560x128xi32, #tpu.memory_space<hbm>> -> memref<40x128xi32, #tpu.memory_space<hbm>>
        %dma_start3A_85 = arith.constant 0 : i32
        %dma_start3A_86 = arith.constant 0 : i32
        %dma_start3A_87 = tpu.memref_slice %arg8[%dma_start3A_85, %dma_start3A_86] : memref<40x128xi32, #tpu.memory_space<vmem>> -> memref<40x128xi32, #tpu.memory_space<vmem>>
        %dma_start3A_88 = arith.constant 0 : i32
        %dma_start3A_89 = tpu.memref_slice %arg3[%add3A_45, %dma_start3A_88] : memref<2560x128xi32, #tpu.memory_space<hbm>> -> memref<40x128xi32, #tpu.memory_space<hbm>>
        tpu.enqueue_dma source(%dma_start3A_89 : memref<40x128xi32, #tpu.memory_space<hbm>>) target(%dma_start3A_87 : memref<40x128xi32, #tpu.memory_space<vmem>>) target_semaphore(%run_scoped3A_79 : memref<!tpu.dma_semaphore, #tpu.memory_space<semaphore_mem>>)
        %dma_wait3A_90 = arith.constant 0 : i32
        %dma_wait3A_91 = arith.constant 0 : i32
        %dma_wait3A_92 = tpu.memref_slice %arg8[%dma_wait3A_90, %dma_wait3A_91] : memref<40x128xi32, #tpu.memory_space<vmem>> -> memref<40x128xi32, #tpu.memory_space<vmem>>
        %dma_wait3A_93 = arith.constant 0 : i32
        %dma_wait3A_94 = tpu.memref_slice %arg3[%add3A_45, %dma_wait3A_93] : memref<2560x128xi32, #tpu.memory_space<hbm>> -> memref<40x128xi32, #tpu.memory_space<hbm>>
        %dma_wait3A_95 = arith.constant 0 : i32
        %dma_wait3A_96 = arith.constant 0 : i32
        %dma_wait3A_97 = tpu.memref_slice %arg8[%dma_wait3A_95, %dma_wait3A_96] : memref<40x128xi32, #tpu.memory_space<vmem>> -> memref<40x128xi32, #tpu.memory_space<vmem>>
        %dma_wait3A_98 = arith.constant 0 : i32
        %dma_wait3A_99 = tpu.memref_slice %arg3[%add3A_45, %dma_wait3A_98] : memref<2560x128xi32, #tpu.memory_space<hbm>> -> memref<40x128xi32, #tpu.memory_space<hbm>>
        tpu.wait_dma2 semaphore(%run_scoped3A_79 : memref<!tpu.dma_semaphore, #tpu.memory_space<semaphore_mem>>) src(%dma_wait3A_99 : memref<40x128xi32, #tpu.memory_space<hbm>>) dst(%dma_wait3A_97 : memref<40x128xi32, #tpu.memory_space<vmem>>)
        tpu.yield
      }) : () -> ()
      "tpu.region"() ({
        %run_scoped3A_79 = tpu.sem_alloc : memref<!tpu.dma_semaphore, #tpu.memory_space<semaphore_mem>>
        %dma_start3A_80 = arith.constant 0 : i32
        %dma_start3A_81 = arith.constant 0 : i32
        %dma_start3A_82 = tpu.memref_slice %arg9[%dma_start3A_80, %dma_start3A_81] : memref<40x128xi32, #tpu.memory_space<vmem>> -> memref<40x128xi32, #tpu.memory_space<vmem>>
        %dma_start3A_83 = arith.constant 0 : i32
        %dma_start3A_84 = tpu.memref_slice %arg4[%add3A_45, %dma_start3A_83] : memref<2560x128xi32, #tpu.memory_space<hbm>> -> memref<40x128xi32, #tpu.memory_space<hbm>>
        %dma_start3A_85 = arith.constant 0 : i32
        %dma_start3A_86 = arith.constant 0 : i32
        %dma_start3A_87 = tpu.memref_slice %arg9[%dma_start3A_85, %dma_start3A_86] : memref<40x128xi32, #tpu.memory_space<vmem>> -> memref<40x128xi32, #tpu.memory_space<vmem>>
        %dma_start3A_88 = arith.constant 0 : i32
        %dma_start3A_89 = tpu.memref_slice %arg4[%add3A_45, %dma_start3A_88] : memref<2560x128xi32, #tpu.memory_space<hbm>> -> memref<40x128xi32, #tpu.memory_space<hbm>>
        tpu.enqueue_dma source(%dma_start3A_89 : memref<40x128xi32, #tpu.memory_space<hbm>>) target(%dma_start3A_87 : memref<40x128xi32, #tpu.memory_space<vmem>>) target_semaphore(%run_scoped3A_79 : memref<!tpu.dma_semaphore, #tpu.memory_space<semaphore_mem>>)
        %dma_wait3A_90 = arith.constant 0 : i32
        %dma_wait3A_91 = arith.constant 0 : i32
        %dma_wait3A_92 = tpu.memref_slice %arg9[%dma_wait3A_90, %dma_wait3A_91] : memref<40x128xi32, #tpu.memory_space<vmem>> -> memref<40x128xi32, #tpu.memory_space<vmem>>
        %dma_wait3A_93 = arith.constant 0 : i32
        %dma_wait3A_94 = tpu.memref_slice %arg4[%add3A_45, %dma_wait3A_93] : memref<2560x128xi32, #tpu.memory_space<hbm>> -> memref<40x128xi32, #tpu.memory_space<hbm>>
        %dma_wait3A_95 = arith.constant 0 : i32
        %dma_wait3A_96 = arith.constant 0 : i32
        %dma_wait3A_97 = tpu.memref_slice %arg9[%dma_wait3A_95, %dma_wait3A_96] : memref<40x128xi32, #tpu.memory_space<vmem>> -> memref<40x128xi32, #tpu.memory_space<vmem>>
        %dma_wait3A_98 = arith.constant 0 : i32
        %dma_wait3A_99 = tpu.memref_slice %arg4[%add3A_45, %dma_wait3A_98] : memref<2560x128xi32, #tpu.memory_space<hbm>> -> memref<40x128xi32, #tpu.memory_space<hbm>>
        tpu.wait_dma2 semaphore(%run_scoped3A_79 : memref<!tpu.dma_semaphore, #tpu.memory_space<semaphore_mem>>) src(%dma_wait3A_99 : memref<40x128xi32, #tpu.memory_space<hbm>>) dst(%dma_wait3A_97 : memref<40x128xi32, #tpu.memory_space<vmem>>)
        tpu.yield
      }) : () -> ()
      %dma_start3A_46 = arith.constant 0 : i32
      %dma_start3A_47 = arith.constant 0 : i32
      %dma_start3A_48 = tpu.memref_slice %arg8[%dma_start3A_46, %dma_start3A_47] : memref<40x128xi32, #tpu.memory_space<vmem>> -> memref<1x128xi32, #tpu.memory_space<vmem>>
      %dma_start3A_49 = tpu.memref_squeeze %dma_start3A_48 : memref<1x128xi32, #tpu.memory_space<vmem>> -> memref<128xi32, #tpu.memory_space<vmem>>
      %dma_start3A_50 = arith.constant 0 : i32
      %dma_start3A_51 = arith.constant 0 : i32
      %dma_start3A_52 = tpu.memref_slice %arg2[%dma_start3A_50, %dma_start3A_51] : memref<160000x128xf32, #tpu.memory_space<hbm>> -> memref<160000x128xf32, #tpu.memory_space<hbm>>
      tpu.enqueue_indirect_dma source(%dma_start3A_52 : memref<160000x128xf32, #tpu.memory_space<hbm>>) target(%arg10 : memref<128x128xf32, #tpu.memory_space<vmem>>) offsets(%dma_start3A_49 : memref<128xi32, #tpu.memory_space<vmem>>) semaphore(%arg12 : memref<!tpu.dma_semaphore, #tpu.memory_space<semaphore_mem>>)
      %dma_start3A_53 = arith.constant 1 : i32
      %dma_start3A_54 = arith.constant 0 : i32
      %dma_start3A_55 = tpu.memref_slice %arg8[%dma_start3A_53, %dma_start3A_54] : memref<40x128xi32, #tpu.memory_space<vmem>> -> memref<1x128xi32, #tpu.memory_space<vmem>>
      %dma_start3A_56 = tpu.memref_squeeze %dma_start3A_55 : memref<1x128xi32, #tpu.memory_space<vmem>> -> memref<128xi32, #tpu.memory_space<vmem>>
      %dma_start3A_57 = arith.constant 0 : i32
      %dma_start3A_58 = arith.constant 0 : i32
      %dma_start3A_59 = tpu.memref_slice %arg2[%dma_start3A_57, %dma_start3A_58] : memref<160000x128xf32, #tpu.memory_space<hbm>> -> memref<160000x128xf32, #tpu.memory_space<hbm>>
      tpu.enqueue_indirect_dma source(%dma_start3A_59 : memref<160000x128xf32, #tpu.memory_space<hbm>>) target(%arg11 : memref<128x128xf32, #tpu.memory_space<vmem>>) offsets(%dma_start3A_56 : memref<128xi32, #tpu.memory_space<vmem>>) semaphore(%arg13 : memref<!tpu.dma_semaphore, #tpu.memory_space<semaphore_mem>>)
      %scan3A_60 = arith.constant 0 : i32
      %scan3A_61 = arith.constant 19 : i32
      %scan3A_62 = arith.addi %scan3A_60, %scan3A_61 : i32
      %scan3A_63 = arith.constant 1 : i32
      scf.for %scan3A_79 = %scan3A_60 to %scan3A_62 step %scan3A_63  : i32 {
        %mul3A_80 = arith.constant 1 : i32
        %mul3A_81 = arith.muli %scan3A_79, %mul3A_80 : i32
        %add3A_82 = arith.constant 0 : i32
        %add3A_83 = arith.addi %add3A_82, %mul3A_81 : i32
        %mul3A_84 = arith.constant 2 : i32
        %mul3A_85 = arith.muli %mul3A_84, %add3A_83 : i32
        %dma_wait3A_86 = arith.constant 0 : i32
        %dma_wait3A_87 = arith.constant 0 : i32
        %dma_wait3A_88 = tpu.memref_slice %arg5[%dma_wait3A_86, %dma_wait3A_87] : memref<10112x128xf32, #tpu.memory_space<hbm>> -> memref<128x128xf32, #tpu.memory_space<hbm>>
        %dma_wait3A_89 = arith.constant 0 : i32
        %dma_wait3A_90 = arith.constant 0 : i32
        %dma_wait3A_91 = tpu.memref_slice %arg5[%dma_wait3A_89, %dma_wait3A_90] : memref<10112x128xf32, #tpu.memory_space<hbm>> -> memref<128x128xf32, #tpu.memory_space<hbm>>
        tpu.wait_dma2 semaphore(%arg12 : memref<!tpu.dma_semaphore, #tpu.memory_space<semaphore_mem>>) src(%dma_wait3A_91 : memref<128x128xf32, #tpu.memory_space<hbm>>) dst(%arg10 : memref<128x128xf32, #tpu.memory_space<vmem>>)
        "tpu.region"() ({
          %run_scoped3A_116 = tpu.sem_alloc : memref<!tpu.dma_semaphore, #tpu.memory_space<semaphore_mem>>
          %dma_start3A_117 = arith.constant 0 : i32
          %dma_start3A_118 = tpu.memref_slice %arg9[%mul3A_85, %dma_start3A_117] : memref<40x128xi32, #tpu.memory_space<vmem>> -> memref<1x128xi32, #tpu.memory_space<vmem>>
          %dma_start3A_119 = tpu.memref_squeeze %dma_start3A_118 : memref<1x128xi32, #tpu.memory_space<vmem>> -> memref<128xi32, #tpu.memory_space<vmem>>
          %dma_start3A_120 = arith.constant 0 : i32
          %dma_start3A_121 = arith.constant 0 : i32
          %dma_start3A_122 = tpu.memref_slice %arg7[%dma_start3A_120, %dma_start3A_121] : memref<10112x128xf32, #tpu.memory_space<vmem_shared>> -> memref<10112x128xf32, #tpu.memory_space<vmem_shared>>
          tpu.enqueue_indirect_dma source(%arg10 : memref<128x128xf32, #tpu.memory_space<vmem>>) target(%dma_start3A_122 : memref<10112x128xf32, #tpu.memory_space<vmem_shared>>) offsets(%dma_start3A_119 : memref<128xi32, #tpu.memory_space<vmem>>) semaphore(%run_scoped3A_116 : memref<!tpu.dma_semaphore, #tpu.memory_space<semaphore_mem>>) {add = true}
          %dma_wait3A_123 = arith.constant 0 : i32
          %dma_wait3A_124 = tpu.memref_slice %arg9[%mul3A_85, %dma_wait3A_123] : memref<40x128xi32, #tpu.memory_space<vmem>> -> memref<1x128xi32, #tpu.memory_space<vmem>>
          %dma_wait3A_125 = tpu.memref_squeeze %dma_wait3A_124 : memref<1x128xi32, #tpu.memory_space<vmem>> -> memref<128xi32, #tpu.memory_space<vmem>>
          %dma_wait3A_126 = arith.constant 0 : i32
          %dma_wait3A_127 = arith.constant 0 : i32
          %dma_wait3A_128 = tpu.memref_slice %arg7[%dma_wait3A_126, %dma_wait3A_127] : memref<10112x128xf32, #tpu.memory_space<vmem_shared>> -> memref<10112x128xf32, #tpu.memory_space<vmem_shared>>
          tpu.wait_indirect_dma semaphore(%run_scoped3A_116 : memref<!tpu.dma_semaphore, #tpu.memory_space<semaphore_mem>>) src(%arg10 : memref<128x128xf32, #tpu.memory_space<vmem>>) dst(%dma_wait3A_128 : memref<10112x128xf32, #tpu.memory_space<vmem_shared>>)
          tpu.yield
        }) : () -> ()
        %add3A_92 = arith.constant 2 : i32
        %add3A_93 = arith.addi %mul3A_85, %add3A_92 : i32
        %dma_start3A_94 = arith.constant 0 : i32
        %dma_start3A_95 = tpu.memref_slice %arg8[%add3A_93, %dma_start3A_94] : memref<40x128xi32, #tpu.memory_space<vmem>> -> memref<1x128xi32, #tpu.memory_space<vmem>>
        %dma_start3A_96 = tpu.memref_squeeze %dma_start3A_95 : memref<1x128xi32, #tpu.memory_space<vmem>> -> memref<128xi32, #tpu.memory_space<vmem>>
        %dma_start3A_97 = arith.constant 0 : i32
        %dma_start3A_98 = arith.constant 0 : i32
        %dma_start3A_99 = tpu.memref_slice %arg2[%dma_start3A_97, %dma_start3A_98] : memref<160000x128xf32, #tpu.memory_space<hbm>> -> memref<160000x128xf32, #tpu.memory_space<hbm>>
        tpu.enqueue_indirect_dma source(%dma_start3A_99 : memref<160000x128xf32, #tpu.memory_space<hbm>>) target(%arg10 : memref<128x128xf32, #tpu.memory_space<vmem>>) offsets(%dma_start3A_96 : memref<128xi32, #tpu.memory_space<vmem>>) semaphore(%arg12 : memref<!tpu.dma_semaphore, #tpu.memory_space<semaphore_mem>>)
        %dma_wait3A_100 = arith.constant 0 : i32
        %dma_wait3A_101 = arith.constant 0 : i32
        %dma_wait3A_102 = tpu.memref_slice %arg5[%dma_wait3A_100, %dma_wait3A_101] : memref<10112x128xf32, #tpu.memory_space<hbm>> -> memref<128x128xf32, #tpu.memory_space<hbm>>
        %dma_wait3A_103 = arith.constant 0 : i32
        %dma_wait3A_104 = arith.constant 0 : i32
        %dma_wait3A_105 = tpu.memref_slice %arg5[%dma_wait3A_103, %dma_wait3A_104] : memref<10112x128xf32, #tpu.memory_space<hbm>> -> memref<128x128xf32, #tpu.memory_space<hbm>>
        tpu.wait_dma2 semaphore(%arg13 : memref<!tpu.dma_semaphore, #tpu.memory_space<semaphore_mem>>) src(%dma_wait3A_105 : memref<128x128xf32, #tpu.memory_space<hbm>>) dst(%arg11 : memref<128x128xf32, #tpu.memory_space<vmem>>)
        %add3A_106 = arith.constant 1 : i32
        %add3A_107 = arith.addi %mul3A_85, %add3A_106 : i32
        "tpu.region"() ({
          %run_scoped3A_116 = tpu.sem_alloc : memref<!tpu.dma_semaphore, #tpu.memory_space<semaphore_mem>>
          %dma_start3A_117 = arith.constant 0 : i32
          %dma_start3A_118 = tpu.memref_slice %arg9[%add3A_107, %dma_start3A_117] : memref<40x128xi32, #tpu.memory_space<vmem>> -> memref<1x128xi32, #tpu.memory_space<vmem>>
          %dma_start3A_119 = tpu.memref_squeeze %dma_start3A_118 : memref<1x128xi32, #tpu.memory_space<vmem>> -> memref<128xi32, #tpu.memory_space<vmem>>
          %dma_start3A_120 = arith.constant 0 : i32
          %dma_start3A_121 = arith.constant 0 : i32
          %dma_start3A_122 = tpu.memref_slice %arg7[%dma_start3A_120, %dma_start3A_121] : memref<10112x128xf32, #tpu.memory_space<vmem_shared>> -> memref<10112x128xf32, #tpu.memory_space<vmem_shared>>
          tpu.enqueue_indirect_dma source(%arg11 : memref<128x128xf32, #tpu.memory_space<vmem>>) target(%dma_start3A_122 : memref<10112x128xf32, #tpu.memory_space<vmem_shared>>) offsets(%dma_start3A_119 : memref<128xi32, #tpu.memory_space<vmem>>) semaphore(%run_scoped3A_116 : memref<!tpu.dma_semaphore, #tpu.memory_space<semaphore_mem>>) {add = true}
          %dma_wait3A_123 = arith.constant 0 : i32
          %dma_wait3A_124 = tpu.memref_slice %arg9[%add3A_107, %dma_wait3A_123] : memref<40x128xi32, #tpu.memory_space<vmem>> -> memref<1x128xi32, #tpu.memory_space<vmem>>
          %dma_wait3A_125 = tpu.memref_squeeze %dma_wait3A_124 : memref<1x128xi32, #tpu.memory_space<vmem>> -> memref<128xi32, #tpu.memory_space<vmem>>
          %dma_wait3A_126 = arith.constant 0 : i32
          %dma_wait3A_127 = arith.constant 0 : i32
          %dma_wait3A_128 = tpu.memref_slice %arg7[%dma_wait3A_126, %dma_wait3A_127] : memref<10112x128xf32, #tpu.memory_space<vmem_shared>> -> memref<10112x128xf32, #tpu.memory_space<vmem_shared>>
          tpu.wait_indirect_dma semaphore(%run_scoped3A_116 : memref<!tpu.dma_semaphore, #tpu.memory_space<semaphore_mem>>) src(%arg11 : memref<128x128xf32, #tpu.memory_space<vmem>>) dst(%dma_wait3A_128 : memref<10112x128xf32, #tpu.memory_space<vmem_shared>>)
          tpu.yield
        }) : () -> ()
        %add3A_108 = arith.constant 3 : i32
        %add3A_109 = arith.addi %mul3A_85, %add3A_108 : i32
        %dma_start3A_110 = arith.constant 0 : i32
        %dma_start3A_111 = tpu.memref_slice %arg8[%add3A_109, %dma_start3A_110] : memref<40x128xi32, #tpu.memory_space<vmem>> -> memref<1x128xi32, #tpu.memory_space<vmem>>
        %dma_start3A_112 = tpu.memref_squeeze %dma_start3A_111 : memref<1x128xi32, #tpu.memory_space<vmem>> -> memref<128xi32, #tpu.memory_space<vmem>>
        %dma_start3A_113 = arith.constant 0 : i32
        %dma_start3A_114 = arith.constant 0 : i32
        %dma_start3A_115 = tpu.memref_slice %arg2[%dma_start3A_113, %dma_start3A_114] : memref<160000x128xf32, #tpu.memory_space<hbm>> -> memref<160000x128xf32, #tpu.memory_space<hbm>>
        tpu.enqueue_indirect_dma source(%dma_start3A_115 : memref<160000x128xf32, #tpu.memory_space<hbm>>) target(%arg11 : memref<128x128xf32, #tpu.memory_space<vmem>>) offsets(%dma_start3A_112 : memref<128xi32, #tpu.memory_space<vmem>>) semaphore(%arg13 : memref<!tpu.dma_semaphore, #tpu.memory_space<semaphore_mem>>)
      }
      %scan3A_64 = arith.constant 19 : i32
      %dma_wait3A_65 = arith.constant 0 : i32
      %dma_wait3A_66 = arith.constant 0 : i32
      %dma_wait3A_67 = tpu.memref_slice %arg5[%dma_wait3A_65, %dma_wait3A_66] : memref<10112x128xf32, #tpu.memory_space<hbm>> -> memref<128x128xf32, #tpu.memory_space<hbm>>
      %dma_wait3A_68 = arith.constant 0 : i32
      %dma_wait3A_69 = arith.constant 0 : i32
      %dma_wait3A_70 = tpu.memref_slice %arg5[%dma_wait3A_68, %dma_wait3A_69] : memref<10112x128xf32, #tpu.memory_space<hbm>> -> memref<128x128xf32, #tpu.memory_space<hbm>>
      tpu.wait_dma2 semaphore(%arg12 : memref<!tpu.dma_semaphore, #tpu.memory_space<semaphore_mem>>) src(%dma_wait3A_70 : memref<128x128xf32, #tpu.memory_space<hbm>>) dst(%arg10 : memref<128x128xf32, #tpu.memory_space<vmem>>)
      %run_scoped3A_71 = arith.constant 38 : i32
      "tpu.region"() ({
        %run_scoped3A_79 = tpu.sem_alloc : memref<!tpu.dma_semaphore, #tpu.memory_space<semaphore_mem>>
        %dma_start3A_80 = arith.constant 0 : i32
        %dma_start3A_81 = tpu.memref_slice %arg9[%run_scoped3A_71, %dma_start3A_80] : memref<40x128xi32, #tpu.memory_space<vmem>> -> memref<1x128xi32, #tpu.memory_space<vmem>>
        %dma_start3A_82 = tpu.memref_squeeze %dma_start3A_81 : memref<1x128xi32, #tpu.memory_space<vmem>> -> memref<128xi32, #tpu.memory_space<vmem>>
        %dma_start3A_83 = arith.constant 0 : i32
        %dma_start3A_84 = arith.constant 0 : i32
        %dma_start3A_85 = tpu.memref_slice %arg7[%dma_start3A_83, %dma_start3A_84] : memref<10112x128xf32, #tpu.memory_space<vmem_shared>> -> memref<10112x128xf32, #tpu.memory_space<vmem_shared>>
        tpu.enqueue_indirect_dma source(%arg10 : memref<128x128xf32, #tpu.memory_space<vmem>>) target(%dma_start3A_85 : memref<10112x128xf32, #tpu.memory_space<vmem_shared>>) offsets(%dma_start3A_82 : memref<128xi32, #tpu.memory_space<vmem>>) semaphore(%run_scoped3A_79 : memref<!tpu.dma_semaphore, #tpu.memory_space<semaphore_mem>>) {add = true}
        %dma_wait3A_86 = arith.constant 0 : i32
        %dma_wait3A_87 = tpu.memref_slice %arg9[%run_scoped3A_71, %dma_wait3A_86] : memref<40x128xi32, #tpu.memory_space<vmem>> -> memref<1x128xi32, #tpu.memory_space<vmem>>
        %dma_wait3A_88 = tpu.memref_squeeze %dma_wait3A_87 : memref<1x128xi32, #tpu.memory_space<vmem>> -> memref<128xi32, #tpu.memory_space<vmem>>
        %dma_wait3A_89 = arith.constant 0 : i32
        %dma_wait3A_90 = arith.constant 0 : i32
        %dma_wait3A_91 = tpu.memref_slice %arg7[%dma_wait3A_89, %dma_wait3A_90] : memref<10112x128xf32, #tpu.memory_space<vmem_shared>> -> memref<10112x128xf32, #tpu.memory_space<vmem_shared>>
        tpu.wait_indirect_dma semaphore(%run_scoped3A_79 : memref<!tpu.dma_semaphore, #tpu.memory_space<semaphore_mem>>) src(%arg10 : memref<128x128xf32, #tpu.memory_space<vmem>>) dst(%dma_wait3A_91 : memref<10112x128xf32, #tpu.memory_space<vmem_shared>>)
        tpu.yield
      }) : () -> ()
      %dma_wait3A_72 = arith.constant 0 : i32
      %dma_wait3A_73 = arith.constant 0 : i32
      %dma_wait3A_74 = tpu.memref_slice %arg5[%dma_wait3A_72, %dma_wait3A_73] : memref<10112x128xf32, #tpu.memory_space<hbm>> -> memref<128x128xf32, #tpu.memory_space<hbm>>
      %dma_wait3A_75 = arith.constant 0 : i32
      %dma_wait3A_76 = arith.constant 0 : i32
      %dma_wait3A_77 = tpu.memref_slice %arg5[%dma_wait3A_75, %dma_wait3A_76] : memref<10112x128xf32, #tpu.memory_space<hbm>> -> memref<128x128xf32, #tpu.memory_space<hbm>>
      tpu.wait_dma2 semaphore(%arg13 : memref<!tpu.dma_semaphore, #tpu.memory_space<semaphore_mem>>) src(%dma_wait3A_77 : memref<128x128xf32, #tpu.memory_space<hbm>>) dst(%arg11 : memref<128x128xf32, #tpu.memory_space<vmem>>)
      %run_scoped3A_78 = arith.constant 39 : i32
      "tpu.region"() ({
        %run_scoped3A_79 = tpu.sem_alloc : memref<!tpu.dma_semaphore, #tpu.memory_space<semaphore_mem>>
        %dma_start3A_80 = arith.constant 0 : i32
        %dma_start3A_81 = tpu.memref_slice %arg9[%run_scoped3A_78, %dma_start3A_80] : memref<40x128xi32, #tpu.memory_space<vmem>> -> memref<1x128xi32, #tpu.memory_space<vmem>>
        %dma_start3A_82 = tpu.memref_squeeze %dma_start3A_81 : memref<1x128xi32, #tpu.memory_space<vmem>> -> memref<128xi32, #tpu.memory_space<vmem>>
        %dma_start3A_83 = arith.constant 0 : i32
        %dma_start3A_84 = arith.constant 0 : i32
        %dma_start3A_85 = tpu.memref_slice %arg7[%dma_start3A_83, %dma_start3A_84] : memref<10112x128xf32, #tpu.memory_space<vmem_shared>> -> memref<10112x128xf32, #tpu.memory_space<vmem_shared>>
        tpu.enqueue_indirect_dma source(%arg11 : memref<128x128xf32, #tpu.memory_space<vmem>>) target(%dma_start3A_85 : memref<10112x128xf32, #tpu.memory_space<vmem_shared>>) offsets(%dma_start3A_82 : memref<128xi32, #tpu.memory_space<vmem>>) semaphore(%run_scoped3A_79 : memref<!tpu.dma_semaphore, #tpu.memory_space<semaphore_mem>>) {add = true}
        %dma_wait3A_86 = arith.constant 0 : i32
        %dma_wait3A_87 = tpu.memref_slice %arg9[%run_scoped3A_78, %dma_wait3A_86] : memref<40x128xi32, #tpu.memory_space<vmem>> -> memref<1x128xi32, #tpu.memory_space<vmem>>
        %dma_wait3A_88 = tpu.memref_squeeze %dma_wait3A_87 : memref<1x128xi32, #tpu.memory_space<vmem>> -> memref<128xi32, #tpu.memory_space<vmem>>
        %dma_wait3A_89 = arith.constant 0 : i32
        %dma_wait3A_90 = arith.constant 0 : i32
        %dma_wait3A_91 = tpu.memref_slice %arg7[%dma_wait3A_89, %dma_wait3A_90] : memref<10112x128xf32, #tpu.memory_space<vmem_shared>> -> memref<10112x128xf32, #tpu.memory_space<vmem_shared>>
        tpu.wait_indirect_dma semaphore(%run_scoped3A_79 : memref<!tpu.dma_semaphore, #tpu.memory_space<semaphore_mem>>) src(%arg11 : memref<128x128xf32, #tpu.memory_space<vmem>>) dst(%dma_wait3A_91 : memref<10112x128xf32, #tpu.memory_space<vmem_shared>>)
        tpu.yield
      }) : () -> ()
    } else {
    }
    %eq3A_5 = arith.constant 1 : i32
    %eq3A_6 = arith.cmpi eq, %arg0, %eq3A_5 : i32
    %convert_element_type3A_7 = arith.extui %eq3A_6 : i1 to i32
    %cond3A_8 = arith.constant 0 : i32
    %cond3A_9 = arith.cmpi ne, %convert_element_type3A_7, %cond3A_8 : i32
    scf.if %cond3A_9 {
      %mul3A_11 = arith.constant 80 : i32
      %mul3A_12 = arith.muli %arg1, %mul3A_11 : i32
      %add3A_13 = arith.constant 1280 : i32
      %add3A_14 = arith.addi %add3A_13, %mul3A_12 : i32
      %add3A_15 = arith.constant 0 : i32
      %add3A_16 = arith.addi %add3A_14, %add3A_15 : i32
      "tpu.region"() ({
        %run_scoped3A_81 = tpu.sem_alloc : memref<!tpu.dma_semaphore, #tpu.memory_space<semaphore_mem>>
        %dma_start3A_82 = arith.constant 0 : i32
        %dma_start3A_83 = arith.constant 0 : i32
        %dma_start3A_84 = tpu.memref_slice %arg8[%dma_start3A_82, %dma_start3A_83] : memref<40x128xi32, #tpu.memory_space<vmem>> -> memref<40x128xi32, #tpu.memory_space<vmem>>
        %dma_start3A_85 = arith.constant 0 : i32
        %dma_start3A_86 = tpu.memref_slice %arg3[%add3A_16, %dma_start3A_85] : memref<2560x128xi32, #tpu.memory_space<hbm>> -> memref<40x128xi32, #tpu.memory_space<hbm>>
        %dma_start3A_87 = arith.constant 0 : i32
        %dma_start3A_88 = arith.constant 0 : i32
        %dma_start3A_89 = tpu.memref_slice %arg8[%dma_start3A_87, %dma_start3A_88] : memref<40x128xi32, #tpu.memory_space<vmem>> -> memref<40x128xi32, #tpu.memory_space<vmem>>
        %dma_start3A_90 = arith.constant 0 : i32
        %dma_start3A_91 = tpu.memref_slice %arg3[%add3A_16, %dma_start3A_90] : memref<2560x128xi32, #tpu.memory_space<hbm>> -> memref<40x128xi32, #tpu.memory_space<hbm>>
        tpu.enqueue_dma source(%dma_start3A_91 : memref<40x128xi32, #tpu.memory_space<hbm>>) target(%dma_start3A_89 : memref<40x128xi32, #tpu.memory_space<vmem>>) target_semaphore(%run_scoped3A_81 : memref<!tpu.dma_semaphore, #tpu.memory_space<semaphore_mem>>)
        %dma_wait3A_92 = arith.constant 0 : i32
        %dma_wait3A_93 = arith.constant 0 : i32
        %dma_wait3A_94 = tpu.memref_slice %arg8[%dma_wait3A_92, %dma_wait3A_93] : memref<40x128xi32, #tpu.memory_space<vmem>> -> memref<40x128xi32, #tpu.memory_space<vmem>>
        %dma_wait3A_95 = arith.constant 0 : i32
        %dma_wait3A_96 = tpu.memref_slice %arg3[%add3A_16, %dma_wait3A_95] : memref<2560x128xi32, #tpu.memory_space<hbm>> -> memref<40x128xi32, #tpu.memory_space<hbm>>
        %dma_wait3A_97 = arith.constant 0 : i32
        %dma_wait3A_98 = arith.constant 0 : i32
        %dma_wait3A_99 = tpu.memref_slice %arg8[%dma_wait3A_97, %dma_wait3A_98] : memref<40x128xi32, #tpu.memory_space<vmem>> -> memref<40x128xi32, #tpu.memory_space<vmem>>
        %dma_wait3A_100 = arith.constant 0 : i32
        %dma_wait3A_101 = tpu.memref_slice %arg3[%add3A_16, %dma_wait3A_100] : memref<2560x128xi32, #tpu.memory_space<hbm>> -> memref<40x128xi32, #tpu.memory_space<hbm>>
        tpu.wait_dma2 semaphore(%run_scoped3A_81 : memref<!tpu.dma_semaphore, #tpu.memory_space<semaphore_mem>>) src(%dma_wait3A_101 : memref<40x128xi32, #tpu.memory_space<hbm>>) dst(%dma_wait3A_99 : memref<40x128xi32, #tpu.memory_space<vmem>>)
        tpu.yield
      }) : () -> ()
      "tpu.region"() ({
        %run_scoped3A_81 = tpu.sem_alloc : memref<!tpu.dma_semaphore, #tpu.memory_space<semaphore_mem>>
        %dma_start3A_82 = arith.constant 0 : i32
        %dma_start3A_83 = arith.constant 0 : i32
        %dma_start3A_84 = tpu.memref_slice %arg9[%dma_start3A_82, %dma_start3A_83] : memref<40x128xi32, #tpu.memory_space<vmem>> -> memref<40x128xi32, #tpu.memory_space<vmem>>
        %dma_start3A_85 = arith.constant 0 : i32
        %dma_start3A_86 = tpu.memref_slice %arg4[%add3A_16, %dma_start3A_85] : memref<2560x128xi32, #tpu.memory_space<hbm>> -> memref<40x128xi32, #tpu.memory_space<hbm>>
        %dma_start3A_87 = arith.constant 0 : i32
        %dma_start3A_88 = arith.constant 0 : i32
        %dma_start3A_89 = tpu.memref_slice %arg9[%dma_start3A_87, %dma_start3A_88] : memref<40x128xi32, #tpu.memory_space<vmem>> -> memref<40x128xi32, #tpu.memory_space<vmem>>
        %dma_start3A_90 = arith.constant 0 : i32
        %dma_start3A_91 = tpu.memref_slice %arg4[%add3A_16, %dma_start3A_90] : memref<2560x128xi32, #tpu.memory_space<hbm>> -> memref<40x128xi32, #tpu.memory_space<hbm>>
        tpu.enqueue_dma source(%dma_start3A_91 : memref<40x128xi32, #tpu.memory_space<hbm>>) target(%dma_start3A_89 : memref<40x128xi32, #tpu.memory_space<vmem>>) target_semaphore(%run_scoped3A_81 : memref<!tpu.dma_semaphore, #tpu.memory_space<semaphore_mem>>)
        %dma_wait3A_92 = arith.constant 0 : i32
        %dma_wait3A_93 = arith.constant 0 : i32
        %dma_wait3A_94 = tpu.memref_slice %arg9[%dma_wait3A_92, %dma_wait3A_93] : memref<40x128xi32, #tpu.memory_space<vmem>> -> memref<40x128xi32, #tpu.memory_space<vmem>>
        %dma_wait3A_95 = arith.constant 0 : i32
        %dma_wait3A_96 = tpu.memref_slice %arg4[%add3A_16, %dma_wait3A_95] : memref<2560x128xi32, #tpu.memory_space<hbm>> -> memref<40x128xi32, #tpu.memory_space<hbm>>
        %dma_wait3A_97 = arith.constant 0 : i32
        %dma_wait3A_98 = arith.constant 0 : i32
        %dma_wait3A_99 = tpu.memref_slice %arg9[%dma_wait3A_97, %dma_wait3A_98] : memref<40x128xi32, #tpu.memory_space<vmem>> -> memref<40x128xi32, #tpu.memory_space<vmem>>
        %dma_wait3A_100 = arith.constant 0 : i32
        %dma_wait3A_101 = tpu.memref_slice %arg4[%add3A_16, %dma_wait3A_100] : memref<2560x128xi32, #tpu.memory_space<hbm>> -> memref<40x128xi32, #tpu.memory_space<hbm>>
        tpu.wait_dma2 semaphore(%run_scoped3A_81 : memref<!tpu.dma_semaphore, #tpu.memory_space<semaphore_mem>>) src(%dma_wait3A_101 : memref<40x128xi32, #tpu.memory_space<hbm>>) dst(%dma_wait3A_99 : memref<40x128xi32, #tpu.memory_space<vmem>>)
        tpu.yield
      }) : () -> ()
      %dma_start3A = arith.constant 0 : i32
      %dma_start3A_17 = arith.constant 0 : i32
      %dma_start3A_18 = tpu.memref_slice %arg8[%dma_start3A, %dma_start3A_17] : memref<40x128xi32, #tpu.memory_space<vmem>> -> memref<1x128xi32, #tpu.memory_space<vmem>>
      %dma_start3A_19 = tpu.memref_squeeze %dma_start3A_18 : memref<1x128xi32, #tpu.memory_space<vmem>> -> memref<128xi32, #tpu.memory_space<vmem>>
      %dma_start3A_20 = arith.constant 0 : i32
      %dma_start3A_21 = arith.constant 0 : i32
      %dma_start3A_22 = tpu.memref_slice %arg2[%dma_start3A_20, %dma_start3A_21] : memref<160000x128xf32, #tpu.memory_space<hbm>> -> memref<160000x128xf32, #tpu.memory_space<hbm>>
      tpu.enqueue_indirect_dma source(%dma_start3A_22 : memref<160000x128xf32, #tpu.memory_space<hbm>>) target(%arg10 : memref<128x128xf32, #tpu.memory_space<vmem>>) offsets(%dma_start3A_19 : memref<128xi32, #tpu.memory_space<vmem>>) semaphore(%arg12 : memref<!tpu.dma_semaphore, #tpu.memory_space<semaphore_mem>>)
      %dma_start3A_23 = arith.constant 1 : i32
      %dma_start3A_24 = arith.constant 0 : i32
      %dma_start3A_25 = tpu.memref_slice %arg8[%dma_start3A_23, %dma_start3A_24] : memref<40x128xi32, #tpu.memory_space<vmem>> -> memref<1x128xi32, #tpu.memory_space<vmem>>
      %dma_start3A_26 = tpu.memref_squeeze %dma_start3A_25 : memref<1x128xi32, #tpu.memory_space<vmem>> -> memref<128xi32, #tpu.memory_space<vmem>>
      %dma_start3A_27 = arith.constant 0 : i32
      %dma_start3A_28 = arith.constant 0 : i32
      %dma_start3A_29 = tpu.memref_slice %arg2[%dma_start3A_27, %dma_start3A_28] : memref<160000x128xf32, #tpu.memory_space<hbm>> -> memref<160000x128xf32, #tpu.memory_space<hbm>>
      tpu.enqueue_indirect_dma source(%dma_start3A_29 : memref<160000x128xf32, #tpu.memory_space<hbm>>) target(%arg11 : memref<128x128xf32, #tpu.memory_space<vmem>>) offsets(%dma_start3A_26 : memref<128xi32, #tpu.memory_space<vmem>>) semaphore(%arg13 : memref<!tpu.dma_semaphore, #tpu.memory_space<semaphore_mem>>)
      %scan3A = arith.constant 0 : i32
      %scan3A_30 = arith.constant 19 : i32
      %scan3A_31 = arith.addi %scan3A, %scan3A_30 : i32
      %scan3A_32 = arith.constant 1 : i32
      scf.for %scan3A_81 = %scan3A to %scan3A_31 step %scan3A_32  : i32 {
        %mul3A_82 = arith.constant 1 : i32
        %mul3A_83 = arith.muli %scan3A_81, %mul3A_82 : i32
        %add3A_84 = arith.constant 0 : i32
        %add3A_85 = arith.addi %add3A_84, %mul3A_83 : i32
        %mul3A_86 = arith.constant 2 : i32
        %mul3A_87 = arith.muli %mul3A_86, %add3A_85 : i32
        %dma_wait3A_88 = arith.constant 0 : i32
        %dma_wait3A_89 = arith.constant 0 : i32
        %dma_wait3A_90 = tpu.memref_slice %arg5[%dma_wait3A_88, %dma_wait3A_89] : memref<10112x128xf32, #tpu.memory_space<hbm>> -> memref<128x128xf32, #tpu.memory_space<hbm>>
        %dma_wait3A_91 = arith.constant 0 : i32
        %dma_wait3A_92 = arith.constant 0 : i32
        %dma_wait3A_93 = tpu.memref_slice %arg5[%dma_wait3A_91, %dma_wait3A_92] : memref<10112x128xf32, #tpu.memory_space<hbm>> -> memref<128x128xf32, #tpu.memory_space<hbm>>
        tpu.wait_dma2 semaphore(%arg12 : memref<!tpu.dma_semaphore, #tpu.memory_space<semaphore_mem>>) src(%dma_wait3A_93 : memref<128x128xf32, #tpu.memory_space<hbm>>) dst(%arg10 : memref<128x128xf32, #tpu.memory_space<vmem>>)
        "tpu.region"() ({
          %run_scoped3A_118 = tpu.sem_alloc : memref<!tpu.dma_semaphore, #tpu.memory_space<semaphore_mem>>
          %dma_start3A_119 = arith.constant 0 : i32
          %dma_start3A_120 = tpu.memref_slice %arg9[%mul3A_87, %dma_start3A_119] : memref<40x128xi32, #tpu.memory_space<vmem>> -> memref<1x128xi32, #tpu.memory_space<vmem>>
          %dma_start3A_121 = tpu.memref_squeeze %dma_start3A_120 : memref<1x128xi32, #tpu.memory_space<vmem>> -> memref<128xi32, #tpu.memory_space<vmem>>
          %dma_start3A_122 = arith.constant 0 : i32
          %dma_start3A_123 = arith.constant 0 : i32
          %dma_start3A_124 = tpu.memref_slice %arg7[%dma_start3A_122, %dma_start3A_123] : memref<10112x128xf32, #tpu.memory_space<vmem_shared>> -> memref<10112x128xf32, #tpu.memory_space<vmem_shared>>
          tpu.enqueue_indirect_dma source(%arg10 : memref<128x128xf32, #tpu.memory_space<vmem>>) target(%dma_start3A_124 : memref<10112x128xf32, #tpu.memory_space<vmem_shared>>) offsets(%dma_start3A_121 : memref<128xi32, #tpu.memory_space<vmem>>) semaphore(%run_scoped3A_118 : memref<!tpu.dma_semaphore, #tpu.memory_space<semaphore_mem>>) {add = true}
          %dma_wait3A_125 = arith.constant 0 : i32
          %dma_wait3A_126 = tpu.memref_slice %arg9[%mul3A_87, %dma_wait3A_125] : memref<40x128xi32, #tpu.memory_space<vmem>> -> memref<1x128xi32, #tpu.memory_space<vmem>>
          %dma_wait3A_127 = tpu.memref_squeeze %dma_wait3A_126 : memref<1x128xi32, #tpu.memory_space<vmem>> -> memref<128xi32, #tpu.memory_space<vmem>>
          %dma_wait3A_128 = arith.constant 0 : i32
          %dma_wait3A_129 = arith.constant 0 : i32
          %dma_wait3A_130 = tpu.memref_slice %arg7[%dma_wait3A_128, %dma_wait3A_129] : memref<10112x128xf32, #tpu.memory_space<vmem_shared>> -> memref<10112x128xf32, #tpu.memory_space<vmem_shared>>
          tpu.wait_indirect_dma semaphore(%run_scoped3A_118 : memref<!tpu.dma_semaphore, #tpu.memory_space<semaphore_mem>>) src(%arg10 : memref<128x128xf32, #tpu.memory_space<vmem>>) dst(%dma_wait3A_130 : memref<10112x128xf32, #tpu.memory_space<vmem_shared>>)
          tpu.yield
        }) : () -> ()
        %add3A_94 = arith.constant 2 : i32
        %add3A_95 = arith.addi %mul3A_87, %add3A_94 : i32
        %dma_start3A_96 = arith.constant 0 : i32
        %dma_start3A_97 = tpu.memref_slice %arg8[%add3A_95, %dma_start3A_96] : memref<40x128xi32, #tpu.memory_space<vmem>> -> memref<1x128xi32, #tpu.memory_space<vmem>>
        %dma_start3A_98 = tpu.memref_squeeze %dma_start3A_97 : memref<1x128xi32, #tpu.memory_space<vmem>> -> memref<128xi32, #tpu.memory_space<vmem>>
        %dma_start3A_99 = arith.constant 0 : i32
        %dma_start3A_100 = arith.constant 0 : i32
        %dma_start3A_101 = tpu.memref_slice %arg2[%dma_start3A_99, %dma_start3A_100] : memref<160000x128xf32, #tpu.memory_space<hbm>> -> memref<160000x128xf32, #tpu.memory_space<hbm>>
        tpu.enqueue_indirect_dma source(%dma_start3A_101 : memref<160000x128xf32, #tpu.memory_space<hbm>>) target(%arg10 : memref<128x128xf32, #tpu.memory_space<vmem>>) offsets(%dma_start3A_98 : memref<128xi32, #tpu.memory_space<vmem>>) semaphore(%arg12 : memref<!tpu.dma_semaphore, #tpu.memory_space<semaphore_mem>>)
        %dma_wait3A_102 = arith.constant 0 : i32
        %dma_wait3A_103 = arith.constant 0 : i32
        %dma_wait3A_104 = tpu.memref_slice %arg5[%dma_wait3A_102, %dma_wait3A_103] : memref<10112x128xf32, #tpu.memory_space<hbm>> -> memref<128x128xf32, #tpu.memory_space<hbm>>
        %dma_wait3A_105 = arith.constant 0 : i32
        %dma_wait3A_106 = arith.constant 0 : i32
        %dma_wait3A_107 = tpu.memref_slice %arg5[%dma_wait3A_105, %dma_wait3A_106] : memref<10112x128xf32, #tpu.memory_space<hbm>> -> memref<128x128xf32, #tpu.memory_space<hbm>>
        tpu.wait_dma2 semaphore(%arg13 : memref<!tpu.dma_semaphore, #tpu.memory_space<semaphore_mem>>) src(%dma_wait3A_107 : memref<128x128xf32, #tpu.memory_space<hbm>>) dst(%arg11 : memref<128x128xf32, #tpu.memory_space<vmem>>)
        %add3A_108 = arith.constant 1 : i32
        %add3A_109 = arith.addi %mul3A_87, %add3A_108 : i32
        "tpu.region"() ({
          %run_scoped3A_118 = tpu.sem_alloc : memref<!tpu.dma_semaphore, #tpu.memory_space<semaphore_mem>>
          %dma_start3A_119 = arith.constant 0 : i32
          %dma_start3A_120 = tpu.memref_slice %arg9[%add3A_109, %dma_start3A_119] : memref<40x128xi32, #tpu.memory_space<vmem>> -> memref<1x128xi32, #tpu.memory_space<vmem>>
          %dma_start3A_121 = tpu.memref_squeeze %dma_start3A_120 : memref<1x128xi32, #tpu.memory_space<vmem>> -> memref<128xi32, #tpu.memory_space<vmem>>
          %dma_start3A_122 = arith.constant 0 : i32
          %dma_start3A_123 = arith.constant 0 : i32
          %dma_start3A_124 = tpu.memref_slice %arg7[%dma_start3A_122, %dma_start3A_123] : memref<10112x128xf32, #tpu.memory_space<vmem_shared>> -> memref<10112x128xf32, #tpu.memory_space<vmem_shared>>
          tpu.enqueue_indirect_dma source(%arg11 : memref<128x128xf32, #tpu.memory_space<vmem>>) target(%dma_start3A_124 : memref<10112x128xf32, #tpu.memory_space<vmem_shared>>) offsets(%dma_start3A_121 : memref<128xi32, #tpu.memory_space<vmem>>) semaphore(%run_scoped3A_118 : memref<!tpu.dma_semaphore, #tpu.memory_space<semaphore_mem>>) {add = true}
          %dma_wait3A_125 = arith.constant 0 : i32
          %dma_wait3A_126 = tpu.memref_slice %arg9[%add3A_109, %dma_wait3A_125] : memref<40x128xi32, #tpu.memory_space<vmem>> -> memref<1x128xi32, #tpu.memory_space<vmem>>
          %dma_wait3A_127 = tpu.memref_squeeze %dma_wait3A_126 : memref<1x128xi32, #tpu.memory_space<vmem>> -> memref<128xi32, #tpu.memory_space<vmem>>
          %dma_wait3A_128 = arith.constant 0 : i32
          %dma_wait3A_129 = arith.constant 0 : i32
          %dma_wait3A_130 = tpu.memref_slice %arg7[%dma_wait3A_128, %dma_wait3A_129] : memref<10112x128xf32, #tpu.memory_space<vmem_shared>> -> memref<10112x128xf32, #tpu.memory_space<vmem_shared>>
          tpu.wait_indirect_dma semaphore(%run_scoped3A_118 : memref<!tpu.dma_semaphore, #tpu.memory_space<semaphore_mem>>) src(%arg11 : memref<128x128xf32, #tpu.memory_space<vmem>>) dst(%dma_wait3A_130 : memref<10112x128xf32, #tpu.memory_space<vmem_shared>>)
          tpu.yield
        }) : () -> ()
        %add3A_110 = arith.constant 3 : i32
        %add3A_111 = arith.addi %mul3A_87, %add3A_110 : i32
        %dma_start3A_112 = arith.constant 0 : i32
        %dma_start3A_113 = tpu.memref_slice %arg8[%add3A_111, %dma_start3A_112] : memref<40x128xi32, #tpu.memory_space<vmem>> -> memref<1x128xi32, #tpu.memory_space<vmem>>
        %dma_start3A_114 = tpu.memref_squeeze %dma_start3A_113 : memref<1x128xi32, #tpu.memory_space<vmem>> -> memref<128xi32, #tpu.memory_space<vmem>>
        %dma_start3A_115 = arith.constant 0 : i32
        %dma_start3A_116 = arith.constant 0 : i32
        %dma_start3A_117 = tpu.memref_slice %arg2[%dma_start3A_115, %dma_start3A_116] : memref<160000x128xf32, #tpu.memory_space<hbm>> -> memref<160000x128xf32, #tpu.memory_space<hbm>>
        tpu.enqueue_indirect_dma source(%dma_start3A_117 : memref<160000x128xf32, #tpu.memory_space<hbm>>) target(%arg11 : memref<128x128xf32, #tpu.memory_space<vmem>>) offsets(%dma_start3A_114 : memref<128xi32, #tpu.memory_space<vmem>>) semaphore(%arg13 : memref<!tpu.dma_semaphore, #tpu.memory_space<semaphore_mem>>)
      }
      %scan3A_33 = arith.constant 19 : i32
      %dma_wait3A = arith.constant 0 : i32
      %dma_wait3A_34 = arith.constant 0 : i32
      %dma_wait3A_35 = tpu.memref_slice %arg5[%dma_wait3A, %dma_wait3A_34] : memref<10112x128xf32, #tpu.memory_space<hbm>> -> memref<128x128xf32, #tpu.memory_space<hbm>>
      %dma_wait3A_36 = arith.constant 0 : i32
      %dma_wait3A_37 = arith.constant 0 : i32
      %dma_wait3A_38 = tpu.memref_slice %arg5[%dma_wait3A_36, %dma_wait3A_37] : memref<10112x128xf32, #tpu.memory_space<hbm>> -> memref<128x128xf32, #tpu.memory_space<hbm>>
      tpu.wait_dma2 semaphore(%arg12 : memref<!tpu.dma_semaphore, #tpu.memory_space<semaphore_mem>>) src(%dma_wait3A_38 : memref<128x128xf32, #tpu.memory_space<hbm>>) dst(%arg10 : memref<128x128xf32, #tpu.memory_space<vmem>>)
      %run_scoped3A = arith.constant 38 : i32
      "tpu.region"() ({
        %run_scoped3A_81 = tpu.sem_alloc : memref<!tpu.dma_semaphore, #tpu.memory_space<semaphore_mem>>
        %dma_start3A_82 = arith.constant 0 : i32
        %dma_start3A_83 = tpu.memref_slice %arg9[%run_scoped3A, %dma_start3A_82] : memref<40x128xi32, #tpu.memory_space<vmem>> -> memref<1x128xi32, #tpu.memory_space<vmem>>
        %dma_start3A_84 = tpu.memref_squeeze %dma_start3A_83 : memref<1x128xi32, #tpu.memory_space<vmem>> -> memref<128xi32, #tpu.memory_space<vmem>>
        %dma_start3A_85 = arith.constant 0 : i32
        %dma_start3A_86 = arith.constant 0 : i32
        %dma_start3A_87 = tpu.memref_slice %arg7[%dma_start3A_85, %dma_start3A_86] : memref<10112x128xf32, #tpu.memory_space<vmem_shared>> -> memref<10112x128xf32, #tpu.memory_space<vmem_shared>>
        tpu.enqueue_indirect_dma source(%arg10 : memref<128x128xf32, #tpu.memory_space<vmem>>) target(%dma_start3A_87 : memref<10112x128xf32, #tpu.memory_space<vmem_shared>>) offsets(%dma_start3A_84 : memref<128xi32, #tpu.memory_space<vmem>>) semaphore(%run_scoped3A_81 : memref<!tpu.dma_semaphore, #tpu.memory_space<semaphore_mem>>) {add = true}
        %dma_wait3A_88 = arith.constant 0 : i32
        %dma_wait3A_89 = tpu.memref_slice %arg9[%run_scoped3A, %dma_wait3A_88] : memref<40x128xi32, #tpu.memory_space<vmem>> -> memref<1x128xi32, #tpu.memory_space<vmem>>
        %dma_wait3A_90 = tpu.memref_squeeze %dma_wait3A_89 : memref<1x128xi32, #tpu.memory_space<vmem>> -> memref<128xi32, #tpu.memory_space<vmem>>
        %dma_wait3A_91 = arith.constant 0 : i32
        %dma_wait3A_92 = arith.constant 0 : i32
        %dma_wait3A_93 = tpu.memref_slice %arg7[%dma_wait3A_91, %dma_wait3A_92] : memref<10112x128xf32, #tpu.memory_space<vmem_shared>> -> memref<10112x128xf32, #tpu.memory_space<vmem_shared>>
        tpu.wait_indirect_dma semaphore(%run_scoped3A_81 : memref<!tpu.dma_semaphore, #tpu.memory_space<semaphore_mem>>) src(%arg10 : memref<128x128xf32, #tpu.memory_space<vmem>>) dst(%dma_wait3A_93 : memref<10112x128xf32, #tpu.memory_space<vmem_shared>>)
        tpu.yield
      }) : () -> ()
      %dma_wait3A_39 = arith.constant 0 : i32
      %dma_wait3A_40 = arith.constant 0 : i32
      %dma_wait3A_41 = tpu.memref_slice %arg5[%dma_wait3A_39, %dma_wait3A_40] : memref<10112x128xf32, #tpu.memory_space<hbm>> -> memref<128x128xf32, #tpu.memory_space<hbm>>
      %dma_wait3A_42 = arith.constant 0 : i32
      %dma_wait3A_43 = arith.constant 0 : i32
      %dma_wait3A_44 = tpu.memref_slice %arg5[%dma_wait3A_42, %dma_wait3A_43] : memref<10112x128xf32, #tpu.memory_space<hbm>> -> memref<128x128xf32, #tpu.memory_space<hbm>>
      tpu.wait_dma2 semaphore(%arg13 : memref<!tpu.dma_semaphore, #tpu.memory_space<semaphore_mem>>) src(%dma_wait3A_44 : memref<128x128xf32, #tpu.memory_space<hbm>>) dst(%arg11 : memref<128x128xf32, #tpu.memory_space<vmem>>)
      %run_scoped3A_45 = arith.constant 39 : i32
      "tpu.region"() ({
        %run_scoped3A_81 = tpu.sem_alloc : memref<!tpu.dma_semaphore, #tpu.memory_space<semaphore_mem>>
        %dma_start3A_82 = arith.constant 0 : i32
        %dma_start3A_83 = tpu.memref_slice %arg9[%run_scoped3A_45, %dma_start3A_82] : memref<40x128xi32, #tpu.memory_space<vmem>> -> memref<1x128xi32, #tpu.memory_space<vmem>>
        %dma_start3A_84 = tpu.memref_squeeze %dma_start3A_83 : memref<1x128xi32, #tpu.memory_space<vmem>> -> memref<128xi32, #tpu.memory_space<vmem>>
        %dma_start3A_85 = arith.constant 0 : i32
        %dma_start3A_86 = arith.constant 0 : i32
        %dma_start3A_87 = tpu.memref_slice %arg7[%dma_start3A_85, %dma_start3A_86] : memref<10112x128xf32, #tpu.memory_space<vmem_shared>> -> memref<10112x128xf32, #tpu.memory_space<vmem_shared>>
        tpu.enqueue_indirect_dma source(%arg11 : memref<128x128xf32, #tpu.memory_space<vmem>>) target(%dma_start3A_87 : memref<10112x128xf32, #tpu.memory_space<vmem_shared>>) offsets(%dma_start3A_84 : memref<128xi32, #tpu.memory_space<vmem>>) semaphore(%run_scoped3A_81 : memref<!tpu.dma_semaphore, #tpu.memory_space<semaphore_mem>>) {add = true}
        %dma_wait3A_88 = arith.constant 0 : i32
        %dma_wait3A_89 = tpu.memref_slice %arg9[%run_scoped3A_45, %dma_wait3A_88] : memref<40x128xi32, #tpu.memory_space<vmem>> -> memref<1x128xi32, #tpu.memory_space<vmem>>
        %dma_wait3A_90 = tpu.memref_squeeze %dma_wait3A_89 : memref<1x128xi32, #tpu.memory_space<vmem>> -> memref<128xi32, #tpu.memory_space<vmem>>
        %dma_wait3A_91 = arith.constant 0 : i32
        %dma_wait3A_92 = arith.constant 0 : i32
        %dma_wait3A_93 = tpu.memref_slice %arg7[%dma_wait3A_91, %dma_wait3A_92] : memref<10112x128xf32, #tpu.memory_space<vmem_shared>> -> memref<10112x128xf32, #tpu.memory_space<vmem_shared>>
        tpu.wait_indirect_dma semaphore(%run_scoped3A_81 : memref<!tpu.dma_semaphore, #tpu.memory_space<semaphore_mem>>) src(%arg11 : memref<128x128xf32, #tpu.memory_space<vmem>>) dst(%dma_wait3A_93 : memref<10112x128xf32, #tpu.memory_space<vmem_shared>>)
        tpu.yield
      }) : () -> ()
      %add3A_46 = arith.constant 40 : i32
      %add3A_47 = arith.addi %add3A_14, %add3A_46 : i32
      "tpu.region"() ({
        %run_scoped3A_81 = tpu.sem_alloc : memref<!tpu.dma_semaphore, #tpu.memory_space<semaphore_mem>>
        %dma_start3A_82 = arith.constant 0 : i32
        %dma_start3A_83 = arith.constant 0 : i32
        %dma_start3A_84 = tpu.memref_slice %arg8[%dma_start3A_82, %dma_start3A_83] : memref<40x128xi32, #tpu.memory_space<vmem>> -> memref<40x128xi32, #tpu.memory_space<vmem>>
        %dma_start3A_85 = arith.constant 0 : i32
        %dma_start3A_86 = tpu.memref_slice %arg3[%add3A_47, %dma_start3A_85] : memref<2560x128xi32, #tpu.memory_space<hbm>> -> memref<40x128xi32, #tpu.memory_space<hbm>>
        %dma_start3A_87 = arith.constant 0 : i32
        %dma_start3A_88 = arith.constant 0 : i32
        %dma_start3A_89 = tpu.memref_slice %arg8[%dma_start3A_87, %dma_start3A_88] : memref<40x128xi32, #tpu.memory_space<vmem>> -> memref<40x128xi32, #tpu.memory_space<vmem>>
        %dma_start3A_90 = arith.constant 0 : i32
        %dma_start3A_91 = tpu.memref_slice %arg3[%add3A_47, %dma_start3A_90] : memref<2560x128xi32, #tpu.memory_space<hbm>> -> memref<40x128xi32, #tpu.memory_space<hbm>>
        tpu.enqueue_dma source(%dma_start3A_91 : memref<40x128xi32, #tpu.memory_space<hbm>>) target(%dma_start3A_89 : memref<40x128xi32, #tpu.memory_space<vmem>>) target_semaphore(%run_scoped3A_81 : memref<!tpu.dma_semaphore, #tpu.memory_space<semaphore_mem>>)
        %dma_wait3A_92 = arith.constant 0 : i32
        %dma_wait3A_93 = arith.constant 0 : i32
        %dma_wait3A_94 = tpu.memref_slice %arg8[%dma_wait3A_92, %dma_wait3A_93] : memref<40x128xi32, #tpu.memory_space<vmem>> -> memref<40x128xi32, #tpu.memory_space<vmem>>
        %dma_wait3A_95 = arith.constant 0 : i32
        %dma_wait3A_96 = tpu.memref_slice %arg3[%add3A_47, %dma_wait3A_95] : memref<2560x128xi32, #tpu.memory_space<hbm>> -> memref<40x128xi32, #tpu.memory_space<hbm>>
        %dma_wait3A_97 = arith.constant 0 : i32
        %dma_wait3A_98 = arith.constant 0 : i32
        %dma_wait3A_99 = tpu.memref_slice %arg8[%dma_wait3A_97, %dma_wait3A_98] : memref<40x128xi32, #tpu.memory_space<vmem>> -> memref<40x128xi32, #tpu.memory_space<vmem>>
        %dma_wait3A_100 = arith.constant 0 : i32
        %dma_wait3A_101 = tpu.memref_slice %arg3[%add3A_47, %dma_wait3A_100] : memref<2560x128xi32, #tpu.memory_space<hbm>> -> memref<40x128xi32, #tpu.memory_space<hbm>>
        tpu.wait_dma2 semaphore(%run_scoped3A_81 : memref<!tpu.dma_semaphore, #tpu.memory_space<semaphore_mem>>) src(%dma_wait3A_101 : memref<40x128xi32, #tpu.memory_space<hbm>>) dst(%dma_wait3A_99 : memref<40x128xi32, #tpu.memory_space<vmem>>)
        tpu.yield
      }) : () -> ()
      "tpu.region"() ({
        %run_scoped3A_81 = tpu.sem_alloc : memref<!tpu.dma_semaphore, #tpu.memory_space<semaphore_mem>>
        %dma_start3A_82 = arith.constant 0 : i32
        %dma_start3A_83 = arith.constant 0 : i32
        %dma_start3A_84 = tpu.memref_slice %arg9[%dma_start3A_82, %dma_start3A_83] : memref<40x128xi32, #tpu.memory_space<vmem>> -> memref<40x128xi32, #tpu.memory_space<vmem>>
        %dma_start3A_85 = arith.constant 0 : i32
        %dma_start3A_86 = tpu.memref_slice %arg4[%add3A_47, %dma_start3A_85] : memref<2560x128xi32, #tpu.memory_space<hbm>> -> memref<40x128xi32, #tpu.memory_space<hbm>>
        %dma_start3A_87 = arith.constant 0 : i32
        %dma_start3A_88 = arith.constant 0 : i32
        %dma_start3A_89 = tpu.memref_slice %arg9[%dma_start3A_87, %dma_start3A_88] : memref<40x128xi32, #tpu.memory_space<vmem>> -> memref<40x128xi32, #tpu.memory_space<vmem>>
        %dma_start3A_90 = arith.constant 0 : i32
        %dma_start3A_91 = tpu.memref_slice %arg4[%add3A_47, %dma_start3A_90] : memref<2560x128xi32, #tpu.memory_space<hbm>> -> memref<40x128xi32, #tpu.memory_space<hbm>>
        tpu.enqueue_dma source(%dma_start3A_91 : memref<40x128xi32, #tpu.memory_space<hbm>>) target(%dma_start3A_89 : memref<40x128xi32, #tpu.memory_space<vmem>>) target_semaphore(%run_scoped3A_81 : memref<!tpu.dma_semaphore, #tpu.memory_space<semaphore_mem>>)
        %dma_wait3A_92 = arith.constant 0 : i32
        %dma_wait3A_93 = arith.constant 0 : i32
        %dma_wait3A_94 = tpu.memref_slice %arg9[%dma_wait3A_92, %dma_wait3A_93] : memref<40x128xi32, #tpu.memory_space<vmem>> -> memref<40x128xi32, #tpu.memory_space<vmem>>
        %dma_wait3A_95 = arith.constant 0 : i32
        %dma_wait3A_96 = tpu.memref_slice %arg4[%add3A_47, %dma_wait3A_95] : memref<2560x128xi32, #tpu.memory_space<hbm>> -> memref<40x128xi32, #tpu.memory_space<hbm>>
        %dma_wait3A_97 = arith.constant 0 : i32
        %dma_wait3A_98 = arith.constant 0 : i32
        %dma_wait3A_99 = tpu.memref_slice %arg9[%dma_wait3A_97, %dma_wait3A_98] : memref<40x128xi32, #tpu.memory_space<vmem>> -> memref<40x128xi32, #tpu.memory_space<vmem>>
        %dma_wait3A_100 = arith.constant 0 : i32
        %dma_wait3A_101 = tpu.memref_slice %arg4[%add3A_47, %dma_wait3A_100] : memref<2560x128xi32, #tpu.memory_space<hbm>> -> memref<40x128xi32, #tpu.memory_space<hbm>>
        tpu.wait_dma2 semaphore(%run_scoped3A_81 : memref<!tpu.dma_semaphore, #tpu.memory_space<semaphore_mem>>) src(%dma_wait3A_101 : memref<40x128xi32, #tpu.memory_space<hbm>>) dst(%dma_wait3A_99 : memref<40x128xi32, #tpu.memory_space<vmem>>)
        tpu.yield
      }) : () -> ()
      %dma_start3A_48 = arith.constant 0 : i32
      %dma_start3A_49 = arith.constant 0 : i32
      %dma_start3A_50 = tpu.memref_slice %arg8[%dma_start3A_48, %dma_start3A_49] : memref<40x128xi32, #tpu.memory_space<vmem>> -> memref<1x128xi32, #tpu.memory_space<vmem>>
      %dma_start3A_51 = tpu.memref_squeeze %dma_start3A_50 : memref<1x128xi32, #tpu.memory_space<vmem>> -> memref<128xi32, #tpu.memory_space<vmem>>
      %dma_start3A_52 = arith.constant 0 : i32
      %dma_start3A_53 = arith.constant 0 : i32
      %dma_start3A_54 = tpu.memref_slice %arg2[%dma_start3A_52, %dma_start3A_53] : memref<160000x128xf32, #tpu.memory_space<hbm>> -> memref<160000x128xf32, #tpu.memory_space<hbm>>
      tpu.enqueue_indirect_dma source(%dma_start3A_54 : memref<160000x128xf32, #tpu.memory_space<hbm>>) target(%arg10 : memref<128x128xf32, #tpu.memory_space<vmem>>) offsets(%dma_start3A_51 : memref<128xi32, #tpu.memory_space<vmem>>) semaphore(%arg12 : memref<!tpu.dma_semaphore, #tpu.memory_space<semaphore_mem>>)
      %dma_start3A_55 = arith.constant 1 : i32
      %dma_start3A_56 = arith.constant 0 : i32
      %dma_start3A_57 = tpu.memref_slice %arg8[%dma_start3A_55, %dma_start3A_56] : memref<40x128xi32, #tpu.memory_space<vmem>> -> memref<1x128xi32, #tpu.memory_space<vmem>>
      %dma_start3A_58 = tpu.memref_squeeze %dma_start3A_57 : memref<1x128xi32, #tpu.memory_space<vmem>> -> memref<128xi32, #tpu.memory_space<vmem>>
      %dma_start3A_59 = arith.constant 0 : i32
      %dma_start3A_60 = arith.constant 0 : i32
      %dma_start3A_61 = tpu.memref_slice %arg2[%dma_start3A_59, %dma_start3A_60] : memref<160000x128xf32, #tpu.memory_space<hbm>> -> memref<160000x128xf32, #tpu.memory_space<hbm>>
      tpu.enqueue_indirect_dma source(%dma_start3A_61 : memref<160000x128xf32, #tpu.memory_space<hbm>>) target(%arg11 : memref<128x128xf32, #tpu.memory_space<vmem>>) offsets(%dma_start3A_58 : memref<128xi32, #tpu.memory_space<vmem>>) semaphore(%arg13 : memref<!tpu.dma_semaphore, #tpu.memory_space<semaphore_mem>>)
      %scan3A_62 = arith.constant 0 : i32
      %scan3A_63 = arith.constant 19 : i32
      %scan3A_64 = arith.addi %scan3A_62, %scan3A_63 : i32
      %scan3A_65 = arith.constant 1 : i32
      scf.for %scan3A_81 = %scan3A_62 to %scan3A_64 step %scan3A_65  : i32 {
        %mul3A_82 = arith.constant 1 : i32
        %mul3A_83 = arith.muli %scan3A_81, %mul3A_82 : i32
        %add3A_84 = arith.constant 0 : i32
        %add3A_85 = arith.addi %add3A_84, %mul3A_83 : i32
        %mul3A_86 = arith.constant 2 : i32
        %mul3A_87 = arith.muli %mul3A_86, %add3A_85 : i32
        %dma_wait3A_88 = arith.constant 0 : i32
        %dma_wait3A_89 = arith.constant 0 : i32
        %dma_wait3A_90 = tpu.memref_slice %arg5[%dma_wait3A_88, %dma_wait3A_89] : memref<10112x128xf32, #tpu.memory_space<hbm>> -> memref<128x128xf32, #tpu.memory_space<hbm>>
        %dma_wait3A_91 = arith.constant 0 : i32
        %dma_wait3A_92 = arith.constant 0 : i32
        %dma_wait3A_93 = tpu.memref_slice %arg5[%dma_wait3A_91, %dma_wait3A_92] : memref<10112x128xf32, #tpu.memory_space<hbm>> -> memref<128x128xf32, #tpu.memory_space<hbm>>
        tpu.wait_dma2 semaphore(%arg12 : memref<!tpu.dma_semaphore, #tpu.memory_space<semaphore_mem>>) src(%dma_wait3A_93 : memref<128x128xf32, #tpu.memory_space<hbm>>) dst(%arg10 : memref<128x128xf32, #tpu.memory_space<vmem>>)
        "tpu.region"() ({
          %run_scoped3A_118 = tpu.sem_alloc : memref<!tpu.dma_semaphore, #tpu.memory_space<semaphore_mem>>
          %dma_start3A_119 = arith.constant 0 : i32
          %dma_start3A_120 = tpu.memref_slice %arg9[%mul3A_87, %dma_start3A_119] : memref<40x128xi32, #tpu.memory_space<vmem>> -> memref<1x128xi32, #tpu.memory_space<vmem>>
          %dma_start3A_121 = tpu.memref_squeeze %dma_start3A_120 : memref<1x128xi32, #tpu.memory_space<vmem>> -> memref<128xi32, #tpu.memory_space<vmem>>
          %dma_start3A_122 = arith.constant 0 : i32
          %dma_start3A_123 = arith.constant 0 : i32
          %dma_start3A_124 = tpu.memref_slice %arg7[%dma_start3A_122, %dma_start3A_123] : memref<10112x128xf32, #tpu.memory_space<vmem_shared>> -> memref<10112x128xf32, #tpu.memory_space<vmem_shared>>
          tpu.enqueue_indirect_dma source(%arg10 : memref<128x128xf32, #tpu.memory_space<vmem>>) target(%dma_start3A_124 : memref<10112x128xf32, #tpu.memory_space<vmem_shared>>) offsets(%dma_start3A_121 : memref<128xi32, #tpu.memory_space<vmem>>) semaphore(%run_scoped3A_118 : memref<!tpu.dma_semaphore, #tpu.memory_space<semaphore_mem>>) {add = true}
          %dma_wait3A_125 = arith.constant 0 : i32
          %dma_wait3A_126 = tpu.memref_slice %arg9[%mul3A_87, %dma_wait3A_125] : memref<40x128xi32, #tpu.memory_space<vmem>> -> memref<1x128xi32, #tpu.memory_space<vmem>>
          %dma_wait3A_127 = tpu.memref_squeeze %dma_wait3A_126 : memref<1x128xi32, #tpu.memory_space<vmem>> -> memref<128xi32, #tpu.memory_space<vmem>>
          %dma_wait3A_128 = arith.constant 0 : i32
          %dma_wait3A_129 = arith.constant 0 : i32
          %dma_wait3A_130 = tpu.memref_slice %arg7[%dma_wait3A_128, %dma_wait3A_129] : memref<10112x128xf32, #tpu.memory_space<vmem_shared>> -> memref<10112x128xf32, #tpu.memory_space<vmem_shared>>
          tpu.wait_indirect_dma semaphore(%run_scoped3A_118 : memref<!tpu.dma_semaphore, #tpu.memory_space<semaphore_mem>>) src(%arg10 : memref<128x128xf32, #tpu.memory_space<vmem>>) dst(%dma_wait3A_130 : memref<10112x128xf32, #tpu.memory_space<vmem_shared>>)
          tpu.yield
        }) : () -> ()
        %add3A_94 = arith.constant 2 : i32
        %add3A_95 = arith.addi %mul3A_87, %add3A_94 : i32
        %dma_start3A_96 = arith.constant 0 : i32
        %dma_start3A_97 = tpu.memref_slice %arg8[%add3A_95, %dma_start3A_96] : memref<40x128xi32, #tpu.memory_space<vmem>> -> memref<1x128xi32, #tpu.memory_space<vmem>>
        %dma_start3A_98 = tpu.memref_squeeze %dma_start3A_97 : memref<1x128xi32, #tpu.memory_space<vmem>> -> memref<128xi32, #tpu.memory_space<vmem>>
        %dma_start3A_99 = arith.constant 0 : i32
        %dma_start3A_100 = arith.constant 0 : i32
        %dma_start3A_101 = tpu.memref_slice %arg2[%dma_start3A_99, %dma_start3A_100] : memref<160000x128xf32, #tpu.memory_space<hbm>> -> memref<160000x128xf32, #tpu.memory_space<hbm>>
        tpu.enqueue_indirect_dma source(%dma_start3A_101 : memref<160000x128xf32, #tpu.memory_space<hbm>>) target(%arg10 : memref<128x128xf32, #tpu.memory_space<vmem>>) offsets(%dma_start3A_98 : memref<128xi32, #tpu.memory_space<vmem>>) semaphore(%arg12 : memref<!tpu.dma_semaphore, #tpu.memory_space<semaphore_mem>>)
        %dma_wait3A_102 = arith.constant 0 : i32
        %dma_wait3A_103 = arith.constant 0 : i32
        %dma_wait3A_104 = tpu.memref_slice %arg5[%dma_wait3A_102, %dma_wait3A_103] : memref<10112x128xf32, #tpu.memory_space<hbm>> -> memref<128x128xf32, #tpu.memory_space<hbm>>
        %dma_wait3A_105 = arith.constant 0 : i32
        %dma_wait3A_106 = arith.constant 0 : i32
        %dma_wait3A_107 = tpu.memref_slice %arg5[%dma_wait3A_105, %dma_wait3A_106] : memref<10112x128xf32, #tpu.memory_space<hbm>> -> memref<128x128xf32, #tpu.memory_space<hbm>>
        tpu.wait_dma2 semaphore(%arg13 : memref<!tpu.dma_semaphore, #tpu.memory_space<semaphore_mem>>) src(%dma_wait3A_107 : memref<128x128xf32, #tpu.memory_space<hbm>>) dst(%arg11 : memref<128x128xf32, #tpu.memory_space<vmem>>)
        %add3A_108 = arith.constant 1 : i32
        %add3A_109 = arith.addi %mul3A_87, %add3A_108 : i32
        "tpu.region"() ({
          %run_scoped3A_118 = tpu.sem_alloc : memref<!tpu.dma_semaphore, #tpu.memory_space<semaphore_mem>>
          %dma_start3A_119 = arith.constant 0 : i32
          %dma_start3A_120 = tpu.memref_slice %arg9[%add3A_109, %dma_start3A_119] : memref<40x128xi32, #tpu.memory_space<vmem>> -> memref<1x128xi32, #tpu.memory_space<vmem>>
          %dma_start3A_121 = tpu.memref_squeeze %dma_start3A_120 : memref<1x128xi32, #tpu.memory_space<vmem>> -> memref<128xi32, #tpu.memory_space<vmem>>
          %dma_start3A_122 = arith.constant 0 : i32
          %dma_start3A_123 = arith.constant 0 : i32
          %dma_start3A_124 = tpu.memref_slice %arg7[%dma_start3A_122, %dma_start3A_123] : memref<10112x128xf32, #tpu.memory_space<vmem_shared>> -> memref<10112x128xf32, #tpu.memory_space<vmem_shared>>
          tpu.enqueue_indirect_dma source(%arg11 : memref<128x128xf32, #tpu.memory_space<vmem>>) target(%dma_start3A_124 : memref<10112x128xf32, #tpu.memory_space<vmem_shared>>) offsets(%dma_start3A_121 : memref<128xi32, #tpu.memory_space<vmem>>) semaphore(%run_scoped3A_118 : memref<!tpu.dma_semaphore, #tpu.memory_space<semaphore_mem>>) {add = true}
          %dma_wait3A_125 = arith.constant 0 : i32
          %dma_wait3A_126 = tpu.memref_slice %arg9[%add3A_109, %dma_wait3A_125] : memref<40x128xi32, #tpu.memory_space<vmem>> -> memref<1x128xi32, #tpu.memory_space<vmem>>
          %dma_wait3A_127 = tpu.memref_squeeze %dma_wait3A_126 : memref<1x128xi32, #tpu.memory_space<vmem>> -> memref<128xi32, #tpu.memory_space<vmem>>
          %dma_wait3A_128 = arith.constant 0 : i32
          %dma_wait3A_129 = arith.constant 0 : i32
          %dma_wait3A_130 = tpu.memref_slice %arg7[%dma_wait3A_128, %dma_wait3A_129] : memref<10112x128xf32, #tpu.memory_space<vmem_shared>> -> memref<10112x128xf32, #tpu.memory_space<vmem_shared>>
          tpu.wait_indirect_dma semaphore(%run_scoped3A_118 : memref<!tpu.dma_semaphore, #tpu.memory_space<semaphore_mem>>) src(%arg11 : memref<128x128xf32, #tpu.memory_space<vmem>>) dst(%dma_wait3A_130 : memref<10112x128xf32, #tpu.memory_space<vmem_shared>>)
          tpu.yield
        }) : () -> ()
        %add3A_110 = arith.constant 3 : i32
        %add3A_111 = arith.addi %mul3A_87, %add3A_110 : i32
        %dma_start3A_112 = arith.constant 0 : i32
        %dma_start3A_113 = tpu.memref_slice %arg8[%add3A_111, %dma_start3A_112] : memref<40x128xi32, #tpu.memory_space<vmem>> -> memref<1x128xi32, #tpu.memory_space<vmem>>
        %dma_start3A_114 = tpu.memref_squeeze %dma_start3A_113 : memref<1x128xi32, #tpu.memory_space<vmem>> -> memref<128xi32, #tpu.memory_space<vmem>>
        %dma_start3A_115 = arith.constant 0 : i32
        %dma_start3A_116 = arith.constant 0 : i32
        %dma_start3A_117 = tpu.memref_slice %arg2[%dma_start3A_115, %dma_start3A_116] : memref<160000x128xf32, #tpu.memory_space<hbm>> -> memref<160000x128xf32, #tpu.memory_space<hbm>>
        tpu.enqueue_indirect_dma source(%dma_start3A_117 : memref<160000x128xf32, #tpu.memory_space<hbm>>) target(%arg11 : memref<128x128xf32, #tpu.memory_space<vmem>>) offsets(%dma_start3A_114 : memref<128xi32, #tpu.memory_space<vmem>>) semaphore(%arg13 : memref<!tpu.dma_semaphore, #tpu.memory_space<semaphore_mem>>)
      }
      %scan3A_66 = arith.constant 19 : i32
      %dma_wait3A_67 = arith.constant 0 : i32
      %dma_wait3A_68 = arith.constant 0 : i32
      %dma_wait3A_69 = tpu.memref_slice %arg5[%dma_wait3A_67, %dma_wait3A_68] : memref<10112x128xf32, #tpu.memory_space<hbm>> -> memref<128x128xf32, #tpu.memory_space<hbm>>
      %dma_wait3A_70 = arith.constant 0 : i32
      %dma_wait3A_71 = arith.constant 0 : i32
      %dma_wait3A_72 = tpu.memref_slice %arg5[%dma_wait3A_70, %dma_wait3A_71] : memref<10112x128xf32, #tpu.memory_space<hbm>> -> memref<128x128xf32, #tpu.memory_space<hbm>>
      tpu.wait_dma2 semaphore(%arg12 : memref<!tpu.dma_semaphore, #tpu.memory_space<semaphore_mem>>) src(%dma_wait3A_72 : memref<128x128xf32, #tpu.memory_space<hbm>>) dst(%arg10 : memref<128x128xf32, #tpu.memory_space<vmem>>)
      %run_scoped3A_73 = arith.constant 38 : i32
      "tpu.region"() ({
        %run_scoped3A_81 = tpu.sem_alloc : memref<!tpu.dma_semaphore, #tpu.memory_space<semaphore_mem>>
        %dma_start3A_82 = arith.constant 0 : i32
        %dma_start3A_83 = tpu.memref_slice %arg9[%run_scoped3A_73, %dma_start3A_82] : memref<40x128xi32, #tpu.memory_space<vmem>> -> memref<1x128xi32, #tpu.memory_space<vmem>>
        %dma_start3A_84 = tpu.memref_squeeze %dma_start3A_83 : memref<1x128xi32, #tpu.memory_space<vmem>> -> memref<128xi32, #tpu.memory_space<vmem>>
        %dma_start3A_85 = arith.constant 0 : i32
        %dma_start3A_86 = arith.constant 0 : i32
        %dma_start3A_87 = tpu.memref_slice %arg7[%dma_start3A_85, %dma_start3A_86] : memref<10112x128xf32, #tpu.memory_space<vmem_shared>> -> memref<10112x128xf32, #tpu.memory_space<vmem_shared>>
        tpu.enqueue_indirect_dma source(%arg10 : memref<128x128xf32, #tpu.memory_space<vmem>>) target(%dma_start3A_87 : memref<10112x128xf32, #tpu.memory_space<vmem_shared>>) offsets(%dma_start3A_84 : memref<128xi32, #tpu.memory_space<vmem>>) semaphore(%run_scoped3A_81 : memref<!tpu.dma_semaphore, #tpu.memory_space<semaphore_mem>>) {add = true}
        %dma_wait3A_88 = arith.constant 0 : i32
        %dma_wait3A_89 = tpu.memref_slice %arg9[%run_scoped3A_73, %dma_wait3A_88] : memref<40x128xi32, #tpu.memory_space<vmem>> -> memref<1x128xi32, #tpu.memory_space<vmem>>
        %dma_wait3A_90 = tpu.memref_squeeze %dma_wait3A_89 : memref<1x128xi32, #tpu.memory_space<vmem>> -> memref<128xi32, #tpu.memory_space<vmem>>
        %dma_wait3A_91 = arith.constant 0 : i32
        %dma_wait3A_92 = arith.constant 0 : i32
        %dma_wait3A_93 = tpu.memref_slice %arg7[%dma_wait3A_91, %dma_wait3A_92] : memref<10112x128xf32, #tpu.memory_space<vmem_shared>> -> memref<10112x128xf32, #tpu.memory_space<vmem_shared>>
        tpu.wait_indirect_dma semaphore(%run_scoped3A_81 : memref<!tpu.dma_semaphore, #tpu.memory_space<semaphore_mem>>) src(%arg10 : memref<128x128xf32, #tpu.memory_space<vmem>>) dst(%dma_wait3A_93 : memref<10112x128xf32, #tpu.memory_space<vmem_shared>>)
        tpu.yield
      }) : () -> ()
      %dma_wait3A_74 = arith.constant 0 : i32
      %dma_wait3A_75 = arith.constant 0 : i32
      %dma_wait3A_76 = tpu.memref_slice %arg5[%dma_wait3A_74, %dma_wait3A_75] : memref<10112x128xf32, #tpu.memory_space<hbm>> -> memref<128x128xf32, #tpu.memory_space<hbm>>
      %dma_wait3A_77 = arith.constant 0 : i32
      %dma_wait3A_78 = arith.constant 0 : i32
      %dma_wait3A_79 = tpu.memref_slice %arg5[%dma_wait3A_77, %dma_wait3A_78] : memref<10112x128xf32, #tpu.memory_space<hbm>> -> memref<128x128xf32, #tpu.memory_space<hbm>>
      tpu.wait_dma2 semaphore(%arg13 : memref<!tpu.dma_semaphore, #tpu.memory_space<semaphore_mem>>) src(%dma_wait3A_79 : memref<128x128xf32, #tpu.memory_space<hbm>>) dst(%arg11 : memref<128x128xf32, #tpu.memory_space<vmem>>)
      %run_scoped3A_80 = arith.constant 39 : i32
      "tpu.region"() ({
        %run_scoped3A_81 = tpu.sem_alloc : memref<!tpu.dma_semaphore, #tpu.memory_space<semaphore_mem>>
        %dma_start3A_82 = arith.constant 0 : i32
        %dma_start3A_83 = tpu.memref_slice %arg9[%run_scoped3A_80, %dma_start3A_82] : memref<40x128xi32, #tpu.memory_space<vmem>> -> memref<1x128xi32, #tpu.memory_space<vmem>>
        %dma_start3A_84 = tpu.memref_squeeze %dma_start3A_83 : memref<1x128xi32, #tpu.memory_space<vmem>> -> memref<128xi32, #tpu.memory_space<vmem>>
        %dma_start3A_85 = arith.constant 0 : i32
        %dma_start3A_86 = arith.constant 0 : i32
        %dma_start3A_87 = tpu.memref_slice %arg7[%dma_start3A_85, %dma_start3A_86] : memref<10112x128xf32, #tpu.memory_space<vmem_shared>> -> memref<10112x128xf32, #tpu.memory_space<vmem_shared>>
        tpu.enqueue_indirect_dma source(%arg11 : memref<128x128xf32, #tpu.memory_space<vmem>>) target(%dma_start3A_87 : memref<10112x128xf32, #tpu.memory_space<vmem_shared>>) offsets(%dma_start3A_84 : memref<128xi32, #tpu.memory_space<vmem>>) semaphore(%run_scoped3A_81 : memref<!tpu.dma_semaphore, #tpu.memory_space<semaphore_mem>>) {add = true}
        %dma_wait3A_88 = arith.constant 0 : i32
        %dma_wait3A_89 = tpu.memref_slice %arg9[%run_scoped3A_80, %dma_wait3A_88] : memref<40x128xi32, #tpu.memory_space<vmem>> -> memref<1x128xi32, #tpu.memory_space<vmem>>
        %dma_wait3A_90 = tpu.memref_squeeze %dma_wait3A_89 : memref<1x128xi32, #tpu.memory_space<vmem>> -> memref<128xi32, #tpu.memory_space<vmem>>
        %dma_wait3A_91 = arith.constant 0 : i32
        %dma_wait3A_92 = arith.constant 0 : i32
        %dma_wait3A_93 = tpu.memref_slice %arg7[%dma_wait3A_91, %dma_wait3A_92] : memref<10112x128xf32, #tpu.memory_space<vmem_shared>> -> memref<10112x128xf32, #tpu.memory_space<vmem_shared>>
        tpu.wait_indirect_dma semaphore(%run_scoped3A_81 : memref<!tpu.dma_semaphore, #tpu.memory_space<semaphore_mem>>) src(%arg11 : memref<128x128xf32, #tpu.memory_space<vmem>>) dst(%dma_wait3A_93 : memref<10112x128xf32, #tpu.memory_space<vmem_shared>>)
        tpu.yield
      }) : () -> ()
    } else {
    }
    %barrier3A_10 = arith.constant 0 : index
    tpu.barrier barrier_id(%barrier3A_10)
    "tpu.region"() ({
      %run_scoped3A = tpu.sem_alloc : memref<!tpu.dma_semaphore, #tpu.memory_space<semaphore_mem>>
      %dma_start3A = arith.constant 0 : i32
      %dma_start3A_11 = tpu.memref_slice %arg6[%arg0, %mul3A_2, %dma_start3A] : memref<2x10112x128xf32, #tpu.memory_space<hbm>> -> memref<1x632x128xf32, #tpu.memory_space<hbm>>
      %dma_start3A_12 = tpu.memref_squeeze %dma_start3A_11 : memref<1x632x128xf32, #tpu.memory_space<hbm>> -> memref<632x128xf32, #tpu.memory_space<hbm>>
      %dma_start3A_13 = arith.constant 0 : i32
      %dma_start3A_14 = tpu.memref_slice %arg7[%mul3A_2, %dma_start3A_13] : memref<10112x128xf32, #tpu.memory_space<vmem_shared>> -> memref<632x128xf32, #tpu.memory_space<vmem_shared>>
      tpu.enqueue_dma source(%dma_start3A_14 : memref<632x128xf32, #tpu.memory_space<vmem_shared>>) target(%dma_start3A_12 : memref<632x128xf32, #tpu.memory_space<hbm>>) target_semaphore(%run_scoped3A : memref<!tpu.dma_semaphore, #tpu.memory_space<semaphore_mem>>)
      %dma_wait3A = arith.constant 0 : i32
      %dma_wait3A_15 = tpu.memref_slice %arg6[%arg0, %mul3A_2, %dma_wait3A] : memref<2x10112x128xf32, #tpu.memory_space<hbm>> -> memref<1x632x128xf32, #tpu.memory_space<hbm>>
      %dma_wait3A_16 = tpu.memref_squeeze %dma_wait3A_15 : memref<1x632x128xf32, #tpu.memory_space<hbm>> -> memref<632x128xf32, #tpu.memory_space<hbm>>
      %dma_wait3A_17 = arith.constant 0 : i32
      %dma_wait3A_18 = tpu.memref_slice %arg7[%mul3A_2, %dma_wait3A_17] : memref<10112x128xf32, #tpu.memory_space<vmem_shared>> -> memref<632x128xf32, #tpu.memory_space<vmem_shared>>
      tpu.wait_dma2 semaphore(%run_scoped3A : memref<!tpu.dma_semaphore, #tpu.memory_space<semaphore_mem>>) src(%dma_wait3A_18 : memref<632x128xf32, #tpu.memory_space<vmem_shared>>) dst(%dma_wait3A_16 : memref<632x128xf32, #tpu.memory_space<hbm>>)
      tpu.yield
    }) : () -> ()
    return
  }
}

module attributes {stable_mosaic.version = 14 : i64} {
  func.func @_eidx_body(%arg0: memref<2560x128xi32, #tpu.memory_space<vmem>>, %arg1: memref<2560x128xi32, #tpu.memory_space<vmem>>, %arg2: memref<2560x128xi32, #tpu.memory_space<vmem>>) attributes {dimension_semantics = [], scalar_prefetch = 0 : i64, scratch_operands = 0 : i64, tpu.core_type = #tpu.core_type<tc>} {
    %get3A = arith.constant 0 : index
    %get3A_0 = arith.constant 0 : index
    %get3A_1 = vector.load %arg1[%get3A, %get3A_0] : memref<2560x128xi32, #tpu.memory_space<vmem>>, vector<2560x128xi32>
    %mul3A = arith.constant 10000 : i32
    %mul3A_2 = vector.broadcast %mul3A : i32 to vector<2560x128xi32>
    %mul3A_3 = arith.muli %get3A_1, %mul3A_2 : vector<2560x128xi32>
    %get3A_4 = arith.constant 0 : index
    %get3A_5 = arith.constant 0 : index
    %get3A_6 = vector.load %arg0[%get3A_4, %get3A_5] : memref<2560x128xi32, #tpu.memory_space<vmem>>, vector<2560x128xi32>
    %add3A = arith.addi %mul3A_3, %get3A_6 : vector<2560x128xi32>
    %swap3A = arith.constant 0 : index
    %swap3A_7 = arith.constant 0 : index
    %swap3A_8 = vector.load %arg2[%swap3A, %swap3A_7] : memref<2560x128xi32, #tpu.memory_space<vmem>>, vector<2560x128xi32>
    tpu.vector_store %arg2[%swap3A, %swap3A_7], %add3A {strides = array<i32>} : memref<2560x128xi32, #tpu.memory_space<vmem>>, vector<2560x128xi32>,
    return
  }
}

module attributes {stable_mosaic.version = 14 : i64} {
  func.func @_xr_body(%arg0: i32, %arg1: memref<400x128xf32, #tpu.memory_space<vmem>>, %arg2: memref<16x128xf32, #tpu.memory_space<vmem>>, %arg3: memref<16x400x128xf32, #tpu.memory_space<vmem>>) attributes {dimension_semantics = [#tpu.dimension_semantics<arbitrary>], iteration_bounds = array<i64: 25>, scalar_prefetch = 0 : i64, scratch_operands = 0 : i64, tpu.core_type = #tpu.core_type<tc>, window_params = [{transform_indices = @transform_0, window_bounds = array<i64: 400, 128>}, {pipeline_mode = #tpu.pipeline_mode<synchronous>, transform_indices = @transform_1, window_bounds = array<i64: 16, 128>}, {transform_indices = @transform_2, window_bounds = array<i64: 16, 400, 128>}]} {
    %get3A = arith.constant 0 : index
    %get3A_0 = arith.constant 0 : index
    %get3A_1 = vector.load %arg2[%get3A, %get3A_0] : memref<16x128xf32, #tpu.memory_space<vmem>>, vector<16x128xf32>
    %broadcast_in_dim3A = vector.shape_cast %get3A_1 : vector<16x128xf32> to vector<16x1x128xf32>
    %get3A_2 = arith.constant 0 : index
    %get3A_3 = arith.constant 0 : index
    %get3A_4 = vector.load %arg1[%get3A_2, %get3A_3] : memref<400x128xf32, #tpu.memory_space<vmem>>, vector<400x128xf32>
    %broadcast_in_dim3A_5 = vector.shape_cast %get3A_4 : vector<400x128xf32> to vector<1x400x128xf32>
    %mul3A = vector.broadcast %broadcast_in_dim3A : vector<16x1x128xf32> to vector<16x400x128xf32>
    %mul3A_6 = vector.broadcast %broadcast_in_dim3A_5 : vector<1x400x128xf32> to vector<16x400x128xf32>
    %mul3A_7 = arith.mulf %mul3A, %mul3A_6 : vector<16x400x128xf32>
    %swap3A = arith.constant 0 : index
    %swap3A_8 = arith.constant 0 : index
    %swap3A_9 = arith.constant 0 : index
    %swap3A_10 = vector.load %arg3[%swap3A, %swap3A_8, %swap3A_9] : memref<16x400x128xf32, #tpu.memory_space<vmem>>, vector<16x400x128xf32>
    tpu.vector_store %arg3[%swap3A, %swap3A_8, %swap3A_9], %mul3A_7 {strides = array<i32>} : memref<16x400x128xf32, #tpu.memory_space<vmem>>, vector<16x400x128xf32>,
    return
  }
  func.func @transform_0(%arg0: i32) -> (i32, i32) {
    %c0_i32 = arith.constant 0 : i32
    %c0_i32_0 = arith.constant 0 : i32
    return %arg0, %c0_i32 : i32, i32
  }
  func.func @transform_1(%arg0: i32) -> (i32, i32) {
    %c0_i32 = arith.constant 0 : i32
    %c0_i32_0 = arith.constant 0 : i32
    %c0_i32_1 = arith.constant 0 : i32
    return %c0_i32, %c0_i32_0 : i32, i32
  }
  func.func @transform_2(%arg0: i32) -> (i32, i32, i32) {
    %c0_i32 = arith.constant 0 : i32
    %c0_i32_0 = arith.constant 0 : i32
    %c0_i32_1 = arith.constant 0 : i32
    return %c0_i32, %arg0, %c0_i32_0 : i32, i32, i32
  }
}

module attributes {stable_mosaic.version = 14 : i64} {
  func.func @body(%arg0: i32, %arg1: memref<2x400x128xf32, #tpu.memory_space<vmem>>, %arg2: memref<2x400x128xf32, #tpu.memory_space<vmem>>, %arg3: memref<400x128xf32, #tpu.memory_space<vmem>>, %arg4: memref<128x128xf32, #tpu.memory_space<vmem>>, %arg5: memref<1x128xf32, #tpu.memory_space<vmem>>, %arg6: memref<1x1xf32, #tpu.memory_space<vmem>>, %arg7: memref<128x128xf32, #tpu.memory_space<vmem>>, %arg8: memref<1x128xf32, #tpu.memory_space<vmem>>, %arg9: memref<400x128xf32, #tpu.memory_space<vmem>>, %arg10: memref<16x400x128xf32, #tpu.memory_space<vmem>>) attributes {dimension_semantics = [#tpu.dimension_semantics<arbitrary>], iteration_bounds = array<i64: 25>, scalar_prefetch = 0 : i64, scratch_operands = 0 : i64, tpu.core_type = #tpu.core_type<tc>, window_params = [{transform_indices = @transform_0, window_bounds = array<i64: 2, 400, 128>}, {transform_indices = @transform_1, window_bounds = array<i64: 2, 400, 128>}, {transform_indices = @transform_2, window_bounds = array<i64: 400, 128>}, {pipeline_mode = #tpu.pipeline_mode<synchronous>, transform_indices = @transform_3, window_bounds = array<i64: 128, 128>}, {pipeline_mode = #tpu.pipeline_mode<synchronous>, transform_indices = @transform_4, window_bounds = array<i64: 1, 128>}, {pipeline_mode = #tpu.pipeline_mode<synchronous>, transform_indices = @transform_5, window_bounds = array<i64: 1, 1>}, {pipeline_mode = #tpu.pipeline_mode<synchronous>, transform_indices = @transform_6, window_bounds = array<i64: 128, 128>}, {pipeline_mode = #tpu.pipeline_mode<synchronous>, transform_indices = @transform_7, window_bounds = array<i64: 1, 128>}, {transform_indices = @transform_8, window_bounds = array<i64: 400, 128>}, {transform_indices = @transform_9, window_bounds = array<i64: 16, 400, 128>}]} {
    %get3A = arith.constant 0 : index
    %get3A_0 = arith.constant 0 : index
    %get3A_1 = arith.constant 0 : index
    %get3A_2 = vector.load %arg2[%get3A, %get3A_0, %get3A_1] : memref<2x400x128xf32, #tpu.memory_space<vmem>>, vector<1x400x1xf32>
    %get3A_3 = vector.shape_cast %get3A_2 : vector<1x400x1xf32> to vector<400x1xf32>
    %get3A_4 = arith.constant 1 : index
    %get3A_5 = arith.constant 0 : index
    %get3A_6 = arith.constant 0 : index
    %get3A_7 = vector.load %arg2[%get3A_4, %get3A_5, %get3A_6] : memref<2x400x128xf32, #tpu.memory_space<vmem>>, vector<1x400x1xf32>
    %get3A_8 = vector.shape_cast %get3A_7 : vector<1x400x1xf32> to vector<400x1xf32>
    %add3A = arith.addf %get3A_3, %get3A_8 : vector<400x1xf32>
    %max3A = arith.constant 1.000000e+00 : f32
    %max3A_9 = vector.broadcast %max3A : f32 to vector<400x1xf32>
    %max3A_10 = arith.maximumf %add3A, %max3A_9 : vector<400x1xf32>
    %get3A_11 = arith.constant 0 : index
    %get3A_12 = arith.constant 0 : index
    %get3A_13 = arith.constant 0 : index
    %get3A_14 = vector.load %arg1[%get3A_11, %get3A_12, %get3A_13] : memref<2x400x128xf32, #tpu.memory_space<vmem>>, vector<1x400x128xf32>
    %get3A_15 = vector.shape_cast %get3A_14 : vector<1x400x128xf32> to vector<400x128xf32>
    %get3A_16 = arith.constant 1 : index
    %get3A_17 = arith.constant 0 : index
    %get3A_18 = arith.constant 0 : index
    %get3A_19 = vector.load %arg1[%get3A_16, %get3A_17, %get3A_18] : memref<2x400x128xf32, #tpu.memory_space<vmem>>, vector<1x400x128xf32>
    %get3A_20 = vector.shape_cast %get3A_19 : vector<1x400x128xf32> to vector<400x128xf32>
    %add3A_21 = arith.addf %get3A_15, %get3A_20 : vector<400x128xf32>
    %div3A = vector.broadcast %max3A_10 : vector<400x1xf32> to vector<400x128xf32>
    %div3A_22 = arith.divf %add3A_21, %div3A : vector<400x128xf32>
    %get3A_23 = arith.constant 0 : index
    %get3A_24 = arith.constant 0 : index
    %get3A_25 = vector.load %arg4[%get3A_23, %get3A_24] : memref<128x128xf32, #tpu.memory_space<vmem>>, vector<128x128xf32>
    %dot_general3A = arith.constant dense<0.000000e+00> : vector<400x128xf32>
    %dot_general3A_26 = tpu.matmul %div3A_22, %get3A_25, %dot_general3A {dimension_numbers = #tpu.dot_dimension_numbers<[1], [0], [0], [1], [0, 0, 1, 1], [], []>, transpose_lhs_hint = false} : vector<400x128xf32>, vector<128x128xf32>, vector<400x128xf32> -> vector<400x128xf32>
    %get3A_27 = arith.constant 0 : index
    %get3A_28 = arith.constant 0 : index
    %get3A_29 = vector.load %arg5[%get3A_27, %get3A_28] : memref<1x128xf32, #tpu.memory_space<vmem>>, vector<1x128xf32>
    %add3A_30 = vector.broadcast %get3A_29 : vector<1x128xf32> to vector<400x128xf32>
    %add3A_31 = arith.addf %dot_general3A_26, %add3A_30 : vector<400x128xf32>
    %max3A_32 = arith.constant 0.000000e+00 : f32
    %max3A_33 = vector.broadcast %max3A_32 : f32 to vector<400x128xf32>
    %max3A_34 = arith.maximumf %add3A_31, %max3A_33 : vector<400x128xf32>
    %get3A_35 = arith.constant 0 : index
    %get3A_36 = arith.constant 0 : index
    %get3A_37 = vector.load %arg3[%get3A_35, %get3A_36] : memref<400x128xf32, #tpu.memory_space<vmem>>, vector<400x128xf32>
    %get3A_38 = arith.constant 0 : index
    %get3A_39 = arith.constant 0 : index
    %get3A_40 = vector.load %arg6[%get3A_38, %get3A_39] : memref<1x1xf32, #tpu.memory_space<vmem>>, vector<1x1xf32>
    %get3A_41 = vector.extract %get3A_40[0, 0] : f32 from vector<1x1xf32>
    %mul3A = vector.broadcast %get3A_41 : f32 to vector<400x128xf32>
    %mul3A_42 = arith.mulf %mul3A, %max3A_34 : vector<400x128xf32>
    %add3A_43 = arith.addf %get3A_37, %mul3A_42 : vector<400x128xf32>
    %swap3A = arith.constant 0 : index
    %swap3A_44 = arith.constant 0 : index
    %swap3A_45 = vector.load %arg9[%swap3A, %swap3A_44] : memref<400x128xf32, #tpu.memory_space<vmem>>, vector<400x128xf32>
    tpu.vector_store %arg9[%swap3A, %swap3A_44], %add3A_43 {strides = array<i32>} : memref<400x128xf32, #tpu.memory_space<vmem>>, vector<400x128xf32>,
    %get3A_46 = arith.constant 0 : index
    %get3A_47 = arith.constant 0 : index
    %get3A_48 = vector.load %arg7[%get3A_46, %get3A_47] : memref<128x128xf32, #tpu.memory_space<vmem>>, vector<128x128xf32>
    %slice3A = vector.extract_strided_slice %get3A_48 {offsets = [0, 0], sizes = [16, 128], strides = [1, 1]} : vector<128x128xf32> to vector<16x128xf32>
    %broadcast_in_dim3A = vector.shape_cast %slice3A : vector<16x128xf32> to vector<16x1x128xf32>
    %broadcast_in_dim3A_49 = vector.shape_cast %add3A_43 : vector<400x128xf32> to vector<1x400x128xf32>
    %mul3A_50 = vector.broadcast %broadcast_in_dim3A : vector<16x1x128xf32> to vector<16x400x128xf32>
    %mul3A_51 = vector.broadcast %broadcast_in_dim3A_49 : vector<1x400x128xf32> to vector<16x400x128xf32>
    %mul3A_52 = arith.mulf %mul3A_50, %mul3A_51 : vector<16x400x128xf32>
    %swap3A_53 = arith.constant 0 : index
    %swap3A_54 = arith.constant 0 : index
    %swap3A_55 = arith.constant 0 : index
    %swap3A_56 = vector.load %arg10[%swap3A_53, %swap3A_54, %swap3A_55] : memref<16x400x128xf32, #tpu.memory_space<vmem>>, vector<16x400x128xf32>
    tpu.vector_store %arg10[%swap3A_53, %swap3A_54, %swap3A_55], %mul3A_52 {strides = array<i32>} : memref<16x400x128xf32, #tpu.memory_space<vmem>>, vector<16x400x128xf32>,
    return
  }
  func.func @transform_0(%arg0: i32) -> (i32, i32, i32) {
    %c0_i32 = arith.constant 0 : i32
    %c0_i32_0 = arith.constant 0 : i32
    %c0_i32_1 = arith.constant 0 : i32
    return %c0_i32, %arg0, %c0_i32_0 : i32, i32, i32
  }
  func.func @transform_1(%arg0: i32) -> (i32, i32, i32) {
    %c0_i32 = arith.constant 0 : i32
    %c0_i32_0 = arith.constant 0 : i32
    %c0_i32_1 = arith.constant 0 : i32
    return %c0_i32, %arg0, %c0_i32_0 : i32, i32, i32
  }
  func.func @transform_2(%arg0: i32) -> (i32, i32) {
    %c0_i32 = arith.constant 0 : i32
    %c0_i32_0 = arith.constant 0 : i32
    return %arg0, %c0_i32 : i32, i32
  }
  func.func @transform_3(%arg0: i32) -> (i32, i32) {
    %c0_i32 = arith.constant 0 : i32
    %c0_i32_0 = arith.constant 0 : i32
    %c0_i32_1 = arith.constant 0 : i32
    return %c0_i32, %c0_i32_0 : i32, i32
  }
  func.func @transform_4(%arg0: i32) -> (i32, i32) {
    %c0_i32 = arith.constant 0 : i32
    %c0_i32_0 = arith.constant 0 : i32
    %c0_i32_1 = arith.constant 0 : i32
    return %c0_i32, %c0_i32_0 : i32, i32
  }
  func.func @transform_5(%arg0: i32) -> (i32, i32) {
    %c0_i32 = arith.constant 0 : i32
    %c0_i32_0 = arith.constant 0 : i32
    %c0_i32_1 = arith.constant 0 : i32
    return %c0_i32, %c0_i32_0 : i32, i32
  }
  func.func @transform_6(%arg0: i32) -> (i32, i32) {
    %c0_i32 = arith.constant 0 : i32
    %c0_i32_0 = arith.constant 0 : i32
    %c0_i32_1 = arith.constant 0 : i32
    return %c0_i32, %c0_i32_0 : i32, i32
  }
  func.func @transform_7(%arg0: i32) -> (i32, i32) {
    %c0_i32 = arith.constant 0 : i32
    %c0_i32_0 = arith.constant 0 : i32
    %c0_i32_1 = arith.constant 0 : i32
    return %c0_i32, %c0_i32_0 : i32, i32
  }
  func.func @transform_8(%arg0: i32) -> (i32, i32) {
    %c0_i32 = arith.constant 0 : i32
    %c0_i32_0 = arith.constant 0 : i32
    return %arg0, %c0_i32 : i32, i32
  }
  func.func @transform_9(%arg0: i32) -> (i32, i32, i32) {
    %c0_i32 = arith.constant 0 : i32
    %c0_i32_0 = arith.constant 0 : i32
    %c0_i32_1 = arith.constant 0 : i32
    return %c0_i32, %arg0, %c0_i32_0 : i32, i32, i32
  }
}

module attributes {stable_mosaic.version = 14 : i64} {
  func.func @body(%arg0: i32, %arg1: memref<2x400x128xf32, #tpu.memory_space<vmem>>, %arg2: memref<2x400x128xf32, #tpu.memory_space<vmem>>, %arg3: memref<400x128xf32, #tpu.memory_space<vmem>>, %arg4: memref<128x128xf32, #tpu.memory_space<vmem>>, %arg5: memref<1x128xf32, #tpu.memory_space<vmem>>, %arg6: memref<1x1xf32, #tpu.memory_space<vmem>>, %arg7: memref<128x128xf32, #tpu.memory_space<vmem>>, %arg8: memref<1x128xf32, #tpu.memory_space<vmem>>, %arg9: memref<400x128xf32, #tpu.memory_space<vmem>>) attributes {dimension_semantics = [#tpu.dimension_semantics<arbitrary>], iteration_bounds = array<i64: 25>, scalar_prefetch = 0 : i64, scratch_operands = 0 : i64, tpu.core_type = #tpu.core_type<tc>, window_params = [{transform_indices = @transform_0, window_bounds = array<i64: 2, 400, 128>}, {transform_indices = @transform_1, window_bounds = array<i64: 2, 400, 128>}, {transform_indices = @transform_2, window_bounds = array<i64: 400, 128>}, {pipeline_mode = #tpu.pipeline_mode<synchronous>, transform_indices = @transform_3, window_bounds = array<i64: 128, 128>}, {pipeline_mode = #tpu.pipeline_mode<synchronous>, transform_indices = @transform_4, window_bounds = array<i64: 1, 128>}, {pipeline_mode = #tpu.pipeline_mode<synchronous>, transform_indices = @transform_5, window_bounds = array<i64: 1, 1>}, {pipeline_mode = #tpu.pipeline_mode<synchronous>, transform_indices = @transform_6, window_bounds = array<i64: 128, 128>}, {pipeline_mode = #tpu.pipeline_mode<synchronous>, transform_indices = @transform_7, window_bounds = array<i64: 1, 128>}, {transform_indices = @transform_8, window_bounds = array<i64: 400, 128>}]} {
    %get3A = arith.constant 0 : index
    %get3A_0 = arith.constant 0 : index
    %get3A_1 = arith.constant 0 : index
    %get3A_2 = vector.load %arg2[%get3A, %get3A_0, %get3A_1] : memref<2x400x128xf32, #tpu.memory_space<vmem>>, vector<1x400x1xf32>
    %get3A_3 = vector.shape_cast %get3A_2 : vector<1x400x1xf32> to vector<400x1xf32>
    %get3A_4 = arith.constant 1 : index
    %get3A_5 = arith.constant 0 : index
    %get3A_6 = arith.constant 0 : index
    %get3A_7 = vector.load %arg2[%get3A_4, %get3A_5, %get3A_6] : memref<2x400x128xf32, #tpu.memory_space<vmem>>, vector<1x400x1xf32>
    %get3A_8 = vector.shape_cast %get3A_7 : vector<1x400x1xf32> to vector<400x1xf32>
    %add3A = arith.addf %get3A_3, %get3A_8 : vector<400x1xf32>
    %max3A = arith.constant 1.000000e+00 : f32
    %max3A_9 = vector.broadcast %max3A : f32 to vector<400x1xf32>
    %max3A_10 = arith.maximumf %add3A, %max3A_9 : vector<400x1xf32>
    %get3A_11 = arith.constant 0 : index
    %get3A_12 = arith.constant 0 : index
    %get3A_13 = arith.constant 0 : index
    %get3A_14 = vector.load %arg1[%get3A_11, %get3A_12, %get3A_13] : memref<2x400x128xf32, #tpu.memory_space<vmem>>, vector<1x400x128xf32>
    %get3A_15 = vector.shape_cast %get3A_14 : vector<1x400x128xf32> to vector<400x128xf32>
    %get3A_16 = arith.constant 1 : index
    %get3A_17 = arith.constant 0 : index
    %get3A_18 = arith.constant 0 : index
    %get3A_19 = vector.load %arg1[%get3A_16, %get3A_17, %get3A_18] : memref<2x400x128xf32, #tpu.memory_space<vmem>>, vector<1x400x128xf32>
    %get3A_20 = vector.shape_cast %get3A_19 : vector<1x400x128xf32> to vector<400x128xf32>
    %add3A_21 = arith.addf %get3A_15, %get3A_20 : vector<400x128xf32>
    %div3A = vector.broadcast %max3A_10 : vector<400x1xf32> to vector<400x128xf32>
    %div3A_22 = arith.divf %add3A_21, %div3A : vector<400x128xf32>
    %get3A_23 = arith.constant 0 : index
    %get3A_24 = arith.constant 0 : index
    %get3A_25 = vector.load %arg4[%get3A_23, %get3A_24] : memref<128x128xf32, #tpu.memory_space<vmem>>, vector<128x128xf32>
    %dot_general3A = arith.constant dense<0.000000e+00> : vector<400x128xf32>
    %dot_general3A_26 = tpu.matmul %div3A_22, %get3A_25, %dot_general3A {dimension_numbers = #tpu.dot_dimension_numbers<[1], [0], [0], [1], [0, 0, 1, 1], [], []>, transpose_lhs_hint = false} : vector<400x128xf32>, vector<128x128xf32>, vector<400x128xf32> -> vector<400x128xf32>
    %get3A_27 = arith.constant 0 : index
    %get3A_28 = arith.constant 0 : index
    %get3A_29 = vector.load %arg5[%get3A_27, %get3A_28] : memref<1x128xf32, #tpu.memory_space<vmem>>, vector<1x128xf32>
    %add3A_30 = vector.broadcast %get3A_29 : vector<1x128xf32> to vector<400x128xf32>
    %add3A_31 = arith.addf %dot_general3A_26, %add3A_30 : vector<400x128xf32>
    %max3A_32 = arith.constant 0.000000e+00 : f32
    %max3A_33 = vector.broadcast %max3A_32 : f32 to vector<400x128xf32>
    %max3A_34 = arith.maximumf %add3A_31, %max3A_33 : vector<400x128xf32>
    %get3A_35 = arith.constant 0 : index
    %get3A_36 = arith.constant 0 : index
    %get3A_37 = vector.load %arg3[%get3A_35, %get3A_36] : memref<400x128xf32, #tpu.memory_space<vmem>>, vector<400x128xf32>
    %get3A_38 = arith.constant 0 : index
    %get3A_39 = arith.constant 0 : index
    %get3A_40 = vector.load %arg6[%get3A_38, %get3A_39] : memref<1x1xf32, #tpu.memory_space<vmem>>, vector<1x1xf32>
    %get3A_41 = vector.extract %get3A_40[0, 0] : f32 from vector<1x1xf32>
    %mul3A = vector.broadcast %get3A_41 : f32 to vector<400x128xf32>
    %mul3A_42 = arith.mulf %mul3A, %max3A_34 : vector<400x128xf32>
    %add3A_43 = arith.addf %get3A_37, %mul3A_42 : vector<400x128xf32>
    %get3A_44 = arith.constant 0 : index
    %get3A_45 = arith.constant 0 : index
    %get3A_46 = vector.load %arg7[%get3A_44, %get3A_45] : memref<128x128xf32, #tpu.memory_space<vmem>>, vector<128x128xf32>
    %dot_general3A_47 = arith.constant dense<0.000000e+00> : vector<400x128xf32>
    %dot_general3A_48 = tpu.matmul %add3A_43, %get3A_46, %dot_general3A_47 {dimension_numbers = #tpu.dot_dimension_numbers<[1], [0], [0], [1], [0, 0, 1, 1], [], []>, transpose_lhs_hint = false} : vector<400x128xf32>, vector<128x128xf32>, vector<400x128xf32> -> vector<400x128xf32>
    %get3A_49 = arith.constant 0 : index
    %get3A_50 = arith.constant 0 : index
    %get3A_51 = vector.load %arg8[%get3A_49, %get3A_50] : memref<1x128xf32, #tpu.memory_space<vmem>>, vector<1x128xf32>
    %add3A_52 = vector.broadcast %get3A_51 : vector<1x128xf32> to vector<400x128xf32>
    %add3A_53 = arith.addf %dot_general3A_48, %add3A_52 : vector<400x128xf32>
    %swap3A = arith.constant 0 : index
    %swap3A_54 = arith.constant 0 : index
    %swap3A_55 = vector.load %arg9[%swap3A, %swap3A_54] : memref<400x128xf32, #tpu.memory_space<vmem>>, vector<400x128xf32>
    tpu.vector_store %arg9[%swap3A, %swap3A_54], %add3A_53 {strides = array<i32>} : memref<400x128xf32, #tpu.memory_space<vmem>>, vector<400x128xf32>,
    return
  }
  func.func @transform_0(%arg0: i32) -> (i32, i32, i32) {
    %c0_i32 = arith.constant 0 : i32
    %c0_i32_0 = arith.constant 0 : i32
    %c0_i32_1 = arith.constant 0 : i32
    return %c0_i32, %arg0, %c0_i32_0 : i32, i32, i32
  }
  func.func @transform_1(%arg0: i32) -> (i32, i32, i32) {
    %c0_i32 = arith.constant 0 : i32
    %c0_i32_0 = arith.constant 0 : i32
    %c0_i32_1 = arith.constant 0 : i32
    return %c0_i32, %arg0, %c0_i32_0 : i32, i32, i32
  }
  func.func @transform_2(%arg0: i32) -> (i32, i32) {
    %c0_i32 = arith.constant 0 : i32
    %c0_i32_0 = arith.constant 0 : i32
    return %arg0, %c0_i32 : i32, i32
  }
  func.func @transform_3(%arg0: i32) -> (i32, i32) {
    %c0_i32 = arith.constant 0 : i32
    %c0_i32_0 = arith.constant 0 : i32
    %c0_i32_1 = arith.constant 0 : i32
    return %c0_i32, %c0_i32_0 : i32, i32
  }
  func.func @transform_4(%arg0: i32) -> (i32, i32) {
    %c0_i32 = arith.constant 0 : i32
    %c0_i32_0 = arith.constant 0 : i32
    %c0_i32_1 = arith.constant 0 : i32
    return %c0_i32, %c0_i32_0 : i32, i32
  }
  func.func @transform_5(%arg0: i32) -> (i32, i32) {
    %c0_i32 = arith.constant 0 : i32
    %c0_i32_0 = arith.constant 0 : i32
    %c0_i32_1 = arith.constant 0 : i32
    return %c0_i32, %c0_i32_0 : i32, i32
  }
  func.func @transform_6(%arg0: i32) -> (i32, i32) {
    %c0_i32 = arith.constant 0 : i32
    %c0_i32_0 = arith.constant 0 : i32
    %c0_i32_1 = arith.constant 0 : i32
    return %c0_i32, %c0_i32_0 : i32, i32
  }
  func.func @transform_7(%arg0: i32) -> (i32, i32) {
    %c0_i32 = arith.constant 0 : i32
    %c0_i32_0 = arith.constant 0 : i32
    %c0_i32_1 = arith.constant 0 : i32
    return %c0_i32, %c0_i32_0 : i32, i32
  }
  func.func @transform_8(%arg0: i32) -> (i32, i32) {
    %c0_i32 = arith.constant 0 : i32
    %c0_i32_0 = arith.constant 0 : i32
    return %arg0, %c0_i32 : i32, i32
  }
}

</mosaic_0001>

<sc_bundles>
// kernel: kernel.12.cloned.1.call-start
scs
__scs_entry_jumppad:
0x0: {  	(pc) =	sbr.rel $0x88, $3  }
0x1: {  	(tag) =	ssettag $0x0;
	lr =	simm.s32 $0x1  }
0x2: {  	[smem:$0x3F95] =	sst lr;
	_ =	strace $0xD0000000  }
0x3: {  	_ = 	snop  }
0x4: {  	_ = 	snop  }
0x5: {  	_ = 	snop  }
0x6: {  	_ = 	snop  }
0x7: {  	_ = 	snop  }
__scs_overlays_trampoline_lowered:
0x8: {  	[smem:$0x3FA4] =	sst s0  }
0x9: {  	[smem:$0x3FA5] =	sst s1  }
0xa: {  	[smem:$0x3FA6] =	sst s2  }
0xb: {  	[smem:$0x3FA7] =	sst s3  }
0xc: {  	[smem:$0x3FA8] =	sst s4  }
0xd: {  	[smem:$0x3FA9] =	sst s5  }
0xe: {  	[smem:$0x3FAA] =	sst s6  }
0xf: {  	[smem:$0x3FAB] =	sst s7  }
0x10: {  	[smem:$0x3FAC] =	sst s8  }
0x11: {  	[smem:$0x3FAD] =	sst s9;
	s0 =	simm.s32 @!p0 $0x0  }
0x12: {  	s1 =	sld [smem:$0x3F93];
	s0 =	simm.s32 @p0 $0x1  }
0x13: {  	[smem:$0x3FAE] =	sst s0;
	s0 =	simm.s32 @!p1 $0x0  }
0x14: {  	s2 =	sld [smem:$0x3F92];
	s0 =	simm.s32 @p1 $0x1  }
0x15: {  	[smem:$0x3FAF] =	sst s0;
	s0 =	simm.s32 @!p2 $0x0  }
0x16: {  	s3 =	sld [smem:$0x3FDB];
	s0 =	simm.s32 @p2 $0x1  }
0x17: {  	s4 =	simm.s32 $0x1BF5;
	[smem:$0x3FB1] =	sst s0  }
0x18: {  	s0 =	sld [smem:$0x3F94];
	_ =	swait.ge [sflag:s4], $0x0  }
0x19: {  	s7 =	sld [smem:$0x3F95]  }
0x1a: {  	s8 =	sadd.s32 $0xFFFFE003, lr  }
0x1b: {  	s9 =	sadd.s32 $0xFFFFFEF7, lr;
	s5 =	simm.s32 $0xFFFFFFFF;
	p2 =	slt.u32 s8, $0xFFFFF086  }
0x1c: {  	p1 =	slt.u32 s9, $0xF7A;
	s5 =	simm.s32 @!p2 $0x0  }
0x1d: {  	s5 =	simm.s32 @p1 $0x1;
	p0 =	seq.s32 s7, s2  }
0x1e: {  	s7 =	smul.u32 @!p0 $0xF7A, s2;
	p2 =	seq.s32 @!p0 s5, $0x0  }
0x1f: {  	s9 =	smul.u32 $0xF7A, s1;
	s8 =	simm.s32 @!p0 $0x1BF5;
	p2 =	por !p2, p0  }
0x20: {  	[sflag:s8] =	ssyncset.s32 @!p0 $0xFFFFF086;
	s6 =	sadd.s32 @!p0 s3, s7;
	s7 =	simm.s32 @!p0 $0x108  }
0x21: {  	s3 =	sadd.s32 s3, s9;
	s6 =	sadd.s32 @!p0 $0x88, s6;
	s7 =	simm.s32 @p2 $0x1082  }
0x22: {  	[simem:s7], [sflag:s8] =	dma.local @!p0 [hbm:s6], $0xF7A  }
0x23: {  	s9 =	sor.u32 $0xD0000000, s2;
	s6 =	simm.s32 $0x108;
	_ =	swait.ge @!p0 [sflag:s8], $0x0  }
0x24: {  	s3 =	sadd.s32 $0x88, s3;
	s6 =	simm.s32 @!p1 $0x1082;
	[sflag:s4] =	ssyncset.s32 $0xFFFFF086  }
0x25: {  	[simem:s6], [sflag:s4] =	dma.local [hbm:s3], $0xF7A  }
0x26: {  	[smem:$0x3F95] =	sst s1;
	(tag) =	ssettag s2;
	_ =	strace s9  }
0x27: {  	s1 =	sld [smem:$0x3FA5]  }
0x28: {  	s2 =	sld [smem:$0x3FA6]  }
0x29: {  	s4 =	sld [smem:$0x3FA8]  }
0x2a: {  	p0 =	seq.s32 s5, $0x0;
	s5 =	sld [smem:$0x3FA9]  }
0x2b: {  	s6 =	sld [smem:$0x3FAA]  }
0x2c: {  	s7 =	sld [smem:$0x3FAB]  }
0x2d: {  	s3 =	simm.s32 $0x108;
	s8 =	sld [smem:$0x3FAC]  }
0x2e: {  	s3 =	simm.s32 @!p0 $0x1082;
	s9 =	sld [smem:$0x3FAD]  }
0x2f: {  	lr =	sadd.s32 s0, s3;
	s0 =	sld [smem:$0x3FA4]  }
0x30: {  	s3 =	sld [smem:$0x3FA7]  }
0x31: {  	[smem:$0x3FB0] =	sst s10  }
0x32: {  	s10 =	sld [smem:$0x3FAE];
	_ =	sdelay $0x3  }
0x33: {  	p0 =	seq.s32 s10, $0x1;
	s10 =	sld [smem:$0x3FB0];
	_ =	sdelay $0x3  }
0x34: {  	[smem:$0x3FB0] =	sst s10  }
0x35: {  	s10 =	sld [smem:$0x3FAF];
	_ =	sdelay $0x3  }
0x36: {  	p1 =	seq.s32 s10, $0x1;
	s10 =	sld [smem:$0x3FB0];
	_ =	sdelay $0x3  }
0x37: {  	[smem:$0x3FB0] =	sst s10  }
0x38: {  	s10 =	sld [smem:$0x3FB1]  }
0x39: {  	_ = 	snop;
	(pc) =	sbr.ind lr, $3  }
0x3a: {  	_ = 	snop  }
0x3b: {  	_ = 	snop  }
0x3c: {  	p2 =	seq.s32 s10, $0x1;
	s10 =	sld [smem:$0x3FB0]  }
0x3d: {  	_ =	shalt  }
0x3e: {  	_ =	shalt  }
0x3f: {  	_ =	shalt  }
0x40: {  	_ =	shalt  }
0x41: {  	_ =	shalt  }
0x42: {  	_ =	shalt  }
0x43: {  	_ =	shalt  }
0x44: {  	_ =	shalt  }
0x45: {  	_ =	shalt  }
0x46: {  	_ =	shalt  }
0x47: {  	_ =	shalt  }
0x48: {  	_ =	shalt  }
0x49: {  	_ =	shalt  }
0x4a: {  	_ =	shalt  }
0x4b: {  	_ =	shalt  }
0x4c: {  	_ =	shalt  }
0x4d: {  	_ =	shalt  }
0x4e: {  	_ =	shalt  }
0x4f: {  	_ =	shalt  }
0x50: {  	_ =	shalt  }
0x51: {  	_ =	shalt  }
0x52: {  	_ =	shalt  }
0x53: {  	_ =	shalt  }
0x54: {  	_ =	shalt  }
0x55: {  	_ =	shalt  }
0x56: {  	_ =	shalt  }
0x57: {  	_ =	shalt  }
0x58: {  	_ =	shalt  }
0x59: {  	_ =	shalt  }
0x5a: {  	_ =	shalt  }
0x5b: {  	_ =	shalt  }
0x5c: {  	_ =	shalt  }
0x5d: {  	_ =	shalt  }
0x5e: {  	_ =	shalt  }
0x5f: {  	_ =	shalt  }
0x60: {  	_ =	shalt  }
0x61: {  	_ =	shalt  }
0x62: {  	_ =	shalt  }
0x63: {  	_ =	shalt  }
0x64: {  	_ =	shalt  }
0x65: {  	_ =	shalt  }
0x66: {  	_ =	shalt  }
0x67: {  	_ =	shalt  }
0x68: {  	_ =	shalt  }
0x69: {  	_ =	shalt  }
0x6a: {  	_ =	shalt  }
0x6b: {  	_ =	shalt  }
0x6c: {  	_ =	shalt  }
0x6d: {  	_ =	shalt  }
0x6e: {  	_ =	shalt  }
0x6f: {  	_ =	shalt  }
0x70: {  	_ =	shalt  }
0x71: {  	_ =	shalt  }
0x72: {  	_ =	shalt  }
0x73: {  	_ =	shalt  }
0x74: {  	_ =	shalt  }
0x75: {  	_ =	shalt  }
0x76: {  	_ =	shalt  }
0x77: {  	_ =	shalt  }
0x78: {  	_ =	shalt  }
0x79: {  	_ =	shalt  }
0x7a: {  	_ =	shalt  }
0x7b: {  	_ =	shalt  }
0x7c: {  	_ =	shalt  }
0x7d: {  	_ =	shalt  }
0x7e: {  	_ =	shalt  }
0x7f: {  	_ =	shalt  }
0x80: {  	_ =	shalt  }
0x81: {  	_ =	shalt  }
0x82: {  	_ =	shalt  }
0x83: {  	_ =	shalt  }
0x84: {  	_ =	shalt  }
0x85: {  	_ =	shalt  }
0x86: {  	_ =	shalt  }
0x87: {  	_ =	shalt  }
.Lfunc_end0:
.L_simem_size_0:
called_computation.1_lowered:
.L_overlay_start_0:
0x88: {  	s2 =	sld [smem:$0x3FD9]  }
0x89: {  	s3 =	sld [smem:$0x3FFE];
	_ =	sdelay $0x1  }
0x8a: {  	s1 =	srdreg.scid  }
0x8b: {  	s0 =	sand.u32 $0x1, s1  }
0x8c: {  	s17 =	sshll.u32 s0, $0xA;
	s2 =	sadd.s32 s3, s2  }
0x8d: {  	s2 =	sadd.s32 s2, s17  }
0x8e: {  	[smem:$0x3FBC] =	sst s2  }
0x8f: {  	_ = 	snop  }
0x90: {  	s18 =	sld [smem:$0x3FD0];
	(tm) =	ssettm $0x1  }
0x91: {  	s19 =	sld [smem:$0x3FFB];
	_ =	sdelay $0x3  }
0x92: {  	_ =	strace s19  }
0x93: {  	s2 =	sld [smem:$0x3FFC];
	_ =	sdelay $0x3  }
0x94: {  	_ =	strace s2  }
0x95: {  	s2 =	sld [smem:$0x3FFD];
	_ =	sdelay $0x3  }
0x96: {  	_ =	strace s2  }
0x97: {  	_ =	strace $0x8FFFFFFF  }
0x98: {  	s20 =	sld [smem:$0x3FDB];
	_ =	sdelay $0x1  }
0x99: {  	s4 =	simm.s32 $_scs_section_size  }
0x9a: {  	s5 =	simm.s32 $_size__tile_overlayer_lowered;
	s6 =	simm.s32 $_tile_overlayer_lowered  }
0x9b: {  	s7 =	simm.s32 $0x1BFF;
	s21 =	sshll.u32 s6, $0x1;
	s4 =	sadd.s32 s4, s20  }
0x9c: {  	s22 =	simm.s32 $0x0;
	s5 =	sshll.u32 s5, $0x1;
	s6 =	sadd.s32 s21, s4  }
0x9d: {  	[timem:s22], [sflag:s7] =	dma.local [hbm:s6], s5  }
0x9e: {  	_ =	swait.ge [sflag:s7], s5  }
0x9f: {  	s5 =	ssub.s32 $0x0, s5;
	[sflag:s7] =	ssyncset.done $0x0  }
0xa0: {  	[sflag:s7] =	ssyncadd.s32 s5;
	_ =	sdelay $0x1  }
0xa1: {  	s23 =	simm.s32 $0x1B8B  }
0xa2: {  	_ =	swait.ge [sflag:s23], $0x1  }
0xa3: {  	[sflag:s23] =	ssyncset.done $0x0  }
0xa4: {  	[sflag:s23] =	ssyncadd.s32 $0xFFFFFFFF  }
0xa5: {  	s5 =	sld [smem:$0x0]  }
0xa6: {  	s6 =	sand.u32 $0xFFFFFFFE, s1  }
0xa7: {  	p0 =	sne.s32 s1, s6  }
0xa8: {  	s6 =	sshll.u32 @p0 s6, $0xE  }
0xa9: {  	s6 =	sadd.s32 @p0 $0x11B8D, s6;
	s7 =	sshll.u32 @p0 s5, $0x11  }
0xaa: {  	s6 =	sor.u32 @p0 s7, s6  }
0xab: {  	[sflag:s6] =	ssyncadd.remote.s32 @p0 $0x1;
	_ =	sdelay $0x1  }
0xac: {  	s6 =	simm.s32 @p0 $0x1B8D  }
0xad: {  	_ =	swait.eq @p0 [sflag:s6], $0x1  }
0xae: {  	[sflag:s6] =	ssyncadd.s32 @p0 $0xFFFFFFFF  }
0xaf: {  	s7 =	sshll.u32 @!p0 s1, $0xE  }
0xb0: {  	s7 =	sor.u32 @!p0 $0x4000, s7;
	s6 =	simm.s32 @!p0 $0x1B8D  }
0xb1: {  	s5 =	sshll.u32 @!p0 s5, $0x11;
	s7 =	sadd.s32 @!p0 $0x11B8D, s7;
	_ =	swait.eq @!p0 [sflag:s6], $0x1  }
0xb2: {  	s5 =	sor.u32 @!p0 s5, s7;
	[sflag:s6] =	ssyncadd.s32 @!p0 $0xFFFFFFFF  }
0xb3: {  	s25 =	simm.s32 $0x1B8E;
	s24 =	sld [smem:$0x3FFE];
	[sflag:s5] =	ssyncadd.remote.s32 @!p0 $0x1  }
0xb4: {  	s26 =	simm.s32 $execute0_lowered;
	[smem:$0x3FD2] =	sst s25  }
0xb5: {  	s6 =	sshll.u32 s26, $0x1;
	_ =	strace $0x80000049;
	[dreg:$0x1] =	wrdreg $0xFFFFFFFF  }
0xb6: {  	s28 =	simm.s32 $_size_execute0_lowered;
	s4 =	sadd.s32 s4, s6;
	[dreg:$0x0] =	wrdreg $0x0  }
0xb7: {  	s6 =	sshll.u32 s28, $0x1;
	[dreg:$0x2] =	wrdreg s4  }
0xb8: {  	[dreg:$0x3] =	wrdreg s6  }
0xb9: {  	[dreg:$0x4] =	wrdreg $0xC0  }
0xba: {  	_ =	task [dreg:s22], $0x5FFFF  }
0xbb: {  	[dreg:$0x1] =	wrdreg $0xFFFFFFFF  }
0xbc: {  	[dreg:$0x0] =	wrdreg $0x60  }
0xbd: {  	[dreg:$0x2] =	wrdreg s24  }
0xbe: {  	[dreg:$0x3] =	wrdreg s18  }
0xbf: {  	[dreg:$0x4] =	wrdreg $0x0  }
0xc0: {  	[dreg:$0x5] =	wrdreg $0xA  }
0xc1: {  	_ =	task.clear_ibuf [dreg:s22], $0x6FFFF;
	_ =	strace $0x90000049  }
0xc2: {  	s29 =	simm.s32 $0xA;
	_ =	strace $0x8000004B  }
0xc3: {  	_ =	swait.ge [sflag:s29], $0x1  }
0xc4: {  	[sflag:s29] =	ssyncadd.s32 $0xFFFFFFFF  }
0xc5: {  	_ =	strace $0x9000004B  }
0xc6: {  	_ =	sfence  }
0xc7: {  	s30 =	sld [smem:$0x0];
	_ =	sdelay $0x2  }
0xc8: {  	s31 =	sshll.u32 s1, $0xD;
	s1 =	sshrl.u32 s1, $0x2  }
0xc9: {  	s4 =	sand.u32 $0x4000, s31;
	s1 =	sadd.s32 s1, s30  }
0xca: {  	s0 =	sor.u32 s4, s0;
	s1 =	sshll.u32 s1, $0x11  }
0xcb: {  	s0 =	sor.u32 s1, s0  }
0xcc: {  	s0 =	sadd.s32 $0x8F2B, s0  }
0xcd: {  	[sflag:s0] =	ssyncadd.remote.s32 $0x1  }
0xce: {  	_ =	sfence.sel $0xFFFF  }
0xcf: {  	[dreg:$0x0] =	wrdreg $0xFFFFFFFF;
	(pc) =	sbr.abs _section_cstart, $3  }
0xd0: {  	[dreg:$0x1] =	wrdreg $0xFFFFFFFF  }
0xd1: {  	_ =	task.clear_ibuf [dreg:s22], $0x2FFFF;
	_ =	strace $0x9FFFFFFF  }
0xd2: {  	(tm) =	ssettm $0x7FFFFFFF  }
0xd3: {  	_ =	shalt  }
tec
execute0_lowered:
.L_overlay_start_1:
0x0: {  	(tag) =	ssettag $0x1  }
0x1: {  	s5 =	rddreg [dreg:$0x0]  }
0x2: {  	s14 =	rddreg [dreg:$0x1]  }
0x3: {  	s2 =	rddreg [dreg:$0x2]  }
0x4: {  	s1 =	stileid.u32;
	s4 =	srdreg.scid;
	s3 =	simm.s32 $0x0  }
0x5: {  	s19 =	simm.s32 $0x13C00;
	s20 =	simm.s32 $0x15000;
	s21 =	simm.s32 $0x80  }
0x6: {  	s22 =	simm.s32 $0x16400;
	s23 =	simm.s32 $0x13C80;
	s6 =	smul.u32 $0x13C00, s1  }
0x7: {  	s24 =	simm.s32 $0x1A400;
	s28 =	simm.s32 $0x16300;
	s9 =	smul.u32 $0x4F000, s1  }
0x8: {  	s29 =	simm.s32 $0x16380;
	s7 =	sand.u32 $0x1, s4;
	s10 =	smul.u32 $0x2800, s1  }
0x9: {  	[smem:$0x7FF] =	sst s3;
	s4 =	sadd.s32 $0x83800, s5;
	s31 =	smul.u32 $0x500, s1  }
0xa: {  	s13 =	sadd.s32 $0x79800, s5;
	s30 =	sshll.u32 s1, $0x6;
	s8 =	smul.u32 $0x13C000, s7  }
0xb: {  	_ =	strace $0x8000004A;
	s25 =	ssub.s32 $0x2, s7;
	p0 =	seq.s32 s7, $0x1  }
0xc: {  	s26 =	sshrl.u32 s25, $0x1;
	s9 =	sshrl.u32 s9, $0x2;
	s11 =	sshrl.u32 s10, $0x3  }
0xd: {  	s7 =	sadd.s32 s13, s31;
	s8 =	sadd.s32 s6, s8;
	s6 =	sshrl.u32 s6, $0x3  }
0xe: {  	s16 =	ssub.s32 s25, s26;
	s17 =	sadd.s32 s9, s2;
	s10 =	sadd.s32 $0x280, s11  }
0xf: {  	s12 =	sadd.s32 $0x5000, s11;
	s18 =	sadd.s32 $0x5280, s11;
	s25 =	simm.s32 $0x1  }
0x10: {  	s26 =	simm.s32 $0x2;
	s8 =	sshrl.u32 s8, $0x3;
	s6 =	sadd.s32 s6, s5  }
.Ltmp0:
0x11: {  	s9 =	sadd.s32 s13, s10;
	s10 =	sadd.s32 s14, s10;
	(pc) =	sbr.rel .LBB2_1-.Ltmp0, $4  }
0x12: {  	s11 =	sadd.s32 s13, s12;
	s12 =	sadd.s32 s14, s12;
	s13 =	sadd.s32 s13, s18  }
0x13: {  	s16 =	smax.u32 s16, $0x1;
	s17 =	sshrl.u32 s17, $0x3;
	s15 =	sadd.s32 s8, s5  }
0x14: {  	s5 =	sadd.s32 $0x3000, s6;
	s6 =	sor.u32 $0x1C03, s30;
	s8 =	sadd.s32 s14, s31  }
0x15: {  	s14 =	sadd.s32 s14, s18;
	s18 =	simm.s32 $0x3;
	s15 =	sadd.s32 $0x2F4800, s15  }
.LBB2_11:
0x16: {  	[tilespmem:s24], [sflag:$0x2] =	stream.indirect.gather [hbm4b:s4+s21], $0x80, s31, s21, $0xb8;
	[tilespmem:$0x1E400] =	vst v63  }
.LBB2_12:
0x17: {  	_ =	swait.ge [sflag:s25], $0x4000  }
0x18: {  	[sflag:s25] =	ssyncset.done $0x0  }
0x19: {  	[sflag:s25] =	ssyncadd.s32 $0xFFFFC000  }
0x1a: {  	[spmem:s2] =	stream.indirect.scatter.add.f32 [tilespmem:s22], [sflag:$0x3], $0x80, s28, s21, $0xb8;
	[tilespmem:$0x1E400] =	vst v63  }
0x1b: {  	_ =	swait.ge [sflag:s18], $0x4000  }
0x1c: {  	[sflag:s18] =	ssyncset.done $0x0  }
0x1d: {  	[sflag:s18] =	ssyncadd.s32 $0xFFFFC000  }
0x1e: {  	_ =	swait.ge [sflag:s26], $0x4000  }
0x1f: {  	[sflag:s26] =	ssyncset.done $0x0  }
0x20: {  	[sflag:s26] =	ssyncadd.s32 $0xFFFFC000  }
0x21: {  	[spmem:s2] =	stream.indirect.scatter.add.f32 [tilespmem:s24], [sflag:$0x3], $0x80, s29, s21, $0xb8;
	[tilespmem:$0x1E400] =	vst v63  }
0x22: {  	_ =	swait.ge [sflag:s18], $0x4000  }
0x23: {  	s3 =	sadd.s32 $0x1, s3;
	[sflag:s18] =	ssyncset.done $0x0  }
0x24: {  	p1 =	sne.s32 s3, s16;
	[sflag:s18] =	ssyncadd.s32 $0xFFFFC000  }
.Ltmp1:
0x25: {  	[bflag:$0x0] =	sbarrier.arrive $0xFFFF;
	(pc) =	sbr.rel @!p1 .LBB2_13-.Ltmp1, $4  }
0x26: {  	[hbm:s15], [sflag:s6] =	dma.local [spmem:s17], $0x2780  }
0x27: {  	_ =	swait.ge [sflag:s18], $0x2780  }
0x28: {  	[sflag:s18] =	ssyncset.done $0x0  }
0x29: {  	[sflag:s18] =	ssyncadd.s32 $0xFFFFD880  }
.LBB2_1:
0x2a: {  	[spmem:s17], [sflag:s6] =	dma.local [hbm:s5], $0x2780  }
.Ltmp2:
0x2b: {  	_ =	swait.ge [sflag:s18], $0x2780;
	(pc) =	sbr.rel @!p0 .LBB2_2-.Ltmp2, $3  }
0x2c: {  	[sflag:s18] =	ssyncset.done $0x0  }
0x2d: {  	[sflag:s18] =	ssyncadd.s32 $0xFFFFD880  }
0x2e: {  	[bflag:$0x0] =	sbarrier.arrive $0xFFFF;
	_ =	sdelay $0x1  }
0x2f: {  	s0 =	simm.s32 $0x0  }
0x30: {  	[tilespmem:s19], [sflag:$0x3] =	stream.linear.gather [hbm4b:s11+s0], $0x1400, $0x38;
	[tilespmem:$0x1E400] =	vst v63  }
0x31: {  	_ =	swait.ge [sflag:s18], $0x1400  }
0x32: {  	[sflag:s18] =	ssyncset.done $0x0  }
0x33: {  	[sflag:s18] =	ssyncadd.s32 $0xFFFFEC00  }
0x34: {  	[tilespmem:s20], [sflag:$0x3] =	stream.linear.gather [hbm4b:s12+s0], $0x1400, $0x38;
	[tilespmem:$0x1E400] =	vst v63  }
0x35: {  	_ =	swait.ge [sflag:s18], $0x1400  }
0x36: {  	[sflag:s18] =	ssyncset.done $0x0  }
0x37: {  	[sflag:s18] =	ssyncadd.s32 $0xFFFFEC00  }
0x38: {  	[tilespmem:s22], [sflag:$0x1] =	stream.indirect.gather [hbm4b:s4+s21], $0x80, s19, s21, $0xb8;
	[tilespmem:$0x1E400] =	vst v63  }
0x39: {  	_ = 	snop  }
0x3a: {  	[tilespmem:s24], [sflag:$0x2] =	stream.indirect.gather [hbm4b:s4+s21], $0x80, s23, s21, $0xb8;
	[tilespmem:$0x1E400] =	vst v63  }
0x3b: {  	_ =	swait.ge [sflag:s25], $0x4000  }
0x3c: {  	[sflag:s25] =	ssyncset.done $0x0  }
0x3d: {  	s0 =	simm.s32 $0x15000;
	[sflag:s25] =	ssyncadd.s32 $0xFFFFC000  }
0x3e: {  	[spmem:s2] =	stream.indirect.scatter.add.f32 [tilespmem:s22], [sflag:$0x3], $0x80, s0, s21, $0xb8;
	[tilespmem:$0x1E400] =	vst v63  }
0x3f: {  	_ =	swait.ge [sflag:s18], $0x4000  }
0x40: {  	[sflag:s18] =	ssyncset.done $0x0  }
0x41: {  	s0 =	simm.s32 $0x13D00;
	[sflag:s18] =	ssyncadd.s32 $0xFFFFC000  }
0x42: {  	[tilespmem:s22], [sflag:$0x1] =	stream.indirect.gather [hbm4b:s4+s21], $0x80, s0, s21, $0xb8;
	[tilespmem:$0x1E400] =	vst v63  }
0x43: {  	_ =	swait.ge [sflag:s26], $0x4000  }
0x44: {  	[sflag:s26] =	ssyncset.done $0x0  }
0x45: {  	s0 =	simm.s32 $0x15080;
	[sflag:s26] =	ssyncadd.s32 $0xFFFFC000  }
0x46: {  	[spmem:s2] =	stream.indirect.scatter.add.f32 [tilespmem:s24], [sflag:$0x3], $0x80, s0, s21, $0xb8;
	[tilespmem:$0x1E400] =	vst v63  }
0x47: {  	_ =	swait.ge [sflag:s18], $0x4000  }
0x48: {  	[sflag:s18] =	ssyncset.done $0x0  }
0x49: {  	s30 =	simm.s32 $0x400;
	s31 =	simm.s32 $0x13D80;
	[sflag:s18] =	ssyncadd.s32 $0xFFFFC000  }
.LBB2_8:
0x4a: {  	[tilespmem:s24], [sflag:$0x2] =	stream.indirect.gather [hbm4b:s4+s21], $0x80, s31, s21, $0xb8;
	[tilespmem:$0x1E400] =	vst v63  }
0x4b: {  	s0 =	smov.u32 s30  }
0x4c: {  	p1 =	sne.s32 s30, $0x4800;
	s30 =	sadd.s32 $0x400, s30;
	_ =	swait.ge [sflag:s25], $0x4000  }
0x4d: {  	s0 =	sshra.s32 s0, $0x2;
	[sflag:s25] =	ssyncset.done $0x0  }
0x4e: {  	s31 =	sadd.s32 $0x15000, s0;
	[sflag:s25] =	ssyncadd.s32 $0xFFFFC000  }
0x4f: {  	[spmem:s2] =	stream.indirect.scatter.add.f32 [tilespmem:s22], [sflag:$0x3], $0x80, s31, s21, $0xb8;
	[tilespmem:$0x1E400] =	vst v63  }
0x50: {  	_ =	swait.ge [sflag:s18], $0x4000  }
0x51: {  	[sflag:s18] =	ssyncset.done $0x0  }
0x52: {  	s31 =	sadd.s32 $0x13D00, s0;
	[sflag:s18] =	ssyncadd.s32 $0xFFFFC000  }
0x53: {  	[tilespmem:s22], [sflag:$0x1] =	stream.indirect.gather [hbm4b:s4+s21], $0x80, s31, s21, $0xb8;
	[tilespmem:$0x1E400] =	vst v63  }
0x54: {  	_ =	swait.ge [sflag:s26], $0x4000  }
0x55: {  	[sflag:s26] =	ssyncset.done $0x0  }
.Ltmp3:
0x56: {  	s31 =	sadd.s32 $0x15080, s0;
	[sflag:s26] =	ssyncadd.s32 $0xFFFFC000;
	(pc) =	sbr.rel @p1 .LBB2_8-.Ltmp3, $4  }
0x57: {  	[spmem:s2] =	stream.indirect.scatter.add.f32 [tilespmem:s24], [sflag:$0x3], $0x80, s31, s21, $0xb8;
	[tilespmem:$0x1E400] =	vst v63  }
0x58: {  	_ =	swait.ge [sflag:s18], $0x4000  }
0x59: {  	[sflag:s18] =	ssyncset.done $0x0  }
0x5a: {  	s31 =	sadd.s32 $0x13D80, s0;
	[sflag:s18] =	ssyncadd.s32 $0xFFFFC000  }
0x5b: {  	[tilespmem:s24], [sflag:$0x2] =	stream.indirect.gather [hbm4b:s4+s21], $0x80, s31, s21, $0xb8;
	[tilespmem:$0x1E400] =	vst v63  }
0x5c: {  	_ =	swait.ge [sflag:s25], $0x4000  }
0x5d: {  	[sflag:s25] =	ssyncset.done $0x0  }
0x5e: {  	[sflag:s25] =	ssyncadd.s32 $0xFFFFC000  }
0x5f: {  	[spmem:s2] =	stream.indirect.scatter.add.f32 [tilespmem:s22], [sflag:$0x3], $0x80, s28, s21, $0xb8;
	[tilespmem:$0x1E400] =	vst v63  }
0x60: {  	_ =	swait.ge [sflag:s18], $0x4000  }
0x61: {  	[sflag:s18] =	ssyncset.done $0x0  }
0x62: {  	[sflag:s18] =	ssyncadd.s32 $0xFFFFC000  }
0x63: {  	_ =	swait.ge [sflag:s26], $0x4000  }
0x64: {  	[sflag:s26] =	ssyncset.done $0x0  }
0x65: {  	[sflag:s26] =	ssyncadd.s32 $0xFFFFC000  }
0x66: {  	[spmem:s2] =	stream.indirect.scatter.add.f32 [tilespmem:s24], [sflag:$0x3], $0x80, s29, s21, $0xb8;
	[tilespmem:$0x1E400] =	vst v63  }
0x67: {  	_ =	swait.ge [sflag:s18], $0x4000  }
0x68: {  	[sflag:s18] =	ssyncset.done $0x0  }
0x69: {  	s0 =	simm.s32 $0x0;
	[sflag:s18] =	ssyncadd.s32 $0xFFFFC000  }
0x6a: {  	[tilespmem:s19], [sflag:$0x3] =	stream.linear.gather [hbm4b:s13+s0], $0x1400, $0x38;
	[tilespmem:$0x1E400] =	vst v63  }
0x6b: {  	_ =	swait.ge [sflag:s18], $0x1400  }
0x6c: {  	[sflag:s18] =	ssyncset.done $0x0  }
0x6d: {  	[sflag:s18] =	ssyncadd.s32 $0xFFFFEC00  }
0x6e: {  	[tilespmem:s20], [sflag:$0x3] =	stream.linear.gather [hbm4b:s14+s0], $0x1400, $0x38;
	[tilespmem:$0x1E400] =	vst v63  }
0x6f: {  	_ =	swait.ge [sflag:s18], $0x1400  }
0x70: {  	[sflag:s18] =	ssyncset.done $0x0  }
0x71: {  	[sflag:s18] =	ssyncadd.s32 $0xFFFFEC00  }
0x72: {  	[tilespmem:s22], [sflag:$0x1] =	stream.indirect.gather [hbm4b:s4+s21], $0x80, s19, s21, $0xb8;
	[tilespmem:$0x1E400] =	vst v63  }
0x73: {  	_ = 	snop  }
0x74: {  	[tilespmem:s24], [sflag:$0x2] =	stream.indirect.gather [hbm4b:s4+s21], $0x80, s23, s21, $0xb8;
	[tilespmem:$0x1E400] =	vst v63  }
0x75: {  	_ =	swait.ge [sflag:s25], $0x4000  }
0x76: {  	[sflag:s25] =	ssyncset.done $0x0  }
0x77: {  	s0 =	simm.s32 $0x15000;
	[sflag:s25] =	ssyncadd.s32 $0xFFFFC000  }
0x78: {  	[spmem:s2] =	stream.indirect.scatter.add.f32 [tilespmem:s22], [sflag:$0x3], $0x80, s0, s21, $0xb8;
	[tilespmem:$0x1E400] =	vst v63  }
0x79: {  	_ =	swait.ge [sflag:s18], $0x4000  }
0x7a: {  	[sflag:s18] =	ssyncset.done $0x0  }
0x7b: {  	s0 =	simm.s32 $0x13D00;
	[sflag:s18] =	ssyncadd.s32 $0xFFFFC000  }
0x7c: {  	[tilespmem:s22], [sflag:$0x1] =	stream.indirect.gather [hbm4b:s4+s21], $0x80, s0, s21, $0xb8;
	[tilespmem:$0x1E400] =	vst v63  }
0x7d: {  	_ =	swait.ge [sflag:s26], $0x4000  }
0x7e: {  	[sflag:s26] =	ssyncset.done $0x0  }
0x7f: {  	s0 =	simm.s32 $0x15080;
	[sflag:s26] =	ssyncadd.s32 $0xFFFFC000  }
0x80: {  	[spmem:s2] =	stream.indirect.scatter.add.f32 [tilespmem:s24], [sflag:$0x3], $0x80, s0, s21, $0xb8;
	[tilespmem:$0x1E400] =	vst v63  }
0x81: {  	_ =	swait.ge [sflag:s18], $0x4000  }
0x82: {  	[sflag:s18] =	ssyncset.done $0x0  }
0x83: {  	s30 =	simm.s32 $0x400;
	s31 =	simm.s32 $0x13D80;
	[sflag:s18] =	ssyncadd.s32 $0xFFFFC000  }
.LBB2_10:
0x84: {  	[tilespmem:s24], [sflag:$0x2] =	stream.indirect.gather [hbm4b:s4+s21], $0x80, s31, s21, $0xb8;
	[tilespmem:$0x1E400] =	vst v63  }
0x85: {  	s0 =	smov.u32 s30  }
0x86: {  	p1 =	sne.s32 s30, $0x4800;
	s30 =	sadd.s32 $0x400, s30;
	_ =	swait.ge [sflag:s25], $0x4000  }
0x87: {  	s0 =	sshra.s32 s0, $0x2;
	[sflag:s25] =	ssyncset.done $0x0  }
0x88: {  	s31 =	sadd.s32 $0x15000, s0;
	[sflag:s25] =	ssyncadd.s32 $0xFFFFC000  }
0x89: {  	[spmem:s2] =	stream.indirect.scatter.add.f32 [tilespmem:s22], [sflag:$0x3], $0x80, s31, s21, $0xb8;
	[tilespmem:$0x1E400] =	vst v63  }
0x8a: {  	_ =	swait.ge [sflag:s18], $0x4000  }
0x8b: {  	[sflag:s18] =	ssyncset.done $0x0  }
0x8c: {  	s31 =	sadd.s32 $0x13D00, s0;
	[sflag:s18] =	ssyncadd.s32 $0xFFFFC000  }
0x8d: {  	[tilespmem:s22], [sflag:$0x1] =	stream.indirect.gather [hbm4b:s4+s21], $0x80, s31, s21, $0xb8;
	[tilespmem:$0x1E400] =	vst v63  }
0x8e: {  	_ =	swait.ge [sflag:s26], $0x4000  }
0x8f: {  	[sflag:s26] =	ssyncset.done $0x0  }
.Ltmp4:
0x90: {  	s31 =	sadd.s32 $0x15080, s0;
	[sflag:s26] =	ssyncadd.s32 $0xFFFFC000;
	(pc) =	sbr.rel @p1 .LBB2_10-.Ltmp4, $4  }
0x91: {  	[spmem:s2] =	stream.indirect.scatter.add.f32 [tilespmem:s24], [sflag:$0x3], $0x80, s31, s21, $0xb8;
	[tilespmem:$0x1E400] =	vst v63  }
0x92: {  	_ =	swait.ge [sflag:s18], $0x4000  }
0x93: {  	[sflag:s18] =	ssyncset.done $0x0  }
0x94: {  	s31 =	sadd.s32 $0x13D80, s0;
	[sflag:s18] =	ssyncadd.s32 $0xFFFFC000  }
.Ltmp5:
0x95: {  	_ = 	snop;
	(pc) =	sbr.rel .LBB2_11-.Ltmp5, $1  }
0x96: {  	_ =	sdelay $0x3  }
.LBB2_2:
0x97: {  	s30 =	simm.s32 $0x0  }
0x98: {  	[tilespmem:s19], [sflag:$0x3] =	stream.linear.gather [hbm4b:s7+s30], $0x1400, $0x38;
	[tilespmem:$0x1E400] =	vst v63  }
0x99: {  	_ =	swait.ge [sflag:s18], $0x1400  }
0x9a: {  	[sflag:s18] =	ssyncset.done $0x0  }
0x9b: {  	[sflag:s18] =	ssyncadd.s32 $0xFFFFEC00  }
0x9c: {  	[tilespmem:s20], [sflag:$0x3] =	stream.linear.gather [hbm4b:s8+s30], $0x1400, $0x38;
	[tilespmem:$0x1E400] =	vst v63  }
0x9d: {  	_ =	swait.ge [sflag:s18], $0x1400  }
0x9e: {  	[sflag:s18] =	ssyncset.done $0x0  }
0x9f: {  	[sflag:s18] =	ssyncadd.s32 $0xFFFFEC00  }
0xa0: {  	[tilespmem:s22], [sflag:$0x1] =	stream.indirect.gather [hbm4b:s4+s21], $0x80, s19, s21, $0xb8;
	[tilespmem:$0x1E400] =	vst v63  }
0xa1: {  	_ = 	snop  }
0xa2: {  	[tilespmem:s24], [sflag:$0x2] =	stream.indirect.gather [hbm4b:s4+s21], $0x80, s23, s21, $0xb8;
	[tilespmem:$0x1E400] =	vst v63  }
0xa3: {  	_ =	swait.ge [sflag:s25], $0x4000  }
0xa4: {  	[sflag:s25] =	ssyncset.done $0x0  }
0xa5: {  	s30 =	simm.s32 $0x15000;
	[sflag:s25] =	ssyncadd.s32 $0xFFFFC000  }
0xa6: {  	[spmem:s2] =	stream.indirect.scatter.add.f32 [tilespmem:s22], [sflag:$0x3], $0x80, s30, s21, $0xb8;
	[tilespmem:$0x1E400] =	vst v63  }
0xa7: {  	_ =	swait.ge [sflag:s18], $0x4000  }
0xa8: {  	[sflag:s18] =	ssyncset.done $0x0  }
0xa9: {  	s30 =	simm.s32 $0x13D00;
	[sflag:s18] =	ssyncadd.s32 $0xFFFFC000  }
0xaa: {  	[tilespmem:s22], [sflag:$0x1] =	stream.indirect.gather [hbm4b:s4+s21], $0x80, s30, s21, $0xb8;
	[tilespmem:$0x1E400] =	vst v63  }
0xab: {  	_ =	swait.ge [sflag:s26], $0x4000  }
0xac: {  	[sflag:s26] =	ssyncset.done $0x0  }
0xad: {  	s30 =	simm.s32 $0x15080;
	[sflag:s26] =	ssyncadd.s32 $0xFFFFC000  }
0xae: {  	[spmem:s2] =	stream.indirect.scatter.add.f32 [tilespmem:s24], [sflag:$0x3], $0x80, s30, s21, $0xb8;
	[tilespmem:$0x1E400] =	vst v63  }
0xaf: {  	_ =	swait.ge [sflag:s18], $0x4000  }
0xb0: {  	[sflag:s18] =	ssyncset.done $0x0  }
0xb1: {  	s31 =	simm.s32 $0x13D80;
	s30 =	simm.s32 $0x400;
	[sflag:s18] =	ssyncadd.s32 $0xFFFFC000  }
.LBB2_3:
0xb2: {  	[tilespmem:s24], [sflag:$0x2] =	stream.indirect.gather [hbm4b:s4+s21], $0x80, s31, s21, $0xb8;
	[tilespmem:$0x1E400] =	vst v63  }
0xb3: {  	s31 =	smov.u32 s30  }
0xb4: {  	p1 =	sne.s32 s30, $0x4800;
	s30 =	sadd.s32 $0x400, s30;
	_ =	swait.ge [sflag:s25], $0x4000  }
0xb5: {  	s31 =	sshra.s32 s31, $0x2;
	[sflag:s25] =	ssyncset.done $0x0  }
0xb6: {  	s0 =	sadd.s32 $0x15000, s31;
	[sflag:s25] =	ssyncadd.s32 $0xFFFFC000  }
0xb7: {  	[spmem:s2] =	stream.indirect.scatter.add.f32 [tilespmem:s22], [sflag:$0x3], $0x80, s0, s21, $0xb8;
	[tilespmem:$0x1E400] =	vst v63  }
0xb8: {  	_ =	swait.ge [sflag:s18], $0x4000  }
0xb9: {  	[sflag:s18] =	ssyncset.done $0x0  }
0xba: {  	s0 =	sadd.s32 $0x13D00, s31;
	[sflag:s18] =	ssyncadd.s32 $0xFFFFC000  }
0xbb: {  	[tilespmem:s22], [sflag:$0x1] =	stream.indirect.gather [hbm4b:s4+s21], $0x80, s0, s21, $0xb8;
	[tilespmem:$0x1E400] =	vst v63  }
0xbc: {  	_ =	swait.ge [sflag:s26], $0x4000  }
0xbd: {  	[sflag:s26] =	ssyncset.done $0x0  }
.Ltmp6:
0xbe: {  	s0 =	sadd.s32 $0x15080, s31;
	[sflag:s26] =	ssyncadd.s32 $0xFFFFC000;
	(pc) =	sbr.rel @p1 .LBB2_3-.Ltmp6, $4  }
0xbf: {  	[spmem:s2] =	stream.indirect.scatter.add.f32 [tilespmem:s24], [sflag:$0x3], $0x80, s0, s21, $0xb8;
	[tilespmem:$0x1E400] =	vst v63  }
0xc0: {  	_ =	swait.ge [sflag:s18], $0x4000  }
0xc1: {  	[sflag:s18] =	ssyncset.done $0x0  }
0xc2: {  	s31 =	sadd.s32 $0x13D80, s31;
	[sflag:s18] =	ssyncadd.s32 $0xFFFFC000  }
0xc3: {  	[tilespmem:s24], [sflag:$0x2] =	stream.indirect.gather [hbm4b:s4+s21], $0x80, s31, s21, $0xb8;
	[tilespmem:$0x1E400] =	vst v63  }
0xc4: {  	_ =	swait.ge [sflag:s25], $0x4000  }
0xc5: {  	[sflag:s25] =	ssyncset.done $0x0  }
0xc6: {  	[sflag:s25] =	ssyncadd.s32 $0xFFFFC000  }
0xc7: {  	[spmem:s2] =	stream.indirect.scatter.add.f32 [tilespmem:s22], [sflag:$0x3], $0x80, s28, s21, $0xb8;
	[tilespmem:$0x1E400] =	vst v63  }
0xc8: {  	_ =	swait.ge [sflag:s18], $0x4000  }
0xc9: {  	[sflag:s18] =	ssyncset.done $0x0  }
0xca: {  	[sflag:s18] =	ssyncadd.s32 $0xFFFFC000  }
0xcb: {  	_ =	swait.ge [sflag:s26], $0x4000  }
0xcc: {  	[sflag:s26] =	ssyncset.done $0x0  }
0xcd: {  	[sflag:s26] =	ssyncadd.s32 $0xFFFFC000  }
0xce: {  	[spmem:s2] =	stream.indirect.scatter.add.f32 [tilespmem:s24], [sflag:$0x3], $0x80, s29, s21, $0xb8;
	[tilespmem:$0x1E400] =	vst v63  }
0xcf: {  	_ =	swait.ge [sflag:s18], $0x4000  }
0xd0: {  	[sflag:s18] =	ssyncset.done $0x0  }
0xd1: {  	s0 =	simm.s32 $0x0;
	[sflag:s18] =	ssyncadd.s32 $0xFFFFC000  }
0xd2: {  	[tilespmem:s19], [sflag:$0x3] =	stream.linear.gather [hbm4b:s9+s0], $0x1400, $0x38;
	[tilespmem:$0x1E400] =	vst v63  }
0xd3: {  	_ =	swait.ge [sflag:s18], $0x1400  }
0xd4: {  	[sflag:s18] =	ssyncset.done $0x0  }
0xd5: {  	[sflag:s18] =	ssyncadd.s32 $0xFFFFEC00  }
0xd6: {  	[tilespmem:s20], [sflag:$0x3] =	stream.linear.gather [hbm4b:s10+s0], $0x1400, $0x38;
	[tilespmem:$0x1E400] =	vst v63  }
0xd7: {  	_ =	swait.ge [sflag:s18], $0x1400  }
0xd8: {  	[sflag:s18] =	ssyncset.done $0x0  }
0xd9: {  	[sflag:s18] =	ssyncadd.s32 $0xFFFFEC00  }
0xda: {  	[tilespmem:s22], [sflag:$0x1] =	stream.indirect.gather [hbm4b:s4+s21], $0x80, s19, s21, $0xb8;
	[tilespmem:$0x1E400] =	vst v63  }
0xdb: {  	_ = 	snop  }
0xdc: {  	[tilespmem:s24], [sflag:$0x2] =	stream.indirect.gather [hbm4b:s4+s21], $0x80, s23, s21, $0xb8;
	[tilespmem:$0x1E400] =	vst v63  }
0xdd: {  	_ =	swait.ge [sflag:s25], $0x4000  }
0xde: {  	[sflag:s25] =	ssyncset.done $0x0  }
0xdf: {  	s0 =	simm.s32 $0x15000;
	[sflag:s25] =	ssyncadd.s32 $0xFFFFC000  }
0xe0: {  	[spmem:s2] =	stream.indirect.scatter.add.f32 [tilespmem:s22], [sflag:$0x3], $0x80, s0, s21, $0xb8;
	[tilespmem:$0x1E400] =	vst v63  }
0xe1: {  	_ =	swait.ge [sflag:s18], $0x4000  }
0xe2: {  	[sflag:s18] =	ssyncset.done $0x0  }
0xe3: {  	s0 =	simm.s32 $0x13D00;
	[sflag:s18] =	ssyncadd.s32 $0xFFFFC000  }
0xe4: {  	[tilespmem:s22], [sflag:$0x1] =	stream.indirect.gather [hbm4b:s4+s21], $0x80, s0, s21, $0xb8;
	[tilespmem:$0x1E400] =	vst v63  }
0xe5: {  	_ =	swait.ge [sflag:s26], $0x4000  }
0xe6: {  	[sflag:s26] =	ssyncset.done $0x0  }
0xe7: {  	s0 =	simm.s32 $0x15080;
	[sflag:s26] =	ssyncadd.s32 $0xFFFFC000  }
0xe8: {  	[spmem:s2] =	stream.indirect.scatter.add.f32 [tilespmem:s24], [sflag:$0x3], $0x80, s0, s21, $0xb8;
	[tilespmem:$0x1E400] =	vst v63  }
0xe9: {  	_ =	swait.ge [sflag:s18], $0x4000  }
0xea: {  	[sflag:s18] =	ssyncset.done $0x0  }
0xeb: {  	s30 =	simm.s32 $0x400;
	s31 =	simm.s32 $0x13D80;
	[sflag:s18] =	ssyncadd.s32 $0xFFFFC000  }
.LBB2_5:
0xec: {  	[tilespmem:s24], [sflag:$0x2] =	stream.indirect.gather [hbm4b:s4+s21], $0x80, s31, s21, $0xb8;
	[tilespmem:$0x1E400] =	vst v63  }
0xed: {  	s0 =	smov.u32 s30  }
0xee: {  	p1 =	seq.s32 s30, $0x4800;
	s30 =	sadd.s32 $0x400, s30;
	_ =	swait.ge [sflag:s25], $0x4000  }
0xef: {  	s0 =	sshra.s32 s0, $0x2;
	[sflag:s25] =	ssyncset.done $0x0  }
0xf0: {  	s31 =	sadd.s32 $0x15000, s0;
	[sflag:s25] =	ssyncadd.s32 $0xFFFFC000  }
0xf1: {  	[spmem:s2] =	stream.indirect.scatter.add.f32 [tilespmem:s22], [sflag:$0x3], $0x80, s31, s21, $0xb8;
	[tilespmem:$0x1E400] =	vst v63  }
0xf2: {  	_ =	swait.ge [sflag:s18], $0x4000  }
0xf3: {  	[sflag:s18] =	ssyncset.done $0x0  }
0xf4: {  	s31 =	sadd.s32 $0x13D00, s0;
	[sflag:s18] =	ssyncadd.s32 $0xFFFFC000  }
0xf5: {  	[tilespmem:s22], [sflag:$0x1] =	stream.indirect.gather [hbm4b:s4+s21], $0x80, s31, s21, $0xb8;
	[tilespmem:$0x1E400] =	vst v63  }
0xf6: {  	_ =	swait.ge [sflag:s26], $0x4000  }
0xf7: {  	[sflag:s26] =	ssyncset.done $0x0  }
.Ltmp7:
0xf8: {  	s31 =	sadd.s32 $0x15080, s0;
	[sflag:s26] =	ssyncadd.s32 $0xFFFFC000;
	(pc) =	sbr.rel @!p1 .LBB2_5-.Ltmp7, $4  }
0xf9: {  	[spmem:s2] =	stream.indirect.scatter.add.f32 [tilespmem:s24], [sflag:$0x3], $0x80, s31, s21, $0xb8;
	[tilespmem:$0x1E400] =	vst v63  }
0xfa: {  	_ =	swait.ge [sflag:s18], $0x4000  }
0xfb: {  	[sflag:s18] =	ssyncset.done $0x0  }
0xfc: {  	s31 =	sadd.s32 $0x13D80, s0;
	[sflag:s18] =	ssyncadd.s32 $0xFFFFC000  }
.Ltmp8:
0xfd: {  	(pc) =	sbr.rel .LBB2_12-.Ltmp8, $2  }
0xfe: {  	_ =	sdelay $0x2  }
0xff: {  	[tilespmem:s24], [sflag:$0x2] =	stream.indirect.gather [hbm4b:s4+s21], $0x80, s31, s21, $0xb8;
	[tilespmem:$0x1E400] =	vst v63  }
.LBB2_13:
0x100: {  	_ =	sfence.sel $0x180000  }
0x101: {  	[bflag:$0x0] =	sbarrier.arrive $0xFFFF  }
0x102: {  	_ =	strace $0x9000004A  }
0x103: {  	[bflag:$0x2] =	sbarrier.arrive $0xFFFF  }
0x104: {  	p0 =	sne.s32 s1, $0x0;
	s0 =	rddreg [dreg:$0x3]  }
0x105: {  	s0 =	sadd.s32 @!p0 $0x100000, s0  }
0x106: {  	[sflag:s0] =	ssyncadd.tile.s32 @!p0 $0x1;
	_ =	shalt  }
.Lfunc_end2:
_tile_overlayer_lowered:
.L_overlay_start_2:
0x107: {  	(tag) =	ssettag $0x2  }
0x108: {  	s0 =	rddreg [dreg:$0x0];
	s2 =	stileid.u32  }
0x109: {  	s1 =	rddreg [dreg:$0x1];
	p0 =	sne.s32 s2, $0x0  }
0x10a: {  	s3 =	rddreg [dreg:$0x2];
	[bflag:$0x3] =	sbarrier.arrive $0xFFFF;
	s2 =	simm.s32 @!p0 $0x1C03  }
0x10b: {  	[timem:s3], [sflag:s2] =	dma.local @!p0 [hbm:s0], s1  }
0x10c: {  	s0 =	simm.s32 @!p0 $0x3  }
0x10d: {  	_ =	swait.ge @!p0 [sflag:s0], s1  }
0x10e: {  	s1 =	ssub.s32 @!p0 $0x0, s1;
	[sflag:s0] =	ssyncset.done @!p0 $0x0  }
0x10f: {  	[sflag:s0] =	ssyncadd.s32 @!p0 s1  }
0x110: {  	[bflag:$0x3] =	sbarrier.arrive $0xFFFF  }
0x111: {  	_ =	shalt  }

// kernel: kernel.15.cloned.1.call-start
scs
__scs_entry_jumppad:
0x0: {  	(pc) =	sbr.rel $0x88, $3  }
0x1: {  	(tag) =	ssettag $0x0;
	lr =	simm.s32 $0x1  }
0x2: {  	[smem:$0x3F95] =	sst lr;
	_ =	strace $0xD0000000  }
0x3: {  	_ = 	snop  }
0x4: {  	_ = 	snop  }
0x5: {  	_ = 	snop  }
0x6: {  	_ = 	snop  }
0x7: {  	_ = 	snop  }
__scs_overlays_trampoline_lowered:
0x8: {  	[smem:$0x3FA4] =	sst s0  }
0x9: {  	[smem:$0x3FA5] =	sst s1  }
0xa: {  	[smem:$0x3FA6] =	sst s2  }
0xb: {  	[smem:$0x3FA7] =	sst s3  }
0xc: {  	[smem:$0x3FA8] =	sst s4  }
0xd: {  	[smem:$0x3FA9] =	sst s5  }
0xe: {  	[smem:$0x3FAA] =	sst s6  }
0xf: {  	[smem:$0x3FAB] =	sst s7  }
0x10: {  	[smem:$0x3FAC] =	sst s8  }
0x11: {  	[smem:$0x3FAD] =	sst s9;
	s0 =	simm.s32 @!p0 $0x0  }
0x12: {  	s1 =	sld [smem:$0x3F93];
	s0 =	simm.s32 @p0 $0x1  }
0x13: {  	[smem:$0x3FAE] =	sst s0;
	s0 =	simm.s32 @!p1 $0x0  }
0x14: {  	s2 =	sld [smem:$0x3F92];
	s0 =	simm.s32 @p1 $0x1  }
0x15: {  	[smem:$0x3FAF] =	sst s0;
	s0 =	simm.s32 @!p2 $0x0  }
0x16: {  	s3 =	sld [smem:$0x3FDB];
	s0 =	simm.s32 @p2 $0x1  }
0x17: {  	s4 =	simm.s32 $0x1BF5;
	[smem:$0x3FB1] =	sst s0  }
0x18: {  	s0 =	sld [smem:$0x3F94];
	_ =	swait.ge [sflag:s4], $0x0  }
0x19: {  	s7 =	sld [smem:$0x3F95]  }
0x1a: {  	s8 =	sadd.s32 $0xFFFFE003, lr  }
0x1b: {  	s9 =	sadd.s32 $0xFFFFFEF7, lr;
	s5 =	simm.s32 $0xFFFFFFFF;
	p2 =	slt.u32 s8, $0xFFFFF086  }
0x1c: {  	p1 =	slt.u32 s9, $0xF7A;
	s5 =	simm.s32 @!p2 $0x0  }
0x1d: {  	s5 =	simm.s32 @p1 $0x1;
	p0 =	seq.s32 s7, s2  }
0x1e: {  	s7 =	smul.u32 @!p0 $0xF7A, s2;
	p2 =	seq.s32 @!p0 s5, $0x0  }
0x1f: {  	s9 =	smul.u32 $0xF7A, s1;
	s8 =	simm.s32 @!p0 $0x1BF5;
	p2 =	por !p2, p0  }
0x20: {  	[sflag:s8] =	ssyncset.s32 @!p0 $0xFFFFF086;
	s6 =	sadd.s32 @!p0 s3, s7;
	s7 =	simm.s32 @!p0 $0x108  }
0x21: {  	s3 =	sadd.s32 s3, s9;
	s6 =	sadd.s32 @!p0 $0x88, s6;
	s7 =	simm.s32 @p2 $0x1082  }
0x22: {  	[simem:s7], [sflag:s8] =	dma.local @!p0 [hbm:s6], $0xF7A  }
0x23: {  	s9 =	sor.u32 $0xD0000000, s2;
	s6 =	simm.s32 $0x108;
	_ =	swait.ge @!p0 [sflag:s8], $0x0  }
0x24: {  	s3 =	sadd.s32 $0x88, s3;
	s6 =	simm.s32 @!p1 $0x1082;
	[sflag:s4] =	ssyncset.s32 $0xFFFFF086  }
0x25: {  	[simem:s6], [sflag:s4] =	dma.local [hbm:s3], $0xF7A  }
0x26: {  	[smem:$0x3F95] =	sst s1;
	(tag) =	ssettag s2;
	_ =	strace s9  }
0x27: {  	s1 =	sld [smem:$0x3FA5]  }
0x28: {  	s2 =	sld [smem:$0x3FA6]  }
0x29: {  	s4 =	sld [smem:$0x3FA8]  }
0x2a: {  	p0 =	seq.s32 s5, $0x0;
	s5 =	sld [smem:$0x3FA9]  }
0x2b: {  	s6 =	sld [smem:$0x3FAA]  }
0x2c: {  	s7 =	sld [smem:$0x3FAB]  }
0x2d: {  	s3 =	simm.s32 $0x108;
	s8 =	sld [smem:$0x3FAC]  }
0x2e: {  	s3 =	simm.s32 @!p0 $0x1082;
	s9 =	sld [smem:$0x3FAD]  }
0x2f: {  	lr =	sadd.s32 s0, s3;
	s0 =	sld [smem:$0x3FA4]  }
0x30: {  	s3 =	sld [smem:$0x3FA7]  }
0x31: {  	[smem:$0x3FB0] =	sst s10  }
0x32: {  	s10 =	sld [smem:$0x3FAE];
	_ =	sdelay $0x3  }
0x33: {  	p0 =	seq.s32 s10, $0x1;
	s10 =	sld [smem:$0x3FB0];
	_ =	sdelay $0x3  }
0x34: {  	[smem:$0x3FB0] =	sst s10  }
0x35: {  	s10 =	sld [smem:$0x3FAF];
	_ =	sdelay $0x3  }
0x36: {  	p1 =	seq.s32 s10, $0x1;
	s10 =	sld [smem:$0x3FB0];
	_ =	sdelay $0x3  }
0x37: {  	[smem:$0x3FB0] =	sst s10  }
0x38: {  	s10 =	sld [smem:$0x3FB1]  }
0x39: {  	_ = 	snop;
	(pc) =	sbr.ind lr, $3  }
0x3a: {  	_ = 	snop  }
0x3b: {  	_ = 	snop  }
0x3c: {  	p2 =	seq.s32 s10, $0x1;
	s10 =	sld [smem:$0x3FB0]  }
0x3d: {  	_ =	shalt  }
0x3e: {  	_ =	shalt  }
0x3f: {  	_ =	shalt  }
0x40: {  	_ =	shalt  }
0x41: {  	_ =	shalt  }
0x42: {  	_ =	shalt  }
0x43: {  	_ =	shalt  }
0x44: {  	_ =	shalt  }
0x45: {  	_ =	shalt  }
0x46: {  	_ =	shalt  }
0x47: {  	_ =	shalt  }
0x48: {  	_ =	shalt  }
0x49: {  	_ =	shalt  }
0x4a: {  	_ =	shalt  }
0x4b: {  	_ =	shalt  }
0x4c: {  	_ =	shalt  }
0x4d: {  	_ =	shalt  }
0x4e: {  	_ =	shalt  }
0x4f: {  	_ =	shalt  }
0x50: {  	_ =	shalt  }
0x51: {  	_ =	shalt  }
0x52: {  	_ =	shalt  }
0x53: {  	_ =	shalt  }
0x54: {  	_ =	shalt  }
0x55: {  	_ =	shalt  }
0x56: {  	_ =	shalt  }
0x57: {  	_ =	shalt  }
0x58: {  	_ =	shalt  }
0x59: {  	_ =	shalt  }
0x5a: {  	_ =	shalt  }
0x5b: {  	_ =	shalt  }
0x5c: {  	_ =	shalt  }
0x5d: {  	_ =	shalt  }
0x5e: {  	_ =	shalt  }
0x5f: {  	_ =	shalt  }
0x60: {  	_ =	shalt  }
0x61: {  	_ =	shalt  }
0x62: {  	_ =	shalt  }
0x63: {  	_ =	shalt  }
0x64: {  	_ =	shalt  }
0x65: {  	_ =	shalt  }
0x66: {  	_ =	shalt  }
0x67: {  	_ =	shalt  }
0x68: {  	_ =	shalt  }
0x69: {  	_ =	shalt  }
0x6a: {  	_ =	shalt  }
0x6b: {  	_ =	shalt  }
0x6c: {  	_ =	shalt  }
0x6d: {  	_ =	shalt  }
0x6e: {  	_ =	shalt  }
0x6f: {  	_ =	shalt  }
0x70: {  	_ =	shalt  }
0x71: {  	_ =	shalt  }
0x72: {  	_ =	shalt  }
0x73: {  	_ =	shalt  }
0x74: {  	_ =	shalt  }
0x75: {  	_ =	shalt  }
0x76: {  	_ =	shalt  }
0x77: {  	_ =	shalt  }
0x78: {  	_ =	shalt  }
0x79: {  	_ =	shalt  }
0x7a: {  	_ =	shalt  }
0x7b: {  	_ =	shalt  }
0x7c: {  	_ =	shalt  }
0x7d: {  	_ =	shalt  }
0x7e: {  	_ =	shalt  }
0x7f: {  	_ =	shalt  }
0x80: {  	_ =	shalt  }
0x81: {  	_ =	shalt  }
0x82: {  	_ =	shalt  }
0x83: {  	_ =	shalt  }
0x84: {  	_ =	shalt  }
0x85: {  	_ =	shalt  }
0x86: {  	_ =	shalt  }
0x87: {  	_ =	shalt  }
.Lfunc_end0:
.L_simem_size_0:
called_computation.2_lowered:
.L_overlay_start_0:
0x88: {  	s2 =	sld [smem:$0x3FD9]  }
0x89: {  	s3 =	sld [smem:$0x3FFE];
	_ =	sdelay $0x1  }
0x8a: {  	s1 =	srdreg.scid  }
0x8b: {  	s0 =	sand.u32 $0x1, s1  }
0x8c: {  	s17 =	sshll.u32 s0, $0xA;
	s2 =	sadd.s32 s3, s2  }
0x8d: {  	s2 =	sadd.s32 s2, s17  }
0x8e: {  	[smem:$0x3FBC] =	sst s2  }
0x8f: {  	_ = 	snop  }
0x90: {  	s2 =	sld [smem:$0x3FD0];
	(tm) =	ssettm $0x1  }
0x91: {  	s18 =	sld [smem:$0x3FFB];
	_ =	sdelay $0x3  }
0x92: {  	_ =	strace s18  }
0x93: {  	s3 =	sld [smem:$0x3FFC];
	_ =	sdelay $0x3  }
0x94: {  	_ =	strace s3  }
0x95: {  	s3 =	sld [smem:$0x3FFD];
	_ =	sdelay $0x3  }
0x96: {  	_ =	strace s3  }
0x97: {  	_ =	strace $0x8FFFFFFF  }
0x98: {  	s19 =	sld [smem:$0x3FDB];
	_ =	sdelay $0x1  }
0x99: {  	s4 =	simm.s32 $_scs_section_size  }
0x9a: {  	s5 =	simm.s32 $_size__tile_overlayer_lowered;
	s6 =	simm.s32 $_tile_overlayer_lowered  }
0x9b: {  	s22 =	simm.s32 $0x1BFF;
	s21 =	sshll.u32 s6, $0x1;
	s3 =	sadd.s32 s4, s19  }
0x9c: {  	s7 =	simm.s32 $0x0;
	s20 =	sshll.u32 s5, $0x1;
	s5 =	sadd.s32 s21, s3  }
0x9d: {  	[timem:s7], [sflag:s22] =	dma.local [hbm:s5], s20  }
0x9e: {  	_ =	swait.ge [sflag:s22], s20  }
0x9f: {  	s4 =	ssub.s32 $0x0, s20;
	[sflag:s22] =	ssyncset.done $0x0  }
0xa0: {  	[sflag:s22] =	ssyncadd.s32 s4;
	_ =	sdelay $0x1  }
0xa1: {  	s23 =	simm.s32 $0x1B8B  }
0xa2: {  	_ =	swait.ge [sflag:s23], $0x1  }
0xa3: {  	[sflag:s23] =	ssyncset.done $0x0  }
0xa4: {  	s25 =	simm.s32 $0x1B8E;
	s24 =	sld [smem:$0x3FFE];
	[sflag:s23] =	ssyncadd.s32 $0xFFFFFFFF  }
0xa5: {  	s26 =	simm.s32 $execute0_lowered;
	[smem:$0x3FD2] =	sst s25  }
0xa6: {  	s5 =	sshll.u32 s26, $0x1;
	_ =	strace $0x8000004C;
	[dreg:$0x1] =	wrdreg $0xFFFFFFFF  }
0xa7: {  	s28 =	simm.s32 $_size_execute0_lowered;
	s3 =	sadd.s32 s3, s5;
	[dreg:$0x0] =	wrdreg $0x0  }
0xa8: {  	s5 =	sshll.u32 s28, $0x1;
	[dreg:$0x2] =	wrdreg s3  }
0xa9: {  	[dreg:$0x3] =	wrdreg s5  }
0xaa: {  	[dreg:$0x4] =	wrdreg $0xC0  }
0xab: {  	_ =	task [dreg:s7], $0x5FFFF  }
0xac: {  	[dreg:$0x1] =	wrdreg $0xFFFFFFFF  }
0xad: {  	[dreg:$0x0] =	wrdreg $0x60  }
0xae: {  	[dreg:$0x2] =	wrdreg s24  }
0xaf: {  	[dreg:$0x3] =	wrdreg s2  }
0xb0: {  	[dreg:$0x4] =	wrdreg $0x0  }
0xb1: {  	[dreg:$0x5] =	wrdreg $0x9  }
0xb2: {  	_ =	task.clear_ibuf [dreg:s7], $0x6FFFF;
	_ =	strace $0x9000004C  }
0xb3: {  	s29 =	simm.s32 $0x9;
	_ =	strace $0x8000004E  }
0xb4: {  	_ =	swait.ge [sflag:s29], $0x1  }
0xb5: {  	[sflag:s29] =	ssyncadd.s32 $0xFFFFFFFF  }
0xb6: {  	_ =	strace $0x9000004E  }
0xb7: {  	_ =	sfence  }
0xb8: {  	s30 =	sld [smem:$0x0];
	_ =	sdelay $0x2  }
0xb9: {  	s31 =	sshll.u32 s1, $0xD;
	s1 =	sshrl.u32 s1, $0x2  }
0xba: {  	s3 =	sand.u32 $0x4000, s31;
	s1 =	sadd.s32 s1, s30  }
0xbb: {  	s0 =	sor.u32 s3, s0;
	s1 =	sshll.u32 s1, $0x11  }
0xbc: {  	s0 =	sor.u32 s1, s0  }
0xbd: {  	s0 =	sadd.s32 $0x8F2B, s0  }
0xbe: {  	[sflag:s0] =	ssyncadd.remote.s32 $0x1  }
0xbf: {  	_ =	sfence.sel $0xFFFF  }
0xc0: {  	[dreg:$0x0] =	wrdreg $0xFFFFFFFF;
	(pc) =	sbr.abs _section_cstart, $3  }
0xc1: {  	[dreg:$0x1] =	wrdreg $0xFFFFFFFF  }
0xc2: {  	_ =	task.clear_ibuf [dreg:s7], $0x2FFFF;
	_ =	strace $0x9FFFFFFF  }
0xc3: {  	(tm) =	ssettm $0x7FFFFFFF  }
tec
execute0_lowered:
.L_overlay_start_1:
0x0: {  	(tag) =	ssettag $0x1  }
0x1: {  	s5 =	rddreg [dreg:$0x0]  }
0x2: {  	s14 =	rddreg [dreg:$0x1]  }
0x3: {  	s2 =	rddreg [dreg:$0x2]  }
0x4: {  	s1 =	stileid.u32;
	s4 =	srdreg.scid;
	s3 =	simm.s32 $0x0  }
0x5: {  	s19 =	simm.s32 $0x13C00;
	s20 =	simm.s32 $0x15000;
	s21 =	simm.s32 $0x80  }
0x6: {  	s22 =	simm.s32 $0x16400;
	s23 =	simm.s32 $0x13C80;
	s6 =	smul.u32 $0x13C00, s1  }
0x7: {  	s24 =	simm.s32 $0x1A400;
	s28 =	simm.s32 $0x16300;
	s9 =	smul.u32 $0x4F000, s1  }
0x8: {  	s29 =	simm.s32 $0x16380;
	s7 =	sand.u32 $0x1, s4;
	s10 =	smul.u32 $0x2800, s1  }
0x9: {  	[smem:$0x7FF] =	sst s3;
	s4 =	sadd.s32 $0x83800, s5;
	s31 =	smul.u32 $0x500, s1  }
0xa: {  	s13 =	sadd.s32 $0x79800, s5;
	s30 =	sshll.u32 s1, $0x6;
	s8 =	smul.u32 $0x13C000, s7  }
0xb: {  	_ =	strace $0x8000004D;
	s25 =	ssub.s32 $0x2, s7;
	p0 =	seq.s32 s7, $0x1  }
0xc: {  	s26 =	sshrl.u32 s25, $0x1;
	s9 =	sshrl.u32 s9, $0x2;
	s11 =	sshrl.u32 s10, $0x3  }
0xd: {  	s7 =	sadd.s32 s13, s31;
	s8 =	sadd.s32 s6, s8;
	s6 =	sshrl.u32 s6, $0x3  }
0xe: {  	s16 =	ssub.s32 s25, s26;
	s17 =	sadd.s32 s9, s2;
	s10 =	sadd.s32 $0x280, s11  }
0xf: {  	s12 =	sadd.s32 $0x5000, s11;
	s18 =	sadd.s32 $0x5280, s11;
	s25 =	simm.s32 $0x1  }
0x10: {  	s26 =	simm.s32 $0x2;
	s8 =	sshrl.u32 s8, $0x3;
	s6 =	sadd.s32 s6, s5  }
.Ltmp0:
0x11: {  	s9 =	sadd.s32 s13, s10;
	s10 =	sadd.s32 s14, s10;
	(pc) =	sbr.rel .LBB2_1-.Ltmp0, $4  }
0x12: {  	s11 =	sadd.s32 s13, s12;
	s12 =	sadd.s32 s14, s12;
	s13 =	sadd.s32 s13, s18  }
0x13: {  	s16 =	smax.u32 s16, $0x1;
	s17 =	sshrl.u32 s17, $0x3;
	s15 =	sadd.s32 s8, s5  }
0x14: {  	s5 =	sadd.s32 $0x3000, s6;
	s6 =	sor.u32 $0x1C03, s30;
	s8 =	sadd.s32 s14, s31  }
0x15: {  	s14 =	sadd.s32 s14, s18;
	s18 =	simm.s32 $0x3;
	s15 =	sadd.s32 $0x2F4800, s15  }
.LBB2_11:
0x16: {  	[tilespmem:s24], [sflag:$0x2] =	stream.indirect.gather [hbm4b:s4+s21], $0x80, s31, s21, $0xb8;
	[tilespmem:$0x1E400] =	vst v63  }
.LBB2_12:
0x17: {  	_ =	swait.ge [sflag:s25], $0x4000  }
0x18: {  	[sflag:s25] =	ssyncset.done $0x0  }
0x19: {  	[sflag:s25] =	ssyncadd.s32 $0xFFFFC000  }
0x1a: {  	[spmem:s2] =	stream.indirect.scatter.add.f32 [tilespmem:s22], [sflag:$0x3], $0x80, s28, s21, $0xb8;
	[tilespmem:$0x1E400] =	vst v63  }
0x1b: {  	_ =	swait.ge [sflag:s18], $0x4000  }
0x1c: {  	[sflag:s18] =	ssyncset.done $0x0  }
0x1d: {  	[sflag:s18] =	ssyncadd.s32 $0xFFFFC000  }
0x1e: {  	_ =	swait.ge [sflag:s26], $0x4000  }
0x1f: {  	[sflag:s26] =	ssyncset.done $0x0  }
0x20: {  	[sflag:s26] =	ssyncadd.s32 $0xFFFFC000  }
0x21: {  	[spmem:s2] =	stream.indirect.scatter.add.f32 [tilespmem:s24], [sflag:$0x3], $0x80, s29, s21, $0xb8;
	[tilespmem:$0x1E400] =	vst v63  }
0x22: {  	_ =	swait.ge [sflag:s18], $0x4000  }
0x23: {  	s3 =	sadd.s32 $0x1, s3;
	[sflag:s18] =	ssyncset.done $0x0  }
0x24: {  	p1 =	sne.s32 s3, s16;
	[sflag:s18] =	ssyncadd.s32 $0xFFFFC000  }
.Ltmp1:
0x25: {  	[bflag:$0x0] =	sbarrier.arrive $0xFFFF;
	(pc) =	sbr.rel @!p1 .LBB2_13-.Ltmp1, $4  }
0x26: {  	[hbm:s15], [sflag:s6] =	dma.local [spmem:s17], $0x2780  }
0x27: {  	_ =	swait.ge [sflag:s18], $0x2780  }
0x28: {  	[sflag:s18] =	ssyncset.done $0x0  }
0x29: {  	[sflag:s18] =	ssyncadd.s32 $0xFFFFD880  }
.LBB2_1:
0x2a: {  	[spmem:s17], [sflag:s6] =	dma.local [hbm:s5], $0x2780  }
.Ltmp2:
0x2b: {  	_ =	swait.ge [sflag:s18], $0x2780;
	(pc) =	sbr.rel @!p0 .LBB2_2-.Ltmp2, $3  }
0x2c: {  	[sflag:s18] =	ssyncset.done $0x0  }
0x2d: {  	[sflag:s18] =	ssyncadd.s32 $0xFFFFD880  }
0x2e: {  	[bflag:$0x0] =	sbarrier.arrive $0xFFFF;
	_ =	sdelay $0x1  }
0x2f: {  	s0 =	simm.s32 $0x0  }
0x30: {  	[tilespmem:s19], [sflag:$0x3] =	stream.linear.gather [hbm4b:s11+s0], $0x1400, $0x38;
	[tilespmem:$0x1E400] =	vst v63  }
0x31: {  	_ =	swait.ge [sflag:s18], $0x1400  }
0x32: {  	[sflag:s18] =	ssyncset.done $0x0  }
0x33: {  	[sflag:s18] =	ssyncadd.s32 $0xFFFFEC00  }
0x34: {  	[tilespmem:s20], [sflag:$0x3] =	stream.linear.gather [hbm4b:s12+s0], $0x1400, $0x38;
	[tilespmem:$0x1E400] =	vst v63  }
0x35: {  	_ =	swait.ge [sflag:s18], $0x1400  }
0x36: {  	[sflag:s18] =	ssyncset.done $0x0  }
0x37: {  	[sflag:s18] =	ssyncadd.s32 $0xFFFFEC00  }
0x38: {  	[tilespmem:s22], [sflag:$0x1] =	stream.indirect.gather [hbm4b:s4+s21], $0x80, s19, s21, $0xb8;
	[tilespmem:$0x1E400] =	vst v63  }
0x39: {  	_ = 	snop  }
0x3a: {  	[tilespmem:s24], [sflag:$0x2] =	stream.indirect.gather [hbm4b:s4+s21], $0x80, s23, s21, $0xb8;
	[tilespmem:$0x1E400] =	vst v63  }
0x3b: {  	_ =	swait.ge [sflag:s25], $0x4000  }
0x3c: {  	[sflag:s25] =	ssyncset.done $0x0  }
0x3d: {  	s0 =	simm.s32 $0x15000;
	[sflag:s25] =	ssyncadd.s32 $0xFFFFC000  }
0x3e: {  	[spmem:s2] =	stream.indirect.scatter.add.f32 [tilespmem:s22], [sflag:$0x3], $0x80, s0, s21, $0xb8;
	[tilespmem:$0x1E400] =	vst v63  }
0x3f: {  	_ =	swait.ge [sflag:s18], $0x4000  }
0x40: {  	[sflag:s18] =	ssyncset.done $0x0  }
0x41: {  	s0 =	simm.s32 $0x13D00;
	[sflag:s18] =	ssyncadd.s32 $0xFFFFC000  }
0x42: {  	[tilespmem:s22], [sflag:$0x1] =	stream.indirect.gather [hbm4b:s4+s21], $0x80, s0, s21, $0xb8;
	[tilespmem:$0x1E400] =	vst v63  }
0x43: {  	_ =	swait.ge [sflag:s26], $0x4000  }
0x44: {  	[sflag:s26] =	ssyncset.done $0x0  }
0x45: {  	s0 =	simm.s32 $0x15080;
	[sflag:s26] =	ssyncadd.s32 $0xFFFFC000  }
0x46: {  	[spmem:s2] =	stream.indirect.scatter.add.f32 [tilespmem:s24], [sflag:$0x3], $0x80, s0, s21, $0xb8;
	[tilespmem:$0x1E400] =	vst v63  }
0x47: {  	_ =	swait.ge [sflag:s18], $0x4000  }
0x48: {  	[sflag:s18] =	ssyncset.done $0x0  }
0x49: {  	s30 =	simm.s32 $0x400;
	s31 =	simm.s32 $0x13D80;
	[sflag:s18] =	ssyncadd.s32 $0xFFFFC000  }
.LBB2_8:
0x4a: {  	[tilespmem:s24], [sflag:$0x2] =	stream.indirect.gather [hbm4b:s4+s21], $0x80, s31, s21, $0xb8;
	[tilespmem:$0x1E400] =	vst v63  }
0x4b: {  	s0 =	smov.u32 s30  }
0x4c: {  	p1 =	sne.s32 s30, $0x4800;
	s30 =	sadd.s32 $0x400, s30;
	_ =	swait.ge [sflag:s25], $0x4000  }
0x4d: {  	s0 =	sshra.s32 s0, $0x2;
	[sflag:s25] =	ssyncset.done $0x0  }
0x4e: {  	s31 =	sadd.s32 $0x15000, s0;
	[sflag:s25] =	ssyncadd.s32 $0xFFFFC000  }
0x4f: {  	[spmem:s2] =	stream.indirect.scatter.add.f32 [tilespmem:s22], [sflag:$0x3], $0x80, s31, s21, $0xb8;
	[tilespmem:$0x1E400] =	vst v63  }
0x50: {  	_ =	swait.ge [sflag:s18], $0x4000  }
0x51: {  	[sflag:s18] =	ssyncset.done $0x0  }
0x52: {  	s31 =	sadd.s32 $0x13D00, s0;
	[sflag:s18] =	ssyncadd.s32 $0xFFFFC000  }
0x53: {  	[tilespmem:s22], [sflag:$0x1] =	stream.indirect.gather [hbm4b:s4+s21], $0x80, s31, s21, $0xb8;
	[tilespmem:$0x1E400] =	vst v63  }
0x54: {  	_ =	swait.ge [sflag:s26], $0x4000  }
0x55: {  	[sflag:s26] =	ssyncset.done $0x0  }
.Ltmp3:
0x56: {  	s31 =	sadd.s32 $0x15080, s0;
	[sflag:s26] =	ssyncadd.s32 $0xFFFFC000;
	(pc) =	sbr.rel @p1 .LBB2_8-.Ltmp3, $4  }
0x57: {  	[spmem:s2] =	stream.indirect.scatter.add.f32 [tilespmem:s24], [sflag:$0x3], $0x80, s31, s21, $0xb8;
	[tilespmem:$0x1E400] =	vst v63  }
0x58: {  	_ =	swait.ge [sflag:s18], $0x4000  }
0x59: {  	[sflag:s18] =	ssyncset.done $0x0  }
0x5a: {  	s31 =	sadd.s32 $0x13D80, s0;
	[sflag:s18] =	ssyncadd.s32 $0xFFFFC000  }
0x5b: {  	[tilespmem:s24], [sflag:$0x2] =	stream.indirect.gather [hbm4b:s4+s21], $0x80, s31, s21, $0xb8;
	[tilespmem:$0x1E400] =	vst v63  }
0x5c: {  	_ =	swait.ge [sflag:s25], $0x4000  }
0x5d: {  	[sflag:s25] =	ssyncset.done $0x0  }
0x5e: {  	[sflag:s25] =	ssyncadd.s32 $0xFFFFC000  }
0x5f: {  	[spmem:s2] =	stream.indirect.scatter.add.f32 [tilespmem:s22], [sflag:$0x3], $0x80, s28, s21, $0xb8;
	[tilespmem:$0x1E400] =	vst v63  }
0x60: {  	_ =	swait.ge [sflag:s18], $0x4000  }
0x61: {  	[sflag:s18] =	ssyncset.done $0x0  }
0x62: {  	[sflag:s18] =	ssyncadd.s32 $0xFFFFC000  }
0x63: {  	_ =	swait.ge [sflag:s26], $0x4000  }
0x64: {  	[sflag:s26] =	ssyncset.done $0x0  }
0x65: {  	[sflag:s26] =	ssyncadd.s32 $0xFFFFC000  }
0x66: {  	[spmem:s2] =	stream.indirect.scatter.add.f32 [tilespmem:s24], [sflag:$0x3], $0x80, s29, s21, $0xb8;
	[tilespmem:$0x1E400] =	vst v63  }
0x67: {  	_ =	swait.ge [sflag:s18], $0x4000  }
0x68: {  	[sflag:s18] =	ssyncset.done $0x0  }
0x69: {  	s0 =	simm.s32 $0x0;
	[sflag:s18] =	ssyncadd.s32 $0xFFFFC000  }
0x6a: {  	[tilespmem:s19], [sflag:$0x3] =	stream.linear.gather [hbm4b:s13+s0], $0x1400, $0x38;
	[tilespmem:$0x1E400] =	vst v63  }
0x6b: {  	_ =	swait.ge [sflag:s18], $0x1400  }
0x6c: {  	[sflag:s18] =	ssyncset.done $0x0  }
0x6d: {  	[sflag:s18] =	ssyncadd.s32 $0xFFFFEC00  }
0x6e: {  	[tilespmem:s20], [sflag:$0x3] =	stream.linear.gather [hbm4b:s14+s0], $0x1400, $0x38;
	[tilespmem:$0x1E400] =	vst v63  }
0x6f: {  	_ =	swait.ge [sflag:s18], $0x1400  }
0x70: {  	[sflag:s18] =	ssyncset.done $0x0  }
0x71: {  	[sflag:s18] =	ssyncadd.s32 $0xFFFFEC00  }
0x72: {  	[tilespmem:s22], [sflag:$0x1] =	stream.indirect.gather [hbm4b:s4+s21], $0x80, s19, s21, $0xb8;
	[tilespmem:$0x1E400] =	vst v63  }
0x73: {  	_ = 	snop  }
0x74: {  	[tilespmem:s24], [sflag:$0x2] =	stream.indirect.gather [hbm4b:s4+s21], $0x80, s23, s21, $0xb8;
	[tilespmem:$0x1E400] =	vst v63  }
0x75: {  	_ =	swait.ge [sflag:s25], $0x4000  }
0x76: {  	[sflag:s25] =	ssyncset.done $0x0  }
0x77: {  	s0 =	simm.s32 $0x15000;
	[sflag:s25] =	ssyncadd.s32 $0xFFFFC000  }
0x78: {  	[spmem:s2] =	stream.indirect.scatter.add.f32 [tilespmem:s22], [sflag:$0x3], $0x80, s0, s21, $0xb8;
	[tilespmem:$0x1E400] =	vst v63  }
0x79: {  	_ =	swait.ge [sflag:s18], $0x4000  }
0x7a: {  	[sflag:s18] =	ssyncset.done $0x0  }
0x7b: {  	s0 =	simm.s32 $0x13D00;
	[sflag:s18] =	ssyncadd.s32 $0xFFFFC000  }
0x7c: {  	[tilespmem:s22], [sflag:$0x1] =	stream.indirect.gather [hbm4b:s4+s21], $0x80, s0, s21, $0xb8;
	[tilespmem:$0x1E400] =	vst v63  }
0x7d: {  	_ =	swait.ge [sflag:s26], $0x4000  }
0x7e: {  	[sflag:s26] =	ssyncset.done $0x0  }
0x7f: {  	s0 =	simm.s32 $0x15080;
	[sflag:s26] =	ssyncadd.s32 $0xFFFFC000  }
0x80: {  	[spmem:s2] =	stream.indirect.scatter.add.f32 [tilespmem:s24], [sflag:$0x3], $0x80, s0, s21, $0xb8;
	[tilespmem:$0x1E400] =	vst v63  }
0x81: {  	_ =	swait.ge [sflag:s18], $0x4000  }
0x82: {  	[sflag:s18] =	ssyncset.done $0x0  }
0x83: {  	s30 =	simm.s32 $0x400;
	s31 =	simm.s32 $0x13D80;
	[sflag:s18] =	ssyncadd.s32 $0xFFFFC000  }
.LBB2_10:
0x84: {  	[tilespmem:s24], [sflag:$0x2] =	stream.indirect.gather [hbm4b:s4+s21], $0x80, s31, s21, $0xb8;
	[tilespmem:$0x1E400] =	vst v63  }
0x85: {  	s0 =	smov.u32 s30  }
0x86: {  	p1 =	sne.s32 s30, $0x4800;
	s30 =	sadd.s32 $0x400, s30;
	_ =	swait.ge [sflag:s25], $0x4000  }
0x87: {  	s0 =	sshra.s32 s0, $0x2;
	[sflag:s25] =	ssyncset.done $0x0  }
0x88: {  	s31 =	sadd.s32 $0x15000, s0;
	[sflag:s25] =	ssyncadd.s32 $0xFFFFC000  }
0x89: {  	[spmem:s2] =	stream.indirect.scatter.add.f32 [tilespmem:s22], [sflag:$0x3], $0x80, s31, s21, $0xb8;
	[tilespmem:$0x1E400] =	vst v63  }
0x8a: {  	_ =	swait.ge [sflag:s18], $0x4000  }
0x8b: {  	[sflag:s18] =	ssyncset.done $0x0  }
0x8c: {  	s31 =	sadd.s32 $0x13D00, s0;
	[sflag:s18] =	ssyncadd.s32 $0xFFFFC000  }
0x8d: {  	[tilespmem:s22], [sflag:$0x1] =	stream.indirect.gather [hbm4b:s4+s21], $0x80, s31, s21, $0xb8;
	[tilespmem:$0x1E400] =	vst v63  }
0x8e: {  	_ =	swait.ge [sflag:s26], $0x4000  }
0x8f: {  	[sflag:s26] =	ssyncset.done $0x0  }
.Ltmp4:
0x90: {  	s31 =	sadd.s32 $0x15080, s0;
	[sflag:s26] =	ssyncadd.s32 $0xFFFFC000;
	(pc) =	sbr.rel @p1 .LBB2_10-.Ltmp4, $4  }
0x91: {  	[spmem:s2] =	stream.indirect.scatter.add.f32 [tilespmem:s24], [sflag:$0x3], $0x80, s31, s21, $0xb8;
	[tilespmem:$0x1E400] =	vst v63  }
0x92: {  	_ =	swait.ge [sflag:s18], $0x4000  }
0x93: {  	[sflag:s18] =	ssyncset.done $0x0  }
0x94: {  	s31 =	sadd.s32 $0x13D80, s0;
	[sflag:s18] =	ssyncadd.s32 $0xFFFFC000  }
.Ltmp5:
0x95: {  	_ = 	snop;
	(pc) =	sbr.rel .LBB2_11-.Ltmp5, $1  }
0x96: {  	_ =	sdelay $0x3  }
.LBB2_2:
0x97: {  	s30 =	simm.s32 $0x0  }
0x98: {  	[tilespmem:s19], [sflag:$0x3] =	stream.linear.gather [hbm4b:s7+s30], $0x1400, $0x38;
	[tilespmem:$0x1E400] =	vst v63  }
0x99: {  	_ =	swait.ge [sflag:s18], $0x1400  }
0x9a: {  	[sflag:s18] =	ssyncset.done $0x0  }
0x9b: {  	[sflag:s18] =	ssyncadd.s32 $0xFFFFEC00  }
0x9c: {  	[tilespmem:s20], [sflag:$0x3] =	stream.linear.gather [hbm4b:s8+s30], $0x1400, $0x38;
	[tilespmem:$0x1E400] =	vst v63  }
0x9d: {  	_ =	swait.ge [sflag:s18], $0x1400  }
0x9e: {  	[sflag:s18] =	ssyncset.done $0x0  }
0x9f: {  	[sflag:s18] =	ssyncadd.s32 $0xFFFFEC00  }
0xa0: {  	[tilespmem:s22], [sflag:$0x1] =	stream.indirect.gather [hbm4b:s4+s21], $0x80, s19, s21, $0xb8;
	[tilespmem:$0x1E400] =	vst v63  }
0xa1: {  	_ = 	snop  }
0xa2: {  	[tilespmem:s24], [sflag:$0x2] =	stream.indirect.gather [hbm4b:s4+s21], $0x80, s23, s21, $0xb8;
	[tilespmem:$0x1E400] =	vst v63  }
0xa3: {  	_ =	swait.ge [sflag:s25], $0x4000  }
0xa4: {  	[sflag:s25] =	ssyncset.done $0x0  }
0xa5: {  	s30 =	simm.s32 $0x15000;
	[sflag:s25] =	ssyncadd.s32 $0xFFFFC000  }
0xa6: {  	[spmem:s2] =	stream.indirect.scatter.add.f32 [tilespmem:s22], [sflag:$0x3], $0x80, s30, s21, $0xb8;
	[tilespmem:$0x1E400] =	vst v63  }
0xa7: {  	_ =	swait.ge [sflag:s18], $0x4000  }
0xa8: {  	[sflag:s18] =	ssyncset.done $0x0  }
0xa9: {  	s30 =	simm.s32 $0x13D00;
	[sflag:s18] =	ssyncadd.s32 $0xFFFFC000  }
0xaa: {  	[tilespmem:s22], [sflag:$0x1] =	stream.indirect.gather [hbm4b:s4+s21], $0x80, s30, s21, $0xb8;
	[tilespmem:$0x1E400] =	vst v63  }
0xab: {  	_ =	swait.ge [sflag:s26], $0x4000  }
0xac: {  	[sflag:s26] =	ssyncset.done $0x0  }
0xad: {  	s30 =	simm.s32 $0x15080;
	[sflag:s26] =	ssyncadd.s32 $0xFFFFC000  }
0xae: {  	[spmem:s2] =	stream.indirect.scatter.add.f32 [tilespmem:s24], [sflag:$0x3], $0x80, s30, s21, $0xb8;
	[tilespmem:$0x1E400] =	vst v63  }
0xaf: {  	_ =	swait.ge [sflag:s18], $0x4000  }
0xb0: {  	[sflag:s18] =	ssyncset.done $0x0  }
0xb1: {  	s31 =	simm.s32 $0x13D80;
	s30 =	simm.s32 $0x400;
	[sflag:s18] =	ssyncadd.s32 $0xFFFFC000  }
.LBB2_3:
0xb2: {  	[tilespmem:s24], [sflag:$0x2] =	stream.indirect.gather [hbm4b:s4+s21], $0x80, s31, s21, $0xb8;
	[tilespmem:$0x1E400] =	vst v63  }
0xb3: {  	s31 =	smov.u32 s30  }
0xb4: {  	p1 =	sne.s32 s30, $0x4800;
	s30 =	sadd.s32 $0x400, s30;
	_ =	swait.ge [sflag:s25], $0x4000  }
0xb5: {  	s31 =	sshra.s32 s31, $0x2;
	[sflag:s25] =	ssyncset.done $0x0  }
0xb6: {  	s0 =	sadd.s32 $0x15000, s31;
	[sflag:s25] =	ssyncadd.s32 $0xFFFFC000  }
0xb7: {  	[spmem:s2] =	stream.indirect.scatter.add.f32 [tilespmem:s22], [sflag:$0x3], $0x80, s0, s21, $0xb8;
	[tilespmem:$0x1E400] =	vst v63  }
0xb8: {  	_ =	swait.ge [sflag:s18], $0x4000  }
0xb9: {  	[sflag:s18] =	ssyncset.done $0x0  }
0xba: {  	s0 =	sadd.s32 $0x13D00, s31;
	[sflag:s18] =	ssyncadd.s32 $0xFFFFC000  }
0xbb: {  	[tilespmem:s22], [sflag:$0x1] =	stream.indirect.gather [hbm4b:s4+s21], $0x80, s0, s21, $0xb8;
	[tilespmem:$0x1E400] =	vst v63  }
0xbc: {  	_ =	swait.ge [sflag:s26], $0x4000  }
0xbd: {  	[sflag:s26] =	ssyncset.done $0x0  }
.Ltmp6:
0xbe: {  	s0 =	sadd.s32 $0x15080, s31;
	[sflag:s26] =	ssyncadd.s32 $0xFFFFC000;
	(pc) =	sbr.rel @p1 .LBB2_3-.Ltmp6, $4  }
0xbf: {  	[spmem:s2] =	stream.indirect.scatter.add.f32 [tilespmem:s24], [sflag:$0x3], $0x80, s0, s21, $0xb8;
	[tilespmem:$0x1E400] =	vst v63  }
0xc0: {  	_ =	swait.ge [sflag:s18], $0x4000  }
0xc1: {  	[sflag:s18] =	ssyncset.done $0x0  }
0xc2: {  	s31 =	sadd.s32 $0x13D80, s31;
	[sflag:s18] =	ssyncadd.s32 $0xFFFFC000  }
0xc3: {  	[tilespmem:s24], [sflag:$0x2] =	stream.indirect.gather [hbm4b:s4+s21], $0x80, s31, s21, $0xb8;
	[tilespmem:$0x1E400] =	vst v63  }
0xc4: {  	_ =	swait.ge [sflag:s25], $0x4000  }
0xc5: {  	[sflag:s25] =	ssyncset.done $0x0  }
0xc6: {  	[sflag:s25] =	ssyncadd.s32 $0xFFFFC000  }
0xc7: {  	[spmem:s2] =	stream.indirect.scatter.add.f32 [tilespmem:s22], [sflag:$0x3], $0x80, s28, s21, $0xb8;
	[tilespmem:$0x1E400] =	vst v63  }
0xc8: {  	_ =	swait.ge [sflag:s18], $0x4000  }
0xc9: {  	[sflag:s18] =	ssyncset.done $0x0  }
0xca: {  	[sflag:s18] =	ssyncadd.s32 $0xFFFFC000  }
0xcb: {  	_ =	swait.ge [sflag:s26], $0x4000  }
0xcc: {  	[sflag:s26] =	ssyncset.done $0x0  }
0xcd: {  	[sflag:s26] =	ssyncadd.s32 $0xFFFFC000  }
0xce: {  	[spmem:s2] =	stream.indirect.scatter.add.f32 [tilespmem:s24], [sflag:$0x3], $0x80, s29, s21, $0xb8;
	[tilespmem:$0x1E400] =	vst v63  }
0xcf: {  	_ =	swait.ge [sflag:s18], $0x4000  }
0xd0: {  	[sflag:s18] =	ssyncset.done $0x0  }
0xd1: {  	s0 =	simm.s32 $0x0;
	[sflag:s18] =	ssyncadd.s32 $0xFFFFC000  }
0xd2: {  	[tilespmem:s19], [sflag:$0x3] =	stream.linear.gather [hbm4b:s9+s0], $0x1400, $0x38;
	[tilespmem:$0x1E400] =	vst v63  }
0xd3: {  	_ =	swait.ge [sflag:s18], $0x1400  }
0xd4: {  	[sflag:s18] =	ssyncset.done $0x0  }
0xd5: {  	[sflag:s18] =	ssyncadd.s32 $0xFFFFEC00  }
0xd6: {  	[tilespmem:s20], [sflag:$0x3] =	stream.linear.gather [hbm4b:s10+s0], $0x1400, $0x38;
	[tilespmem:$0x1E400] =	vst v63  }
0xd7: {  	_ =	swait.ge [sflag:s18], $0x1400  }
0xd8: {  	[sflag:s18] =	ssyncset.done $0x0  }
0xd9: {  	[sflag:s18] =	ssyncadd.s32 $0xFFFFEC00  }
0xda: {  	[tilespmem:s22], [sflag:$0x1] =	stream.indirect.gather [hbm4b:s4+s21], $0x80, s19, s21, $0xb8;
	[tilespmem:$0x1E400] =	vst v63  }
0xdb: {  	_ = 	snop  }
0xdc: {  	[tilespmem:s24], [sflag:$0x2] =	stream.indirect.gather [hbm4b:s4+s21], $0x80, s23, s21, $0xb8;
	[tilespmem:$0x1E400] =	vst v63  }
0xdd: {  	_ =	swait.ge [sflag:s25], $0x4000  }
0xde: {  	[sflag:s25] =	ssyncset.done $0x0  }
0xdf: {  	s0 =	simm.s32 $0x15000;
	[sflag:s25] =	ssyncadd.s32 $0xFFFFC000  }
0xe0: {  	[spmem:s2] =	stream.indirect.scatter.add.f32 [tilespmem:s22], [sflag:$0x3], $0x80, s0, s21, $0xb8;
	[tilespmem:$0x1E400] =	vst v63  }
0xe1: {  	_ =	swait.ge [sflag:s18], $0x4000  }
0xe2: {  	[sflag:s18] =	ssyncset.done $0x0  }
0xe3: {  	s0 =	simm.s32 $0x13D00;
	[sflag:s18] =	ssyncadd.s32 $0xFFFFC000  }
0xe4: {  	[tilespmem:s22], [sflag:$0x1] =	stream.indirect.gather [hbm4b:s4+s21], $0x80, s0, s21, $0xb8;
	[tilespmem:$0x1E400] =	vst v63  }
0xe5: {  	_ =	swait.ge [sflag:s26], $0x4000  }
0xe6: {  	[sflag:s26] =	ssyncset.done $0x0  }
0xe7: {  	s0 =	simm.s32 $0x15080;
	[sflag:s26] =	ssyncadd.s32 $0xFFFFC000  }
0xe8: {  	[spmem:s2] =	stream.indirect.scatter.add.f32 [tilespmem:s24], [sflag:$0x3], $0x80, s0, s21, $0xb8;
	[tilespmem:$0x1E400] =	vst v63  }
0xe9: {  	_ =	swait.ge [sflag:s18], $0x4000  }
0xea: {  	[sflag:s18] =	ssyncset.done $0x0  }
0xeb: {  	s30 =	simm.s32 $0x400;
	s31 =	simm.s32 $0x13D80;
	[sflag:s18] =	ssyncadd.s32 $0xFFFFC000  }
.LBB2_5:
0xec: {  	[tilespmem:s24], [sflag:$0x2] =	stream.indirect.gather [hbm4b:s4+s21], $0x80, s31, s21, $0xb8;
	[tilespmem:$0x1E400] =	vst v63  }
0xed: {  	s0 =	smov.u32 s30  }
0xee: {  	p1 =	seq.s32 s30, $0x4800;
	s30 =	sadd.s32 $0x400, s30;
	_ =	swait.ge [sflag:s25], $0x4000  }
0xef: {  	s0 =	sshra.s32 s0, $0x2;
	[sflag:s25] =	ssyncset.done $0x0  }
0xf0: {  	s31 =	sadd.s32 $0x15000, s0;
	[sflag:s25] =	ssyncadd.s32 $0xFFFFC000  }
0xf1: {  	[spmem:s2] =	stream.indirect.scatter.add.f32 [tilespmem:s22], [sflag:$0x3], $0x80, s31, s21, $0xb8;
	[tilespmem:$0x1E400] =	vst v63  }
0xf2: {  	_ =	swait.ge [sflag:s18], $0x4000  }
0xf3: {  	[sflag:s18] =	ssyncset.done $0x0  }
0xf4: {  	s31 =	sadd.s32 $0x13D00, s0;
	[sflag:s18] =	ssyncadd.s32 $0xFFFFC000  }
0xf5: {  	[tilespmem:s22], [sflag:$0x1] =	stream.indirect.gather [hbm4b:s4+s21], $0x80, s31, s21, $0xb8;
	[tilespmem:$0x1E400] =	vst v63  }
0xf6: {  	_ =	swait.ge [sflag:s26], $0x4000  }
0xf7: {  	[sflag:s26] =	ssyncset.done $0x0  }
.Ltmp7:
0xf8: {  	s31 =	sadd.s32 $0x15080, s0;
	[sflag:s26] =	ssyncadd.s32 $0xFFFFC000;
	(pc) =	sbr.rel @!p1 .LBB2_5-.Ltmp7, $4  }
0xf9: {  	[spmem:s2] =	stream.indirect.scatter.add.f32 [tilespmem:s24], [sflag:$0x3], $0x80, s31, s21, $0xb8;
	[tilespmem:$0x1E400] =	vst v63  }
0xfa: {  	_ =	swait.ge [sflag:s18], $0x4000  }
0xfb: {  	[sflag:s18] =	ssyncset.done $0x0  }
0xfc: {  	s31 =	sadd.s32 $0x13D80, s0;
	[sflag:s18] =	ssyncadd.s32 $0xFFFFC000  }
.Ltmp8:
0xfd: {  	(pc) =	sbr.rel .LBB2_12-.Ltmp8, $2  }
0xfe: {  	_ =	sdelay $0x2  }
0xff: {  	[tilespmem:s24], [sflag:$0x2] =	stream.indirect.gather [hbm4b:s4+s21], $0x80, s31, s21, $0xb8;
	[tilespmem:$0x1E400] =	vst v63  }
.LBB2_13:
0x100: {  	_ =	sfence.sel $0x180000  }
0x101: {  	[bflag:$0x0] =	sbarrier.arrive $0xFFFF  }
0x102: {  	_ =	strace $0x9000004D  }
0x103: {  	[bflag:$0x2] =	sbarrier.arrive $0xFFFF  }
0x104: {  	p0 =	sne.s32 s1, $0x0;
	s0 =	rddreg [dreg:$0x3]  }
0x105: {  	s0 =	sadd.s32 @!p0 $0x100000, s0  }
0x106: {  	[sflag:s0] =	ssyncadd.tile.s32 @!p0 $0x1;
	_ =	shalt  }
.Lfunc_end2:
_tile_overlayer_lowered:
.L_overlay_start_2:
0x107: {  	(tag) =	ssettag $0x2  }
0x108: {  	s0 =	rddreg [dreg:$0x0];
	s2 =	stileid.u32  }
0x109: {  	s1 =	rddreg [dreg:$0x1];
	p0 =	sne.s32 s2, $0x0  }
0x10a: {  	s3 =	rddreg [dreg:$0x2];
	[bflag:$0x3] =	sbarrier.arrive $0xFFFF;
	s2 =	simm.s32 @!p0 $0x1C03  }
0x10b: {  	[timem:s3], [sflag:s2] =	dma.local @!p0 [hbm:s0], s1  }
0x10c: {  	s0 =	simm.s32 @!p0 $0x3  }
0x10d: {  	_ =	swait.ge @!p0 [sflag:s0], s1  }
0x10e: {  	s1 =	ssub.s32 @!p0 $0x0, s1;
	[sflag:s0] =	ssyncset.done @!p0 $0x0  }
0x10f: {  	[sflag:s0] =	ssyncadd.s32 @!p0 s1  }
0x110: {  	[bflag:$0x3] =	sbarrier.arrive $0xFFFF  }
0x111: {  	_ =	shalt  }

// kernel: kernel.9.cloned.1.call-start
scs
__scs_entry_jumppad:
0x0: {  	(pc) =	sbr.rel $0x88, $3  }
0x1: {  	(tag) =	ssettag $0x0;
	lr =	simm.s32 $0x1  }
0x2: {  	[smem:$0x3F95] =	sst lr;
	_ =	strace $0xD0000000  }
0x3: {  	_ = 	snop  }
0x4: {  	_ = 	snop  }
0x5: {  	_ = 	snop  }
0x6: {  	_ = 	snop  }
0x7: {  	_ = 	snop  }
__scs_overlays_trampoline_lowered:
0x8: {  	[smem:$0x3FA4] =	sst s0  }
0x9: {  	[smem:$0x3FA5] =	sst s1  }
0xa: {  	[smem:$0x3FA6] =	sst s2  }
0xb: {  	[smem:$0x3FA7] =	sst s3  }
0xc: {  	[smem:$0x3FA8] =	sst s4  }
0xd: {  	[smem:$0x3FA9] =	sst s5  }
0xe: {  	[smem:$0x3FAA] =	sst s6  }
0xf: {  	[smem:$0x3FAB] =	sst s7  }
0x10: {  	[smem:$0x3FAC] =	sst s8  }
0x11: {  	[smem:$0x3FAD] =	sst s9;
	s0 =	simm.s32 @!p0 $0x0  }
0x12: {  	s1 =	sld [smem:$0x3F93];
	s0 =	simm.s32 @p0 $0x1  }
0x13: {  	[smem:$0x3FAE] =	sst s0;
	s0 =	simm.s32 @!p1 $0x0  }
0x14: {  	s2 =	sld [smem:$0x3F92];
	s0 =	simm.s32 @p1 $0x1  }
0x15: {  	[smem:$0x3FAF] =	sst s0;
	s0 =	simm.s32 @!p2 $0x0  }
0x16: {  	s3 =	sld [smem:$0x3FDB];
	s0 =	simm.s32 @p2 $0x1  }
0x17: {  	s4 =	simm.s32 $0x1BF5;
	[smem:$0x3FB1] =	sst s0  }
0x18: {  	s0 =	sld [smem:$0x3F94];
	_ =	swait.ge [sflag:s4], $0x0  }
0x19: {  	s7 =	sld [smem:$0x3F95]  }
0x1a: {  	s8 =	sadd.s32 $0xFFFFE003, lr  }
0x1b: {  	s9 =	sadd.s32 $0xFFFFFEF7, lr;
	s5 =	simm.s32 $0xFFFFFFFF;
	p2 =	slt.u32 s8, $0xFFFFF086  }
0x1c: {  	p1 =	slt.u32 s9, $0xF7A;
	s5 =	simm.s32 @!p2 $0x0  }
0x1d: {  	s5 =	simm.s32 @p1 $0x1;
	p0 =	seq.s32 s7, s2  }
0x1e: {  	s7 =	smul.u32 @!p0 $0xF7A, s2;
	p2 =	seq.s32 @!p0 s5, $0x0  }
0x1f: {  	s9 =	smul.u32 $0xF7A, s1;
	s8 =	simm.s32 @!p0 $0x1BF5;
	p2 =	por !p2, p0  }
0x20: {  	[sflag:s8] =	ssyncset.s32 @!p0 $0xFFFFF086;
	s6 =	sadd.s32 @!p0 s3, s7;
	s7 =	simm.s32 @!p0 $0x108  }
0x21: {  	s3 =	sadd.s32 s3, s9;
	s6 =	sadd.s32 @!p0 $0x88, s6;
	s7 =	simm.s32 @p2 $0x1082  }
0x22: {  	[simem:s7], [sflag:s8] =	dma.local @!p0 [hbm:s6], $0xF7A  }
0x23: {  	s9 =	sor.u32 $0xD0000000, s2;
	s6 =	simm.s32 $0x108;
	_ =	swait.ge @!p0 [sflag:s8], $0x0  }
0x24: {  	s3 =	sadd.s32 $0x88, s3;
	s6 =	simm.s32 @!p1 $0x1082;
	[sflag:s4] =	ssyncset.s32 $0xFFFFF086  }
0x25: {  	[simem:s6], [sflag:s4] =	dma.local [hbm:s3], $0xF7A  }
0x26: {  	[smem:$0x3F95] =	sst s1;
	(tag) =	ssettag s2;
	_ =	strace s9  }
0x27: {  	s1 =	sld [smem:$0x3FA5]  }
0x28: {  	s2 =	sld [smem:$0x3FA6]  }
0x29: {  	s4 =	sld [smem:$0x3FA8]  }
0x2a: {  	p0 =	seq.s32 s5, $0x0;
	s5 =	sld [smem:$0x3FA9]  }
0x2b: {  	s6 =	sld [smem:$0x3FAA]  }
0x2c: {  	s7 =	sld [smem:$0x3FAB]  }
0x2d: {  	s3 =	simm.s32 $0x108;
	s8 =	sld [smem:$0x3FAC]  }
0x2e: {  	s3 =	simm.s32 @!p0 $0x1082;
	s9 =	sld [smem:$0x3FAD]  }
0x2f: {  	lr =	sadd.s32 s0, s3;
	s0 =	sld [smem:$0x3FA4]  }
0x30: {  	s3 =	sld [smem:$0x3FA7]  }
0x31: {  	[smem:$0x3FB0] =	sst s10  }
0x32: {  	s10 =	sld [smem:$0x3FAE];
	_ =	sdelay $0x3  }
0x33: {  	p0 =	seq.s32 s10, $0x1;
	s10 =	sld [smem:$0x3FB0];
	_ =	sdelay $0x3  }
0x34: {  	[smem:$0x3FB0] =	sst s10  }
0x35: {  	s10 =	sld [smem:$0x3FAF];
	_ =	sdelay $0x3  }
0x36: {  	p1 =	seq.s32 s10, $0x1;
	s10 =	sld [smem:$0x3FB0];
	_ =	sdelay $0x3  }
0x37: {  	[smem:$0x3FB0] =	sst s10  }
0x38: {  	s10 =	sld [smem:$0x3FB1]  }
0x39: {  	_ = 	snop;
	(pc) =	sbr.ind lr, $3  }
0x3a: {  	_ = 	snop  }
0x3b: {  	_ = 	snop  }
0x3c: {  	p2 =	seq.s32 s10, $0x1;
	s10 =	sld [smem:$0x3FB0]  }
0x3d: {  	_ =	shalt  }
0x3e: {  	_ =	shalt  }
0x3f: {  	_ =	shalt  }
0x40: {  	_ =	shalt  }
0x41: {  	_ =	shalt  }
0x42: {  	_ =	shalt  }
0x43: {  	_ =	shalt  }
0x44: {  	_ =	shalt  }
0x45: {  	_ =	shalt  }
0x46: {  	_ =	shalt  }
0x47: {  	_ =	shalt  }
0x48: {  	_ =	shalt  }
0x49: {  	_ =	shalt  }
0x4a: {  	_ =	shalt  }
0x4b: {  	_ =	shalt  }
0x4c: {  	_ =	shalt  }
0x4d: {  	_ =	shalt  }
0x4e: {  	_ =	shalt  }
0x4f: {  	_ =	shalt  }
0x50: {  	_ =	shalt  }
0x51: {  	_ =	shalt  }
0x52: {  	_ =	shalt  }
0x53: {  	_ =	shalt  }
0x54: {  	_ =	shalt  }
0x55: {  	_ =	shalt  }
0x56: {  	_ =	shalt  }
0x57: {  	_ =	shalt  }
0x58: {  	_ =	shalt  }
0x59: {  	_ =	shalt  }
0x5a: {  	_ =	shalt  }
0x5b: {  	_ =	shalt  }
0x5c: {  	_ =	shalt  }
0x5d: {  	_ =	shalt  }
0x5e: {  	_ =	shalt  }
0x5f: {  	_ =	shalt  }
0x60: {  	_ =	shalt  }
0x61: {  	_ =	shalt  }
0x62: {  	_ =	shalt  }
0x63: {  	_ =	shalt  }
0x64: {  	_ =	shalt  }
0x65: {  	_ =	shalt  }
0x66: {  	_ =	shalt  }
0x67: {  	_ =	shalt  }
0x68: {  	_ =	shalt  }
0x69: {  	_ =	shalt  }
0x6a: {  	_ =	shalt  }
0x6b: {  	_ =	shalt  }
0x6c: {  	_ =	shalt  }
0x6d: {  	_ =	shalt  }
0x6e: {  	_ =	shalt  }
0x6f: {  	_ =	shalt  }
0x70: {  	_ =	shalt  }
0x71: {  	_ =	shalt  }
0x72: {  	_ =	shalt  }
0x73: {  	_ =	shalt  }
0x74: {  	_ =	shalt  }
0x75: {  	_ =	shalt  }
0x76: {  	_ =	shalt  }
0x77: {  	_ =	shalt  }
0x78: {  	_ =	shalt  }
0x79: {  	_ =	shalt  }
0x7a: {  	_ =	shalt  }
0x7b: {  	_ =	shalt  }
0x7c: {  	_ =	shalt  }
0x7d: {  	_ =	shalt  }
0x7e: {  	_ =	shalt  }
0x7f: {  	_ =	shalt  }
0x80: {  	_ =	shalt  }
0x81: {  	_ =	shalt  }
0x82: {  	_ =	shalt  }
0x83: {  	_ =	shalt  }
0x84: {  	_ =	shalt  }
0x85: {  	_ =	shalt  }
0x86: {  	_ =	shalt  }
0x87: {  	_ =	shalt  }
.Lfunc_end0:
.L_simem_size_0:
called_computation_lowered:
.L_overlay_start_0:
0x88: {  	s2 =	sld [smem:$0x3FD9]  }
0x89: {  	s3 =	sld [smem:$0x3FFE];
	_ =	sdelay $0x1  }
0x8a: {  	s1 =	srdreg.scid  }
0x8b: {  	s0 =	sand.u32 $0x1, s1  }
0x8c: {  	s17 =	sshll.u32 s0, $0xA;
	s2 =	sadd.s32 s3, s2  }
0x8d: {  	s2 =	sadd.s32 s2, s17  }
0x8e: {  	[smem:$0x3FBC] =	sst s2  }
0x8f: {  	_ = 	snop  }
0x90: {  	s2 =	sld [smem:$0x3FD0];
	(tm) =	ssettm $0x1  }
0x91: {  	s18 =	sld [smem:$0x3FFB];
	_ =	sdelay $0x3  }
0x92: {  	_ =	strace s18  }
0x93: {  	s3 =	sld [smem:$0x3FFC];
	_ =	sdelay $0x3  }
0x94: {  	_ =	strace s3  }
0x95: {  	s3 =	sld [smem:$0x3FFD];
	_ =	sdelay $0x3  }
0x96: {  	_ =	strace s3  }
0x97: {  	_ =	strace $0x8FFFFFFF  }
0x98: {  	s19 =	sld [smem:$0x3FDB];
	_ =	sdelay $0x1  }
0x99: {  	s4 =	simm.s32 $_scs_section_size  }
0x9a: {  	s5 =	simm.s32 $_size__tile_overlayer_lowered;
	s6 =	simm.s32 $_tile_overlayer_lowered  }
0x9b: {  	s22 =	simm.s32 $0x1BFF;
	s21 =	sshll.u32 s6, $0x1;
	s3 =	sadd.s32 s4, s19  }
0x9c: {  	s7 =	simm.s32 $0x0;
	s20 =	sshll.u32 s5, $0x1;
	s5 =	sadd.s32 s21, s3  }
0x9d: {  	[timem:s7], [sflag:s22] =	dma.local [hbm:s5], s20  }
0x9e: {  	_ =	swait.ge [sflag:s22], s20  }
0x9f: {  	s4 =	ssub.s32 $0x0, s20;
	[sflag:s22] =	ssyncset.done $0x0  }
0xa0: {  	[sflag:s22] =	ssyncadd.s32 s4;
	_ =	sdelay $0x1  }
0xa1: {  	s23 =	simm.s32 $0x1B8B  }
0xa2: {  	_ =	swait.ge [sflag:s23], $0x1  }
0xa3: {  	[sflag:s23] =	ssyncset.done $0x0  }
0xa4: {  	s25 =	simm.s32 $0x1B8E;
	s24 =	sld [smem:$0x3FFE];
	[sflag:s23] =	ssyncadd.s32 $0xFFFFFFFF  }
0xa5: {  	s26 =	simm.s32 $execute0_lowered;
	[smem:$0x3FD2] =	sst s25  }
0xa6: {  	s5 =	sshll.u32 s26, $0x1;
	_ =	strace $0x80000046;
	[dreg:$0x1] =	wrdreg $0xFFFFFFFF  }
0xa7: {  	s28 =	simm.s32 $_size_execute0_lowered;
	s3 =	sadd.s32 s3, s5;
	[dreg:$0x0] =	wrdreg $0x0  }
0xa8: {  	s5 =	sshll.u32 s28, $0x1;
	[dreg:$0x2] =	wrdreg s3  }
0xa9: {  	[dreg:$0x3] =	wrdreg s5  }
0xaa: {  	[dreg:$0x4] =	wrdreg $0xC0  }
0xab: {  	_ =	task [dreg:s7], $0x5FFFF  }
0xac: {  	[dreg:$0x1] =	wrdreg $0xFFFFFFFF  }
0xad: {  	[dreg:$0x0] =	wrdreg $0x60  }
0xae: {  	[dreg:$0x2] =	wrdreg s2  }
0xaf: {  	[dreg:$0x3] =	wrdreg s24  }
0xb0: {  	[dreg:$0x4] =	wrdreg $0x0  }
0xb1: {  	[dreg:$0x5] =	wrdreg $0x9  }
0xb2: {  	_ =	task.clear_ibuf [dreg:s7], $0x6FFFF;
	_ =	strace $0x90000046  }
0xb3: {  	s29 =	simm.s32 $0x9;
	_ =	strace $0x80000048  }
0xb4: {  	_ =	swait.ge [sflag:s29], $0x1  }
0xb5: {  	[sflag:s29] =	ssyncadd.s32 $0xFFFFFFFF  }
0xb6: {  	_ =	strace $0x90000048  }
0xb7: {  	_ =	sfence  }
0xb8: {  	s30 =	sld [smem:$0x0];
	_ =	sdelay $0x2  }
0xb9: {  	s31 =	sshll.u32 s1, $0xD;
	s1 =	sshrl.u32 s1, $0x2  }
0xba: {  	s3 =	sand.u32 $0x4000, s31;
	s1 =	sadd.s32 s1, s30  }
0xbb: {  	s0 =	sor.u32 s3, s0;
	s1 =	sshll.u32 s1, $0x11  }
0xbc: {  	s0 =	sor.u32 s1, s0  }
0xbd: {  	s0 =	sadd.s32 $0x8F2B, s0  }
0xbe: {  	[sflag:s0] =	ssyncadd.remote.s32 $0x1  }
0xbf: {  	_ =	sfence.sel $0xFFFF  }
0xc0: {  	[dreg:$0x0] =	wrdreg $0xFFFFFFFF;
	(pc) =	sbr.abs _section_cstart, $3  }
0xc1: {  	[dreg:$0x1] =	wrdreg $0xFFFFFFFF  }
0xc2: {  	_ =	task.clear_ibuf [dreg:s7], $0x2FFFF;
	_ =	strace $0x9FFFFFFF  }
0xc3: {  	(tm) =	ssettm $0x7FFFFFFF  }
tec
execute0_lowered:
.L_overlay_start_1:
0x0: {  	(tag) =	ssettag $0x1  }
0x1: {  	s6 =	rddreg [dreg:$0x0]  }
0x2: {  	s5 =	rddreg [dreg:$0x1]  }
0x3: {  	s2 =	rddreg [dreg:$0x2];
	s0 =	stileid.u32  }
0x4: {  	s7 =	srdreg.scid;
	s1 =	rddreg [dreg:$0x3]  }
0x5: {  	s3 =	simm.s32 $0x0;
	s15 =	simm.s32 $0x80;
	s16 =	simm.s32 $0x13C80  }
0x6: {  	s17 =	simm.s32 $0x1;
	s18 =	simm.s32 $0x0;
	s4 =	smul.u32 $0x13C00, s0  }
0x7: {  	s7 =	sand.u32 $0x1, s7;
	[smem:$0x7FF] =	sst s3;
	s28 =	smul.u32 $0x4F000, s0  }
0x8: {  	s31 =	sshll.u32 s0, $0x6;
	s9 =	smul.u32 $0x13C000, s7;
	_ =	strace $0x80000047  }
0x9: {  	s10 =	sshll.u32 s7, $0x4;
	s7 =	ssub.s32 $0x2, s7;
	s8 =	sshrl.u32 s4, $0x3  }
0xa: {  	s26 =	sor.u32 s0, s10;
	s29 =	sshrl.u32 s7, $0x1;
	s10 =	sshrl.u32 s28, $0x2  }
0xb: {  	s8 =	sadd.s32 s8, s5;
	s4 =	sadd.s32 s4, s9;
	s12 =	smul.u32 $0x2800, s26  }
0xc: {  	s9 =	smul.u32 $0x500, s26;
	s13 =	ssub.s32 s7, s29;
	s14 =	sadd.s32 s10, s2  }
0xd: {  	s10 =	simm.s32 $0x15000;
	s11 =	sshrl.u32 s4, $0x3;
	s4 =	sadd.s32 $0x2800, s5  }
0xe: {  	s11 =	sadd.s32 s11, s5;
	s12 =	sshrl.u32 s12, $0x3;
	s5 =	sadd.s32 $0x3000, s8  }
0xf: {  	s30 =	sadd.s32 s6, s12;
	s6 =	sadd.s32 s6, s9;
	s8 =	sadd.s32 $0x2A800, s11  }
0x10: {  	s9 =	smax.u32 s13, $0x1;
	s11 =	simm.s32 $0x2;
	s12 =	sor.u32 $0x1C02, s31  }
0x11: {  	s13 =	sshrl.u32 s14, $0x3;
	s14 =	simm.s32 $0x13C00;
	s7 =	sadd.s32 $0x280, s30  }
.LBB2_1:
0x12: {  	[tilespmem:s10], [sflag:$0x2] =	stream.linear.gather [hbm4b:s4+s3], $0x4000, $0x38;
	[tilespmem:$0x19000] =	vst v63  }
0x13: {  	_ =	swait.ge [sflag:s11], $0x4000  }
0x14: {  	[sflag:s11] =	ssyncset.done $0x0  }
0x15: {  	[sflag:s11] =	ssyncadd.s32 $0xFFFFC000  }
0x16: {  	[spmem:s13], [sflag:s12] =	dma.local [hbm:s5], $0x2780  }
0x17: {  	_ =	swait.ge [sflag:s11], $0x2780  }
0x18: {  	[sflag:s11] =	ssyncset.done $0x0  }
0x19: {  	[sflag:s11] =	ssyncadd.s32 $0xFFFFD880  }
0x1a: {  	[bflag:$0x0] =	sbarrier.arrive $0xFFFF  }
0x1b: {  	[tilespmem:s14], [sflag:$0x2] =	stream.linear.gather [hbm4b:s6+s3], $0x1400, $0x38;
	[tilespmem:$0x19000] =	vst v63  }
0x1c: {  	_ =	swait.ge [sflag:s11], $0x1400  }
0x1d: {  	[sflag:s11] =	ssyncset.done $0x0  }
0x1e: {  	[sflag:s11] =	ssyncadd.s32 $0xFFFFEC00  }
0x1f: {  	[spmem:s2] =	stream.indirect.scatter.add.f32 [tilespmem:s10], [sflag:$0x1], $0x80, s14, s15, $0xb8;
	[tilespmem:$0x19000] =	vst v63  }
0x20: {  	_ = 	snop  }
0x21: {  	[spmem:s2] =	stream.indirect.scatter.add.f32 [tilespmem:s10], [sflag:$0x1], $0x80, s16, s15, $0xb8;
	[tilespmem:$0x19000] =	vst v63  }
0x22: {  	s19 =	simm.s32 $0x13D00  }
0x23: {  	[spmem:s2] =	stream.indirect.scatter.add.f32 [tilespmem:s10], [sflag:$0x1], $0x80, s19, s15, $0xb8;
	[tilespmem:$0x19000] =	vst v63  }
0x24: {  	s19 =	simm.s32 $0x600;
	_ =	swait.ge [sflag:s17], $0x4000  }
.LBB2_2:
0x25: {  	s20 =	sshra.s32 s19, $0x2;
	[sflag:s17] =	ssyncset.done $0x0;
	p0 =	sne.s32 s19, $0x4E00  }
.Ltmp0:
0x26: {  	s20 =	sadd.s32 $0x13C00, s20;
	[sflag:s17] =	ssyncadd.s32 $0xFFFFC000;
	(pc) =	sbr.rel @p0 .LBB2_2-.Ltmp0, $3  }
0x27: {  	[spmem:s2] =	stream.indirect.scatter.add.f32 [tilespmem:s10], [sflag:$0x1], $0x80, s20, s15, $0xb8;
	[tilespmem:$0x19000] =	vst v63  }
0x28: {  	s19 =	sadd.s32 $0x200, s19;
	_ =	sdelay $0x1  }
0x29: {  	_ =	swait.ge [sflag:s17], $0x4000  }
0x2a: {  	[sflag:s17] =	ssyncset.done $0x0  }
0x2b: {  	[sflag:s17] =	ssyncadd.s32 $0xFFFFC000  }
0x2c: {  	_ =	swait.ge [sflag:s17], $0x4000  }
0x2d: {  	[sflag:s17] =	ssyncset.done $0x0  }
0x2e: {  	[sflag:s17] =	ssyncadd.s32 $0xFFFFC000  }
0x2f: {  	_ =	swait.ge [sflag:s17], $0x4000  }
0x30: {  	[sflag:s17] =	ssyncset.done $0x0  }
0x31: {  	[sflag:s17] =	ssyncadd.s32 $0xFFFFC000  }
0x32: {  	[tilespmem:s14], [sflag:$0x2] =	stream.linear.gather [hbm4b:s7+s3], $0x1400, $0x38;
	[tilespmem:$0x19000] =	vst v63  }
0x33: {  	_ =	swait.ge [sflag:s11], $0x1400  }
0x34: {  	[sflag:s11] =	ssyncset.done $0x0  }
0x35: {  	[sflag:s11] =	ssyncadd.s32 $0xFFFFEC00  }
0x36: {  	[spmem:s2] =	stream.indirect.scatter.add.f32 [tilespmem:s10], [sflag:$0x1], $0x80, s14, s15, $0xb8;
	[tilespmem:$0x19000] =	vst v63  }
0x37: {  	_ = 	snop  }
0x38: {  	[spmem:s2] =	stream.indirect.scatter.add.f32 [tilespmem:s10], [sflag:$0x1], $0x80, s16, s15, $0xb8;
	[tilespmem:$0x19000] =	vst v63  }
0x39: {  	s19 =	simm.s32 $0x13D00  }
0x3a: {  	[spmem:s2] =	stream.indirect.scatter.add.f32 [tilespmem:s10], [sflag:$0x1], $0x80, s19, s15, $0xb8;
	[tilespmem:$0x19000] =	vst v63  }
0x3b: {  	s19 =	simm.s32 $0x600;
	_ =	swait.ge [sflag:s17], $0x4000  }
.LBB2_4:
0x3c: {  	s20 =	sshra.s32 s19, $0x2;
	[sflag:s17] =	ssyncset.done $0x0;
	p0 =	sne.s32 s19, $0x4E00  }
.Ltmp1:
0x3d: {  	s20 =	sadd.s32 $0x13C00, s20;
	[sflag:s17] =	ssyncadd.s32 $0xFFFFC000;
	(pc) =	sbr.rel @p0 .LBB2_4-.Ltmp1, $3  }
0x3e: {  	[spmem:s2] =	stream.indirect.scatter.add.f32 [tilespmem:s10], [sflag:$0x1], $0x80, s20, s15, $0xb8;
	[tilespmem:$0x19000] =	vst v63  }
0x3f: {  	s19 =	sadd.s32 $0x200, s19;
	_ =	sdelay $0x1  }
0x40: {  	_ =	swait.ge [sflag:s17], $0x4000  }
0x41: {  	[sflag:s17] =	ssyncset.done $0x0  }
0x42: {  	[sflag:s17] =	ssyncadd.s32 $0xFFFFC000  }
0x43: {  	_ =	swait.ge [sflag:s17], $0x4000  }
0x44: {  	[sflag:s17] =	ssyncset.done $0x0  }
0x45: {  	[sflag:s17] =	ssyncadd.s32 $0xFFFFC000  }
0x46: {  	_ =	swait.ge [sflag:s17], $0x4000  }
0x47: {  	s18 =	sadd.s32 $0x1, s18;
	[sflag:s17] =	ssyncset.done $0x0  }
0x48: {  	p0 =	sne.s32 s18, s9;
	[sflag:s17] =	ssyncadd.s32 $0xFFFFC000  }
.Ltmp2:
0x49: {  	[bflag:$0x0] =	sbarrier.arrive $0xFFFF;
	(pc) =	sbr.rel @p0 .LBB2_1-.Ltmp2, $4  }
0x4a: {  	[hbm:s8], [sflag:s12] =	dma.local [spmem:s13], $0x2780  }
0x4b: {  	_ =	swait.ge [sflag:s11], $0x2780  }
0x4c: {  	[sflag:s11] =	ssyncset.done $0x0  }
0x4d: {  	[sflag:s11] =	ssyncadd.s32 $0xFFFFD880  }
0x4e: {  	_ =	sfence.sel $0x180000  }
0x4f: {  	[bflag:$0x0] =	sbarrier.arrive $0xFFFF  }
0x50: {  	p0 =	sne.s32 s0, $0x0;
	_ =	strace $0x90000047  }
0x51: {  	s0 =	sadd.s32 @!p0 $0x100000, s1;
	[bflag:$0x2] =	sbarrier.arrive $0xFFFF  }
0x52: {  	[sflag:s0] =	ssyncadd.tile.s32 @!p0 $0x1;
	_ =	shalt  }
.Lfunc_end2:
_tile_overlayer_lowered:
.L_overlay_start_2:
0x53: {  	(tag) =	ssettag $0x2  }
0x54: {  	s0 =	rddreg [dreg:$0x0];
	s2 =	stileid.u32  }
0x55: {  	s1 =	rddreg [dreg:$0x1];
	p0 =	sne.s32 s2, $0x0  }
0x56: {  	s3 =	rddreg [dreg:$0x2];
	[bflag:$0x3] =	sbarrier.arrive $0xFFFF;
	s2 =	simm.s32 @!p0 $0x1C02  }
0x57: {  	[timem:s3], [sflag:s2] =	dma.local @!p0 [hbm:s0], s1  }
0x58: {  	s0 =	simm.s32 @!p0 $0x2  }
0x59: {  	_ =	swait.ge @!p0 [sflag:s0], s1  }
0x5a: {  	s1 =	ssub.s32 @!p0 $0x0, s1;
	[sflag:s0] =	ssyncset.done @!p0 $0x0  }
0x5b: {  	[sflag:s0] =	ssyncadd.s32 @!p0 s1  }
0x5c: {  	[bflag:$0x3] =	sbarrier.arrive $0xFFFF  }
0x5d: {  	_ =	shalt  }

</sc_bundles>
